<compile_context>
chip_gen: v7x
topology: tpu7x:2x2x1
jax: 0.10.2.dev20260603
libtpu: 0.0.44.dev20260713+nightly
codegen_flags: <defaults>
</compile_context>

<pallas_src>
import jax
import jax.numpy as jnp
from jax import lax
from jax.experimental import pallas as pl
from jax.experimental.pallas import tpu as pltpu
from jax.experimental.pallas import tpu_sc as plsc

B, L, K, C = 4, 10000, 16, 256
LANES = 16
CW = C // 2
NW = 32
NROW = B * L
ZROW = NROW
NPAD = 8

PBLK = 160
PNBLK = NROW // PBLK
PB_BASE = PNBLK // NW
PB_EXTRA = PNBLK - PB_BASE * NW
PMAX = PB_BASE + 1

CHUNK = 16
NCHUNK = L // CHUNK
BASE_CNT = NCHUNK // NW
EXTRA = NCHUNK - BASE_CNT * NW
MAX_CNT = BASE_CNT + 1
NITEM = MAX_CNT * B
NPAIR = NITEM // 2
GROUP = CHUNK * K

_PACKFMT = plsc.PackFormat.INTERLEAVED


def _max_tree(vals):
    while len(vals) > 1:
        vals = [jnp.maximum(a, b) for a, b in zip(vals[::2], vals[1::2])] + (
            [vals[-1]] if len(vals) % 2 else [])
    return vals[0]


def _wid():
    return lax.axis_index("subcore") * 2 + lax.axis_index("core")


def _pack_body(src_hbm, ptab_hbm, src_a, src_b, pstage_a, pstage_b,
               sem_a, sem_b, osem_a, osem_b):
    wid = _wid()
    start_blk = wid * PB_BASE + jnp.minimum(wid, PB_EXTRA)
    cnt = PB_BASE + jnp.where(wid < PB_EXTRA, 1, 0)

    def _off(t):
        blk = jnp.minimum(start_blk + t, PNBLK - 1)
        return pl.multiple_of(blk * PBLK, PBLK)

    def start(t, buf, sem):
        pltpu.async_copy(src_hbm.at[pl.ds(_off(t), PBLK), :], buf, sem)

    def wait(t, buf, sem):
        pltpu.make_async_copy(src_hbm.at[pl.ds(_off(t), PBLK), :],
                              buf, sem).wait()

    def store_wait(t, ps, osem):
        @pl.when((t >= 0) & (t < cnt))
        def _():
            pltpu.make_async_copy(ps, ptab_hbm.at[pl.ds(_off(t), PBLK), :],
                                  osem).wait()

    def pack_block(t, buf, ps, osem):
        store_wait(t - 2, ps, osem)

        @pl.loop(0, PBLK)
        def _(r):
            for cc in range(C // 32):
                a = buf[r, pl.ds(cc * 32, LANES)]
                b = buf[r, pl.ds(cc * 32 + LANES, LANES)]
                w = plsc.pack(a, b, format=_PACKFMT)
                ps[r, pl.ds(cc * LANES, LANES)] = plsc.bitcast(w, jnp.int32)

        @pl.when(t < cnt)
        def _():
            pltpu.async_copy(ps, ptab_hbm.at[pl.ds(_off(t), PBLK), :], osem)

    @pl.when(wid == 0)
    def _():
        zero = jnp.zeros((LANES,), jnp.int32)
        for r in range(NPAD):
            for cc in range(CW // LANES):
                pstage_a[r, pl.ds(cc * LANES, LANES)] = zero
        pltpu.sync_copy(pstage_a.at[pl.ds(0, NPAD), :],
                        ptab_hbm.at[pl.ds(NROW, NPAD), :])

    start(0, src_a, sem_a)

    @pl.loop(0, PMAX // 2)
    def _(j):
        t0 = j * 2
        start(t0 + 1, src_b, sem_b)
        wait(t0, src_a, sem_a)
        pack_block(t0, src_a, pstage_a, osem_a)

        @pl.when(j < PMAX // 2 - 1)
        def _():
            start(t0 + 2, src_a, sem_a)

        wait(t0 + 1, src_b, sem_b)
        pack_block(t0 + 1, src_b, pstage_b, osem_b)

    store_wait(jnp.int32(PMAX - 2), pstage_a, osem_a)
    store_wait(jnp.int32(PMAX - 1), pstage_b, osem_b)


def _gather_body(table_hbm, idx_hbm, out_hbm,
                 idx_raw, mask_a, mask_b, idxb_a, idxb_b, rows_a, rows_b,
                 ostage_a, ostage_b, sem_a, sem_b, osem_a, osem_b):
    wid = _wid()
    start = wid * BASE_CNT + jnp.minimum(wid, EXTRA)
    count = BASE_CNT + jnp.where(wid < EXTRA, 1, 0)

    def _orow(t):
        b = lax.rem(t, B)
        local = lax.div(t, B)
        chunk = jnp.minimum(start + local, NCHUNK - 1)
        return pl.multiple_of(b * L + chunk * CHUNK, CHUNK)

    def prepare(t, idxb_x, mask_x, rows_x, sem_x):
        b = lax.rem(t, B)
        chunk = jnp.minimum(start + lax.div(t, B), NCHUNK - 1)

        @pl.when(b == 0)
        def _():
            pltpu.sync_copy(idx_hbm.at[chunk], idx_raw)

        boff = b * L
        for j in range(GROUP // LANES):
            v = idx_raw[pl.ds(j * LANES, LANES)]
            valid = v >= 0
            sl = pl.ds(j * LANES, LANES)
            idxb_x[sl] = jnp.where(valid, v + boff,
                                   jnp.zeros((LANES,), jnp.int32))
            mask_x[sl] = jnp.where(valid, jnp.full((LANES,), -1, jnp.int32),
                                   jnp.zeros((LANES,), jnp.int32))
        pltpu.async_copy(table_hbm.at[idxb_x], rows_x, sem_x)

    def wait(idxb_x, rows_x, sem_x):
        pltpu.make_async_copy(table_hbm.at[idxb_x], rows_x, sem_x).wait()

    def out_wait(t, os, osem):
        @pl.when((t >= 0) & (lax.div(t, B) < count))
        def _():
            pltpu.make_async_copy(os, out_hbm.at[pl.ds(_orow(t), CHUNK), :],
                                  osem).wait()

    def compute(t, rows_x, mask_x, os, osem):
        local = lax.div(t, B)
        out_wait(t - 2, os, osem)

        @pl.loop(0, CHUNK)
        def _(r):
            base = r * K
            mvs = [plsc.load_gather(
                       mask_x, [jnp.full((LANES,), base + k, jnp.int32)])
                   for k in range(K)]
            for cc in range(CW // LANES):
                sl = pl.ds(cc * LANES, LANES)
                vals = [plsc.bitcast(rows_x[base + k, sl] & mvs[k],
                                     jnp.bfloat16)
                        for k in range(K)]
                lo, hi = plsc.unpack(_max_tree(vals), format=_PACKFMT)
                os[r, pl.ds(cc * LANES, LANES)] = lo
                os[r, pl.ds(cc * LANES + CW, LANES)] = hi

        @pl.when(local < count)
        def _():
            pltpu.async_copy(os, out_hbm.at[pl.ds(_orow(t), CHUNK), :], osem)

    prepare(jnp.int32(0), idxb_a, mask_a, rows_a, sem_a)

    @pl.loop(0, NPAIR)
    def _(j):
        t0 = j * 2
        wait(idxb_a, rows_a, sem_a)
        prepare(t0 + 1, idxb_b, mask_b, rows_b, sem_b)
        compute(t0, rows_a, mask_a, ostage_a, osem_a)
        wait(idxb_b, rows_b, sem_b)

        @pl.when(j < NPAIR - 1)
        def _():
            prepare(t0 + 2, idxb_a, mask_a, rows_a, sem_a)

        compute(t0 + 1, rows_b, mask_b, ostage_b, osem_b)

    out_wait(jnp.int32(NITEM - 2), ostage_a, osem_a)
    out_wait(jnp.int32(NITEM - 1), ostage_b, osem_b)


def kernel(inputs, neighbor_indices):
    idx2 = neighbor_indices.reshape(NCHUNK, GROUP)
    mesh = plsc.VectorSubcoreMesh(core_axis_name="core",
                                  subcore_axis_name="subcore")
    cp = pltpu.CompilerParams(needs_layout_passes=False)

    xb = inputs.astype(jnp.bfloat16).reshape(NROW, C)
    u = jax.lax.bitcast_convert_type(xb, jnp.uint16)
    table = (u[:, :CW].astype(jnp.int32)
             | (u[:, CW:].astype(jnp.int32) << 16))

    gather_k = pl.kernel(
        _gather_body,
        out_type=jax.ShapeDtypeStruct((NROW, C), jnp.float32),
        mesh=mesh,
        compiler_params=cp,
        scratch_types=[
            pltpu.VMEM((GROUP,), jnp.int32),
            pltpu.VMEM((GROUP,), jnp.int32),
            pltpu.VMEM((GROUP,), jnp.int32),
            pltpu.VMEM((GROUP,), jnp.int32),
            pltpu.VMEM((GROUP,), jnp.int32),
            pltpu.VMEM((GROUP, CW), jnp.int32),
            pltpu.VMEM((GROUP, CW), jnp.int32),
            pltpu.VMEM((CHUNK, C), jnp.float32),
            pltpu.VMEM((CHUNK, C), jnp.float32),
            pltpu.SemaphoreType.DMA,
            pltpu.SemaphoreType.DMA,
            pltpu.SemaphoreType.DMA,
            pltpu.SemaphoreType.DMA,
        ],
    )
    out = gather_k(table, idx2)
    return out.reshape(B, L, C)

# --- scband reference (transcript-rebuilt; emitter-appended) ---
"""Pipeline reference for scband-indexed-max-pool2-d-22084721836466 (READ-ONLY COPY).

The authoritative reference and input builder live on the scoring server;
editing this copy changes nothing except your own understanding.
"""

import jax, jax.numpy as jnp
import numpy as np

B, L, K, C = 4, 10000, 16, 256

def setup_inputs(seed: int = 0) -> dict:
    key = jax.random.key(seed)
    k1, k2 = jax.random.split(key)
    inputs = jax.random.normal(k1, (B, L, C), dtype=jnp.float32)
    # -1 marks missing neighbors, matching the original layer's masking semantics
    neighbor_indices = jax.random.randint(k2, (L, K), -1, L).astype(jnp.int32)
    return {"inputs": inputs, "neighbor_indices": neighbor_indices}

def reference(inputs, neighbor_indices):
    # mask: 1.0 where index is valid, 0.0 where it is -1
    mask = (neighbor_indices != -1).astype(jnp.float32)  # (L, K)
    # replace -1 with 0 for a safe gather
    indices_for_gather = jnp.where(neighbor_indices == -1,
                                   jnp.zeros_like(neighbor_indices),
                                   neighbor_indices)  # (L, K)
    # tf.gather(inputs, idx, batch_dims=1) with idx identical across batch
    # == jnp.take along the L axis, broadcast over batch
    neighbor_feats = jnp.take(inputs, indices_for_gather, axis=1)  # (B, L, K, C)
    neighbor_feats = neighbor_feats * mask[None, :, :, None]
    out = jnp.max(neighbor_feats, axis=2)  # (B, L, C)
    return out

if __name__ == "__main__":
    import jax
    _d = setup_inputs()
    print(jax.jit(kernel)(*tuple(_d.values())))

</pallas_src>

<mosaic_0001>
#map = affine_map<(d0, d1) -> (0, 0)>
module attributes {stable_mosaic.version = 14 : i64} {
  func.func @_gather_body(%arg0: i32, %arg1: i32, %arg2: memref<40000x128xi32, #tpu.memory_space<hbm>>, %arg3: memref<625x256xi32, #tpu.memory_space<hbm>>, %arg4: memref<40000x256xf32, #tpu.memory_space<hbm>>, %arg5: memref<256xi32, #tpu.memory_space<vmem>>, %arg6: memref<256xi32, #tpu.memory_space<vmem>>, %arg7: memref<256xi32, #tpu.memory_space<vmem>>, %arg8: memref<256xi32, #tpu.memory_space<vmem>>, %arg9: memref<256xi32, #tpu.memory_space<vmem>>, %arg10: memref<256x128xi32, #tpu.memory_space<vmem>>, %arg11: memref<256x128xi32, #tpu.memory_space<vmem>>, %arg12: memref<16x256xf32, #tpu.memory_space<vmem>>, %arg13: memref<16x256xf32, #tpu.memory_space<vmem>>, %arg14: memref<!tpu.dma_semaphore, #tpu.memory_space<semaphore_mem>>, %arg15: memref<!tpu.dma_semaphore, #tpu.memory_space<semaphore_mem>>, %arg16: memref<!tpu.dma_semaphore, #tpu.memory_space<semaphore_mem>>, %arg17: memref<!tpu.dma_semaphore, #tpu.memory_space<semaphore_mem>>) attributes {dimension_semantics = [#tpu.dimension_semantics<core_parallel>, #tpu.dimension_semantics<subcore_parallel>], iteration_bounds = array<i64: 2, 16>, scalar_prefetch = 0 : i64, scratch_operands = 13 : i64, tpu.core_type = #tpu.core_type<sc_vector_subcore>, window_params = [{transform_indices = #map}, {transform_indices = #map}, {transform_indices = #map}]} {
    %mul3A = arith.constant 2 : i32
    %mul3A_0 = arith.muli %arg1, %mul3A : i32
    %add3A = arith.addi %mul3A_0, %arg0 : i32
    %mul3A_1 = arith.constant 19 : i32
    %mul3A_2 = arith.muli %add3A, %mul3A_1 : i32
    %min3A = arith.constant 17 : i32
    %min3A_3 = arith.minsi %add3A, %min3A : i32
    %add3A_4 = arith.addi %mul3A_2, %min3A_3 : i32
    %lt3A = arith.constant 17 : i32
    %lt3A_5 = arith.cmpi slt, %add3A, %lt3A : i32
    %jit3A = arith.constant 1 : i32
    %jit3A_6 = arith.constant 0 : i32
    %select_n3A = arith.select %lt3A_5, %jit3A, %jit3A_6 : i32
    %add3A_7 = arith.constant 19 : i32
    %add3A_8 = arith.addi %add3A_7, %select_n3A : i32
    %rem3A = arith.constant 0 : i32
    %rem3A_9 = arith.constant 4 : i32
    %rem3A_10 = arith.remsi %rem3A, %rem3A_9 : i32
    %div3A = arith.constant 0 : i32
    %div3A_11 = arith.constant 4 : i32
    %div3A_12 = arith.divsi %div3A, %div3A_11 : i32
    %add3A_13 = arith.addi %add3A_4, %div3A_12 : i32
    %min3A_14 = arith.constant 624 : i32
    %min3A_15 = arith.minsi %add3A_13, %min3A_14 : i32
    %eq3A = arith.constant 0 : i32
    %eq3A_16 = arith.cmpi eq, %rem3A_10, %eq3A : i32
    %convert_element_type3A = arith.extui %eq3A_16 : i1 to i32
    %cond3A = arith.constant 0 : i32
    %cond3A_17 = arith.cmpi ne, %convert_element_type3A, %cond3A : i32
    scf.if %cond3A_17 {
      "tpu.region"() ({
        %run_scoped3A = tpu.sem_alloc : memref<!tpu.dma_semaphore, #tpu.memory_space<semaphore_mem>>
        %dma_start3A_349 = arith.constant 0 : i32
        %dma_start3A_350 = tpu.memref_slice %arg3[%min3A_15, %dma_start3A_349] : memref<625x256xi32, #tpu.memory_space<hbm>> -> memref<1x256xi32, #tpu.memory_space<hbm>>
        %dma_start3A_351 = tpu.memref_squeeze %dma_start3A_350 : memref<1x256xi32, #tpu.memory_space<hbm>> -> memref<256xi32, #tpu.memory_space<hbm>>
        %dma_start3A_352 = arith.constant 0 : i32
        %dma_start3A_353 = tpu.memref_slice %arg3[%min3A_15, %dma_start3A_352] : memref<625x256xi32, #tpu.memory_space<hbm>> -> memref<1x256xi32, #tpu.memory_space<hbm>>
        %dma_start3A_354 = tpu.memref_squeeze %dma_start3A_353 : memref<1x256xi32, #tpu.memory_space<hbm>> -> memref<256xi32, #tpu.memory_space<hbm>>
        tpu.enqueue_dma source(%dma_start3A_354 : memref<256xi32, #tpu.memory_space<hbm>>) target(%arg5 : memref<256xi32, #tpu.memory_space<vmem>>) target_semaphore(%run_scoped3A : memref<!tpu.dma_semaphore, #tpu.memory_space<semaphore_mem>>)
        %dma_wait3A = arith.constant 0 : i32
        %dma_wait3A_355 = tpu.memref_slice %arg3[%min3A_15, %dma_wait3A] : memref<625x256xi32, #tpu.memory_space<hbm>> -> memref<1x256xi32, #tpu.memory_space<hbm>>
        %dma_wait3A_356 = tpu.memref_squeeze %dma_wait3A_355 : memref<1x256xi32, #tpu.memory_space<hbm>> -> memref<256xi32, #tpu.memory_space<hbm>>
        %dma_wait3A_357 = arith.constant 0 : i32
        %dma_wait3A_358 = tpu.memref_slice %arg3[%min3A_15, %dma_wait3A_357] : memref<625x256xi32, #tpu.memory_space<hbm>> -> memref<1x256xi32, #tpu.memory_space<hbm>>
        %dma_wait3A_359 = tpu.memref_squeeze %dma_wait3A_358 : memref<1x256xi32, #tpu.memory_space<hbm>> -> memref<256xi32, #tpu.memory_space<hbm>>
        tpu.wait_dma2 semaphore(%run_scoped3A : memref<!tpu.dma_semaphore, #tpu.memory_space<semaphore_mem>>) src(%dma_wait3A_359 : memref<256xi32, #tpu.memory_space<hbm>>) dst(%arg5 : memref<256xi32, #tpu.memory_space<vmem>>)
        tpu.yield
      }) : () -> ()
    } else {
    }
    %mul3A_18 = arith.constant 10000 : i32
    %mul3A_19 = arith.muli %rem3A_10, %mul3A_18 : i32
    %get3A = arith.constant 0 : index
    %get3A_20 = tpu.vector_load %arg5[%get3A] {strides = array<i32>} : memref<256xi32, #tpu.memory_space<vmem>>, vector<16xi32>,
    %ge3A = arith.constant 0 : i32
    %ge3A_21 = vector.broadcast %ge3A : i32 to vector<16xi32>
    %ge3A_22 = arith.cmpi sge, %get3A_20, %ge3A_21 : vector<16xi32>
    %add3A_23 = vector.broadcast %mul3A_19 : i32 to vector<16xi32>
    %add3A_24 = arith.addi %get3A_20, %add3A_23 : vector<16xi32>
    %broadcast_in_dim3A = arith.constant 0 : i32
    %broadcast_in_dim3A_25 = vector.broadcast %broadcast_in_dim3A : i32 to vector<16xi32>
    %select_n3A_26 = arith.select %ge3A_22, %add3A_24, %broadcast_in_dim3A_25 : vector<16xi1>, vector<16xi32>
    %swap3A = arith.constant 0 : index
    %swap3A_27 = tpu.vector_load %arg8[%swap3A] {strides = array<i32>} : memref<256xi32, #tpu.memory_space<vmem>>, vector<16xi32>,
    tpu.vector_store %arg8[%swap3A], %select_n3A_26 {strides = array<i32>} : memref<256xi32, #tpu.memory_space<vmem>>, vector<16xi32>,
    %broadcast_in_dim3A_28 = arith.constant -1 : i32
    %broadcast_in_dim3A_29 = vector.broadcast %broadcast_in_dim3A_28 : i32 to vector<16xi32>
    %broadcast_in_dim3A_30 = arith.constant 0 : i32
    %broadcast_in_dim3A_31 = vector.broadcast %broadcast_in_dim3A_30 : i32 to vector<16xi32>
    %select_n3A_32 = arith.select %ge3A_22, %broadcast_in_dim3A_29, %broadcast_in_dim3A_31 : vector<16xi1>, vector<16xi32>
    %swap3A_33 = arith.constant 0 : index
    %swap3A_34 = tpu.vector_load %arg6[%swap3A_33] {strides = array<i32>} : memref<256xi32, #tpu.memory_space<vmem>>, vector<16xi32>,
    tpu.vector_store %arg6[%swap3A_33], %select_n3A_32 {strides = array<i32>} : memref<256xi32, #tpu.memory_space<vmem>>, vector<16xi32>,
    %get3A_35 = arith.constant 16 : index
    %get3A_36 = tpu.vector_load %arg5[%get3A_35] {strides = array<i32>} : memref<256xi32, #tpu.memory_space<vmem>>, vector<16xi32>,
    %ge3A_37 = arith.constant 0 : i32
    %ge3A_38 = vector.broadcast %ge3A_37 : i32 to vector<16xi32>
    %ge3A_39 = arith.cmpi sge, %get3A_36, %ge3A_38 : vector<16xi32>
    %add3A_40 = vector.broadcast %mul3A_19 : i32 to vector<16xi32>
    %add3A_41 = arith.addi %get3A_36, %add3A_40 : vector<16xi32>
    %broadcast_in_dim3A_42 = arith.constant 0 : i32
    %broadcast_in_dim3A_43 = vector.broadcast %broadcast_in_dim3A_42 : i32 to vector<16xi32>
    %select_n3A_44 = arith.select %ge3A_39, %add3A_41, %broadcast_in_dim3A_43 : vector<16xi1>, vector<16xi32>
    %swap3A_45 = arith.constant 16 : index
    %swap3A_46 = tpu.vector_load %arg8[%swap3A_45] {strides = array<i32>} : memref<256xi32, #tpu.memory_space<vmem>>, vector<16xi32>,
    tpu.vector_store %arg8[%swap3A_45], %select_n3A_44 {strides = array<i32>} : memref<256xi32, #tpu.memory_space<vmem>>, vector<16xi32>,
    %broadcast_in_dim3A_47 = arith.constant -1 : i32
    %broadcast_in_dim3A_48 = vector.broadcast %broadcast_in_dim3A_47 : i32 to vector<16xi32>
    %broadcast_in_dim3A_49 = arith.constant 0 : i32
    %broadcast_in_dim3A_50 = vector.broadcast %broadcast_in_dim3A_49 : i32 to vector<16xi32>
    %select_n3A_51 = arith.select %ge3A_39, %broadcast_in_dim3A_48, %broadcast_in_dim3A_50 : vector<16xi1>, vector<16xi32>
    %swap3A_52 = arith.constant 16 : index
    %swap3A_53 = tpu.vector_load %arg6[%swap3A_52] {strides = array<i32>} : memref<256xi32, #tpu.memory_space<vmem>>, vector<16xi32>,
    tpu.vector_store %arg6[%swap3A_52], %select_n3A_51 {strides = array<i32>} : memref<256xi32, #tpu.memory_space<vmem>>, vector<16xi32>,
    %get3A_54 = arith.constant 32 : index
    %get3A_55 = tpu.vector_load %arg5[%get3A_54] {strides = array<i32>} : memref<256xi32, #tpu.memory_space<vmem>>, vector<16xi32>,
    %ge3A_56 = arith.constant 0 : i32
    %ge3A_57 = vector.broadcast %ge3A_56 : i32 to vector<16xi32>
    %ge3A_58 = arith.cmpi sge, %get3A_55, %ge3A_57 : vector<16xi32>
    %add3A_59 = vector.broadcast %mul3A_19 : i32 to vector<16xi32>
    %add3A_60 = arith.addi %get3A_55, %add3A_59 : vector<16xi32>
    %broadcast_in_dim3A_61 = arith.constant 0 : i32
    %broadcast_in_dim3A_62 = vector.broadcast %broadcast_in_dim3A_61 : i32 to vector<16xi32>
    %select_n3A_63 = arith.select %ge3A_58, %add3A_60, %broadcast_in_dim3A_62 : vector<16xi1>, vector<16xi32>
    %swap3A_64 = arith.constant 32 : index
    %swap3A_65 = tpu.vector_load %arg8[%swap3A_64] {strides = array<i32>} : memref<256xi32, #tpu.memory_space<vmem>>, vector<16xi32>,
    tpu.vector_store %arg8[%swap3A_64], %select_n3A_63 {strides = array<i32>} : memref<256xi32, #tpu.memory_space<vmem>>, vector<16xi32>,
    %broadcast_in_dim3A_66 = arith.constant -1 : i32
    %broadcast_in_dim3A_67 = vector.broadcast %broadcast_in_dim3A_66 : i32 to vector<16xi32>
    %broadcast_in_dim3A_68 = arith.constant 0 : i32
    %broadcast_in_dim3A_69 = vector.broadcast %broadcast_in_dim3A_68 : i32 to vector<16xi32>
    %select_n3A_70 = arith.select %ge3A_58, %broadcast_in_dim3A_67, %broadcast_in_dim3A_69 : vector<16xi1>, vector<16xi32>
    %swap3A_71 = arith.constant 32 : index
    %swap3A_72 = tpu.vector_load %arg6[%swap3A_71] {strides = array<i32>} : memref<256xi32, #tpu.memory_space<vmem>>, vector<16xi32>,
    tpu.vector_store %arg6[%swap3A_71], %select_n3A_70 {strides = array<i32>} : memref<256xi32, #tpu.memory_space<vmem>>, vector<16xi32>,
    %get3A_73 = arith.constant 48 : index
    %get3A_74 = tpu.vector_load %arg5[%get3A_73] {strides = array<i32>} : memref<256xi32, #tpu.memory_space<vmem>>, vector<16xi32>,
    %ge3A_75 = arith.constant 0 : i32
    %ge3A_76 = vector.broadcast %ge3A_75 : i32 to vector<16xi32>
    %ge3A_77 = arith.cmpi sge, %get3A_74, %ge3A_76 : vector<16xi32>
    %add3A_78 = vector.broadcast %mul3A_19 : i32 to vector<16xi32>
    %add3A_79 = arith.addi %get3A_74, %add3A_78 : vector<16xi32>
    %broadcast_in_dim3A_80 = arith.constant 0 : i32
    %broadcast_in_dim3A_81 = vector.broadcast %broadcast_in_dim3A_80 : i32 to vector<16xi32>
    %select_n3A_82 = arith.select %ge3A_77, %add3A_79, %broadcast_in_dim3A_81 : vector<16xi1>, vector<16xi32>
    %swap3A_83 = arith.constant 48 : index
    %swap3A_84 = tpu.vector_load %arg8[%swap3A_83] {strides = array<i32>} : memref<256xi32, #tpu.memory_space<vmem>>, vector<16xi32>,
    tpu.vector_store %arg8[%swap3A_83], %select_n3A_82 {strides = array<i32>} : memref<256xi32, #tpu.memory_space<vmem>>, vector<16xi32>,
    %broadcast_in_dim3A_85 = arith.constant -1 : i32
    %broadcast_in_dim3A_86 = vector.broadcast %broadcast_in_dim3A_85 : i32 to vector<16xi32>
    %broadcast_in_dim3A_87 = arith.constant 0 : i32
    %broadcast_in_dim3A_88 = vector.broadcast %broadcast_in_dim3A_87 : i32 to vector<16xi32>
    %select_n3A_89 = arith.select %ge3A_77, %broadcast_in_dim3A_86, %broadcast_in_dim3A_88 : vector<16xi1>, vector<16xi32>
    %swap3A_90 = arith.constant 48 : index
    %swap3A_91 = tpu.vector_load %arg6[%swap3A_90] {strides = array<i32>} : memref<256xi32, #tpu.memory_space<vmem>>, vector<16xi32>,
    tpu.vector_store %arg6[%swap3A_90], %select_n3A_89 {strides = array<i32>} : memref<256xi32, #tpu.memory_space<vmem>>, vector<16xi32>,
    %get3A_92 = arith.constant 64 : index
    %get3A_93 = tpu.vector_load %arg5[%get3A_92] {strides = array<i32>} : memref<256xi32, #tpu.memory_space<vmem>>, vector<16xi32>,
    %ge3A_94 = arith.constant 0 : i32
    %ge3A_95 = vector.broadcast %ge3A_94 : i32 to vector<16xi32>
    %ge3A_96 = arith.cmpi sge, %get3A_93, %ge3A_95 : vector<16xi32>
    %add3A_97 = vector.broadcast %mul3A_19 : i32 to vector<16xi32>
    %add3A_98 = arith.addi %get3A_93, %add3A_97 : vector<16xi32>
    %broadcast_in_dim3A_99 = arith.constant 0 : i32
    %broadcast_in_dim3A_100 = vector.broadcast %broadcast_in_dim3A_99 : i32 to vector<16xi32>
    %select_n3A_101 = arith.select %ge3A_96, %add3A_98, %broadcast_in_dim3A_100 : vector<16xi1>, vector<16xi32>
    %swap3A_102 = arith.constant 64 : index
    %swap3A_103 = tpu.vector_load %arg8[%swap3A_102] {strides = array<i32>} : memref<256xi32, #tpu.memory_space<vmem>>, vector<16xi32>,
    tpu.vector_store %arg8[%swap3A_102], %select_n3A_101 {strides = array<i32>} : memref<256xi32, #tpu.memory_space<vmem>>, vector<16xi32>,
    %broadcast_in_dim3A_104 = arith.constant -1 : i32
    %broadcast_in_dim3A_105 = vector.broadcast %broadcast_in_dim3A_104 : i32 to vector<16xi32>
    %broadcast_in_dim3A_106 = arith.constant 0 : i32
    %broadcast_in_dim3A_107 = vector.broadcast %broadcast_in_dim3A_106 : i32 to vector<16xi32>
    %select_n3A_108 = arith.select %ge3A_96, %broadcast_in_dim3A_105, %broadcast_in_dim3A_107 : vector<16xi1>, vector<16xi32>
    %swap3A_109 = arith.constant 64 : index
    %swap3A_110 = tpu.vector_load %arg6[%swap3A_109] {strides = array<i32>} : memref<256xi32, #tpu.memory_space<vmem>>, vector<16xi32>,
    tpu.vector_store %arg6[%swap3A_109], %select_n3A_108 {strides = array<i32>} : memref<256xi32, #tpu.memory_space<vmem>>, vector<16xi32>,
    %get3A_111 = arith.constant 80 : index
    %get3A_112 = tpu.vector_load %arg5[%get3A_111] {strides = array<i32>} : memref<256xi32, #tpu.memory_space<vmem>>, vector<16xi32>,
    %ge3A_113 = arith.constant 0 : i32
    %ge3A_114 = vector.broadcast %ge3A_113 : i32 to vector<16xi32>
    %ge3A_115 = arith.cmpi sge, %get3A_112, %ge3A_114 : vector<16xi32>
    %add3A_116 = vector.broadcast %mul3A_19 : i32 to vector<16xi32>
    %add3A_117 = arith.addi %get3A_112, %add3A_116 : vector<16xi32>
    %broadcast_in_dim3A_118 = arith.constant 0 : i32
    %broadcast_in_dim3A_119 = vector.broadcast %broadcast_in_dim3A_118 : i32 to vector<16xi32>
    %select_n3A_120 = arith.select %ge3A_115, %add3A_117, %broadcast_in_dim3A_119 : vector<16xi1>, vector<16xi32>
    %swap3A_121 = arith.constant 80 : index
    %swap3A_122 = tpu.vector_load %arg8[%swap3A_121] {strides = array<i32>} : memref<256xi32, #tpu.memory_space<vmem>>, vector<16xi32>,
    tpu.vector_store %arg8[%swap3A_121], %select_n3A_120 {strides = array<i32>} : memref<256xi32, #tpu.memory_space<vmem>>, vector<16xi32>,
    %broadcast_in_dim3A_123 = arith.constant -1 : i32
    %broadcast_in_dim3A_124 = vector.broadcast %broadcast_in_dim3A_123 : i32 to vector<16xi32>
    %broadcast_in_dim3A_125 = arith.constant 0 : i32
    %broadcast_in_dim3A_126 = vector.broadcast %broadcast_in_dim3A_125 : i32 to vector<16xi32>
    %select_n3A_127 = arith.select %ge3A_115, %broadcast_in_dim3A_124, %broadcast_in_dim3A_126 : vector<16xi1>, vector<16xi32>
    %swap3A_128 = arith.constant 80 : index
    %swap3A_129 = tpu.vector_load %arg6[%swap3A_128] {strides = array<i32>} : memref<256xi32, #tpu.memory_space<vmem>>, vector<16xi32>,
    tpu.vector_store %arg6[%swap3A_128], %select_n3A_127 {strides = array<i32>} : memref<256xi32, #tpu.memory_space<vmem>>, vector<16xi32>,
    %get3A_130 = arith.constant 96 : index
    %get3A_131 = tpu.vector_load %arg5[%get3A_130] {strides = array<i32>} : memref<256xi32, #tpu.memory_space<vmem>>, vector<16xi32>,
    %ge3A_132 = arith.constant 0 : i32
    %ge3A_133 = vector.broadcast %ge3A_132 : i32 to vector<16xi32>
    %ge3A_134 = arith.cmpi sge, %get3A_131, %ge3A_133 : vector<16xi32>
    %add3A_135 = vector.broadcast %mul3A_19 : i32 to vector<16xi32>
    %add3A_136 = arith.addi %get3A_131, %add3A_135 : vector<16xi32>
    %broadcast_in_dim3A_137 = arith.constant 0 : i32
    %broadcast_in_dim3A_138 = vector.broadcast %broadcast_in_dim3A_137 : i32 to vector<16xi32>
    %select_n3A_139 = arith.select %ge3A_134, %add3A_136, %broadcast_in_dim3A_138 : vector<16xi1>, vector<16xi32>
    %swap3A_140 = arith.constant 96 : index
    %swap3A_141 = tpu.vector_load %arg8[%swap3A_140] {strides = array<i32>} : memref<256xi32, #tpu.memory_space<vmem>>, vector<16xi32>,
    tpu.vector_store %arg8[%swap3A_140], %select_n3A_139 {strides = array<i32>} : memref<256xi32, #tpu.memory_space<vmem>>, vector<16xi32>,
    %broadcast_in_dim3A_142 = arith.constant -1 : i32
    %broadcast_in_dim3A_143 = vector.broadcast %broadcast_in_dim3A_142 : i32 to vector<16xi32>
    %broadcast_in_dim3A_144 = arith.constant 0 : i32
    %broadcast_in_dim3A_145 = vector.broadcast %broadcast_in_dim3A_144 : i32 to vector<16xi32>
    %select_n3A_146 = arith.select %ge3A_134, %broadcast_in_dim3A_143, %broadcast_in_dim3A_145 : vector<16xi1>, vector<16xi32>
    %swap3A_147 = arith.constant 96 : index
    %swap3A_148 = tpu.vector_load %arg6[%swap3A_147] {strides = array<i32>} : memref<256xi32, #tpu.memory_space<vmem>>, vector<16xi32>,
    tpu.vector_store %arg6[%swap3A_147], %select_n3A_146 {strides = array<i32>} : memref<256xi32, #tpu.memory_space<vmem>>, vector<16xi32>,
    %get3A_149 = arith.constant 112 : index
    %get3A_150 = tpu.vector_load %arg5[%get3A_149] {strides = array<i32>} : memref<256xi32, #tpu.memory_space<vmem>>, vector<16xi32>,
    %ge3A_151 = arith.constant 0 : i32
    %ge3A_152 = vector.broadcast %ge3A_151 : i32 to vector<16xi32>
    %ge3A_153 = arith.cmpi sge, %get3A_150, %ge3A_152 : vector<16xi32>
    %add3A_154 = vector.broadcast %mul3A_19 : i32 to vector<16xi32>
    %add3A_155 = arith.addi %get3A_150, %add3A_154 : vector<16xi32>
    %broadcast_in_dim3A_156 = arith.constant 0 : i32
    %broadcast_in_dim3A_157 = vector.broadcast %broadcast_in_dim3A_156 : i32 to vector<16xi32>
    %select_n3A_158 = arith.select %ge3A_153, %add3A_155, %broadcast_in_dim3A_157 : vector<16xi1>, vector<16xi32>
    %swap3A_159 = arith.constant 112 : index
    %swap3A_160 = tpu.vector_load %arg8[%swap3A_159] {strides = array<i32>} : memref<256xi32, #tpu.memory_space<vmem>>, vector<16xi32>,
    tpu.vector_store %arg8[%swap3A_159], %select_n3A_158 {strides = array<i32>} : memref<256xi32, #tpu.memory_space<vmem>>, vector<16xi32>,
    %broadcast_in_dim3A_161 = arith.constant -1 : i32
    %broadcast_in_dim3A_162 = vector.broadcast %broadcast_in_dim3A_161 : i32 to vector<16xi32>
    %broadcast_in_dim3A_163 = arith.constant 0 : i32
    %broadcast_in_dim3A_164 = vector.broadcast %broadcast_in_dim3A_163 : i32 to vector<16xi32>
    %select_n3A_165 = arith.select %ge3A_153, %broadcast_in_dim3A_162, %broadcast_in_dim3A_164 : vector<16xi1>, vector<16xi32>
    %swap3A_166 = arith.constant 112 : index
    %swap3A_167 = tpu.vector_load %arg6[%swap3A_166] {strides = array<i32>} : memref<256xi32, #tpu.memory_space<vmem>>, vector<16xi32>,
    tpu.vector_store %arg6[%swap3A_166], %select_n3A_165 {strides = array<i32>} : memref<256xi32, #tpu.memory_space<vmem>>, vector<16xi32>,
    %get3A_168 = arith.constant 128 : index
    %get3A_169 = tpu.vector_load %arg5[%get3A_168] {strides = array<i32>} : memref<256xi32, #tpu.memory_space<vmem>>, vector<16xi32>,
    %ge3A_170 = arith.constant 0 : i32
    %ge3A_171 = vector.broadcast %ge3A_170 : i32 to vector<16xi32>
    %ge3A_172 = arith.cmpi sge, %get3A_169, %ge3A_171 : vector<16xi32>
    %add3A_173 = vector.broadcast %mul3A_19 : i32 to vector<16xi32>
    %add3A_174 = arith.addi %get3A_169, %add3A_173 : vector<16xi32>
    %broadcast_in_dim3A_175 = arith.constant 0 : i32
    %broadcast_in_dim3A_176 = vector.broadcast %broadcast_in_dim3A_175 : i32 to vector<16xi32>
    %select_n3A_177 = arith.select %ge3A_172, %add3A_174, %broadcast_in_dim3A_176 : vector<16xi1>, vector<16xi32>
    %swap3A_178 = arith.constant 128 : index
    %swap3A_179 = tpu.vector_load %arg8[%swap3A_178] {strides = array<i32>} : memref<256xi32, #tpu.memory_space<vmem>>, vector<16xi32>,
    tpu.vector_store %arg8[%swap3A_178], %select_n3A_177 {strides = array<i32>} : memref<256xi32, #tpu.memory_space<vmem>>, vector<16xi32>,
    %broadcast_in_dim3A_180 = arith.constant -1 : i32
    %broadcast_in_dim3A_181 = vector.broadcast %broadcast_in_dim3A_180 : i32 to vector<16xi32>
    %broadcast_in_dim3A_182 = arith.constant 0 : i32
    %broadcast_in_dim3A_183 = vector.broadcast %broadcast_in_dim3A_182 : i32 to vector<16xi32>
    %select_n3A_184 = arith.select %ge3A_172, %broadcast_in_dim3A_181, %broadcast_in_dim3A_183 : vector<16xi1>, vector<16xi32>
    %swap3A_185 = arith.constant 128 : index
    %swap3A_186 = tpu.vector_load %arg6[%swap3A_185] {strides = array<i32>} : memref<256xi32, #tpu.memory_space<vmem>>, vector<16xi32>,
    tpu.vector_store %arg6[%swap3A_185], %select_n3A_184 {strides = array<i32>} : memref<256xi32, #tpu.memory_space<vmem>>, vector<16xi32>,
    %get3A_187 = arith.constant 144 : index
    %get3A_188 = tpu.vector_load %arg5[%get3A_187] {strides = array<i32>} : memref<256xi32, #tpu.memory_space<vmem>>, vector<16xi32>,
    %ge3A_189 = arith.constant 0 : i32
    %ge3A_190 = vector.broadcast %ge3A_189 : i32 to vector<16xi32>
    %ge3A_191 = arith.cmpi sge, %get3A_188, %ge3A_190 : vector<16xi32>
    %add3A_192 = vector.broadcast %mul3A_19 : i32 to vector<16xi32>
    %add3A_193 = arith.addi %get3A_188, %add3A_192 : vector<16xi32>
    %broadcast_in_dim3A_194 = arith.constant 0 : i32
    %broadcast_in_dim3A_195 = vector.broadcast %broadcast_in_dim3A_194 : i32 to vector<16xi32>
    %select_n3A_196 = arith.select %ge3A_191, %add3A_193, %broadcast_in_dim3A_195 : vector<16xi1>, vector<16xi32>
    %swap3A_197 = arith.constant 144 : index
    %swap3A_198 = tpu.vector_load %arg8[%swap3A_197] {strides = array<i32>} : memref<256xi32, #tpu.memory_space<vmem>>, vector<16xi32>,
    tpu.vector_store %arg8[%swap3A_197], %select_n3A_196 {strides = array<i32>} : memref<256xi32, #tpu.memory_space<vmem>>, vector<16xi32>,
    %broadcast_in_dim3A_199 = arith.constant -1 : i32
    %broadcast_in_dim3A_200 = vector.broadcast %broadcast_in_dim3A_199 : i32 to vector<16xi32>
    %broadcast_in_dim3A_201 = arith.constant 0 : i32
    %broadcast_in_dim3A_202 = vector.broadcast %broadcast_in_dim3A_201 : i32 to vector<16xi32>
    %select_n3A_203 = arith.select %ge3A_191, %broadcast_in_dim3A_200, %broadcast_in_dim3A_202 : vector<16xi1>, vector<16xi32>
    %swap3A_204 = arith.constant 144 : index
    %swap3A_205 = tpu.vector_load %arg6[%swap3A_204] {strides = array<i32>} : memref<256xi32, #tpu.memory_space<vmem>>, vector<16xi32>,
    tpu.vector_store %arg6[%swap3A_204], %select_n3A_203 {strides = array<i32>} : memref<256xi32, #tpu.memory_space<vmem>>, vector<16xi32>,
    %get3A_206 = arith.constant 160 : index
    %get3A_207 = tpu.vector_load %arg5[%get3A_206] {strides = array<i32>} : memref<256xi32, #tpu.memory_space<vmem>>, vector<16xi32>,
    %ge3A_208 = arith.constant 0 : i32
    %ge3A_209 = vector.broadcast %ge3A_208 : i32 to vector<16xi32>
    %ge3A_210 = arith.cmpi sge, %get3A_207, %ge3A_209 : vector<16xi32>
    %add3A_211 = vector.broadcast %mul3A_19 : i32 to vector<16xi32>
    %add3A_212 = arith.addi %get3A_207, %add3A_211 : vector<16xi32>
    %broadcast_in_dim3A_213 = arith.constant 0 : i32
    %broadcast_in_dim3A_214 = vector.broadcast %broadcast_in_dim3A_213 : i32 to vector<16xi32>
    %select_n3A_215 = arith.select %ge3A_210, %add3A_212, %broadcast_in_dim3A_214 : vector<16xi1>, vector<16xi32>
    %swap3A_216 = arith.constant 160 : index
    %swap3A_217 = tpu.vector_load %arg8[%swap3A_216] {strides = array<i32>} : memref<256xi32, #tpu.memory_space<vmem>>, vector<16xi32>,
    tpu.vector_store %arg8[%swap3A_216], %select_n3A_215 {strides = array<i32>} : memref<256xi32, #tpu.memory_space<vmem>>, vector<16xi32>,
    %broadcast_in_dim3A_218 = arith.constant -1 : i32
    %broadcast_in_dim3A_219 = vector.broadcast %broadcast_in_dim3A_218 : i32 to vector<16xi32>
    %broadcast_in_dim3A_220 = arith.constant 0 : i32
    %broadcast_in_dim3A_221 = vector.broadcast %broadcast_in_dim3A_220 : i32 to vector<16xi32>
    %select_n3A_222 = arith.select %ge3A_210, %broadcast_in_dim3A_219, %broadcast_in_dim3A_221 : vector<16xi1>, vector<16xi32>
    %swap3A_223 = arith.constant 160 : index
    %swap3A_224 = tpu.vector_load %arg6[%swap3A_223] {strides = array<i32>} : memref<256xi32, #tpu.memory_space<vmem>>, vector<16xi32>,
    tpu.vector_store %arg6[%swap3A_223], %select_n3A_222 {strides = array<i32>} : memref<256xi32, #tpu.memory_space<vmem>>, vector<16xi32>,
    %get3A_225 = arith.constant 176 : index
    %get3A_226 = tpu.vector_load %arg5[%get3A_225] {strides = array<i32>} : memref<256xi32, #tpu.memory_space<vmem>>, vector<16xi32>,
    %ge3A_227 = arith.constant 0 : i32
    %ge3A_228 = vector.broadcast %ge3A_227 : i32 to vector<16xi32>
    %ge3A_229 = arith.cmpi sge, %get3A_226, %ge3A_228 : vector<16xi32>
    %add3A_230 = vector.broadcast %mul3A_19 : i32 to vector<16xi32>
    %add3A_231 = arith.addi %get3A_226, %add3A_230 : vector<16xi32>
    %broadcast_in_dim3A_232 = arith.constant 0 : i32
    %broadcast_in_dim3A_233 = vector.broadcast %broadcast_in_dim3A_232 : i32 to vector<16xi32>
    %select_n3A_234 = arith.select %ge3A_229, %add3A_231, %broadcast_in_dim3A_233 : vector<16xi1>, vector<16xi32>
    %swap3A_235 = arith.constant 176 : index
    %swap3A_236 = tpu.vector_load %arg8[%swap3A_235] {strides = array<i32>} : memref<256xi32, #tpu.memory_space<vmem>>, vector<16xi32>,
    tpu.vector_store %arg8[%swap3A_235], %select_n3A_234 {strides = array<i32>} : memref<256xi32, #tpu.memory_space<vmem>>, vector<16xi32>,
    %broadcast_in_dim3A_237 = arith.constant -1 : i32
    %broadcast_in_dim3A_238 = vector.broadcast %broadcast_in_dim3A_237 : i32 to vector<16xi32>
    %broadcast_in_dim3A_239 = arith.constant 0 : i32
    %broadcast_in_dim3A_240 = vector.broadcast %broadcast_in_dim3A_239 : i32 to vector<16xi32>
    %select_n3A_241 = arith.select %ge3A_229, %broadcast_in_dim3A_238, %broadcast_in_dim3A_240 : vector<16xi1>, vector<16xi32>
    %swap3A_242 = arith.constant 176 : index
    %swap3A_243 = tpu.vector_load %arg6[%swap3A_242] {strides = array<i32>} : memref<256xi32, #tpu.memory_space<vmem>>, vector<16xi32>,
    tpu.vector_store %arg6[%swap3A_242], %select_n3A_241 {strides = array<i32>} : memref<256xi32, #tpu.memory_space<vmem>>, vector<16xi32>,
    %get3A_244 = arith.constant 192 : index
    %get3A_245 = tpu.vector_load %arg5[%get3A_244] {strides = array<i32>} : memref<256xi32, #tpu.memory_space<vmem>>, vector<16xi32>,
    %ge3A_246 = arith.constant 0 : i32
    %ge3A_247 = vector.broadcast %ge3A_246 : i32 to vector<16xi32>
    %ge3A_248 = arith.cmpi sge, %get3A_245, %ge3A_247 : vector<16xi32>
    %add3A_249 = vector.broadcast %mul3A_19 : i32 to vector<16xi32>
    %add3A_250 = arith.addi %get3A_245, %add3A_249 : vector<16xi32>
    %broadcast_in_dim3A_251 = arith.constant 0 : i32
    %broadcast_in_dim3A_252 = vector.broadcast %broadcast_in_dim3A_251 : i32 to vector<16xi32>
    %select_n3A_253 = arith.select %ge3A_248, %add3A_250, %broadcast_in_dim3A_252 : vector<16xi1>, vector<16xi32>
    %swap3A_254 = arith.constant 192 : index
    %swap3A_255 = tpu.vector_load %arg8[%swap3A_254] {strides = array<i32>} : memref<256xi32, #tpu.memory_space<vmem>>, vector<16xi32>,
    tpu.vector_store %arg8[%swap3A_254], %select_n3A_253 {strides = array<i32>} : memref<256xi32, #tpu.memory_space<vmem>>, vector<16xi32>,
    %broadcast_in_dim3A_256 = arith.constant -1 : i32
    %broadcast_in_dim3A_257 = vector.broadcast %broadcast_in_dim3A_256 : i32 to vector<16xi32>
    %broadcast_in_dim3A_258 = arith.constant 0 : i32
    %broadcast_in_dim3A_259 = vector.broadcast %broadcast_in_dim3A_258 : i32 to vector<16xi32>
    %select_n3A_260 = arith.select %ge3A_248, %broadcast_in_dim3A_257, %broadcast_in_dim3A_259 : vector<16xi1>, vector<16xi32>
    %swap3A_261 = arith.constant 192 : index
    %swap3A_262 = tpu.vector_load %arg6[%swap3A_261] {strides = array<i32>} : memref<256xi32, #tpu.memory_space<vmem>>, vector<16xi32>,
    tpu.vector_store %arg6[%swap3A_261], %select_n3A_260 {strides = array<i32>} : memref<256xi32, #tpu.memory_space<vmem>>, vector<16xi32>,
    %get3A_263 = arith.constant 208 : index
    %get3A_264 = tpu.vector_load %arg5[%get3A_263] {strides = array<i32>} : memref<256xi32, #tpu.memory_space<vmem>>, vector<16xi32>,
    %ge3A_265 = arith.constant 0 : i32
    %ge3A_266 = vector.broadcast %ge3A_265 : i32 to vector<16xi32>
    %ge3A_267 = arith.cmpi sge, %get3A_264, %ge3A_266 : vector<16xi32>
    %add3A_268 = vector.broadcast %mul3A_19 : i32 to vector<16xi32>
    %add3A_269 = arith.addi %get3A_264, %add3A_268 : vector<16xi32>
    %broadcast_in_dim3A_270 = arith.constant 0 : i32
    %broadcast_in_dim3A_271 = vector.broadcast %broadcast_in_dim3A_270 : i32 to vector<16xi32>
    %select_n3A_272 = arith.select %ge3A_267, %add3A_269, %broadcast_in_dim3A_271 : vector<16xi1>, vector<16xi32>
    %swap3A_273 = arith.constant 208 : index
    %swap3A_274 = tpu.vector_load %arg8[%swap3A_273] {strides = array<i32>} : memref<256xi32, #tpu.memory_space<vmem>>, vector<16xi32>,
    tpu.vector_store %arg8[%swap3A_273], %select_n3A_272 {strides = array<i32>} : memref<256xi32, #tpu.memory_space<vmem>>, vector<16xi32>,
    %broadcast_in_dim3A_275 = arith.constant -1 : i32
    %broadcast_in_dim3A_276 = vector.broadcast %broadcast_in_dim3A_275 : i32 to vector<16xi32>
    %broadcast_in_dim3A_277 = arith.constant 0 : i32
    %broadcast_in_dim3A_278 = vector.broadcast %broadcast_in_dim3A_277 : i32 to vector<16xi32>
    %select_n3A_279 = arith.select %ge3A_267, %broadcast_in_dim3A_276, %broadcast_in_dim3A_278 : vector<16xi1>, vector<16xi32>
    %swap3A_280 = arith.constant 208 : index
    %swap3A_281 = tpu.vector_load %arg6[%swap3A_280] {strides = array<i32>} : memref<256xi32, #tpu.memory_space<vmem>>, vector<16xi32>,
    tpu.vector_store %arg6[%swap3A_280], %select_n3A_279 {strides = array<i32>} : memref<256xi32, #tpu.memory_space<vmem>>, vector<16xi32>,
    %get3A_282 = arith.constant 224 : index
    %get3A_283 = tpu.vector_load %arg5[%get3A_282] {strides = array<i32>} : memref<256xi32, #tpu.memory_space<vmem>>, vector<16xi32>,
    %ge3A_284 = arith.constant 0 : i32
    %ge3A_285 = vector.broadcast %ge3A_284 : i32 to vector<16xi32>
    %ge3A_286 = arith.cmpi sge, %get3A_283, %ge3A_285 : vector<16xi32>
    %add3A_287 = vector.broadcast %mul3A_19 : i32 to vector<16xi32>
    %add3A_288 = arith.addi %get3A_283, %add3A_287 : vector<16xi32>
    %broadcast_in_dim3A_289 = arith.constant 0 : i32
    %broadcast_in_dim3A_290 = vector.broadcast %broadcast_in_dim3A_289 : i32 to vector<16xi32>
    %select_n3A_291 = arith.select %ge3A_286, %add3A_288, %broadcast_in_dim3A_290 : vector<16xi1>, vector<16xi32>
    %swap3A_292 = arith.constant 224 : index
    %swap3A_293 = tpu.vector_load %arg8[%swap3A_292] {strides = array<i32>} : memref<256xi32, #tpu.memory_space<vmem>>, vector<16xi32>,
    tpu.vector_store %arg8[%swap3A_292], %select_n3A_291 {strides = array<i32>} : memref<256xi32, #tpu.memory_space<vmem>>, vector<16xi32>,
    %broadcast_in_dim3A_294 = arith.constant -1 : i32
    %broadcast_in_dim3A_295 = vector.broadcast %broadcast_in_dim3A_294 : i32 to vector<16xi32>
    %broadcast_in_dim3A_296 = arith.constant 0 : i32
    %broadcast_in_dim3A_297 = vector.broadcast %broadcast_in_dim3A_296 : i32 to vector<16xi32>
    %select_n3A_298 = arith.select %ge3A_286, %broadcast_in_dim3A_295, %broadcast_in_dim3A_297 : vector<16xi1>, vector<16xi32>
    %swap3A_299 = arith.constant 224 : index
    %swap3A_300 = tpu.vector_load %arg6[%swap3A_299] {strides = array<i32>} : memref<256xi32, #tpu.memory_space<vmem>>, vector<16xi32>,
    tpu.vector_store %arg6[%swap3A_299], %select_n3A_298 {strides = array<i32>} : memref<256xi32, #tpu.memory_space<vmem>>, vector<16xi32>,
    %get3A_301 = arith.constant 240 : index
    %get3A_302 = tpu.vector_load %arg5[%get3A_301] {strides = array<i32>} : memref<256xi32, #tpu.memory_space<vmem>>, vector<16xi32>,
    %ge3A_303 = arith.constant 0 : i32
    %ge3A_304 = vector.broadcast %ge3A_303 : i32 to vector<16xi32>
    %ge3A_305 = arith.cmpi sge, %get3A_302, %ge3A_304 : vector<16xi32>
    %add3A_306 = vector.broadcast %mul3A_19 : i32 to vector<16xi32>
    %add3A_307 = arith.addi %get3A_302, %add3A_306 : vector<16xi32>
    %broadcast_in_dim3A_308 = arith.constant 0 : i32
    %broadcast_in_dim3A_309 = vector.broadcast %broadcast_in_dim3A_308 : i32 to vector<16xi32>
    %select_n3A_310 = arith.select %ge3A_305, %add3A_307, %broadcast_in_dim3A_309 : vector<16xi1>, vector<16xi32>
    %swap3A_311 = arith.constant 240 : index
    %swap3A_312 = tpu.vector_load %arg8[%swap3A_311] {strides = array<i32>} : memref<256xi32, #tpu.memory_space<vmem>>, vector<16xi32>,
    tpu.vector_store %arg8[%swap3A_311], %select_n3A_310 {strides = array<i32>} : memref<256xi32, #tpu.memory_space<vmem>>, vector<16xi32>,
    %broadcast_in_dim3A_313 = arith.constant -1 : i32
    %broadcast_in_dim3A_314 = vector.broadcast %broadcast_in_dim3A_313 : i32 to vector<16xi32>
    %broadcast_in_dim3A_315 = arith.constant 0 : i32
    %broadcast_in_dim3A_316 = vector.broadcast %broadcast_in_dim3A_315 : i32 to vector<16xi32>
    %select_n3A_317 = arith.select %ge3A_305, %broadcast_in_dim3A_314, %broadcast_in_dim3A_316 : vector<16xi1>, vector<16xi32>
    %swap3A_318 = arith.constant 240 : index
    %swap3A_319 = tpu.vector_load %arg6[%swap3A_318] {strides = array<i32>} : memref<256xi32, #tpu.memory_space<vmem>>, vector<16xi32>,
    tpu.vector_store %arg6[%swap3A_318], %select_n3A_317 {strides = array<i32>} : memref<256xi32, #tpu.memory_space<vmem>>, vector<16xi32>,
    %dma_start3A = arith.constant 0 : i32
    %dma_start3A_320 = arith.constant 0 : i32
    %dma_start3A_321 = tpu.memref_slice %arg2[%dma_start3A, %dma_start3A_320] : memref<40000x128xi32, #tpu.memory_space<hbm>> -> memref<40000x128xi32, #tpu.memory_space<hbm>>
    tpu.enqueue_indirect_dma source(%dma_start3A_321 : memref<40000x128xi32, #tpu.memory_space<hbm>>) target(%arg10 : memref<256x128xi32, #tpu.memory_space<vmem>>) offsets(%arg8 : memref<256xi32, #tpu.memory_space<vmem>>) semaphore(%arg14 : memref<!tpu.dma_semaphore, #tpu.memory_space<semaphore_mem>>)
    %scan3A = arith.constant 0 : i32
    %scan3A_322 = arith.constant 40 : i32
    %scan3A_323 = arith.addi %scan3A, %scan3A_322 : i32
    %scan3A_324 = arith.constant 1 : i32
    scf.for %scan3A_349 = %scan3A to %scan3A_323 step %scan3A_324  : i32 {
      %mul3A_350 = arith.constant 1 : i32
      %mul3A_351 = arith.muli %scan3A_349, %mul3A_350 : i32
      %add3A_352 = arith.constant 0 : i32
      %add3A_353 = arith.addi %add3A_352, %mul3A_351 : i32
      %mul3A_354 = arith.constant 2 : i32
      %mul3A_355 = arith.muli %add3A_353, %mul3A_354 : i32
      %dma_wait3A = arith.constant 0 : i32
      %dma_wait3A_356 = arith.constant 0 : i32
      %dma_wait3A_357 = tpu.memref_slice %arg2[%dma_wait3A, %dma_wait3A_356] : memref<40000x128xi32, #tpu.memory_space<hbm>> -> memref<40000x128xi32, #tpu.memory_space<hbm>>
      tpu.wait_indirect_dma semaphore(%arg14 : memref<!tpu.dma_semaphore, #tpu.memory_space<semaphore_mem>>) src(%dma_wait3A_357 : memref<40000x128xi32, #tpu.memory_space<hbm>>) dst(%arg10 : memref<256x128xi32, #tpu.memory_space<vmem>>)
      %add3A_358 = arith.constant 1 : i32
      %add3A_359 = arith.addi %mul3A_355, %add3A_358 : i32
      %rem3A_360 = arith.constant 4 : i32
      %rem3A_361 = arith.remsi %add3A_359, %rem3A_360 : i32
      %div3A_362 = arith.constant 4 : i32
      %div3A_363 = arith.divsi %add3A_359, %div3A_362 : i32
      %add3A_364 = arith.addi %add3A_4, %div3A_363 : i32
      %min3A_365 = arith.constant 624 : i32
      %min3A_366 = arith.minsi %add3A_364, %min3A_365 : i32
      %eq3A_367 = arith.constant 0 : i32
      %eq3A_368 = arith.cmpi eq, %rem3A_361, %eq3A_367 : i32
      %convert_element_type3A_369 = arith.extui %eq3A_368 : i1 to i32
      %cond3A_370 = arith.constant 0 : i32
      %cond3A_371 = arith.cmpi ne, %convert_element_type3A_369, %cond3A_370 : i32
      scf.if %cond3A_371 {
        "tpu.region"() ({
          %run_scoped3A = tpu.sem_alloc : memref<!tpu.dma_semaphore, #tpu.memory_space<semaphore_mem>>
          %dma_start3A_734 = arith.constant 0 : i32
          %dma_start3A_735 = tpu.memref_slice %arg3[%min3A_366, %dma_start3A_734] : memref<625x256xi32, #tpu.memory_space<hbm>> -> memref<1x256xi32, #tpu.memory_space<hbm>>
          %dma_start3A_736 = tpu.memref_squeeze %dma_start3A_735 : memref<1x256xi32, #tpu.memory_space<hbm>> -> memref<256xi32, #tpu.memory_space<hbm>>
          %dma_start3A_737 = arith.constant 0 : i32
          %dma_start3A_738 = tpu.memref_slice %arg3[%min3A_366, %dma_start3A_737] : memref<625x256xi32, #tpu.memory_space<hbm>> -> memref<1x256xi32, #tpu.memory_space<hbm>>
          %dma_start3A_739 = tpu.memref_squeeze %dma_start3A_738 : memref<1x256xi32, #tpu.memory_space<hbm>> -> memref<256xi32, #tpu.memory_space<hbm>>
          tpu.enqueue_dma source(%dma_start3A_739 : memref<256xi32, #tpu.memory_space<hbm>>) target(%arg5 : memref<256xi32, #tpu.memory_space<vmem>>) target_semaphore(%run_scoped3A : memref<!tpu.dma_semaphore, #tpu.memory_space<semaphore_mem>>)
          %dma_wait3A_740 = arith.constant 0 : i32
          %dma_wait3A_741 = tpu.memref_slice %arg3[%min3A_366, %dma_wait3A_740] : memref<625x256xi32, #tpu.memory_space<hbm>> -> memref<1x256xi32, #tpu.memory_space<hbm>>
          %dma_wait3A_742 = tpu.memref_squeeze %dma_wait3A_741 : memref<1x256xi32, #tpu.memory_space<hbm>> -> memref<256xi32, #tpu.memory_space<hbm>>
          %dma_wait3A_743 = arith.constant 0 : i32
          %dma_wait3A_744 = tpu.memref_slice %arg3[%min3A_366, %dma_wait3A_743] : memref<625x256xi32, #tpu.memory_space<hbm>> -> memref<1x256xi32, #tpu.memory_space<hbm>>
          %dma_wait3A_745 = tpu.memref_squeeze %dma_wait3A_744 : memref<1x256xi32, #tpu.memory_space<hbm>> -> memref<256xi32, #tpu.memory_space<hbm>>
          tpu.wait_dma2 semaphore(%run_scoped3A : memref<!tpu.dma_semaphore, #tpu.memory_space<semaphore_mem>>) src(%dma_wait3A_745 : memref<256xi32, #tpu.memory_space<hbm>>) dst(%arg5 : memref<256xi32, #tpu.memory_space<vmem>>)
          tpu.yield
        }) : () -> ()
      } else {
      }
      %mul3A_372 = arith.constant 10000 : i32
      %mul3A_373 = arith.muli %rem3A_361, %mul3A_372 : i32
      %get3A_374 = arith.constant 0 : index
      %get3A_375 = tpu.vector_load %arg5[%get3A_374] {strides = array<i32>} : memref<256xi32, #tpu.memory_space<vmem>>, vector<16xi32>,
      %ge3A_376 = arith.constant 0 : i32
      %ge3A_377 = vector.broadcast %ge3A_376 : i32 to vector<16xi32>
      %ge3A_378 = arith.cmpi sge, %get3A_375, %ge3A_377 : vector<16xi32>
      %add3A_379 = vector.broadcast %mul3A_373 : i32 to vector<16xi32>
      %add3A_380 = arith.addi %get3A_375, %add3A_379 : vector<16xi32>
      %broadcast_in_dim3A_381 = arith.constant 0 : i32
      %broadcast_in_dim3A_382 = vector.broadcast %broadcast_in_dim3A_381 : i32 to vector<16xi32>
      %select_n3A_383 = arith.select %ge3A_378, %add3A_380, %broadcast_in_dim3A_382 : vector<16xi1>, vector<16xi32>
      %swap3A_384 = arith.constant 0 : index
      %swap3A_385 = tpu.vector_load %arg9[%swap3A_384] {strides = array<i32>} : memref<256xi32, #tpu.memory_space<vmem>>, vector<16xi32>,
      tpu.vector_store %arg9[%swap3A_384], %select_n3A_383 {strides = array<i32>} : memref<256xi32, #tpu.memory_space<vmem>>, vector<16xi32>,
      %broadcast_in_dim3A_386 = arith.constant -1 : i32
      %broadcast_in_dim3A_387 = vector.broadcast %broadcast_in_dim3A_386 : i32 to vector<16xi32>
      %broadcast_in_dim3A_388 = arith.constant 0 : i32
      %broadcast_in_dim3A_389 = vector.broadcast %broadcast_in_dim3A_388 : i32 to vector<16xi32>
      %select_n3A_390 = arith.select %ge3A_378, %broadcast_in_dim3A_387, %broadcast_in_dim3A_389 : vector<16xi1>, vector<16xi32>
      %swap3A_391 = arith.constant 0 : index
      %swap3A_392 = tpu.vector_load %arg7[%swap3A_391] {strides = array<i32>} : memref<256xi32, #tpu.memory_space<vmem>>, vector<16xi32>,
      tpu.vector_store %arg7[%swap3A_391], %select_n3A_390 {strides = array<i32>} : memref<256xi32, #tpu.memory_space<vmem>>, vector<16xi32>,
      %get3A_393 = arith.constant 16 : index
      %get3A_394 = tpu.vector_load %arg5[%get3A_393] {strides = array<i32>} : memref<256xi32, #tpu.memory_space<vmem>>, vector<16xi32>,
      %ge3A_395 = arith.constant 0 : i32
      %ge3A_396 = vector.broadcast %ge3A_395 : i32 to vector<16xi32>
      %ge3A_397 = arith.cmpi sge, %get3A_394, %ge3A_396 : vector<16xi32>
      %add3A_398 = vector.broadcast %mul3A_373 : i32 to vector<16xi32>
      %add3A_399 = arith.addi %get3A_394, %add3A_398 : vector<16xi32>
      %broadcast_in_dim3A_400 = arith.constant 0 : i32
      %broadcast_in_dim3A_401 = vector.broadcast %broadcast_in_dim3A_400 : i32 to vector<16xi32>
      %select_n3A_402 = arith.select %ge3A_397, %add3A_399, %broadcast_in_dim3A_401 : vector<16xi1>, vector<16xi32>
      %swap3A_403 = arith.constant 16 : index
      %swap3A_404 = tpu.vector_load %arg9[%swap3A_403] {strides = array<i32>} : memref<256xi32, #tpu.memory_space<vmem>>, vector<16xi32>,
      tpu.vector_store %arg9[%swap3A_403], %select_n3A_402 {strides = array<i32>} : memref<256xi32, #tpu.memory_space<vmem>>, vector<16xi32>,
      %broadcast_in_dim3A_405 = arith.constant -1 : i32
      %broadcast_in_dim3A_406 = vector.broadcast %broadcast_in_dim3A_405 : i32 to vector<16xi32>
      %broadcast_in_dim3A_407 = arith.constant 0 : i32
      %broadcast_in_dim3A_408 = vector.broadcast %broadcast_in_dim3A_407 : i32 to vector<16xi32>
      %select_n3A_409 = arith.select %ge3A_397, %broadcast_in_dim3A_406, %broadcast_in_dim3A_408 : vector<16xi1>, vector<16xi32>
      %swap3A_410 = arith.constant 16 : index
      %swap3A_411 = tpu.vector_load %arg7[%swap3A_410] {strides = array<i32>} : memref<256xi32, #tpu.memory_space<vmem>>, vector<16xi32>,
      tpu.vector_store %arg7[%swap3A_410], %select_n3A_409 {strides = array<i32>} : memref<256xi32, #tpu.memory_space<vmem>>, vector<16xi32>,
      %get3A_412 = arith.constant 32 : index
      %get3A_413 = tpu.vector_load %arg5[%get3A_412] {strides = array<i32>} : memref<256xi32, #tpu.memory_space<vmem>>, vector<16xi32>,
      %ge3A_414 = arith.constant 0 : i32
      %ge3A_415 = vector.broadcast %ge3A_414 : i32 to vector<16xi32>
      %ge3A_416 = arith.cmpi sge, %get3A_413, %ge3A_415 : vector<16xi32>
      %add3A_417 = vector.broadcast %mul3A_373 : i32 to vector<16xi32>
      %add3A_418 = arith.addi %get3A_413, %add3A_417 : vector<16xi32>
      %broadcast_in_dim3A_419 = arith.constant 0 : i32
      %broadcast_in_dim3A_420 = vector.broadcast %broadcast_in_dim3A_419 : i32 to vector<16xi32>
      %select_n3A_421 = arith.select %ge3A_416, %add3A_418, %broadcast_in_dim3A_420 : vector<16xi1>, vector<16xi32>
      %swap3A_422 = arith.constant 32 : index
      %swap3A_423 = tpu.vector_load %arg9[%swap3A_422] {strides = array<i32>} : memref<256xi32, #tpu.memory_space<vmem>>, vector<16xi32>,
      tpu.vector_store %arg9[%swap3A_422], %select_n3A_421 {strides = array<i32>} : memref<256xi32, #tpu.memory_space<vmem>>, vector<16xi32>,
      %broadcast_in_dim3A_424 = arith.constant -1 : i32
      %broadcast_in_dim3A_425 = vector.broadcast %broadcast_in_dim3A_424 : i32 to vector<16xi32>
      %broadcast_in_dim3A_426 = arith.constant 0 : i32
      %broadcast_in_dim3A_427 = vector.broadcast %broadcast_in_dim3A_426 : i32 to vector<16xi32>
      %select_n3A_428 = arith.select %ge3A_416, %broadcast_in_dim3A_425, %broadcast_in_dim3A_427 : vector<16xi1>, vector<16xi32>
      %swap3A_429 = arith.constant 32 : index
      %swap3A_430 = tpu.vector_load %arg7[%swap3A_429] {strides = array<i32>} : memref<256xi32, #tpu.memory_space<vmem>>, vector<16xi32>,
      tpu.vector_store %arg7[%swap3A_429], %select_n3A_428 {strides = array<i32>} : memref<256xi32, #tpu.memory_space<vmem>>, vector<16xi32>,
      %get3A_431 = arith.constant 48 : index
      %get3A_432 = tpu.vector_load %arg5[%get3A_431] {strides = array<i32>} : memref<256xi32, #tpu.memory_space<vmem>>, vector<16xi32>,
      %ge3A_433 = arith.constant 0 : i32
      %ge3A_434 = vector.broadcast %ge3A_433 : i32 to vector<16xi32>
      %ge3A_435 = arith.cmpi sge, %get3A_432, %ge3A_434 : vector<16xi32>
      %add3A_436 = vector.broadcast %mul3A_373 : i32 to vector<16xi32>
      %add3A_437 = arith.addi %get3A_432, %add3A_436 : vector<16xi32>
      %broadcast_in_dim3A_438 = arith.constant 0 : i32
      %broadcast_in_dim3A_439 = vector.broadcast %broadcast_in_dim3A_438 : i32 to vector<16xi32>
      %select_n3A_440 = arith.select %ge3A_435, %add3A_437, %broadcast_in_dim3A_439 : vector<16xi1>, vector<16xi32>
      %swap3A_441 = arith.constant 48 : index
      %swap3A_442 = tpu.vector_load %arg9[%swap3A_441] {strides = array<i32>} : memref<256xi32, #tpu.memory_space<vmem>>, vector<16xi32>,
      tpu.vector_store %arg9[%swap3A_441], %select_n3A_440 {strides = array<i32>} : memref<256xi32, #tpu.memory_space<vmem>>, vector<16xi32>,
      %broadcast_in_dim3A_443 = arith.constant -1 : i32
      %broadcast_in_dim3A_444 = vector.broadcast %broadcast_in_dim3A_443 : i32 to vector<16xi32>
      %broadcast_in_dim3A_445 = arith.constant 0 : i32
      %broadcast_in_dim3A_446 = vector.broadcast %broadcast_in_dim3A_445 : i32 to vector<16xi32>
      %select_n3A_447 = arith.select %ge3A_435, %broadcast_in_dim3A_444, %broadcast_in_dim3A_446 : vector<16xi1>, vector<16xi32>
      %swap3A_448 = arith.constant 48 : index
      %swap3A_449 = tpu.vector_load %arg7[%swap3A_448] {strides = array<i32>} : memref<256xi32, #tpu.memory_space<vmem>>, vector<16xi32>,
      tpu.vector_store %arg7[%swap3A_448], %select_n3A_447 {strides = array<i32>} : memref<256xi32, #tpu.memory_space<vmem>>, vector<16xi32>,
      %get3A_450 = arith.constant 64 : index
      %get3A_451 = tpu.vector_load %arg5[%get3A_450] {strides = array<i32>} : memref<256xi32, #tpu.memory_space<vmem>>, vector<16xi32>,
      %ge3A_452 = arith.constant 0 : i32
      %ge3A_453 = vector.broadcast %ge3A_452 : i32 to vector<16xi32>
      %ge3A_454 = arith.cmpi sge, %get3A_451, %ge3A_453 : vector<16xi32>
      %add3A_455 = vector.broadcast %mul3A_373 : i32 to vector<16xi32>
      %add3A_456 = arith.addi %get3A_451, %add3A_455 : vector<16xi32>
      %broadcast_in_dim3A_457 = arith.constant 0 : i32
      %broadcast_in_dim3A_458 = vector.broadcast %broadcast_in_dim3A_457 : i32 to vector<16xi32>
      %select_n3A_459 = arith.select %ge3A_454, %add3A_456, %broadcast_in_dim3A_458 : vector<16xi1>, vector<16xi32>
      %swap3A_460 = arith.constant 64 : index
      %swap3A_461 = tpu.vector_load %arg9[%swap3A_460] {strides = array<i32>} : memref<256xi32, #tpu.memory_space<vmem>>, vector<16xi32>,
      tpu.vector_store %arg9[%swap3A_460], %select_n3A_459 {strides = array<i32>} : memref<256xi32, #tpu.memory_space<vmem>>, vector<16xi32>,
      %broadcast_in_dim3A_462 = arith.constant -1 : i32
      %broadcast_in_dim3A_463 = vector.broadcast %broadcast_in_dim3A_462 : i32 to vector<16xi32>
      %broadcast_in_dim3A_464 = arith.constant 0 : i32
      %broadcast_in_dim3A_465 = vector.broadcast %broadcast_in_dim3A_464 : i32 to vector<16xi32>
      %select_n3A_466 = arith.select %ge3A_454, %broadcast_in_dim3A_463, %broadcast_in_dim3A_465 : vector<16xi1>, vector<16xi32>
      %swap3A_467 = arith.constant 64 : index
      %swap3A_468 = tpu.vector_load %arg7[%swap3A_467] {strides = array<i32>} : memref<256xi32, #tpu.memory_space<vmem>>, vector<16xi32>,
      tpu.vector_store %arg7[%swap3A_467], %select_n3A_466 {strides = array<i32>} : memref<256xi32, #tpu.memory_space<vmem>>, vector<16xi32>,
      %get3A_469 = arith.constant 80 : index
      %get3A_470 = tpu.vector_load %arg5[%get3A_469] {strides = array<i32>} : memref<256xi32, #tpu.memory_space<vmem>>, vector<16xi32>,
      %ge3A_471 = arith.constant 0 : i32
      %ge3A_472 = vector.broadcast %ge3A_471 : i32 to vector<16xi32>
      %ge3A_473 = arith.cmpi sge, %get3A_470, %ge3A_472 : vector<16xi32>
      %add3A_474 = vector.broadcast %mul3A_373 : i32 to vector<16xi32>
      %add3A_475 = arith.addi %get3A_470, %add3A_474 : vector<16xi32>
      %broadcast_in_dim3A_476 = arith.constant 0 : i32
      %broadcast_in_dim3A_477 = vector.broadcast %broadcast_in_dim3A_476 : i32 to vector<16xi32>
      %select_n3A_478 = arith.select %ge3A_473, %add3A_475, %broadcast_in_dim3A_477 : vector<16xi1>, vector<16xi32>
      %swap3A_479 = arith.constant 80 : index
      %swap3A_480 = tpu.vector_load %arg9[%swap3A_479] {strides = array<i32>} : memref<256xi32, #tpu.memory_space<vmem>>, vector<16xi32>,
      tpu.vector_store %arg9[%swap3A_479], %select_n3A_478 {strides = array<i32>} : memref<256xi32, #tpu.memory_space<vmem>>, vector<16xi32>,
      %broadcast_in_dim3A_481 = arith.constant -1 : i32
      %broadcast_in_dim3A_482 = vector.broadcast %broadcast_in_dim3A_481 : i32 to vector<16xi32>
      %broadcast_in_dim3A_483 = arith.constant 0 : i32
      %broadcast_in_dim3A_484 = vector.broadcast %broadcast_in_dim3A_483 : i32 to vector<16xi32>
      %select_n3A_485 = arith.select %ge3A_473, %broadcast_in_dim3A_482, %broadcast_in_dim3A_484 : vector<16xi1>, vector<16xi32>
      %swap3A_486 = arith.constant 80 : index
      %swap3A_487 = tpu.vector_load %arg7[%swap3A_486] {strides = array<i32>} : memref<256xi32, #tpu.memory_space<vmem>>, vector<16xi32>,
      tpu.vector_store %arg7[%swap3A_486], %select_n3A_485 {strides = array<i32>} : memref<256xi32, #tpu.memory_space<vmem>>, vector<16xi32>,
      %get3A_488 = arith.constant 96 : index
      %get3A_489 = tpu.vector_load %arg5[%get3A_488] {strides = array<i32>} : memref<256xi32, #tpu.memory_space<vmem>>, vector<16xi32>,
      %ge3A_490 = arith.constant 0 : i32
      %ge3A_491 = vector.broadcast %ge3A_490 : i32 to vector<16xi32>
      %ge3A_492 = arith.cmpi sge, %get3A_489, %ge3A_491 : vector<16xi32>
      %add3A_493 = vector.broadcast %mul3A_373 : i32 to vector<16xi32>
      %add3A_494 = arith.addi %get3A_489, %add3A_493 : vector<16xi32>
      %broadcast_in_dim3A_495 = arith.constant 0 : i32
      %broadcast_in_dim3A_496 = vector.broadcast %broadcast_in_dim3A_495 : i32 to vector<16xi32>
      %select_n3A_497 = arith.select %ge3A_492, %add3A_494, %broadcast_in_dim3A_496 : vector<16xi1>, vector<16xi32>
      %swap3A_498 = arith.constant 96 : index
      %swap3A_499 = tpu.vector_load %arg9[%swap3A_498] {strides = array<i32>} : memref<256xi32, #tpu.memory_space<vmem>>, vector<16xi32>,
      tpu.vector_store %arg9[%swap3A_498], %select_n3A_497 {strides = array<i32>} : memref<256xi32, #tpu.memory_space<vmem>>, vector<16xi32>,
      %broadcast_in_dim3A_500 = arith.constant -1 : i32
      %broadcast_in_dim3A_501 = vector.broadcast %broadcast_in_dim3A_500 : i32 to vector<16xi32>
      %broadcast_in_dim3A_502 = arith.constant 0 : i32
      %broadcast_in_dim3A_503 = vector.broadcast %broadcast_in_dim3A_502 : i32 to vector<16xi32>
      %select_n3A_504 = arith.select %ge3A_492, %broadcast_in_dim3A_501, %broadcast_in_dim3A_503 : vector<16xi1>, vector<16xi32>
      %swap3A_505 = arith.constant 96 : index
      %swap3A_506 = tpu.vector_load %arg7[%swap3A_505] {strides = array<i32>} : memref<256xi32, #tpu.memory_space<vmem>>, vector<16xi32>,
      tpu.vector_store %arg7[%swap3A_505], %select_n3A_504 {strides = array<i32>} : memref<256xi32, #tpu.memory_space<vmem>>, vector<16xi32>,
      %get3A_507 = arith.constant 112 : index
      %get3A_508 = tpu.vector_load %arg5[%get3A_507] {strides = array<i32>} : memref<256xi32, #tpu.memory_space<vmem>>, vector<16xi32>,
      %ge3A_509 = arith.constant 0 : i32
      %ge3A_510 = vector.broadcast %ge3A_509 : i32 to vector<16xi32>
      %ge3A_511 = arith.cmpi sge, %get3A_508, %ge3A_510 : vector<16xi32>
      %add3A_512 = vector.broadcast %mul3A_373 : i32 to vector<16xi32>
      %add3A_513 = arith.addi %get3A_508, %add3A_512 : vector<16xi32>
      %broadcast_in_dim3A_514 = arith.constant 0 : i32
      %broadcast_in_dim3A_515 = vector.broadcast %broadcast_in_dim3A_514 : i32 to vector<16xi32>
      %select_n3A_516 = arith.select %ge3A_511, %add3A_513, %broadcast_in_dim3A_515 : vector<16xi1>, vector<16xi32>
      %swap3A_517 = arith.constant 112 : index
      %swap3A_518 = tpu.vector_load %arg9[%swap3A_517] {strides = array<i32>} : memref<256xi32, #tpu.memory_space<vmem>>, vector<16xi32>,
      tpu.vector_store %arg9[%swap3A_517], %select_n3A_516 {strides = array<i32>} : memref<256xi32, #tpu.memory_space<vmem>>, vector<16xi32>,
      %broadcast_in_dim3A_519 = arith.constant -1 : i32
      %broadcast_in_dim3A_520 = vector.broadcast %broadcast_in_dim3A_519 : i32 to vector<16xi32>
      %broadcast_in_dim3A_521 = arith.constant 0 : i32
      %broadcast_in_dim3A_522 = vector.broadcast %broadcast_in_dim3A_521 : i32 to vector<16xi32>
      %select_n3A_523 = arith.select %ge3A_511, %broadcast_in_dim3A_520, %broadcast_in_dim3A_522 : vector<16xi1>, vector<16xi32>
      %swap3A_524 = arith.constant 112 : index
      %swap3A_525 = tpu.vector_load %arg7[%swap3A_524] {strides = array<i32>} : memref<256xi32, #tpu.memory_space<vmem>>, vector<16xi32>,
      tpu.vector_store %arg7[%swap3A_524], %select_n3A_523 {strides = array<i32>} : memref<256xi32, #tpu.memory_space<vmem>>, vector<16xi32>,
      %get3A_526 = arith.constant 128 : index
      %get3A_527 = tpu.vector_load %arg5[%get3A_526] {strides = array<i32>} : memref<256xi32, #tpu.memory_space<vmem>>, vector<16xi32>,
      %ge3A_528 = arith.constant 0 : i32
      %ge3A_529 = vector.broadcast %ge3A_528 : i32 to vector<16xi32>
      %ge3A_530 = arith.cmpi sge, %get3A_527, %ge3A_529 : vector<16xi32>
      %add3A_531 = vector.broadcast %mul3A_373 : i32 to vector<16xi32>
      %add3A_532 = arith.addi %get3A_527, %add3A_531 : vector<16xi32>
      %broadcast_in_dim3A_533 = arith.constant 0 : i32
      %broadcast_in_dim3A_534 = vector.broadcast %broadcast_in_dim3A_533 : i32 to vector<16xi32>
      %select_n3A_535 = arith.select %ge3A_530, %add3A_532, %broadcast_in_dim3A_534 : vector<16xi1>, vector<16xi32>
      %swap3A_536 = arith.constant 128 : index
      %swap3A_537 = tpu.vector_load %arg9[%swap3A_536] {strides = array<i32>} : memref<256xi32, #tpu.memory_space<vmem>>, vector<16xi32>,
      tpu.vector_store %arg9[%swap3A_536], %select_n3A_535 {strides = array<i32>} : memref<256xi32, #tpu.memory_space<vmem>>, vector<16xi32>,
      %broadcast_in_dim3A_538 = arith.constant -1 : i32
      %broadcast_in_dim3A_539 = vector.broadcast %broadcast_in_dim3A_538 : i32 to vector<16xi32>
      %broadcast_in_dim3A_540 = arith.constant 0 : i32
      %broadcast_in_dim3A_541 = vector.broadcast %broadcast_in_dim3A_540 : i32 to vector<16xi32>
      %select_n3A_542 = arith.select %ge3A_530, %broadcast_in_dim3A_539, %broadcast_in_dim3A_541 : vector<16xi1>, vector<16xi32>
      %swap3A_543 = arith.constant 128 : index
      %swap3A_544 = tpu.vector_load %arg7[%swap3A_543] {strides = array<i32>} : memref<256xi32, #tpu.memory_space<vmem>>, vector<16xi32>,
      tpu.vector_store %arg7[%swap3A_543], %select_n3A_542 {strides = array<i32>} : memref<256xi32, #tpu.memory_space<vmem>>, vector<16xi32>,
      %get3A_545 = arith.constant 144 : index
      %get3A_546 = tpu.vector_load %arg5[%get3A_545] {strides = array<i32>} : memref<256xi32, #tpu.memory_space<vmem>>, vector<16xi32>,
      %ge3A_547 = arith.constant 0 : i32
      %ge3A_548 = vector.broadcast %ge3A_547 : i32 to vector<16xi32>
      %ge3A_549 = arith.cmpi sge, %get3A_546, %ge3A_548 : vector<16xi32>
      %add3A_550 = vector.broadcast %mul3A_373 : i32 to vector<16xi32>
      %add3A_551 = arith.addi %get3A_546, %add3A_550 : vector<16xi32>
      %broadcast_in_dim3A_552 = arith.constant 0 : i32
      %broadcast_in_dim3A_553 = vector.broadcast %broadcast_in_dim3A_552 : i32 to vector<16xi32>
      %select_n3A_554 = arith.select %ge3A_549, %add3A_551, %broadcast_in_dim3A_553 : vector<16xi1>, vector<16xi32>
      %swap3A_555 = arith.constant 144 : index
      %swap3A_556 = tpu.vector_load %arg9[%swap3A_555] {strides = array<i32>} : memref<256xi32, #tpu.memory_space<vmem>>, vector<16xi32>,
      tpu.vector_store %arg9[%swap3A_555], %select_n3A_554 {strides = array<i32>} : memref<256xi32, #tpu.memory_space<vmem>>, vector<16xi32>,
      %broadcast_in_dim3A_557 = arith.constant -1 : i32
      %broadcast_in_dim3A_558 = vector.broadcast %broadcast_in_dim3A_557 : i32 to vector<16xi32>
      %broadcast_in_dim3A_559 = arith.constant 0 : i32
      %broadcast_in_dim3A_560 = vector.broadcast %broadcast_in_dim3A_559 : i32 to vector<16xi32>
      %select_n3A_561 = arith.select %ge3A_549, %broadcast_in_dim3A_558, %broadcast_in_dim3A_560 : vector<16xi1>, vector<16xi32>
      %swap3A_562 = arith.constant 144 : index
      %swap3A_563 = tpu.vector_load %arg7[%swap3A_562] {strides = array<i32>} : memref<256xi32, #tpu.memory_space<vmem>>, vector<16xi32>,
      tpu.vector_store %arg7[%swap3A_562], %select_n3A_561 {strides = array<i32>} : memref<256xi32, #tpu.memory_space<vmem>>, vector<16xi32>,
      %get3A_564 = arith.constant 160 : index
      %get3A_565 = tpu.vector_load %arg5[%get3A_564] {strides = array<i32>} : memref<256xi32, #tpu.memory_space<vmem>>, vector<16xi32>,
      %ge3A_566 = arith.constant 0 : i32
      %ge3A_567 = vector.broadcast %ge3A_566 : i32 to vector<16xi32>
      %ge3A_568 = arith.cmpi sge, %get3A_565, %ge3A_567 : vector<16xi32>
      %add3A_569 = vector.broadcast %mul3A_373 : i32 to vector<16xi32>
      %add3A_570 = arith.addi %get3A_565, %add3A_569 : vector<16xi32>
      %broadcast_in_dim3A_571 = arith.constant 0 : i32
      %broadcast_in_dim3A_572 = vector.broadcast %broadcast_in_dim3A_571 : i32 to vector<16xi32>
      %select_n3A_573 = arith.select %ge3A_568, %add3A_570, %broadcast_in_dim3A_572 : vector<16xi1>, vector<16xi32>
      %swap3A_574 = arith.constant 160 : index
      %swap3A_575 = tpu.vector_load %arg9[%swap3A_574] {strides = array<i32>} : memref<256xi32, #tpu.memory_space<vmem>>, vector<16xi32>,
      tpu.vector_store %arg9[%swap3A_574], %select_n3A_573 {strides = array<i32>} : memref<256xi32, #tpu.memory_space<vmem>>, vector<16xi32>,
      %broadcast_in_dim3A_576 = arith.constant -1 : i32
      %broadcast_in_dim3A_577 = vector.broadcast %broadcast_in_dim3A_576 : i32 to vector<16xi32>
      %broadcast_in_dim3A_578 = arith.constant 0 : i32
      %broadcast_in_dim3A_579 = vector.broadcast %broadcast_in_dim3A_578 : i32 to vector<16xi32>
      %select_n3A_580 = arith.select %ge3A_568, %broadcast_in_dim3A_577, %broadcast_in_dim3A_579 : vector<16xi1>, vector<16xi32>
      %swap3A_581 = arith.constant 160 : index
      %swap3A_582 = tpu.vector_load %arg7[%swap3A_581] {strides = array<i32>} : memref<256xi32, #tpu.memory_space<vmem>>, vector<16xi32>,
      tpu.vector_store %arg7[%swap3A_581], %select_n3A_580 {strides = array<i32>} : memref<256xi32, #tpu.memory_space<vmem>>, vector<16xi32>,
      %get3A_583 = arith.constant 176 : index
      %get3A_584 = tpu.vector_load %arg5[%get3A_583] {strides = array<i32>} : memref<256xi32, #tpu.memory_space<vmem>>, vector<16xi32>,
      %ge3A_585 = arith.constant 0 : i32
      %ge3A_586 = vector.broadcast %ge3A_585 : i32 to vector<16xi32>
      %ge3A_587 = arith.cmpi sge, %get3A_584, %ge3A_586 : vector<16xi32>
      %add3A_588 = vector.broadcast %mul3A_373 : i32 to vector<16xi32>
      %add3A_589 = arith.addi %get3A_584, %add3A_588 : vector<16xi32>
      %broadcast_in_dim3A_590 = arith.constant 0 : i32
      %broadcast_in_dim3A_591 = vector.broadcast %broadcast_in_dim3A_590 : i32 to vector<16xi32>
      %select_n3A_592 = arith.select %ge3A_587, %add3A_589, %broadcast_in_dim3A_591 : vector<16xi1>, vector<16xi32>
      %swap3A_593 = arith.constant 176 : index
      %swap3A_594 = tpu.vector_load %arg9[%swap3A_593] {strides = array<i32>} : memref<256xi32, #tpu.memory_space<vmem>>, vector<16xi32>,
      tpu.vector_store %arg9[%swap3A_593], %select_n3A_592 {strides = array<i32>} : memref<256xi32, #tpu.memory_space<vmem>>, vector<16xi32>,
      %broadcast_in_dim3A_595 = arith.constant -1 : i32
      %broadcast_in_dim3A_596 = vector.broadcast %broadcast_in_dim3A_595 : i32 to vector<16xi32>
      %broadcast_in_dim3A_597 = arith.constant 0 : i32
      %broadcast_in_dim3A_598 = vector.broadcast %broadcast_in_dim3A_597 : i32 to vector<16xi32>
      %select_n3A_599 = arith.select %ge3A_587, %broadcast_in_dim3A_596, %broadcast_in_dim3A_598 : vector<16xi1>, vector<16xi32>
      %swap3A_600 = arith.constant 176 : index
      %swap3A_601 = tpu.vector_load %arg7[%swap3A_600] {strides = array<i32>} : memref<256xi32, #tpu.memory_space<vmem>>, vector<16xi32>,
      tpu.vector_store %arg7[%swap3A_600], %select_n3A_599 {strides = array<i32>} : memref<256xi32, #tpu.memory_space<vmem>>, vector<16xi32>,
      %get3A_602 = arith.constant 192 : index
      %get3A_603 = tpu.vector_load %arg5[%get3A_602] {strides = array<i32>} : memref<256xi32, #tpu.memory_space<vmem>>, vector<16xi32>,
      %ge3A_604 = arith.constant 0 : i32
      %ge3A_605 = vector.broadcast %ge3A_604 : i32 to vector<16xi32>
      %ge3A_606 = arith.cmpi sge, %get3A_603, %ge3A_605 : vector<16xi32>
      %add3A_607 = vector.broadcast %mul3A_373 : i32 to vector<16xi32>
      %add3A_608 = arith.addi %get3A_603, %add3A_607 : vector<16xi32>
      %broadcast_in_dim3A_609 = arith.constant 0 : i32
      %broadcast_in_dim3A_610 = vector.broadcast %broadcast_in_dim3A_609 : i32 to vector<16xi32>
      %select_n3A_611 = arith.select %ge3A_606, %add3A_608, %broadcast_in_dim3A_610 : vector<16xi1>, vector<16xi32>
      %swap3A_612 = arith.constant 192 : index
      %swap3A_613 = tpu.vector_load %arg9[%swap3A_612] {strides = array<i32>} : memref<256xi32, #tpu.memory_space<vmem>>, vector<16xi32>,
      tpu.vector_store %arg9[%swap3A_612], %select_n3A_611 {strides = array<i32>} : memref<256xi32, #tpu.memory_space<vmem>>, vector<16xi32>,
      %broadcast_in_dim3A_614 = arith.constant -1 : i32
      %broadcast_in_dim3A_615 = vector.broadcast %broadcast_in_dim3A_614 : i32 to vector<16xi32>
      %broadcast_in_dim3A_616 = arith.constant 0 : i32
      %broadcast_in_dim3A_617 = vector.broadcast %broadcast_in_dim3A_616 : i32 to vector<16xi32>
      %select_n3A_618 = arith.select %ge3A_606, %broadcast_in_dim3A_615, %broadcast_in_dim3A_617 : vector<16xi1>, vector<16xi32>
      %swap3A_619 = arith.constant 192 : index
      %swap3A_620 = tpu.vector_load %arg7[%swap3A_619] {strides = array<i32>} : memref<256xi32, #tpu.memory_space<vmem>>, vector<16xi32>,
      tpu.vector_store %arg7[%swap3A_619], %select_n3A_618 {strides = array<i32>} : memref<256xi32, #tpu.memory_space<vmem>>, vector<16xi32>,
      %get3A_621 = arith.constant 208 : index
      %get3A_622 = tpu.vector_load %arg5[%get3A_621] {strides = array<i32>} : memref<256xi32, #tpu.memory_space<vmem>>, vector<16xi32>,
      %ge3A_623 = arith.constant 0 : i32
      %ge3A_624 = vector.broadcast %ge3A_623 : i32 to vector<16xi32>
      %ge3A_625 = arith.cmpi sge, %get3A_622, %ge3A_624 : vector<16xi32>
      %add3A_626 = vector.broadcast %mul3A_373 : i32 to vector<16xi32>
      %add3A_627 = arith.addi %get3A_622, %add3A_626 : vector<16xi32>
      %broadcast_in_dim3A_628 = arith.constant 0 : i32
      %broadcast_in_dim3A_629 = vector.broadcast %broadcast_in_dim3A_628 : i32 to vector<16xi32>
      %select_n3A_630 = arith.select %ge3A_625, %add3A_627, %broadcast_in_dim3A_629 : vector<16xi1>, vector<16xi32>
      %swap3A_631 = arith.constant 208 : index
      %swap3A_632 = tpu.vector_load %arg9[%swap3A_631] {strides = array<i32>} : memref<256xi32, #tpu.memory_space<vmem>>, vector<16xi32>,
      tpu.vector_store %arg9[%swap3A_631], %select_n3A_630 {strides = array<i32>} : memref<256xi32, #tpu.memory_space<vmem>>, vector<16xi32>,
      %broadcast_in_dim3A_633 = arith.constant -1 : i32
      %broadcast_in_dim3A_634 = vector.broadcast %broadcast_in_dim3A_633 : i32 to vector<16xi32>
      %broadcast_in_dim3A_635 = arith.constant 0 : i32
      %broadcast_in_dim3A_636 = vector.broadcast %broadcast_in_dim3A_635 : i32 to vector<16xi32>
      %select_n3A_637 = arith.select %ge3A_625, %broadcast_in_dim3A_634, %broadcast_in_dim3A_636 : vector<16xi1>, vector<16xi32>
      %swap3A_638 = arith.constant 208 : index
      %swap3A_639 = tpu.vector_load %arg7[%swap3A_638] {strides = array<i32>} : memref<256xi32, #tpu.memory_space<vmem>>, vector<16xi32>,
      tpu.vector_store %arg7[%swap3A_638], %select_n3A_637 {strides = array<i32>} : memref<256xi32, #tpu.memory_space<vmem>>, vector<16xi32>,
      %get3A_640 = arith.constant 224 : index
      %get3A_641 = tpu.vector_load %arg5[%get3A_640] {strides = array<i32>} : memref<256xi32, #tpu.memory_space<vmem>>, vector<16xi32>,
      %ge3A_642 = arith.constant 0 : i32
      %ge3A_643 = vector.broadcast %ge3A_642 : i32 to vector<16xi32>
      %ge3A_644 = arith.cmpi sge, %get3A_641, %ge3A_643 : vector<16xi32>
      %add3A_645 = vector.broadcast %mul3A_373 : i32 to vector<16xi32>
      %add3A_646 = arith.addi %get3A_641, %add3A_645 : vector<16xi32>
      %broadcast_in_dim3A_647 = arith.constant 0 : i32
      %broadcast_in_dim3A_648 = vector.broadcast %broadcast_in_dim3A_647 : i32 to vector<16xi32>
      %select_n3A_649 = arith.select %ge3A_644, %add3A_646, %broadcast_in_dim3A_648 : vector<16xi1>, vector<16xi32>
      %swap3A_650 = arith.constant 224 : index
      %swap3A_651 = tpu.vector_load %arg9[%swap3A_650] {strides = array<i32>} : memref<256xi32, #tpu.memory_space<vmem>>, vector<16xi32>,
      tpu.vector_store %arg9[%swap3A_650], %select_n3A_649 {strides = array<i32>} : memref<256xi32, #tpu.memory_space<vmem>>, vector<16xi32>,
      %broadcast_in_dim3A_652 = arith.constant -1 : i32
      %broadcast_in_dim3A_653 = vector.broadcast %broadcast_in_dim3A_652 : i32 to vector<16xi32>
      %broadcast_in_dim3A_654 = arith.constant 0 : i32
      %broadcast_in_dim3A_655 = vector.broadcast %broadcast_in_dim3A_654 : i32 to vector<16xi32>
      %select_n3A_656 = arith.select %ge3A_644, %broadcast_in_dim3A_653, %broadcast_in_dim3A_655 : vector<16xi1>, vector<16xi32>
      %swap3A_657 = arith.constant 224 : index
      %swap3A_658 = tpu.vector_load %arg7[%swap3A_657] {strides = array<i32>} : memref<256xi32, #tpu.memory_space<vmem>>, vector<16xi32>,
      tpu.vector_store %arg7[%swap3A_657], %select_n3A_656 {strides = array<i32>} : memref<256xi32, #tpu.memory_space<vmem>>, vector<16xi32>,
      %get3A_659 = arith.constant 240 : index
      %get3A_660 = tpu.vector_load %arg5[%get3A_659] {strides = array<i32>} : memref<256xi32, #tpu.memory_space<vmem>>, vector<16xi32>,
      %ge3A_661 = arith.constant 0 : i32
      %ge3A_662 = vector.broadcast %ge3A_661 : i32 to vector<16xi32>
      %ge3A_663 = arith.cmpi sge, %get3A_660, %ge3A_662 : vector<16xi32>
      %add3A_664 = vector.broadcast %mul3A_373 : i32 to vector<16xi32>
      %add3A_665 = arith.addi %get3A_660, %add3A_664 : vector<16xi32>
      %broadcast_in_dim3A_666 = arith.constant 0 : i32
      %broadcast_in_dim3A_667 = vector.broadcast %broadcast_in_dim3A_666 : i32 to vector<16xi32>
      %select_n3A_668 = arith.select %ge3A_663, %add3A_665, %broadcast_in_dim3A_667 : vector<16xi1>, vector<16xi32>
      %swap3A_669 = arith.constant 240 : index
      %swap3A_670 = tpu.vector_load %arg9[%swap3A_669] {strides = array<i32>} : memref<256xi32, #tpu.memory_space<vmem>>, vector<16xi32>,
      tpu.vector_store %arg9[%swap3A_669], %select_n3A_668 {strides = array<i32>} : memref<256xi32, #tpu.memory_space<vmem>>, vector<16xi32>,
      %broadcast_in_dim3A_671 = arith.constant -1 : i32
      %broadcast_in_dim3A_672 = vector.broadcast %broadcast_in_dim3A_671 : i32 to vector<16xi32>
      %broadcast_in_dim3A_673 = arith.constant 0 : i32
      %broadcast_in_dim3A_674 = vector.broadcast %broadcast_in_dim3A_673 : i32 to vector<16xi32>
      %select_n3A_675 = arith.select %ge3A_663, %broadcast_in_dim3A_672, %broadcast_in_dim3A_674 : vector<16xi1>, vector<16xi32>
      %swap3A_676 = arith.constant 240 : index
      %swap3A_677 = tpu.vector_load %arg7[%swap3A_676] {strides = array<i32>} : memref<256xi32, #tpu.memory_space<vmem>>, vector<16xi32>,
      tpu.vector_store %arg7[%swap3A_676], %select_n3A_675 {strides = array<i32>} : memref<256xi32, #tpu.memory_space<vmem>>, vector<16xi32>,
      %dma_start3A_678 = arith.constant 0 : i32
      %dma_start3A_679 = arith.constant 0 : i32
      %dma_start3A_680 = tpu.memref_slice %arg2[%dma_start3A_678, %dma_start3A_679] : memref<40000x128xi32, #tpu.memory_space<hbm>> -> memref<40000x128xi32, #tpu.memory_space<hbm>>
      tpu.enqueue_indirect_dma source(%dma_start3A_680 : memref<40000x128xi32, #tpu.memory_space<hbm>>) target(%arg11 : memref<256x128xi32, #tpu.memory_space<vmem>>) offsets(%arg9 : memref<256xi32, #tpu.memory_space<vmem>>) semaphore(%arg15 : memref<!tpu.dma_semaphore, #tpu.memory_space<semaphore_mem>>)
      %div3A_681 = arith.constant 4 : i32
      %div3A_682 = arith.divsi %mul3A_355, %div3A_681 : i32
      %sub3A = arith.constant 2 : i32
      %sub3A_683 = arith.subi %mul3A_355, %sub3A : i32
      %ge3A_684 = arith.constant 0 : i32
      %ge3A_685 = arith.cmpi sge, %sub3A_683, %ge3A_684 : i32
      %div3A_686 = arith.constant 4 : i32
      %div3A_687 = arith.divsi %sub3A_683, %div3A_686 : i32
      %lt3A_688 = arith.cmpi slt, %div3A_687, %add3A_8 : i32
      %and3A_689 = arith.andi %ge3A_685, %lt3A_688 : i1
      %convert_element_type3A_690 = arith.extui %and3A_689 : i1 to i32
      %cond3A_691 = arith.constant 0 : i32
      %cond3A_692 = arith.cmpi ne, %convert_element_type3A_690, %cond3A_691 : i32
      scf.if %cond3A_692 {
        %rem3A_734 = arith.constant 4 : i32
        %rem3A_735 = arith.remsi %sub3A_683, %rem3A_734 : i32
        %div3A_736 = arith.constant 4 : i32
        %div3A_737 = arith.divsi %sub3A_683, %div3A_736 : i32
        %add3A_738 = arith.addi %add3A_4, %div3A_737 : i32
        %min3A_739 = arith.constant 624 : i32
        %min3A_740 = arith.minsi %add3A_738, %min3A_739 : i32
        %mul3A_741 = arith.constant 10000 : i32
        %mul3A_742 = arith.muli %rem3A_735, %mul3A_741 : i32
        %mul3A_743 = arith.constant 16 : i32
        %mul3A_744 = arith.muli %min3A_740, %mul3A_743 : i32
        %add3A_745 = arith.addi %mul3A_742, %mul3A_744 : i32
        %multiple_of3A = tpu.assume_multiple %add3A_745, 16 : i32
        %dma_wait3A_746 = arith.constant 0 : i32
        %dma_wait3A_747 = tpu.memref_slice %arg4[%multiple_of3A, %dma_wait3A_746] : memref<40000x256xf32, #tpu.memory_space<hbm>> -> memref<16x256xf32, #tpu.memory_space<hbm>>
        %dma_wait3A_748 = arith.constant 0 : i32
        %dma_wait3A_749 = tpu.memref_slice %arg4[%multiple_of3A, %dma_wait3A_748] : memref<40000x256xf32, #tpu.memory_space<hbm>> -> memref<16x256xf32, #tpu.memory_space<hbm>>
        tpu.wait_dma2 semaphore(%arg16 : memref<!tpu.dma_semaphore, #tpu.memory_space<semaphore_mem>>) src(%arg12 : memref<16x256xf32, #tpu.memory_space<vmem>>) dst(%dma_wait3A_749 : memref<16x256xf32, #tpu.memory_space<hbm>>)
      } else {
      }
      %scan3A_693 = arith.constant 0 : i32
      %scan3A_694 = arith.constant 16 : i32
      %scan3A_695 = arith.addi %scan3A_693, %scan3A_694 : i32
      %scan3A_696 = arith.constant 1 : i32
      scf.for %scan3A_734 = %scan3A_693 to %scan3A_695 step %scan3A_696  : i32 {
        %mul3A_735 = arith.constant 1 : i32
        %mul3A_736 = arith.muli %scan3A_734, %mul3A_735 : i32
        %add3A_737 = arith.constant 0 : i32
        %add3A_738 = arith.addi %add3A_737, %mul3A_736 : i32
        %mul3A_739 = arith.constant 16 : i32
        %mul3A_740 = arith.muli %add3A_738, %mul3A_739 : i32
        %add3A_741 = arith.constant 0 : i32
        %add3A_742 = arith.addi %mul3A_740, %add3A_741 : i32
        %broadcast_in_dim3A_743 = vector.broadcast %add3A_742 : i32 to vector<16xi32>
        %gather3A = tpu.vector_load_idx %arg6[%broadcast_in_dim3A_743] : memref<256xi32, #tpu.memory_space<vmem>>[vector<16xi32>], vector<16xi32>,
        %add3A_744 = arith.constant 1 : i32
        %add3A_745 = arith.addi %mul3A_740, %add3A_744 : i32
        %broadcast_in_dim3A_746 = vector.broadcast %add3A_745 : i32 to vector<16xi32>
        %gather3A_747 = tpu.vector_load_idx %arg6[%broadcast_in_dim3A_746] : memref<256xi32, #tpu.memory_space<vmem>>[vector<16xi32>], vector<16xi32>,
        %add3A_748 = arith.constant 2 : i32
        %add3A_749 = arith.addi %mul3A_740, %add3A_748 : i32
        %broadcast_in_dim3A_750 = vector.broadcast %add3A_749 : i32 to vector<16xi32>
        %gather3A_751 = tpu.vector_load_idx %arg6[%broadcast_in_dim3A_750] : memref<256xi32, #tpu.memory_space<vmem>>[vector<16xi32>], vector<16xi32>,
        %add3A_752 = arith.constant 3 : i32
        %add3A_753 = arith.addi %mul3A_740, %add3A_752 : i32
        %broadcast_in_dim3A_754 = vector.broadcast %add3A_753 : i32 to vector<16xi32>
        %gather3A_755 = tpu.vector_load_idx %arg6[%broadcast_in_dim3A_754] : memref<256xi32, #tpu.memory_space<vmem>>[vector<16xi32>], vector<16xi32>,
        %add3A_756 = arith.constant 4 : i32
        %add3A_757 = arith.addi %mul3A_740, %add3A_756 : i32
        %broadcast_in_dim3A_758 = vector.broadcast %add3A_757 : i32 to vector<16xi32>
        %gather3A_759 = tpu.vector_load_idx %arg6[%broadcast_in_dim3A_758] : memref<256xi32, #tpu.memory_space<vmem>>[vector<16xi32>], vector<16xi32>,
        %add3A_760 = arith.constant 5 : i32
        %add3A_761 = arith.addi %mul3A_740, %add3A_760 : i32
        %broadcast_in_dim3A_762 = vector.broadcast %add3A_761 : i32 to vector<16xi32>
        %gather3A_763 = tpu.vector_load_idx %arg6[%broadcast_in_dim3A_762] : memref<256xi32, #tpu.memory_space<vmem>>[vector<16xi32>], vector<16xi32>,
        %add3A_764 = arith.constant 6 : i32
        %add3A_765 = arith.addi %mul3A_740, %add3A_764 : i32
        %broadcast_in_dim3A_766 = vector.broadcast %add3A_765 : i32 to vector<16xi32>
        %gather3A_767 = tpu.vector_load_idx %arg6[%broadcast_in_dim3A_766] : memref<256xi32, #tpu.memory_space<vmem>>[vector<16xi32>], vector<16xi32>,
        %add3A_768 = arith.constant 7 : i32
        %add3A_769 = arith.addi %mul3A_740, %add3A_768 : i32
        %broadcast_in_dim3A_770 = vector.broadcast %add3A_769 : i32 to vector<16xi32>
        %gather3A_771 = tpu.vector_load_idx %arg6[%broadcast_in_dim3A_770] : memref<256xi32, #tpu.memory_space<vmem>>[vector<16xi32>], vector<16xi32>,
        %add3A_772 = arith.constant 8 : i32
        %add3A_773 = arith.addi %mul3A_740, %add3A_772 : i32
        %broadcast_in_dim3A_774 = vector.broadcast %add3A_773 : i32 to vector<16xi32>
        %gather3A_775 = tpu.vector_load_idx %arg6[%broadcast_in_dim3A_774] : memref<256xi32, #tpu.memory_space<vmem>>[vector<16xi32>], vector<16xi32>,
        %add3A_776 = arith.constant 9 : i32
        %add3A_777 = arith.addi %mul3A_740, %add3A_776 : i32
        %broadcast_in_dim3A_778 = vector.broadcast %add3A_777 : i32 to vector<16xi32>
        %gather3A_779 = tpu.vector_load_idx %arg6[%broadcast_in_dim3A_778] : memref<256xi32, #tpu.memory_space<vmem>>[vector<16xi32>], vector<16xi32>,
        %add3A_780 = arith.constant 10 : i32
        %add3A_781 = arith.addi %mul3A_740, %add3A_780 : i32
        %broadcast_in_dim3A_782 = vector.broadcast %add3A_781 : i32 to vector<16xi32>
        %gather3A_783 = tpu.vector_load_idx %arg6[%broadcast_in_dim3A_782] : memref<256xi32, #tpu.memory_space<vmem>>[vector<16xi32>], vector<16xi32>,
        %add3A_784 = arith.constant 11 : i32
        %add3A_785 = arith.addi %mul3A_740, %add3A_784 : i32
        %broadcast_in_dim3A_786 = vector.broadcast %add3A_785 : i32 to vector<16xi32>
        %gather3A_787 = tpu.vector_load_idx %arg6[%broadcast_in_dim3A_786] : memref<256xi32, #tpu.memory_space<vmem>>[vector<16xi32>], vector<16xi32>,
        %add3A_788 = arith.constant 12 : i32
        %add3A_789 = arith.addi %mul3A_740, %add3A_788 : i32
        %broadcast_in_dim3A_790 = vector.broadcast %add3A_789 : i32 to vector<16xi32>
        %gather3A_791 = tpu.vector_load_idx %arg6[%broadcast_in_dim3A_790] : memref<256xi32, #tpu.memory_space<vmem>>[vector<16xi32>], vector<16xi32>,
        %add3A_792 = arith.constant 13 : i32
        %add3A_793 = arith.addi %mul3A_740, %add3A_792 : i32
        %broadcast_in_dim3A_794 = vector.broadcast %add3A_793 : i32 to vector<16xi32>
        %gather3A_795 = tpu.vector_load_idx %arg6[%broadcast_in_dim3A_794] : memref<256xi32, #tpu.memory_space<vmem>>[vector<16xi32>], vector<16xi32>,
        %add3A_796 = arith.constant 14 : i32
        %add3A_797 = arith.addi %mul3A_740, %add3A_796 : i32
        %broadcast_in_dim3A_798 = vector.broadcast %add3A_797 : i32 to vector<16xi32>
        %gather3A_799 = tpu.vector_load_idx %arg6[%broadcast_in_dim3A_798] : memref<256xi32, #tpu.memory_space<vmem>>[vector<16xi32>], vector<16xi32>,
        %add3A_800 = arith.constant 15 : i32
        %add3A_801 = arith.addi %mul3A_740, %add3A_800 : i32
        %broadcast_in_dim3A_802 = vector.broadcast %add3A_801 : i32 to vector<16xi32>
        %gather3A_803 = tpu.vector_load_idx %arg6[%broadcast_in_dim3A_802] : memref<256xi32, #tpu.memory_space<vmem>>[vector<16xi32>], vector<16xi32>,
        %add3A_804 = arith.constant 0 : i32
        %add3A_805 = arith.addi %mul3A_740, %add3A_804 : i32
        %get3A_806 = arith.index_cast %add3A_805 : i32 to index
        %get3A_807 = arith.constant 0 : index
        %get3A_808 = tpu.vector_load %arg10[%get3A_806, %get3A_807] {strides = array<i32>} : memref<256x128xi32, #tpu.memory_space<vmem>>, vector<16xi32>,
        %and3A_809 = arith.andi %get3A_808, %gather3A : vector<16xi32>
        %bitcast3A = vector.bitcast %and3A_809 : vector<16xi32> to vector<32xbf16>
        %add3A_810 = arith.constant 1 : i32
        %add3A_811 = arith.addi %mul3A_740, %add3A_810 : i32
        %get3A_812 = arith.index_cast %add3A_811 : i32 to index
        %get3A_813 = arith.constant 0 : index
        %get3A_814 = tpu.vector_load %arg10[%get3A_812, %get3A_813] {strides = array<i32>} : memref<256x128xi32, #tpu.memory_space<vmem>>, vector<16xi32>,
        %and3A_815 = arith.andi %get3A_814, %gather3A_747 : vector<16xi32>
        %bitcast3A_816 = vector.bitcast %and3A_815 : vector<16xi32> to vector<32xbf16>
        %add3A_817 = arith.constant 2 : i32
        %add3A_818 = arith.addi %mul3A_740, %add3A_817 : i32
        %get3A_819 = arith.index_cast %add3A_818 : i32 to index
        %get3A_820 = arith.constant 0 : index
        %get3A_821 = tpu.vector_load %arg10[%get3A_819, %get3A_820] {strides = array<i32>} : memref<256x128xi32, #tpu.memory_space<vmem>>, vector<16xi32>,
        %and3A_822 = arith.andi %get3A_821, %gather3A_751 : vector<16xi32>
        %bitcast3A_823 = vector.bitcast %and3A_822 : vector<16xi32> to vector<32xbf16>
        %add3A_824 = arith.constant 3 : i32
        %add3A_825 = arith.addi %mul3A_740, %add3A_824 : i32
        %get3A_826 = arith.index_cast %add3A_825 : i32 to index
        %get3A_827 = arith.constant 0 : index
        %get3A_828 = tpu.vector_load %arg10[%get3A_826, %get3A_827] {strides = array<i32>} : memref<256x128xi32, #tpu.memory_space<vmem>>, vector<16xi32>,
        %and3A_829 = arith.andi %get3A_828, %gather3A_755 : vector<16xi32>
        %bitcast3A_830 = vector.bitcast %and3A_829 : vector<16xi32> to vector<32xbf16>
        %add3A_831 = arith.constant 4 : i32
        %add3A_832 = arith.addi %mul3A_740, %add3A_831 : i32
        %get3A_833 = arith.index_cast %add3A_832 : i32 to index
        %get3A_834 = arith.constant 0 : index
        %get3A_835 = tpu.vector_load %arg10[%get3A_833, %get3A_834] {strides = array<i32>} : memref<256x128xi32, #tpu.memory_space<vmem>>, vector<16xi32>,
        %and3A_836 = arith.andi %get3A_835, %gather3A_759 : vector<16xi32>
        %bitcast3A_837 = vector.bitcast %and3A_836 : vector<16xi32> to vector<32xbf16>
        %add3A_838 = arith.constant 5 : i32
        %add3A_839 = arith.addi %mul3A_740, %add3A_838 : i32
        %get3A_840 = arith.index_cast %add3A_839 : i32 to index
        %get3A_841 = arith.constant 0 : index
        %get3A_842 = tpu.vector_load %arg10[%get3A_840, %get3A_841] {strides = array<i32>} : memref<256x128xi32, #tpu.memory_space<vmem>>, vector<16xi32>,
        %and3A_843 = arith.andi %get3A_842, %gather3A_763 : vector<16xi32>
        %bitcast3A_844 = vector.bitcast %and3A_843 : vector<16xi32> to vector<32xbf16>
        %add3A_845 = arith.constant 6 : i32
        %add3A_846 = arith.addi %mul3A_740, %add3A_845 : i32
        %get3A_847 = arith.index_cast %add3A_846 : i32 to index
        %get3A_848 = arith.constant 0 : index
        %get3A_849 = tpu.vector_load %arg10[%get3A_847, %get3A_848] {strides = array<i32>} : memref<256x128xi32, #tpu.memory_space<vmem>>, vector<16xi32>,
        %and3A_850 = arith.andi %get3A_849, %gather3A_767 : vector<16xi32>
        %bitcast3A_851 = vector.bitcast %and3A_850 : vector<16xi32> to vector<32xbf16>
        %add3A_852 = arith.constant 7 : i32
        %add3A_853 = arith.addi %mul3A_740, %add3A_852 : i32
        %get3A_854 = arith.index_cast %add3A_853 : i32 to index
        %get3A_855 = arith.constant 0 : index
        %get3A_856 = tpu.vector_load %arg10[%get3A_854, %get3A_855] {strides = array<i32>} : memref<256x128xi32, #tpu.memory_space<vmem>>, vector<16xi32>,
        %and3A_857 = arith.andi %get3A_856, %gather3A_771 : vector<16xi32>
        %bitcast3A_858 = vector.bitcast %and3A_857 : vector<16xi32> to vector<32xbf16>
        %add3A_859 = arith.constant 8 : i32
        %add3A_860 = arith.addi %mul3A_740, %add3A_859 : i32
        %get3A_861 = arith.index_cast %add3A_860 : i32 to index
        %get3A_862 = arith.constant 0 : index
        %get3A_863 = tpu.vector_load %arg10[%get3A_861, %get3A_862] {strides = array<i32>} : memref<256x128xi32, #tpu.memory_space<vmem>>, vector<16xi32>,
        %and3A_864 = arith.andi %get3A_863, %gather3A_775 : vector<16xi32>
        %bitcast3A_865 = vector.bitcast %and3A_864 : vector<16xi32> to vector<32xbf16>
        %add3A_866 = arith.constant 9 : i32
        %add3A_867 = arith.addi %mul3A_740, %add3A_866 : i32
        %get3A_868 = arith.index_cast %add3A_867 : i32 to index
        %get3A_869 = arith.constant 0 : index
        %get3A_870 = tpu.vector_load %arg10[%get3A_868, %get3A_869] {strides = array<i32>} : memref<256x128xi32, #tpu.memory_space<vmem>>, vector<16xi32>,
        %and3A_871 = arith.andi %get3A_870, %gather3A_779 : vector<16xi32>
        %bitcast3A_872 = vector.bitcast %and3A_871 : vector<16xi32> to vector<32xbf16>
        %add3A_873 = arith.constant 10 : i32
        %add3A_874 = arith.addi %mul3A_740, %add3A_873 : i32
        %get3A_875 = arith.index_cast %add3A_874 : i32 to index
        %get3A_876 = arith.constant 0 : index
        %get3A_877 = tpu.vector_load %arg10[%get3A_875, %get3A_876] {strides = array<i32>} : memref<256x128xi32, #tpu.memory_space<vmem>>, vector<16xi32>,
        %and3A_878 = arith.andi %get3A_877, %gather3A_783 : vector<16xi32>
        %bitcast3A_879 = vector.bitcast %and3A_878 : vector<16xi32> to vector<32xbf16>
        %add3A_880 = arith.constant 11 : i32
        %add3A_881 = arith.addi %mul3A_740, %add3A_880 : i32
        %get3A_882 = arith.index_cast %add3A_881 : i32 to index
        %get3A_883 = arith.constant 0 : index
        %get3A_884 = tpu.vector_load %arg10[%get3A_882, %get3A_883] {strides = array<i32>} : memref<256x128xi32, #tpu.memory_space<vmem>>, vector<16xi32>,
        %and3A_885 = arith.andi %get3A_884, %gather3A_787 : vector<16xi32>
        %bitcast3A_886 = vector.bitcast %and3A_885 : vector<16xi32> to vector<32xbf16>
        %add3A_887 = arith.constant 12 : i32
        %add3A_888 = arith.addi %mul3A_740, %add3A_887 : i32
        %get3A_889 = arith.index_cast %add3A_888 : i32 to index
        %get3A_890 = arith.constant 0 : index
        %get3A_891 = tpu.vector_load %arg10[%get3A_889, %get3A_890] {strides = array<i32>} : memref<256x128xi32, #tpu.memory_space<vmem>>, vector<16xi32>,
        %and3A_892 = arith.andi %get3A_891, %gather3A_791 : vector<16xi32>
        %bitcast3A_893 = vector.bitcast %and3A_892 : vector<16xi32> to vector<32xbf16>
        %add3A_894 = arith.constant 13 : i32
        %add3A_895 = arith.addi %mul3A_740, %add3A_894 : i32
        %get3A_896 = arith.index_cast %add3A_895 : i32 to index
        %get3A_897 = arith.constant 0 : index
        %get3A_898 = tpu.vector_load %arg10[%get3A_896, %get3A_897] {strides = array<i32>} : memref<256x128xi32, #tpu.memory_space<vmem>>, vector<16xi32>,
        %and3A_899 = arith.andi %get3A_898, %gather3A_795 : vector<16xi32>
        %bitcast3A_900 = vector.bitcast %and3A_899 : vector<16xi32> to vector<32xbf16>
        %add3A_901 = arith.constant 14 : i32
        %add3A_902 = arith.addi %mul3A_740, %add3A_901 : i32
        %get3A_903 = arith.index_cast %add3A_902 : i32 to index
        %get3A_904 = arith.constant 0 : index
        %get3A_905 = tpu.vector_load %arg10[%get3A_903, %get3A_904] {strides = array<i32>} : memref<256x128xi32, #tpu.memory_space<vmem>>, vector<16xi32>,
        %and3A_906 = arith.andi %get3A_905, %gather3A_799 : vector<16xi32>
        %bitcast3A_907 = vector.bitcast %and3A_906 : vector<16xi32> to vector<32xbf16>
        %add3A_908 = arith.constant 15 : i32
        %add3A_909 = arith.addi %mul3A_740, %add3A_908 : i32
        %get3A_910 = arith.index_cast %add3A_909 : i32 to index
        %get3A_911 = arith.constant 0 : index
        %get3A_912 = tpu.vector_load %arg10[%get3A_910, %get3A_911] {strides = array<i32>} : memref<256x128xi32, #tpu.memory_space<vmem>>, vector<16xi32>,
        %and3A_913 = arith.andi %get3A_912, %gather3A_803 : vector<16xi32>
        %bitcast3A_914 = vector.bitcast %and3A_913 : vector<16xi32> to vector<32xbf16>
        %max3A = arith.maximumf %bitcast3A, %bitcast3A_816 : vector<32xbf16>
        %max3A_915 = arith.maximumf %bitcast3A_823, %bitcast3A_830 : vector<32xbf16>
        %max3A_916 = arith.maximumf %bitcast3A_837, %bitcast3A_844 : vector<32xbf16>
        %max3A_917 = arith.maximumf %bitcast3A_851, %bitcast3A_858 : vector<32xbf16>
        %max3A_918 = arith.maximumf %bitcast3A_865, %bitcast3A_872 : vector<32xbf16>
        %max3A_919 = arith.maximumf %bitcast3A_879, %bitcast3A_886 : vector<32xbf16>
        %max3A_920 = arith.maximumf %bitcast3A_893, %bitcast3A_900 : vector<32xbf16>
        %max3A_921 = arith.maximumf %bitcast3A_907, %bitcast3A_914 : vector<32xbf16>
        %max3A_922 = arith.maximumf %max3A, %max3A_915 : vector<32xbf16>
        %max3A_923 = arith.maximumf %max3A_916, %max3A_917 : vector<32xbf16>
        %max3A_924 = arith.maximumf %max3A_918, %max3A_919 : vector<32xbf16>
        %max3A_925 = arith.maximumf %max3A_920, %max3A_921 : vector<32xbf16>
        %max3A_926 = arith.maximumf %max3A_922, %max3A_923 : vector<32xbf16>
        %max3A_927 = arith.maximumf %max3A_924, %max3A_925 : vector<32xbf16>
        %max3A_928 = arith.maximumf %max3A_926, %max3A_927 : vector<32xbf16>
        %unpack3A = tpu.unpack_subelements %max3A_928, 0 {pack_format = #tpu.pack_format<interleaved>} : vector<32xbf16> -> vector<16xf32>
        %unpack3A_929 = tpu.unpack_subelements %max3A_928, 1 {pack_format = #tpu.pack_format<interleaved>} : vector<32xbf16> -> vector<16xf32>
        %swap3A_930 = arith.index_cast %add3A_738 : i32 to index
        %swap3A_931 = arith.constant 0 : index
        %swap3A_932 = tpu.vector_load %arg12[%swap3A_930, %swap3A_931] {strides = array<i32>} : memref<16x256xf32, #tpu.memory_space<vmem>>, vector<16xf32>,
        tpu.vector_store %arg12[%swap3A_930, %swap3A_931], %unpack3A {strides = array<i32>} : memref<16x256xf32, #tpu.memory_space<vmem>>, vector<16xf32>,
        %swap3A_933 = arith.index_cast %add3A_738 : i32 to index
        %swap3A_934 = arith.constant 128 : index
        %swap3A_935 = tpu.vector_load %arg12[%swap3A_933, %swap3A_934] {strides = array<i32>} : memref<16x256xf32, #tpu.memory_space<vmem>>, vector<16xf32>,
        tpu.vector_store %arg12[%swap3A_933, %swap3A_934], %unpack3A_929 {strides = array<i32>} : memref<16x256xf32, #tpu.memory_space<vmem>>, vector<16xf32>,
        %add3A_936 = arith.constant 0 : i32
        %add3A_937 = arith.addi %mul3A_740, %add3A_936 : i32
        %get3A_938 = arith.index_cast %add3A_937 : i32 to index
        %get3A_939 = arith.constant 16 : index
        %get3A_940 = tpu.vector_load %arg10[%get3A_938, %get3A_939] {strides = array<i32>} : memref<256x128xi32, #tpu.memory_space<vmem>>, vector<16xi32>,
        %and3A_941 = arith.andi %get3A_940, %gather3A : vector<16xi32>
        %bitcast3A_942 = vector.bitcast %and3A_941 : vector<16xi32> to vector<32xbf16>
        %add3A_943 = arith.constant 1 : i32
        %add3A_944 = arith.addi %mul3A_740, %add3A_943 : i32
        %get3A_945 = arith.index_cast %add3A_944 : i32 to index
        %get3A_946 = arith.constant 16 : index
        %get3A_947 = tpu.vector_load %arg10[%get3A_945, %get3A_946] {strides = array<i32>} : memref<256x128xi32, #tpu.memory_space<vmem>>, vector<16xi32>,
        %and3A_948 = arith.andi %get3A_947, %gather3A_747 : vector<16xi32>
        %bitcast3A_949 = vector.bitcast %and3A_948 : vector<16xi32> to vector<32xbf16>
        %add3A_950 = arith.constant 2 : i32
        %add3A_951 = arith.addi %mul3A_740, %add3A_950 : i32
        %get3A_952 = arith.index_cast %add3A_951 : i32 to index
        %get3A_953 = arith.constant 16 : index
        %get3A_954 = tpu.vector_load %arg10[%get3A_952, %get3A_953] {strides = array<i32>} : memref<256x128xi32, #tpu.memory_space<vmem>>, vector<16xi32>,
        %and3A_955 = arith.andi %get3A_954, %gather3A_751 : vector<16xi32>
        %bitcast3A_956 = vector.bitcast %and3A_955 : vector<16xi32> to vector<32xbf16>
        %add3A_957 = arith.constant 3 : i32
        %add3A_958 = arith.addi %mul3A_740, %add3A_957 : i32
        %get3A_959 = arith.index_cast %add3A_958 : i32 to index
        %get3A_960 = arith.constant 16 : index
        %get3A_961 = tpu.vector_load %arg10[%get3A_959, %get3A_960] {strides = array<i32>} : memref<256x128xi32, #tpu.memory_space<vmem>>, vector<16xi32>,
        %and3A_962 = arith.andi %get3A_961, %gather3A_755 : vector<16xi32>
        %bitcast3A_963 = vector.bitcast %and3A_962 : vector<16xi32> to vector<32xbf16>
        %add3A_964 = arith.constant 4 : i32
        %add3A_965 = arith.addi %mul3A_740, %add3A_964 : i32
        %get3A_966 = arith.index_cast %add3A_965 : i32 to index
        %get3A_967 = arith.constant 16 : index
        %get3A_968 = tpu.vector_load %arg10[%get3A_966, %get3A_967] {strides = array<i32>} : memref<256x128xi32, #tpu.memory_space<vmem>>, vector<16xi32>,
        %and3A_969 = arith.andi %get3A_968, %gather3A_759 : vector<16xi32>
        %bitcast3A_970 = vector.bitcast %and3A_969 : vector<16xi32> to vector<32xbf16>
        %add3A_971 = arith.constant 5 : i32
        %add3A_972 = arith.addi %mul3A_740, %add3A_971 : i32
        %get3A_973 = arith.index_cast %add3A_972 : i32 to index
        %get3A_974 = arith.constant 16 : index
        %get3A_975 = tpu.vector_load %arg10[%get3A_973, %get3A_974] {strides = array<i32>} : memref<256x128xi32, #tpu.memory_space<vmem>>, vector<16xi32>,
        %and3A_976 = arith.andi %get3A_975, %gather3A_763 : vector<16xi32>
        %bitcast3A_977 = vector.bitcast %and3A_976 : vector<16xi32> to vector<32xbf16>
        %add3A_978 = arith.constant 6 : i32
        %add3A_979 = arith.addi %mul3A_740, %add3A_978 : i32
        %get3A_980 = arith.index_cast %add3A_979 : i32 to index
        %get3A_981 = arith.constant 16 : index
        %get3A_982 = tpu.vector_load %arg10[%get3A_980, %get3A_981] {strides = array<i32>} : memref<256x128xi32, #tpu.memory_space<vmem>>, vector<16xi32>,
        %and3A_983 = arith.andi %get3A_982, %gather3A_767 : vector<16xi32>
        %bitcast3A_984 = vector.bitcast %and3A_983 : vector<16xi32> to vector<32xbf16>
        %add3A_985 = arith.constant 7 : i32
        %add3A_986 = arith.addi %mul3A_740, %add3A_985 : i32
        %get3A_987 = arith.index_cast %add3A_986 : i32 to index
        %get3A_988 = arith.constant 16 : index
        %get3A_989 = tpu.vector_load %arg10[%get3A_987, %get3A_988] {strides = array<i32>} : memref<256x128xi32, #tpu.memory_space<vmem>>, vector<16xi32>,
        %and3A_990 = arith.andi %get3A_989, %gather3A_771 : vector<16xi32>
        %bitcast3A_991 = vector.bitcast %and3A_990 : vector<16xi32> to vector<32xbf16>
        %add3A_992 = arith.constant 8 : i32
        %add3A_993 = arith.addi %mul3A_740, %add3A_992 : i32
        %get3A_994 = arith.index_cast %add3A_993 : i32 to index
        %get3A_995 = arith.constant 16 : index
        %get3A_996 = tpu.vector_load %arg10[%get3A_994, %get3A_995] {strides = array<i32>} : memref<256x128xi32, #tpu.memory_space<vmem>>, vector<16xi32>,
        %and3A_997 = arith.andi %get3A_996, %gather3A_775 : vector<16xi32>
        %bitcast3A_998 = vector.bitcast %and3A_997 : vector<16xi32> to vector<32xbf16>
        %add3A_999 = arith.constant 9 : i32
        %add3A_1000 = arith.addi %mul3A_740, %add3A_999 : i32
        %get3A_1001 = arith.index_cast %add3A_1000 : i32 to index
        %get3A_1002 = arith.constant 16 : index
        %get3A_1003 = tpu.vector_load %arg10[%get3A_1001, %get3A_1002] {strides = array<i32>} : memref<256x128xi32, #tpu.memory_space<vmem>>, vector<16xi32>,
        %and3A_1004 = arith.andi %get3A_1003, %gather3A_779 : vector<16xi32>
        %bitcast3A_1005 = vector.bitcast %and3A_1004 : vector<16xi32> to vector<32xbf16>
        %add3A_1006 = arith.constant 10 : i32
        %add3A_1007 = arith.addi %mul3A_740, %add3A_1006 : i32
        %get3A_1008 = arith.index_cast %add3A_1007 : i32 to index
        %get3A_1009 = arith.constant 16 : index
        %get3A_1010 = tpu.vector_load %arg10[%get3A_1008, %get3A_1009] {strides = array<i32>} : memref<256x128xi32, #tpu.memory_space<vmem>>, vector<16xi32>,
        %and3A_1011 = arith.andi %get3A_1010, %gather3A_783 : vector<16xi32>
        %bitcast3A_1012 = vector.bitcast %and3A_1011 : vector<16xi32> to vector<32xbf16>
        %add3A_1013 = arith.constant 11 : i32
        %add3A_1014 = arith.addi %mul3A_740, %add3A_1013 : i32
        %get3A_1015 = arith.index_cast %add3A_1014 : i32 to index
        %get3A_1016 = arith.constant 16 : index
        %get3A_1017 = tpu.vector_load %arg10[%get3A_1015, %get3A_1016] {strides = array<i32>} : memref<256x128xi32, #tpu.memory_space<vmem>>, vector<16xi32>,
        %and3A_1018 = arith.andi %get3A_1017, %gather3A_787 : vector<16xi32>
        %bitcast3A_1019 = vector.bitcast %and3A_1018 : vector<16xi32> to vector<32xbf16>
        %add3A_1020 = arith.constant 12 : i32
        %add3A_1021 = arith.addi %mul3A_740, %add3A_1020 : i32
        %get3A_1022 = arith.index_cast %add3A_1021 : i32 to index
        %get3A_1023 = arith.constant 16 : index
        %get3A_1024 = tpu.vector_load %arg10[%get3A_1022, %get3A_1023] {strides = array<i32>} : memref<256x128xi32, #tpu.memory_space<vmem>>, vector<16xi32>,
        %and3A_1025 = arith.andi %get3A_1024, %gather3A_791 : vector<16xi32>
        %bitcast3A_1026 = vector.bitcast %and3A_1025 : vector<16xi32> to vector<32xbf16>
        %add3A_1027 = arith.constant 13 : i32
        %add3A_1028 = arith.addi %mul3A_740, %add3A_1027 : i32
        %get3A_1029 = arith.index_cast %add3A_1028 : i32 to index
        %get3A_1030 = arith.constant 16 : index
        %get3A_1031 = tpu.vector_load %arg10[%get3A_1029, %get3A_1030] {strides = array<i32>} : memref<256x128xi32, #tpu.memory_space<vmem>>, vector<16xi32>,
        %and3A_1032 = arith.andi %get3A_1031, %gather3A_795 : vector<16xi32>
        %bitcast3A_1033 = vector.bitcast %and3A_1032 : vector<16xi32> to vector<32xbf16>
        %add3A_1034 = arith.constant 14 : i32
        %add3A_1035 = arith.addi %mul3A_740, %add3A_1034 : i32
        %get3A_1036 = arith.index_cast %add3A_1035 : i32 to index
        %get3A_1037 = arith.constant 16 : index
        %get3A_1038 = tpu.vector_load %arg10[%get3A_1036, %get3A_1037] {strides = array<i32>} : memref<256x128xi32, #tpu.memory_space<vmem>>, vector<16xi32>,
        %and3A_1039 = arith.andi %get3A_1038, %gather3A_799 : vector<16xi32>
        %bitcast3A_1040 = vector.bitcast %and3A_1039 : vector<16xi32> to vector<32xbf16>
        %add3A_1041 = arith.constant 15 : i32
        %add3A_1042 = arith.addi %mul3A_740, %add3A_1041 : i32
        %get3A_1043 = arith.index_cast %add3A_1042 : i32 to index
        %get3A_1044 = arith.constant 16 : index
        %get3A_1045 = tpu.vector_load %arg10[%get3A_1043, %get3A_1044] {strides = array<i32>} : memref<256x128xi32, #tpu.memory_space<vmem>>, vector<16xi32>,
        %and3A_1046 = arith.andi %get3A_1045, %gather3A_803 : vector<16xi32>
        %bitcast3A_1047 = vector.bitcast %and3A_1046 : vector<16xi32> to vector<32xbf16>
        %max3A_1048 = arith.maximumf %bitcast3A_942, %bitcast3A_949 : vector<32xbf16>
        %max3A_1049 = arith.maximumf %bitcast3A_956, %bitcast3A_963 : vector<32xbf16>
        %max3A_1050 = arith.maximumf %bitcast3A_970, %bitcast3A_977 : vector<32xbf16>
        %max3A_1051 = arith.maximumf %bitcast3A_984, %bitcast3A_991 : vector<32xbf16>
        %max3A_1052 = arith.maximumf %bitcast3A_998, %bitcast3A_1005 : vector<32xbf16>
        %max3A_1053 = arith.maximumf %bitcast3A_1012, %bitcast3A_1019 : vector<32xbf16>
        %max3A_1054 = arith.maximumf %bitcast3A_1026, %bitcast3A_1033 : vector<32xbf16>
        %max3A_1055 = arith.maximumf %bitcast3A_1040, %bitcast3A_1047 : vector<32xbf16>
        %max3A_1056 = arith.maximumf %max3A_1048, %max3A_1049 : vector<32xbf16>
        %max3A_1057 = arith.maximumf %max3A_1050, %max3A_1051 : vector<32xbf16>
        %max3A_1058 = arith.maximumf %max3A_1052, %max3A_1053 : vector<32xbf16>
        %max3A_1059 = arith.maximumf %max3A_1054, %max3A_1055 : vector<32xbf16>
        %max3A_1060 = arith.maximumf %max3A_1056, %max3A_1057 : vector<32xbf16>
        %max3A_1061 = arith.maximumf %max3A_1058, %max3A_1059 : vector<32xbf16>
        %max3A_1062 = arith.maximumf %max3A_1060, %max3A_1061 : vector<32xbf16>
        %unpack3A_1063 = tpu.unpack_subelements %max3A_1062, 0 {pack_format = #tpu.pack_format<interleaved>} : vector<32xbf16> -> vector<16xf32>
        %unpack3A_1064 = tpu.unpack_subelements %max3A_1062, 1 {pack_format = #tpu.pack_format<interleaved>} : vector<32xbf16> -> vector<16xf32>
        %swap3A_1065 = arith.index_cast %add3A_738 : i32 to index
        %swap3A_1066 = arith.constant 16 : index
        %swap3A_1067 = tpu.vector_load %arg12[%swap3A_1065, %swap3A_1066] {strides = array<i32>} : memref<16x256xf32, #tpu.memory_space<vmem>>, vector<16xf32>,
        tpu.vector_store %arg12[%swap3A_1065, %swap3A_1066], %unpack3A_1063 {strides = array<i32>} : memref<16x256xf32, #tpu.memory_space<vmem>>, vector<16xf32>,
        %swap3A_1068 = arith.index_cast %add3A_738 : i32 to index
        %swap3A_1069 = arith.constant 144 : index
        %swap3A_1070 = tpu.vector_load %arg12[%swap3A_1068, %swap3A_1069] {strides = array<i32>} : memref<16x256xf32, #tpu.memory_space<vmem>>, vector<16xf32>,
        tpu.vector_store %arg12[%swap3A_1068, %swap3A_1069], %unpack3A_1064 {strides = array<i32>} : memref<16x256xf32, #tpu.memory_space<vmem>>, vector<16xf32>,
        %add3A_1071 = arith.constant 0 : i32
        %add3A_1072 = arith.addi %mul3A_740, %add3A_1071 : i32
        %get3A_1073 = arith.index_cast %add3A_1072 : i32 to index
        %get3A_1074 = arith.constant 32 : index
        %get3A_1075 = tpu.vector_load %arg10[%get3A_1073, %get3A_1074] {strides = array<i32>} : memref<256x128xi32, #tpu.memory_space<vmem>>, vector<16xi32>,
        %and3A_1076 = arith.andi %get3A_1075, %gather3A : vector<16xi32>
        %bitcast3A_1077 = vector.bitcast %and3A_1076 : vector<16xi32> to vector<32xbf16>
        %add3A_1078 = arith.constant 1 : i32
        %add3A_1079 = arith.addi %mul3A_740, %add3A_1078 : i32
        %get3A_1080 = arith.index_cast %add3A_1079 : i32 to index
        %get3A_1081 = arith.constant 32 : index
        %get3A_1082 = tpu.vector_load %arg10[%get3A_1080, %get3A_1081] {strides = array<i32>} : memref<256x128xi32, #tpu.memory_space<vmem>>, vector<16xi32>,
        %and3A_1083 = arith.andi %get3A_1082, %gather3A_747 : vector<16xi32>
        %bitcast3A_1084 = vector.bitcast %and3A_1083 : vector<16xi32> to vector<32xbf16>
        %add3A_1085 = arith.constant 2 : i32
        %add3A_1086 = arith.addi %mul3A_740, %add3A_1085 : i32
        %get3A_1087 = arith.index_cast %add3A_1086 : i32 to index
        %get3A_1088 = arith.constant 32 : index
        %get3A_1089 = tpu.vector_load %arg10[%get3A_1087, %get3A_1088] {strides = array<i32>} : memref<256x128xi32, #tpu.memory_space<vmem>>, vector<16xi32>,
        %and3A_1090 = arith.andi %get3A_1089, %gather3A_751 : vector<16xi32>
        %bitcast3A_1091 = vector.bitcast %and3A_1090 : vector<16xi32> to vector<32xbf16>
        %add3A_1092 = arith.constant 3 : i32
        %add3A_1093 = arith.addi %mul3A_740, %add3A_1092 : i32
        %get3A_1094 = arith.index_cast %add3A_1093 : i32 to index
        %get3A_1095 = arith.constant 32 : index
        %get3A_1096 = tpu.vector_load %arg10[%get3A_1094, %get3A_1095] {strides = array<i32>} : memref<256x128xi32, #tpu.memory_space<vmem>>, vector<16xi32>,
        %and3A_1097 = arith.andi %get3A_1096, %gather3A_755 : vector<16xi32>
        %bitcast3A_1098 = vector.bitcast %and3A_1097 : vector<16xi32> to vector<32xbf16>
        %add3A_1099 = arith.constant 4 : i32
        %add3A_1100 = arith.addi %mul3A_740, %add3A_1099 : i32
        %get3A_1101 = arith.index_cast %add3A_1100 : i32 to index
        %get3A_1102 = arith.constant 32 : index
        %get3A_1103 = tpu.vector_load %arg10[%get3A_1101, %get3A_1102] {strides = array<i32>} : memref<256x128xi32, #tpu.memory_space<vmem>>, vector<16xi32>,
        %and3A_1104 = arith.andi %get3A_1103, %gather3A_759 : vector<16xi32>
        %bitcast3A_1105 = vector.bitcast %and3A_1104 : vector<16xi32> to vector<32xbf16>
        %add3A_1106 = arith.constant 5 : i32
        %add3A_1107 = arith.addi %mul3A_740, %add3A_1106 : i32
        %get3A_1108 = arith.index_cast %add3A_1107 : i32 to index
        %get3A_1109 = arith.constant 32 : index
        %get3A_1110 = tpu.vector_load %arg10[%get3A_1108, %get3A_1109] {strides = array<i32>} : memref<256x128xi32, #tpu.memory_space<vmem>>, vector<16xi32>,
        %and3A_1111 = arith.andi %get3A_1110, %gather3A_763 : vector<16xi32>
        %bitcast3A_1112 = vector.bitcast %and3A_1111 : vector<16xi32> to vector<32xbf16>
        %add3A_1113 = arith.constant 6 : i32
        %add3A_1114 = arith.addi %mul3A_740, %add3A_1113 : i32
        %get3A_1115 = arith.index_cast %add3A_1114 : i32 to index
        %get3A_1116 = arith.constant 32 : index
        %get3A_1117 = tpu.vector_load %arg10[%get3A_1115, %get3A_1116] {strides = array<i32>} : memref<256x128xi32, #tpu.memory_space<vmem>>, vector<16xi32>,
        %and3A_1118 = arith.andi %get3A_1117, %gather3A_767 : vector<16xi32>
        %bitcast3A_1119 = vector.bitcast %and3A_1118 : vector<16xi32> to vector<32xbf16>
        %add3A_1120 = arith.constant 7 : i32
        %add3A_1121 = arith.addi %mul3A_740, %add3A_1120 : i32
        %get3A_1122 = arith.index_cast %add3A_1121 : i32 to index
        %get3A_1123 = arith.constant 32 : index
        %get3A_1124 = tpu.vector_load %arg10[%get3A_1122, %get3A_1123] {strides = array<i32>} : memref<256x128xi32, #tpu.memory_space<vmem>>, vector<16xi32>,
        %and3A_1125 = arith.andi %get3A_1124, %gather3A_771 : vector<16xi32>
        %bitcast3A_1126 = vector.bitcast %and3A_1125 : vector<16xi32> to vector<32xbf16>
        %add3A_1127 = arith.constant 8 : i32
        %add3A_1128 = arith.addi %mul3A_740, %add3A_1127 : i32
        %get3A_1129 = arith.index_cast %add3A_1128 : i32 to index
        %get3A_1130 = arith.constant 32 : index
        %get3A_1131 = tpu.vector_load %arg10[%get3A_1129, %get3A_1130] {strides = array<i32>} : memref<256x128xi32, #tpu.memory_space<vmem>>, vector<16xi32>,
        %and3A_1132 = arith.andi %get3A_1131, %gather3A_775 : vector<16xi32>
        %bitcast3A_1133 = vector.bitcast %and3A_1132 : vector<16xi32> to vector<32xbf16>
        %add3A_1134 = arith.constant 9 : i32
        %add3A_1135 = arith.addi %mul3A_740, %add3A_1134 : i32
        %get3A_1136 = arith.index_cast %add3A_1135 : i32 to index
        %get3A_1137 = arith.constant 32 : index
        %get3A_1138 = tpu.vector_load %arg10[%get3A_1136, %get3A_1137] {strides = array<i32>} : memref<256x128xi32, #tpu.memory_space<vmem>>, vector<16xi32>,
        %and3A_1139 = arith.andi %get3A_1138, %gather3A_779 : vector<16xi32>
        %bitcast3A_1140 = vector.bitcast %and3A_1139 : vector<16xi32> to vector<32xbf16>
        %add3A_1141 = arith.constant 10 : i32
        %add3A_1142 = arith.addi %mul3A_740, %add3A_1141 : i32
        %get3A_1143 = arith.index_cast %add3A_1142 : i32 to index
        %get3A_1144 = arith.constant 32 : index
        %get3A_1145 = tpu.vector_load %arg10[%get3A_1143, %get3A_1144] {strides = array<i32>} : memref<256x128xi32, #tpu.memory_space<vmem>>, vector<16xi32>,
        %and3A_1146 = arith.andi %get3A_1145, %gather3A_783 : vector<16xi32>
        %bitcast3A_1147 = vector.bitcast %and3A_1146 : vector<16xi32> to vector<32xbf16>
        %add3A_1148 = arith.constant 11 : i32
        %add3A_1149 = arith.addi %mul3A_740, %add3A_1148 : i32
        %get3A_1150 = arith.index_cast %add3A_1149 : i32 to index
        %get3A_1151 = arith.constant 32 : index
        %get3A_1152 = tpu.vector_load %arg10[%get3A_1150, %get3A_1151] {strides = array<i32>} : memref<256x128xi32, #tpu.memory_space<vmem>>, vector<16xi32>,
        %and3A_1153 = arith.andi %get3A_1152, %gather3A_787 : vector<16xi32>
        %bitcast3A_1154 = vector.bitcast %and3A_1153 : vector<16xi32> to vector<32xbf16>
        %add3A_1155 = arith.constant 12 : i32
        %add3A_1156 = arith.addi %mul3A_740, %add3A_1155 : i32
        %get3A_1157 = arith.index_cast %add3A_1156 : i32 to index
        %get3A_1158 = arith.constant 32 : index
        %get3A_1159 = tpu.vector_load %arg10[%get3A_1157, %get3A_1158] {strides = array<i32>} : memref<256x128xi32, #tpu.memory_space<vmem>>, vector<16xi32>,
        %and3A_1160 = arith.andi %get3A_1159, %gather3A_791 : vector<16xi32>
        %bitcast3A_1161 = vector.bitcast %and3A_1160 : vector<16xi32> to vector<32xbf16>
        %add3A_1162 = arith.constant 13 : i32
        %add3A_1163 = arith.addi %mul3A_740, %add3A_1162 : i32
        %get3A_1164 = arith.index_cast %add3A_1163 : i32 to index
        %get3A_1165 = arith.constant 32 : index
        %get3A_1166 = tpu.vector_load %arg10[%get3A_1164, %get3A_1165] {strides = array<i32>} : memref<256x128xi32, #tpu.memory_space<vmem>>, vector<16xi32>,
        %and3A_1167 = arith.andi %get3A_1166, %gather3A_795 : vector<16xi32>
        %bitcast3A_1168 = vector.bitcast %and3A_1167 : vector<16xi32> to vector<32xbf16>
        %add3A_1169 = arith.constant 14 : i32
        %add3A_1170 = arith.addi %mul3A_740, %add3A_1169 : i32
        %get3A_1171 = arith.index_cast %add3A_1170 : i32 to index
        %get3A_1172 = arith.constant 32 : index
        %get3A_1173 = tpu.vector_load %arg10[%get3A_1171, %get3A_1172] {strides = array<i32>} : memref<256x128xi32, #tpu.memory_space<vmem>>, vector<16xi32>,
        %and3A_1174 = arith.andi %get3A_1173, %gather3A_799 : vector<16xi32>
        %bitcast3A_1175 = vector.bitcast %and3A_1174 : vector<16xi32> to vector<32xbf16>
        %add3A_1176 = arith.constant 15 : i32
        %add3A_1177 = arith.addi %mul3A_740, %add3A_1176 : i32
        %get3A_1178 = arith.index_cast %add3A_1177 : i32 to index
        %get3A_1179 = arith.constant 32 : index
        %get3A_1180 = tpu.vector_load %arg10[%get3A_1178, %get3A_1179] {strides = array<i32>} : memref<256x128xi32, #tpu.memory_space<vmem>>, vector<16xi32>,
        %and3A_1181 = arith.andi %get3A_1180, %gather3A_803 : vector<16xi32>
        %bitcast3A_1182 = vector.bitcast %and3A_1181 : vector<16xi32> to vector<32xbf16>
        %max3A_1183 = arith.maximumf %bitcast3A_1077, %bitcast3A_1084 : vector<32xbf16>
        %max3A_1184 = arith.maximumf %bitcast3A_1091, %bitcast3A_1098 : vector<32xbf16>
        %max3A_1185 = arith.maximumf %bitcast3A_1105, %bitcast3A_1112 : vector<32xbf16>
        %max3A_1186 = arith.maximumf %bitcast3A_1119, %bitcast3A_1126 : vector<32xbf16>
        %max3A_1187 = arith.maximumf %bitcast3A_1133, %bitcast3A_1140 : vector<32xbf16>
        %max3A_1188 = arith.maximumf %bitcast3A_1147, %bitcast3A_1154 : vector<32xbf16>
        %max3A_1189 = arith.maximumf %bitcast3A_1161, %bitcast3A_1168 : vector<32xbf16>
        %max3A_1190 = arith.maximumf %bitcast3A_1175, %bitcast3A_1182 : vector<32xbf16>
        %max3A_1191 = arith.maximumf %max3A_1183, %max3A_1184 : vector<32xbf16>
        %max3A_1192 = arith.maximumf %max3A_1185, %max3A_1186 : vector<32xbf16>
        %max3A_1193 = arith.maximumf %max3A_1187, %max3A_1188 : vector<32xbf16>
        %max3A_1194 = arith.maximumf %max3A_1189, %max3A_1190 : vector<32xbf16>
        %max3A_1195 = arith.maximumf %max3A_1191, %max3A_1192 : vector<32xbf16>
        %max3A_1196 = arith.maximumf %max3A_1193, %max3A_1194 : vector<32xbf16>
        %max3A_1197 = arith.maximumf %max3A_1195, %max3A_1196 : vector<32xbf16>
        %unpack3A_1198 = tpu.unpack_subelements %max3A_1197, 0 {pack_format = #tpu.pack_format<interleaved>} : vector<32xbf16> -> vector<16xf32>
        %unpack3A_1199 = tpu.unpack_subelements %max3A_1197, 1 {pack_format = #tpu.pack_format<interleaved>} : vector<32xbf16> -> vector<16xf32>
        %swap3A_1200 = arith.index_cast %add3A_738 : i32 to index
        %swap3A_1201 = arith.constant 32 : index
        %swap3A_1202 = tpu.vector_load %arg12[%swap3A_1200, %swap3A_1201] {strides = array<i32>} : memref<16x256xf32, #tpu.memory_space<vmem>>, vector<16xf32>,
        tpu.vector_store %arg12[%swap3A_1200, %swap3A_1201], %unpack3A_1198 {strides = array<i32>} : memref<16x256xf32, #tpu.memory_space<vmem>>, vector<16xf32>,
        %swap3A_1203 = arith.index_cast %add3A_738 : i32 to index
        %swap3A_1204 = arith.constant 160 : index
        %swap3A_1205 = tpu.vector_load %arg12[%swap3A_1203, %swap3A_1204] {strides = array<i32>} : memref<16x256xf32, #tpu.memory_space<vmem>>, vector<16xf32>,
        tpu.vector_store %arg12[%swap3A_1203, %swap3A_1204], %unpack3A_1199 {strides = array<i32>} : memref<16x256xf32, #tpu.memory_space<vmem>>, vector<16xf32>,
        %add3A_1206 = arith.constant 0 : i32
        %add3A_1207 = arith.addi %mul3A_740, %add3A_1206 : i32
        %get3A_1208 = arith.index_cast %add3A_1207 : i32 to index
        %get3A_1209 = arith.constant 48 : index
        %get3A_1210 = tpu.vector_load %arg10[%get3A_1208, %get3A_1209] {strides = array<i32>} : memref<256x128xi32, #tpu.memory_space<vmem>>, vector<16xi32>,
        %and3A_1211 = arith.andi %get3A_1210, %gather3A : vector<16xi32>
        %bitcast3A_1212 = vector.bitcast %and3A_1211 : vector<16xi32> to vector<32xbf16>
        %add3A_1213 = arith.constant 1 : i32
        %add3A_1214 = arith.addi %mul3A_740, %add3A_1213 : i32
        %get3A_1215 = arith.index_cast %add3A_1214 : i32 to index
        %get3A_1216 = arith.constant 48 : index
        %get3A_1217 = tpu.vector_load %arg10[%get3A_1215, %get3A_1216] {strides = array<i32>} : memref<256x128xi32, #tpu.memory_space<vmem>>, vector<16xi32>,
        %and3A_1218 = arith.andi %get3A_1217, %gather3A_747 : vector<16xi32>
        %bitcast3A_1219 = vector.bitcast %and3A_1218 : vector<16xi32> to vector<32xbf16>
        %add3A_1220 = arith.constant 2 : i32
        %add3A_1221 = arith.addi %mul3A_740, %add3A_1220 : i32
        %get3A_1222 = arith.index_cast %add3A_1221 : i32 to index
        %get3A_1223 = arith.constant 48 : index
        %get3A_1224 = tpu.vector_load %arg10[%get3A_1222, %get3A_1223] {strides = array<i32>} : memref<256x128xi32, #tpu.memory_space<vmem>>, vector<16xi32>,
        %and3A_1225 = arith.andi %get3A_1224, %gather3A_751 : vector<16xi32>
        %bitcast3A_1226 = vector.bitcast %and3A_1225 : vector<16xi32> to vector<32xbf16>
        %add3A_1227 = arith.constant 3 : i32
        %add3A_1228 = arith.addi %mul3A_740, %add3A_1227 : i32
        %get3A_1229 = arith.index_cast %add3A_1228 : i32 to index
        %get3A_1230 = arith.constant 48 : index
        %get3A_1231 = tpu.vector_load %arg10[%get3A_1229, %get3A_1230] {strides = array<i32>} : memref<256x128xi32, #tpu.memory_space<vmem>>, vector<16xi32>,
        %and3A_1232 = arith.andi %get3A_1231, %gather3A_755 : vector<16xi32>
        %bitcast3A_1233 = vector.bitcast %and3A_1232 : vector<16xi32> to vector<32xbf16>
        %add3A_1234 = arith.constant 4 : i32
        %add3A_1235 = arith.addi %mul3A_740, %add3A_1234 : i32
        %get3A_1236 = arith.index_cast %add3A_1235 : i32 to index
        %get3A_1237 = arith.constant 48 : index
        %get3A_1238 = tpu.vector_load %arg10[%get3A_1236, %get3A_1237] {strides = array<i32>} : memref<256x128xi32, #tpu.memory_space<vmem>>, vector<16xi32>,
        %and3A_1239 = arith.andi %get3A_1238, %gather3A_759 : vector<16xi32>
        %bitcast3A_1240 = vector.bitcast %and3A_1239 : vector<16xi32> to vector<32xbf16>
        %add3A_1241 = arith.constant 5 : i32
        %add3A_1242 = arith.addi %mul3A_740, %add3A_1241 : i32
        %get3A_1243 = arith.index_cast %add3A_1242 : i32 to index
        %get3A_1244 = arith.constant 48 : index
        %get3A_1245 = tpu.vector_load %arg10[%get3A_1243, %get3A_1244] {strides = array<i32>} : memref<256x128xi32, #tpu.memory_space<vmem>>, vector<16xi32>,
        %and3A_1246 = arith.andi %get3A_1245, %gather3A_763 : vector<16xi32>
        %bitcast3A_1247 = vector.bitcast %and3A_1246 : vector<16xi32> to vector<32xbf16>
        %add3A_1248 = arith.constant 6 : i32
        %add3A_1249 = arith.addi %mul3A_740, %add3A_1248 : i32
        %get3A_1250 = arith.index_cast %add3A_1249 : i32 to index
        %get3A_1251 = arith.constant 48 : index
        %get3A_1252 = tpu.vector_load %arg10[%get3A_1250, %get3A_1251] {strides = array<i32>} : memref<256x128xi32, #tpu.memory_space<vmem>>, vector<16xi32>,
        %and3A_1253 = arith.andi %get3A_1252, %gather3A_767 : vector<16xi32>
        %bitcast3A_1254 = vector.bitcast %and3A_1253 : vector<16xi32> to vector<32xbf16>
        %add3A_1255 = arith.constant 7 : i32
        %add3A_1256 = arith.addi %mul3A_740, %add3A_1255 : i32
        %get3A_1257 = arith.index_cast %add3A_1256 : i32 to index
        %get3A_1258 = arith.constant 48 : index
        %get3A_1259 = tpu.vector_load %arg10[%get3A_1257, %get3A_1258] {strides = array<i32>} : memref<256x128xi32, #tpu.memory_space<vmem>>, vector<16xi32>,
        %and3A_1260 = arith.andi %get3A_1259, %gather3A_771 : vector<16xi32>
        %bitcast3A_1261 = vector.bitcast %and3A_1260 : vector<16xi32> to vector<32xbf16>
        %add3A_1262 = arith.constant 8 : i32
        %add3A_1263 = arith.addi %mul3A_740, %add3A_1262 : i32
        %get3A_1264 = arith.index_cast %add3A_1263 : i32 to index
        %get3A_1265 = arith.constant 48 : index
        %get3A_1266 = tpu.vector_load %arg10[%get3A_1264, %get3A_1265] {strides = array<i32>} : memref<256x128xi32, #tpu.memory_space<vmem>>, vector<16xi32>,
        %and3A_1267 = arith.andi %get3A_1266, %gather3A_775 : vector<16xi32>
        %bitcast3A_1268 = vector.bitcast %and3A_1267 : vector<16xi32> to vector<32xbf16>
        %add3A_1269 = arith.constant 9 : i32
        %add3A_1270 = arith.addi %mul3A_740, %add3A_1269 : i32
        %get3A_1271 = arith.index_cast %add3A_1270 : i32 to index
        %get3A_1272 = arith.constant 48 : index
        %get3A_1273 = tpu.vector_load %arg10[%get3A_1271, %get3A_1272] {strides = array<i32>} : memref<256x128xi32, #tpu.memory_space<vmem>>, vector<16xi32>,
        %and3A_1274 = arith.andi %get3A_1273, %gather3A_779 : vector<16xi32>
        %bitcast3A_1275 = vector.bitcast %and3A_1274 : vector<16xi32> to vector<32xbf16>
        %add3A_1276 = arith.constant 10 : i32
        %add3A_1277 = arith.addi %mul3A_740, %add3A_1276 : i32
        %get3A_1278 = arith.index_cast %add3A_1277 : i32 to index
        %get3A_1279 = arith.constant 48 : index
        %get3A_1280 = tpu.vector_load %arg10[%get3A_1278, %get3A_1279] {strides = array<i32>} : memref<256x128xi32, #tpu.memory_space<vmem>>, vector<16xi32>,
        %and3A_1281 = arith.andi %get3A_1280, %gather3A_783 : vector<16xi32>
        %bitcast3A_1282 = vector.bitcast %and3A_1281 : vector<16xi32> to vector<32xbf16>
        %add3A_1283 = arith.constant 11 : i32
        %add3A_1284 = arith.addi %mul3A_740, %add3A_1283 : i32
        %get3A_1285 = arith.index_cast %add3A_1284 : i32 to index
        %get3A_1286 = arith.constant 48 : index
        %get3A_1287 = tpu.vector_load %arg10[%get3A_1285, %get3A_1286] {strides = array<i32>} : memref<256x128xi32, #tpu.memory_space<vmem>>, vector<16xi32>,
        %and3A_1288 = arith.andi %get3A_1287, %gather3A_787 : vector<16xi32>
        %bitcast3A_1289 = vector.bitcast %and3A_1288 : vector<16xi32> to vector<32xbf16>
        %add3A_1290 = arith.constant 12 : i32
        %add3A_1291 = arith.addi %mul3A_740, %add3A_1290 : i32
        %get3A_1292 = arith.index_cast %add3A_1291 : i32 to index
        %get3A_1293 = arith.constant 48 : index
        %get3A_1294 = tpu.vector_load %arg10[%get3A_1292, %get3A_1293] {strides = array<i32>} : memref<256x128xi32, #tpu.memory_space<vmem>>, vector<16xi32>,
        %and3A_1295 = arith.andi %get3A_1294, %gather3A_791 : vector<16xi32>
        %bitcast3A_1296 = vector.bitcast %and3A_1295 : vector<16xi32> to vector<32xbf16>
        %add3A_1297 = arith.constant 13 : i32
        %add3A_1298 = arith.addi %mul3A_740, %add3A_1297 : i32
        %get3A_1299 = arith.index_cast %add3A_1298 : i32 to index
        %get3A_1300 = arith.constant 48 : index
        %get3A_1301 = tpu.vector_load %arg10[%get3A_1299, %get3A_1300] {strides = array<i32>} : memref<256x128xi32, #tpu.memory_space<vmem>>, vector<16xi32>,
        %and3A_1302 = arith.andi %get3A_1301, %gather3A_795 : vector<16xi32>
        %bitcast3A_1303 = vector.bitcast %and3A_1302 : vector<16xi32> to vector<32xbf16>
        %add3A_1304 = arith.constant 14 : i32
        %add3A_1305 = arith.addi %mul3A_740, %add3A_1304 : i32
        %get3A_1306 = arith.index_cast %add3A_1305 : i32 to index
        %get3A_1307 = arith.constant 48 : index
        %get3A_1308 = tpu.vector_load %arg10[%get3A_1306, %get3A_1307] {strides = array<i32>} : memref<256x128xi32, #tpu.memory_space<vmem>>, vector<16xi32>,
        %and3A_1309 = arith.andi %get3A_1308, %gather3A_799 : vector<16xi32>
        %bitcast3A_1310 = vector.bitcast %and3A_1309 : vector<16xi32> to vector<32xbf16>
        %add3A_1311 = arith.constant 15 : i32
        %add3A_1312 = arith.addi %mul3A_740, %add3A_1311 : i32
        %get3A_1313 = arith.index_cast %add3A_1312 : i32 to index
        %get3A_1314 = arith.constant 48 : index
        %get3A_1315 = tpu.vector_load %arg10[%get3A_1313, %get3A_1314] {strides = array<i32>} : memref<256x128xi32, #tpu.memory_space<vmem>>, vector<16xi32>,
        %and3A_1316 = arith.andi %get3A_1315, %gather3A_803 : vector<16xi32>
        %bitcast3A_1317 = vector.bitcast %and3A_1316 : vector<16xi32> to vector<32xbf16>
        %max3A_1318 = arith.maximumf %bitcast3A_1212, %bitcast3A_1219 : vector<32xbf16>
        %max3A_1319 = arith.maximumf %bitcast3A_1226, %bitcast3A_1233 : vector<32xbf16>
        %max3A_1320 = arith.maximumf %bitcast3A_1240, %bitcast3A_1247 : vector<32xbf16>
        %max3A_1321 = arith.maximumf %bitcast3A_1254, %bitcast3A_1261 : vector<32xbf16>
        %max3A_1322 = arith.maximumf %bitcast3A_1268, %bitcast3A_1275 : vector<32xbf16>
        %max3A_1323 = arith.maximumf %bitcast3A_1282, %bitcast3A_1289 : vector<32xbf16>
        %max3A_1324 = arith.maximumf %bitcast3A_1296, %bitcast3A_1303 : vector<32xbf16>
        %max3A_1325 = arith.maximumf %bitcast3A_1310, %bitcast3A_1317 : vector<32xbf16>
        %max3A_1326 = arith.maximumf %max3A_1318, %max3A_1319 : vector<32xbf16>
        %max3A_1327 = arith.maximumf %max3A_1320, %max3A_1321 : vector<32xbf16>
        %max3A_1328 = arith.maximumf %max3A_1322, %max3A_1323 : vector<32xbf16>
        %max3A_1329 = arith.maximumf %max3A_1324, %max3A_1325 : vector<32xbf16>
        %max3A_1330 = arith.maximumf %max3A_1326, %max3A_1327 : vector<32xbf16>
        %max3A_1331 = arith.maximumf %max3A_1328, %max3A_1329 : vector<32xbf16>
        %max3A_1332 = arith.maximumf %max3A_1330, %max3A_1331 : vector<32xbf16>
        %unpack3A_1333 = tpu.unpack_subelements %max3A_1332, 0 {pack_format = #tpu.pack_format<interleaved>} : vector<32xbf16> -> vector<16xf32>
        %unpack3A_1334 = tpu.unpack_subelements %max3A_1332, 1 {pack_format = #tpu.pack_format<interleaved>} : vector<32xbf16> -> vector<16xf32>
        %swap3A_1335 = arith.index_cast %add3A_738 : i32 to index
        %swap3A_1336 = arith.constant 48 : index
        %swap3A_1337 = tpu.vector_load %arg12[%swap3A_1335, %swap3A_1336] {strides = array<i32>} : memref<16x256xf32, #tpu.memory_space<vmem>>, vector<16xf32>,
        tpu.vector_store %arg12[%swap3A_1335, %swap3A_1336], %unpack3A_1333 {strides = array<i32>} : memref<16x256xf32, #tpu.memory_space<vmem>>, vector<16xf32>,
        %swap3A_1338 = arith.index_cast %add3A_738 : i32 to index
        %swap3A_1339 = arith.constant 176 : index
        %swap3A_1340 = tpu.vector_load %arg12[%swap3A_1338, %swap3A_1339] {strides = array<i32>} : memref<16x256xf32, #tpu.memory_space<vmem>>, vector<16xf32>,
        tpu.vector_store %arg12[%swap3A_1338, %swap3A_1339], %unpack3A_1334 {strides = array<i32>} : memref<16x256xf32, #tpu.memory_space<vmem>>, vector<16xf32>,
        %add3A_1341 = arith.constant 0 : i32
        %add3A_1342 = arith.addi %mul3A_740, %add3A_1341 : i32
        %get3A_1343 = arith.index_cast %add3A_1342 : i32 to index
        %get3A_1344 = arith.constant 64 : index
        %get3A_1345 = tpu.vector_load %arg10[%get3A_1343, %get3A_1344] {strides = array<i32>} : memref<256x128xi32, #tpu.memory_space<vmem>>, vector<16xi32>,
        %and3A_1346 = arith.andi %get3A_1345, %gather3A : vector<16xi32>
        %bitcast3A_1347 = vector.bitcast %and3A_1346 : vector<16xi32> to vector<32xbf16>
        %add3A_1348 = arith.constant 1 : i32
        %add3A_1349 = arith.addi %mul3A_740, %add3A_1348 : i32
        %get3A_1350 = arith.index_cast %add3A_1349 : i32 to index
        %get3A_1351 = arith.constant 64 : index
        %get3A_1352 = tpu.vector_load %arg10[%get3A_1350, %get3A_1351] {strides = array<i32>} : memref<256x128xi32, #tpu.memory_space<vmem>>, vector<16xi32>,
        %and3A_1353 = arith.andi %get3A_1352, %gather3A_747 : vector<16xi32>
        %bitcast3A_1354 = vector.bitcast %and3A_1353 : vector<16xi32> to vector<32xbf16>
        %add3A_1355 = arith.constant 2 : i32
        %add3A_1356 = arith.addi %mul3A_740, %add3A_1355 : i32
        %get3A_1357 = arith.index_cast %add3A_1356 : i32 to index
        %get3A_1358 = arith.constant 64 : index
        %get3A_1359 = tpu.vector_load %arg10[%get3A_1357, %get3A_1358] {strides = array<i32>} : memref<256x128xi32, #tpu.memory_space<vmem>>, vector<16xi32>,
        %and3A_1360 = arith.andi %get3A_1359, %gather3A_751 : vector<16xi32>
        %bitcast3A_1361 = vector.bitcast %and3A_1360 : vector<16xi32> to vector<32xbf16>
        %add3A_1362 = arith.constant 3 : i32
        %add3A_1363 = arith.addi %mul3A_740, %add3A_1362 : i32
        %get3A_1364 = arith.index_cast %add3A_1363 : i32 to index
        %get3A_1365 = arith.constant 64 : index
        %get3A_1366 = tpu.vector_load %arg10[%get3A_1364, %get3A_1365] {strides = array<i32>} : memref<256x128xi32, #tpu.memory_space<vmem>>, vector<16xi32>,
        %and3A_1367 = arith.andi %get3A_1366, %gather3A_755 : vector<16xi32>
        %bitcast3A_1368 = vector.bitcast %and3A_1367 : vector<16xi32> to vector<32xbf16>
        %add3A_1369 = arith.constant 4 : i32
        %add3A_1370 = arith.addi %mul3A_740, %add3A_1369 : i32
        %get3A_1371 = arith.index_cast %add3A_1370 : i32 to index
        %get3A_1372 = arith.constant 64 : index
        %get3A_1373 = tpu.vector_load %arg10[%get3A_1371, %get3A_1372] {strides = array<i32>} : memref<256x128xi32, #tpu.memory_space<vmem>>, vector<16xi32>,
        %and3A_1374 = arith.andi %get3A_1373, %gather3A_759 : vector<16xi32>
        %bitcast3A_1375 = vector.bitcast %and3A_1374 : vector<16xi32> to vector<32xbf16>
        %add3A_1376 = arith.constant 5 : i32
        %add3A_1377 = arith.addi %mul3A_740, %add3A_1376 : i32
        %get3A_1378 = arith.index_cast %add3A_1377 : i32 to index
        %get3A_1379 = arith.constant 64 : index
        %get3A_1380 = tpu.vector_load %arg10[%get3A_1378, %get3A_1379] {strides = array<i32>} : memref<256x128xi32, #tpu.memory_space<vmem>>, vector<16xi32>,
        %and3A_1381 = arith.andi %get3A_1380, %gather3A_763 : vector<16xi32>
        %bitcast3A_1382 = vector.bitcast %and3A_1381 : vector<16xi32> to vector<32xbf16>
        %add3A_1383 = arith.constant 6 : i32
        %add3A_1384 = arith.addi %mul3A_740, %add3A_1383 : i32
        %get3A_1385 = arith.index_cast %add3A_1384 : i32 to index
        %get3A_1386 = arith.constant 64 : index
        %get3A_1387 = tpu.vector_load %arg10[%get3A_1385, %get3A_1386] {strides = array<i32>} : memref<256x128xi32, #tpu.memory_space<vmem>>, vector<16xi32>,
        %and3A_1388 = arith.andi %get3A_1387, %gather3A_767 : vector<16xi32>
        %bitcast3A_1389 = vector.bitcast %and3A_1388 : vector<16xi32> to vector<32xbf16>
        %add3A_1390 = arith.constant 7 : i32
        %add3A_1391 = arith.addi %mul3A_740, %add3A_1390 : i32
        %get3A_1392 = arith.index_cast %add3A_1391 : i32 to index
        %get3A_1393 = arith.constant 64 : index
        %get3A_1394 = tpu.vector_load %arg10[%get3A_1392, %get3A_1393] {strides = array<i32>} : memref<256x128xi32, #tpu.memory_space<vmem>>, vector<16xi32>,
        %and3A_1395 = arith.andi %get3A_1394, %gather3A_771 : vector<16xi32>
        %bitcast3A_1396 = vector.bitcast %and3A_1395 : vector<16xi32> to vector<32xbf16>
        %add3A_1397 = arith.constant 8 : i32
        %add3A_1398 = arith.addi %mul3A_740, %add3A_1397 : i32
        %get3A_1399 = arith.index_cast %add3A_1398 : i32 to index
        %get3A_1400 = arith.constant 64 : index
        %get3A_1401 = tpu.vector_load %arg10[%get3A_1399, %get3A_1400] {strides = array<i32>} : memref<256x128xi32, #tpu.memory_space<vmem>>, vector<16xi32>,
        %and3A_1402 = arith.andi %get3A_1401, %gather3A_775 : vector<16xi32>
        %bitcast3A_1403 = vector.bitcast %and3A_1402 : vector<16xi32> to vector<32xbf16>
        %add3A_1404 = arith.constant 9 : i32
        %add3A_1405 = arith.addi %mul3A_740, %add3A_1404 : i32
        %get3A_1406 = arith.index_cast %add3A_1405 : i32 to index
        %get3A_1407 = arith.constant 64 : index
        %get3A_1408 = tpu.vector_load %arg10[%get3A_1406, %get3A_1407] {strides = array<i32>} : memref<256x128xi32, #tpu.memory_space<vmem>>, vector<16xi32>,
        %and3A_1409 = arith.andi %get3A_1408, %gather3A_779 : vector<16xi32>
        %bitcast3A_1410 = vector.bitcast %and3A_1409 : vector<16xi32> to vector<32xbf16>
        %add3A_1411 = arith.constant 10 : i32
        %add3A_1412 = arith.addi %mul3A_740, %add3A_1411 : i32
        %get3A_1413 = arith.index_cast %add3A_1412 : i32 to index
        %get3A_1414 = arith.constant 64 : index
        %get3A_1415 = tpu.vector_load %arg10[%get3A_1413, %get3A_1414] {strides = array<i32>} : memref<256x128xi32, #tpu.memory_space<vmem>>, vector<16xi32>,
        %and3A_1416 = arith.andi %get3A_1415, %gather3A_783 : vector<16xi32>
        %bitcast3A_1417 = vector.bitcast %and3A_1416 : vector<16xi32> to vector<32xbf16>
        %add3A_1418 = arith.constant 11 : i32
        %add3A_1419 = arith.addi %mul3A_740, %add3A_1418 : i32
        %get3A_1420 = arith.index_cast %add3A_1419 : i32 to index
        %get3A_1421 = arith.constant 64 : index
        %get3A_1422 = tpu.vector_load %arg10[%get3A_1420, %get3A_1421] {strides = array<i32>} : memref<256x128xi32, #tpu.memory_space<vmem>>, vector<16xi32>,
        %and3A_1423 = arith.andi %get3A_1422, %gather3A_787 : vector<16xi32>
        %bitcast3A_1424 = vector.bitcast %and3A_1423 : vector<16xi32> to vector<32xbf16>
        %add3A_1425 = arith.constant 12 : i32
        %add3A_1426 = arith.addi %mul3A_740, %add3A_1425 : i32
        %get3A_1427 = arith.index_cast %add3A_1426 : i32 to index
        %get3A_1428 = arith.constant 64 : index
        %get3A_1429 = tpu.vector_load %arg10[%get3A_1427, %get3A_1428] {strides = array<i32>} : memref<256x128xi32, #tpu.memory_space<vmem>>, vector<16xi32>,
        %and3A_1430 = arith.andi %get3A_1429, %gather3A_791 : vector<16xi32>
        %bitcast3A_1431 = vector.bitcast %and3A_1430 : vector<16xi32> to vector<32xbf16>
        %add3A_1432 = arith.constant 13 : i32
        %add3A_1433 = arith.addi %mul3A_740, %add3A_1432 : i32
        %get3A_1434 = arith.index_cast %add3A_1433 : i32 to index
        %get3A_1435 = arith.constant 64 : index
        %get3A_1436 = tpu.vector_load %arg10[%get3A_1434, %get3A_1435] {strides = array<i32>} : memref<256x128xi32, #tpu.memory_space<vmem>>, vector<16xi32>,
        %and3A_1437 = arith.andi %get3A_1436, %gather3A_795 : vector<16xi32>
        %bitcast3A_1438 = vector.bitcast %and3A_1437 : vector<16xi32> to vector<32xbf16>
        %add3A_1439 = arith.constant 14 : i32
        %add3A_1440 = arith.addi %mul3A_740, %add3A_1439 : i32
        %get3A_1441 = arith.index_cast %add3A_1440 : i32 to index
        %get3A_1442 = arith.constant 64 : index
        %get3A_1443 = tpu.vector_load %arg10[%get3A_1441, %get3A_1442] {strides = array<i32>} : memref<256x128xi32, #tpu.memory_space<vmem>>, vector<16xi32>,
        %and3A_1444 = arith.andi %get3A_1443, %gather3A_799 : vector<16xi32>
        %bitcast3A_1445 = vector.bitcast %and3A_1444 : vector<16xi32> to vector<32xbf16>
        %add3A_1446 = arith.constant 15 : i32
        %add3A_1447 = arith.addi %mul3A_740, %add3A_1446 : i32
        %get3A_1448 = arith.index_cast %add3A_1447 : i32 to index
        %get3A_1449 = arith.constant 64 : index
        %get3A_1450 = tpu.vector_load %arg10[%get3A_1448, %get3A_1449] {strides = array<i32>} : memref<256x128xi32, #tpu.memory_space<vmem>>, vector<16xi32>,
        %and3A_1451 = arith.andi %get3A_1450, %gather3A_803 : vector<16xi32>
        %bitcast3A_1452 = vector.bitcast %and3A_1451 : vector<16xi32> to vector<32xbf16>
        %max3A_1453 = arith.maximumf %bitcast3A_1347, %bitcast3A_1354 : vector<32xbf16>
        %max3A_1454 = arith.maximumf %bitcast3A_1361, %bitcast3A_1368 : vector<32xbf16>
        %max3A_1455 = arith.maximumf %bitcast3A_1375, %bitcast3A_1382 : vector<32xbf16>
        %max3A_1456 = arith.maximumf %bitcast3A_1389, %bitcast3A_1396 : vector<32xbf16>
        %max3A_1457 = arith.maximumf %bitcast3A_1403, %bitcast3A_1410 : vector<32xbf16>
        %max3A_1458 = arith.maximumf %bitcast3A_1417, %bitcast3A_1424 : vector<32xbf16>
        %max3A_1459 = arith.maximumf %bitcast3A_1431, %bitcast3A_1438 : vector<32xbf16>
        %max3A_1460 = arith.maximumf %bitcast3A_1445, %bitcast3A_1452 : vector<32xbf16>
        %max3A_1461 = arith.maximumf %max3A_1453, %max3A_1454 : vector<32xbf16>
        %max3A_1462 = arith.maximumf %max3A_1455, %max3A_1456 : vector<32xbf16>
        %max3A_1463 = arith.maximumf %max3A_1457, %max3A_1458 : vector<32xbf16>
        %max3A_1464 = arith.maximumf %max3A_1459, %max3A_1460 : vector<32xbf16>
        %max3A_1465 = arith.maximumf %max3A_1461, %max3A_1462 : vector<32xbf16>
        %max3A_1466 = arith.maximumf %max3A_1463, %max3A_1464 : vector<32xbf16>
        %max3A_1467 = arith.maximumf %max3A_1465, %max3A_1466 : vector<32xbf16>
        %unpack3A_1468 = tpu.unpack_subelements %max3A_1467, 0 {pack_format = #tpu.pack_format<interleaved>} : vector<32xbf16> -> vector<16xf32>
        %unpack3A_1469 = tpu.unpack_subelements %max3A_1467, 1 {pack_format = #tpu.pack_format<interleaved>} : vector<32xbf16> -> vector<16xf32>
        %swap3A_1470 = arith.index_cast %add3A_738 : i32 to index
        %swap3A_1471 = arith.constant 64 : index
        %swap3A_1472 = tpu.vector_load %arg12[%swap3A_1470, %swap3A_1471] {strides = array<i32>} : memref<16x256xf32, #tpu.memory_space<vmem>>, vector<16xf32>,
        tpu.vector_store %arg12[%swap3A_1470, %swap3A_1471], %unpack3A_1468 {strides = array<i32>} : memref<16x256xf32, #tpu.memory_space<vmem>>, vector<16xf32>,
        %swap3A_1473 = arith.index_cast %add3A_738 : i32 to index
        %swap3A_1474 = arith.constant 192 : index
        %swap3A_1475 = tpu.vector_load %arg12[%swap3A_1473, %swap3A_1474] {strides = array<i32>} : memref<16x256xf32, #tpu.memory_space<vmem>>, vector<16xf32>,
        tpu.vector_store %arg12[%swap3A_1473, %swap3A_1474], %unpack3A_1469 {strides = array<i32>} : memref<16x256xf32, #tpu.memory_space<vmem>>, vector<16xf32>,
        %add3A_1476 = arith.constant 0 : i32
        %add3A_1477 = arith.addi %mul3A_740, %add3A_1476 : i32
        %get3A_1478 = arith.index_cast %add3A_1477 : i32 to index
        %get3A_1479 = arith.constant 80 : index
        %get3A_1480 = tpu.vector_load %arg10[%get3A_1478, %get3A_1479] {strides = array<i32>} : memref<256x128xi32, #tpu.memory_space<vmem>>, vector<16xi32>,
        %and3A_1481 = arith.andi %get3A_1480, %gather3A : vector<16xi32>
        %bitcast3A_1482 = vector.bitcast %and3A_1481 : vector<16xi32> to vector<32xbf16>
        %add3A_1483 = arith.constant 1 : i32
        %add3A_1484 = arith.addi %mul3A_740, %add3A_1483 : i32
        %get3A_1485 = arith.index_cast %add3A_1484 : i32 to index
        %get3A_1486 = arith.constant 80 : index
        %get3A_1487 = tpu.vector_load %arg10[%get3A_1485, %get3A_1486] {strides = array<i32>} : memref<256x128xi32, #tpu.memory_space<vmem>>, vector<16xi32>,
        %and3A_1488 = arith.andi %get3A_1487, %gather3A_747 : vector<16xi32>
        %bitcast3A_1489 = vector.bitcast %and3A_1488 : vector<16xi32> to vector<32xbf16>
        %add3A_1490 = arith.constant 2 : i32
        %add3A_1491 = arith.addi %mul3A_740, %add3A_1490 : i32
        %get3A_1492 = arith.index_cast %add3A_1491 : i32 to index
        %get3A_1493 = arith.constant 80 : index
        %get3A_1494 = tpu.vector_load %arg10[%get3A_1492, %get3A_1493] {strides = array<i32>} : memref<256x128xi32, #tpu.memory_space<vmem>>, vector<16xi32>,
        %and3A_1495 = arith.andi %get3A_1494, %gather3A_751 : vector<16xi32>
        %bitcast3A_1496 = vector.bitcast %and3A_1495 : vector<16xi32> to vector<32xbf16>
        %add3A_1497 = arith.constant 3 : i32
        %add3A_1498 = arith.addi %mul3A_740, %add3A_1497 : i32
        %get3A_1499 = arith.index_cast %add3A_1498 : i32 to index
        %get3A_1500 = arith.constant 80 : index
        %get3A_1501 = tpu.vector_load %arg10[%get3A_1499, %get3A_1500] {strides = array<i32>} : memref<256x128xi32, #tpu.memory_space<vmem>>, vector<16xi32>,
        %and3A_1502 = arith.andi %get3A_1501, %gather3A_755 : vector<16xi32>
        %bitcast3A_1503 = vector.bitcast %and3A_1502 : vector<16xi32> to vector<32xbf16>
        %add3A_1504 = arith.constant 4 : i32
        %add3A_1505 = arith.addi %mul3A_740, %add3A_1504 : i32
        %get3A_1506 = arith.index_cast %add3A_1505 : i32 to index
        %get3A_1507 = arith.constant 80 : index
        %get3A_1508 = tpu.vector_load %arg10[%get3A_1506, %get3A_1507] {strides = array<i32>} : memref<256x128xi32, #tpu.memory_space<vmem>>, vector<16xi32>,
        %and3A_1509 = arith.andi %get3A_1508, %gather3A_759 : vector<16xi32>
        %bitcast3A_1510 = vector.bitcast %and3A_1509 : vector<16xi32> to vector<32xbf16>
        %add3A_1511 = arith.constant 5 : i32
        %add3A_1512 = arith.addi %mul3A_740, %add3A_1511 : i32
        %get3A_1513 = arith.index_cast %add3A_1512 : i32 to index
        %get3A_1514 = arith.constant 80 : index
        %get3A_1515 = tpu.vector_load %arg10[%get3A_1513, %get3A_1514] {strides = array<i32>} : memref<256x128xi32, #tpu.memory_space<vmem>>, vector<16xi32>,
        %and3A_1516 = arith.andi %get3A_1515, %gather3A_763 : vector<16xi32>
        %bitcast3A_1517 = vector.bitcast %and3A_1516 : vector<16xi32> to vector<32xbf16>
        %add3A_1518 = arith.constant 6 : i32
        %add3A_1519 = arith.addi %mul3A_740, %add3A_1518 : i32
        %get3A_1520 = arith.index_cast %add3A_1519 : i32 to index
        %get3A_1521 = arith.constant 80 : index
        %get3A_1522 = tpu.vector_load %arg10[%get3A_1520, %get3A_1521] {strides = array<i32>} : memref<256x128xi32, #tpu.memory_space<vmem>>, vector<16xi32>,
        %and3A_1523 = arith.andi %get3A_1522, %gather3A_767 : vector<16xi32>
        %bitcast3A_1524 = vector.bitcast %and3A_1523 : vector<16xi32> to vector<32xbf16>
        %add3A_1525 = arith.constant 7 : i32
        %add3A_1526 = arith.addi %mul3A_740, %add3A_1525 : i32
        %get3A_1527 = arith.index_cast %add3A_1526 : i32 to index
        %get3A_1528 = arith.constant 80 : index
        %get3A_1529 = tpu.vector_load %arg10[%get3A_1527, %get3A_1528] {strides = array<i32>} : memref<256x128xi32, #tpu.memory_space<vmem>>, vector<16xi32>,
        %and3A_1530 = arith.andi %get3A_1529, %gather3A_771 : vector<16xi32>
        %bitcast3A_1531 = vector.bitcast %and3A_1530 : vector<16xi32> to vector<32xbf16>
        %add3A_1532 = arith.constant 8 : i32
        %add3A_1533 = arith.addi %mul3A_740, %add3A_1532 : i32
        %get3A_1534 = arith.index_cast %add3A_1533 : i32 to index
        %get3A_1535 = arith.constant 80 : index
        %get3A_1536 = tpu.vector_load %arg10[%get3A_1534, %get3A_1535] {strides = array<i32>} : memref<256x128xi32, #tpu.memory_space<vmem>>, vector<16xi32>,
        %and3A_1537 = arith.andi %get3A_1536, %gather3A_775 : vector<16xi32>
        %bitcast3A_1538 = vector.bitcast %and3A_1537 : vector<16xi32> to vector<32xbf16>
        %add3A_1539 = arith.constant 9 : i32
        %add3A_1540 = arith.addi %mul3A_740, %add3A_1539 : i32
        %get3A_1541 = arith.index_cast %add3A_1540 : i32 to index
        %get3A_1542 = arith.constant 80 : index
        %get3A_1543 = tpu.vector_load %arg10[%get3A_1541, %get3A_1542] {strides = array<i32>} : memref<256x128xi32, #tpu.memory_space<vmem>>, vector<16xi32>,
        %and3A_1544 = arith.andi %get3A_1543, %gather3A_779 : vector<16xi32>
        %bitcast3A_1545 = vector.bitcast %and3A_1544 : vector<16xi32> to vector<32xbf16>
        %add3A_1546 = arith.constant 10 : i32
        %add3A_1547 = arith.addi %mul3A_740, %add3A_1546 : i32
        %get3A_1548 = arith.index_cast %add3A_1547 : i32 to index
        %get3A_1549 = arith.constant 80 : index
        %get3A_1550 = tpu.vector_load %arg10[%get3A_1548, %get3A_1549] {strides = array<i32>} : memref<256x128xi32, #tpu.memory_space<vmem>>, vector<16xi32>,
        %and3A_1551 = arith.andi %get3A_1550, %gather3A_783 : vector<16xi32>
        %bitcast3A_1552 = vector.bitcast %and3A_1551 : vector<16xi32> to vector<32xbf16>
        %add3A_1553 = arith.constant 11 : i32
        %add3A_1554 = arith.addi %mul3A_740, %add3A_1553 : i32
        %get3A_1555 = arith.index_cast %add3A_1554 : i32 to index
        %get3A_1556 = arith.constant 80 : index
        %get3A_1557 = tpu.vector_load %arg10[%get3A_1555, %get3A_1556] {strides = array<i32>} : memref<256x128xi32, #tpu.memory_space<vmem>>, vector<16xi32>,
        %and3A_1558 = arith.andi %get3A_1557, %gather3A_787 : vector<16xi32>
        %bitcast3A_1559 = vector.bitcast %and3A_1558 : vector<16xi32> to vector<32xbf16>
        %add3A_1560 = arith.constant 12 : i32
        %add3A_1561 = arith.addi %mul3A_740, %add3A_1560 : i32
        %get3A_1562 = arith.index_cast %add3A_1561 : i32 to index
        %get3A_1563 = arith.constant 80 : index
        %get3A_1564 = tpu.vector_load %arg10[%get3A_1562, %get3A_1563] {strides = array<i32>} : memref<256x128xi32, #tpu.memory_space<vmem>>, vector<16xi32>,
        %and3A_1565 = arith.andi %get3A_1564, %gather3A_791 : vector<16xi32>
        %bitcast3A_1566 = vector.bitcast %and3A_1565 : vector<16xi32> to vector<32xbf16>
        %add3A_1567 = arith.constant 13 : i32
        %add3A_1568 = arith.addi %mul3A_740, %add3A_1567 : i32
        %get3A_1569 = arith.index_cast %add3A_1568 : i32 to index
        %get3A_1570 = arith.constant 80 : index
        %get3A_1571 = tpu.vector_load %arg10[%get3A_1569, %get3A_1570] {strides = array<i32>} : memref<256x128xi32, #tpu.memory_space<vmem>>, vector<16xi32>,
        %and3A_1572 = arith.andi %get3A_1571, %gather3A_795 : vector<16xi32>
        %bitcast3A_1573 = vector.bitcast %and3A_1572 : vector<16xi32> to vector<32xbf16>
        %add3A_1574 = arith.constant 14 : i32
        %add3A_1575 = arith.addi %mul3A_740, %add3A_1574 : i32
        %get3A_1576 = arith.index_cast %add3A_1575 : i32 to index
        %get3A_1577 = arith.constant 80 : index
        %get3A_1578 = tpu.vector_load %arg10[%get3A_1576, %get3A_1577] {strides = array<i32>} : memref<256x128xi32, #tpu.memory_space<vmem>>, vector<16xi32>,
        %and3A_1579 = arith.andi %get3A_1578, %gather3A_799 : vector<16xi32>
        %bitcast3A_1580 = vector.bitcast %and3A_1579 : vector<16xi32> to vector<32xbf16>
        %add3A_1581 = arith.constant 15 : i32
        %add3A_1582 = arith.addi %mul3A_740, %add3A_1581 : i32
        %get3A_1583 = arith.index_cast %add3A_1582 : i32 to index
        %get3A_1584 = arith.constant 80 : index
        %get3A_1585 = tpu.vector_load %arg10[%get3A_1583, %get3A_1584] {strides = array<i32>} : memref<256x128xi32, #tpu.memory_space<vmem>>, vector<16xi32>,
        %and3A_1586 = arith.andi %get3A_1585, %gather3A_803 : vector<16xi32>
        %bitcast3A_1587 = vector.bitcast %and3A_1586 : vector<16xi32> to vector<32xbf16>
        %max3A_1588 = arith.maximumf %bitcast3A_1482, %bitcast3A_1489 : vector<32xbf16>
        %max3A_1589 = arith.maximumf %bitcast3A_1496, %bitcast3A_1503 : vector<32xbf16>
        %max3A_1590 = arith.maximumf %bitcast3A_1510, %bitcast3A_1517 : vector<32xbf16>
        %max3A_1591 = arith.maximumf %bitcast3A_1524, %bitcast3A_1531 : vector<32xbf16>
        %max3A_1592 = arith.maximumf %bitcast3A_1538, %bitcast3A_1545 : vector<32xbf16>
        %max3A_1593 = arith.maximumf %bitcast3A_1552, %bitcast3A_1559 : vector<32xbf16>
        %max3A_1594 = arith.maximumf %bitcast3A_1566, %bitcast3A_1573 : vector<32xbf16>
        %max3A_1595 = arith.maximumf %bitcast3A_1580, %bitcast3A_1587 : vector<32xbf16>
        %max3A_1596 = arith.maximumf %max3A_1588, %max3A_1589 : vector<32xbf16>
        %max3A_1597 = arith.maximumf %max3A_1590, %max3A_1591 : vector<32xbf16>
        %max3A_1598 = arith.maximumf %max3A_1592, %max3A_1593 : vector<32xbf16>
        %max3A_1599 = arith.maximumf %max3A_1594, %max3A_1595 : vector<32xbf16>
        %max3A_1600 = arith.maximumf %max3A_1596, %max3A_1597 : vector<32xbf16>
        %max3A_1601 = arith.maximumf %max3A_1598, %max3A_1599 : vector<32xbf16>
        %max3A_1602 = arith.maximumf %max3A_1600, %max3A_1601 : vector<32xbf16>
        %unpack3A_1603 = tpu.unpack_subelements %max3A_1602, 0 {pack_format = #tpu.pack_format<interleaved>} : vector<32xbf16> -> vector<16xf32>
        %unpack3A_1604 = tpu.unpack_subelements %max3A_1602, 1 {pack_format = #tpu.pack_format<interleaved>} : vector<32xbf16> -> vector<16xf32>
        %swap3A_1605 = arith.index_cast %add3A_738 : i32 to index
        %swap3A_1606 = arith.constant 80 : index
        %swap3A_1607 = tpu.vector_load %arg12[%swap3A_1605, %swap3A_1606] {strides = array<i32>} : memref<16x256xf32, #tpu.memory_space<vmem>>, vector<16xf32>,
        tpu.vector_store %arg12[%swap3A_1605, %swap3A_1606], %unpack3A_1603 {strides = array<i32>} : memref<16x256xf32, #tpu.memory_space<vmem>>, vector<16xf32>,
        %swap3A_1608 = arith.index_cast %add3A_738 : i32 to index
        %swap3A_1609 = arith.constant 208 : index
        %swap3A_1610 = tpu.vector_load %arg12[%swap3A_1608, %swap3A_1609] {strides = array<i32>} : memref<16x256xf32, #tpu.memory_space<vmem>>, vector<16xf32>,
        tpu.vector_store %arg12[%swap3A_1608, %swap3A_1609], %unpack3A_1604 {strides = array<i32>} : memref<16x256xf32, #tpu.memory_space<vmem>>, vector<16xf32>,
        %add3A_1611 = arith.constant 0 : i32
        %add3A_1612 = arith.addi %mul3A_740, %add3A_1611 : i32
        %get3A_1613 = arith.index_cast %add3A_1612 : i32 to index
        %get3A_1614 = arith.constant 96 : index
        %get3A_1615 = tpu.vector_load %arg10[%get3A_1613, %get3A_1614] {strides = array<i32>} : memref<256x128xi32, #tpu.memory_space<vmem>>, vector<16xi32>,
        %and3A_1616 = arith.andi %get3A_1615, %gather3A : vector<16xi32>
        %bitcast3A_1617 = vector.bitcast %and3A_1616 : vector<16xi32> to vector<32xbf16>
        %add3A_1618 = arith.constant 1 : i32
        %add3A_1619 = arith.addi %mul3A_740, %add3A_1618 : i32
        %get3A_1620 = arith.index_cast %add3A_1619 : i32 to index
        %get3A_1621 = arith.constant 96 : index
        %get3A_1622 = tpu.vector_load %arg10[%get3A_1620, %get3A_1621] {strides = array<i32>} : memref<256x128xi32, #tpu.memory_space<vmem>>, vector<16xi32>,
        %and3A_1623 = arith.andi %get3A_1622, %gather3A_747 : vector<16xi32>
        %bitcast3A_1624 = vector.bitcast %and3A_1623 : vector<16xi32> to vector<32xbf16>
        %add3A_1625 = arith.constant 2 : i32
        %add3A_1626 = arith.addi %mul3A_740, %add3A_1625 : i32
        %get3A_1627 = arith.index_cast %add3A_1626 : i32 to index
        %get3A_1628 = arith.constant 96 : index
        %get3A_1629 = tpu.vector_load %arg10[%get3A_1627, %get3A_1628] {strides = array<i32>} : memref<256x128xi32, #tpu.memory_space<vmem>>, vector<16xi32>,
        %and3A_1630 = arith.andi %get3A_1629, %gather3A_751 : vector<16xi32>
        %bitcast3A_1631 = vector.bitcast %and3A_1630 : vector<16xi32> to vector<32xbf16>
        %add3A_1632 = arith.constant 3 : i32
        %add3A_1633 = arith.addi %mul3A_740, %add3A_1632 : i32
        %get3A_1634 = arith.index_cast %add3A_1633 : i32 to index
        %get3A_1635 = arith.constant 96 : index
        %get3A_1636 = tpu.vector_load %arg10[%get3A_1634, %get3A_1635] {strides = array<i32>} : memref<256x128xi32, #tpu.memory_space<vmem>>, vector<16xi32>,
        %and3A_1637 = arith.andi %get3A_1636, %gather3A_755 : vector<16xi32>
        %bitcast3A_1638 = vector.bitcast %and3A_1637 : vector<16xi32> to vector<32xbf16>
        %add3A_1639 = arith.constant 4 : i32
        %add3A_1640 = arith.addi %mul3A_740, %add3A_1639 : i32
        %get3A_1641 = arith.index_cast %add3A_1640 : i32 to index
        %get3A_1642 = arith.constant 96 : index
        %get3A_1643 = tpu.vector_load %arg10[%get3A_1641, %get3A_1642] {strides = array<i32>} : memref<256x128xi32, #tpu.memory_space<vmem>>, vector<16xi32>,
        %and3A_1644 = arith.andi %get3A_1643, %gather3A_759 : vector<16xi32>
        %bitcast3A_1645 = vector.bitcast %and3A_1644 : vector<16xi32> to vector<32xbf16>
        %add3A_1646 = arith.constant 5 : i32
        %add3A_1647 = arith.addi %mul3A_740, %add3A_1646 : i32
        %get3A_1648 = arith.index_cast %add3A_1647 : i32 to index
        %get3A_1649 = arith.constant 96 : index
        %get3A_1650 = tpu.vector_load %arg10[%get3A_1648, %get3A_1649] {strides = array<i32>} : memref<256x128xi32, #tpu.memory_space<vmem>>, vector<16xi32>,
        %and3A_1651 = arith.andi %get3A_1650, %gather3A_763 : vector<16xi32>
        %bitcast3A_1652 = vector.bitcast %and3A_1651 : vector<16xi32> to vector<32xbf16>
        %add3A_1653 = arith.constant 6 : i32
        %add3A_1654 = arith.addi %mul3A_740, %add3A_1653 : i32
        %get3A_1655 = arith.index_cast %add3A_1654 : i32 to index
        %get3A_1656 = arith.constant 96 : index
        %get3A_1657 = tpu.vector_load %arg10[%get3A_1655, %get3A_1656] {strides = array<i32>} : memref<256x128xi32, #tpu.memory_space<vmem>>, vector<16xi32>,
        %and3A_1658 = arith.andi %get3A_1657, %gather3A_767 : vector<16xi32>
        %bitcast3A_1659 = vector.bitcast %and3A_1658 : vector<16xi32> to vector<32xbf16>
        %add3A_1660 = arith.constant 7 : i32
        %add3A_1661 = arith.addi %mul3A_740, %add3A_1660 : i32
        %get3A_1662 = arith.index_cast %add3A_1661 : i32 to index
        %get3A_1663 = arith.constant 96 : index
        %get3A_1664 = tpu.vector_load %arg10[%get3A_1662, %get3A_1663] {strides = array<i32>} : memref<256x128xi32, #tpu.memory_space<vmem>>, vector<16xi32>,
        %and3A_1665 = arith.andi %get3A_1664, %gather3A_771 : vector<16xi32>
        %bitcast3A_1666 = vector.bitcast %and3A_1665 : vector<16xi32> to vector<32xbf16>
        %add3A_1667 = arith.constant 8 : i32
        %add3A_1668 = arith.addi %mul3A_740, %add3A_1667 : i32
        %get3A_1669 = arith.index_cast %add3A_1668 : i32 to index
        %get3A_1670 = arith.constant 96 : index
        %get3A_1671 = tpu.vector_load %arg10[%get3A_1669, %get3A_1670] {strides = array<i32>} : memref<256x128xi32, #tpu.memory_space<vmem>>, vector<16xi32>,
        %and3A_1672 = arith.andi %get3A_1671, %gather3A_775 : vector<16xi32>
        %bitcast3A_1673 = vector.bitcast %and3A_1672 : vector<16xi32> to vector<32xbf16>
        %add3A_1674 = arith.constant 9 : i32
        %add3A_1675 = arith.addi %mul3A_740, %add3A_1674 : i32
        %get3A_1676 = arith.index_cast %add3A_1675 : i32 to index
        %get3A_1677 = arith.constant 96 : index
        %get3A_1678 = tpu.vector_load %arg10[%get3A_1676, %get3A_1677] {strides = array<i32>} : memref<256x128xi32, #tpu.memory_space<vmem>>, vector<16xi32>,
        %and3A_1679 = arith.andi %get3A_1678, %gather3A_779 : vector<16xi32>
        %bitcast3A_1680 = vector.bitcast %and3A_1679 : vector<16xi32> to vector<32xbf16>
        %add3A_1681 = arith.constant 10 : i32
        %add3A_1682 = arith.addi %mul3A_740, %add3A_1681 : i32
        %get3A_1683 = arith.index_cast %add3A_1682 : i32 to index
        %get3A_1684 = arith.constant 96 : index
        %get3A_1685 = tpu.vector_load %arg10[%get3A_1683, %get3A_1684] {strides = array<i32>} : memref<256x128xi32, #tpu.memory_space<vmem>>, vector<16xi32>,
        %and3A_1686 = arith.andi %get3A_1685, %gather3A_783 : vector<16xi32>
        %bitcast3A_1687 = vector.bitcast %and3A_1686 : vector<16xi32> to vector<32xbf16>
        %add3A_1688 = arith.constant 11 : i32
        %add3A_1689 = arith.addi %mul3A_740, %add3A_1688 : i32
        %get3A_1690 = arith.index_cast %add3A_1689 : i32 to index
        %get3A_1691 = arith.constant 96 : index
        %get3A_1692 = tpu.vector_load %arg10[%get3A_1690, %get3A_1691] {strides = array<i32>} : memref<256x128xi32, #tpu.memory_space<vmem>>, vector<16xi32>,
        %and3A_1693 = arith.andi %get3A_1692, %gather3A_787 : vector<16xi32>
        %bitcast3A_1694 = vector.bitcast %and3A_1693 : vector<16xi32> to vector<32xbf16>
        %add3A_1695 = arith.constant 12 : i32
        %add3A_1696 = arith.addi %mul3A_740, %add3A_1695 : i32
        %get3A_1697 = arith.index_cast %add3A_1696 : i32 to index
        %get3A_1698 = arith.constant 96 : index
        %get3A_1699 = tpu.vector_load %arg10[%get3A_1697, %get3A_1698] {strides = array<i32>} : memref<256x128xi32, #tpu.memory_space<vmem>>, vector<16xi32>,
        %and3A_1700 = arith.andi %get3A_1699, %gather3A_791 : vector<16xi32>
        %bitcast3A_1701 = vector.bitcast %and3A_1700 : vector<16xi32> to vector<32xbf16>
        %add3A_1702 = arith.constant 13 : i32
        %add3A_1703 = arith.addi %mul3A_740, %add3A_1702 : i32
        %get3A_1704 = arith.index_cast %add3A_1703 : i32 to index
        %get3A_1705 = arith.constant 96 : index
        %get3A_1706 = tpu.vector_load %arg10[%get3A_1704, %get3A_1705] {strides = array<i32>} : memref<256x128xi32, #tpu.memory_space<vmem>>, vector<16xi32>,
        %and3A_1707 = arith.andi %get3A_1706, %gather3A_795 : vector<16xi32>
        %bitcast3A_1708 = vector.bitcast %and3A_1707 : vector<16xi32> to vector<32xbf16>
        %add3A_1709 = arith.constant 14 : i32
        %add3A_1710 = arith.addi %mul3A_740, %add3A_1709 : i32
        %get3A_1711 = arith.index_cast %add3A_1710 : i32 to index
        %get3A_1712 = arith.constant 96 : index
        %get3A_1713 = tpu.vector_load %arg10[%get3A_1711, %get3A_1712] {strides = array<i32>} : memref<256x128xi32, #tpu.memory_space<vmem>>, vector<16xi32>,
        %and3A_1714 = arith.andi %get3A_1713, %gather3A_799 : vector<16xi32>
        %bitcast3A_1715 = vector.bitcast %and3A_1714 : vector<16xi32> to vector<32xbf16>
        %add3A_1716 = arith.constant 15 : i32
        %add3A_1717 = arith.addi %mul3A_740, %add3A_1716 : i32
        %get3A_1718 = arith.index_cast %add3A_1717 : i32 to index
        %get3A_1719 = arith.constant 96 : index
        %get3A_1720 = tpu.vector_load %arg10[%get3A_1718, %get3A_1719] {strides = array<i32>} : memref<256x128xi32, #tpu.memory_space<vmem>>, vector<16xi32>,
        %and3A_1721 = arith.andi %get3A_1720, %gather3A_803 : vector<16xi32>
        %bitcast3A_1722 = vector.bitcast %and3A_1721 : vector<16xi32> to vector<32xbf16>
        %max3A_1723 = arith.maximumf %bitcast3A_1617, %bitcast3A_1624 : vector<32xbf16>
        %max3A_1724 = arith.maximumf %bitcast3A_1631, %bitcast3A_1638 : vector<32xbf16>
        %max3A_1725 = arith.maximumf %bitcast3A_1645, %bitcast3A_1652 : vector<32xbf16>
        %max3A_1726 = arith.maximumf %bitcast3A_1659, %bitcast3A_1666 : vector<32xbf16>
        %max3A_1727 = arith.maximumf %bitcast3A_1673, %bitcast3A_1680 : vector<32xbf16>
        %max3A_1728 = arith.maximumf %bitcast3A_1687, %bitcast3A_1694 : vector<32xbf16>
        %max3A_1729 = arith.maximumf %bitcast3A_1701, %bitcast3A_1708 : vector<32xbf16>
        %max3A_1730 = arith.maximumf %bitcast3A_1715, %bitcast3A_1722 : vector<32xbf16>
        %max3A_1731 = arith.maximumf %max3A_1723, %max3A_1724 : vector<32xbf16>
        %max3A_1732 = arith.maximumf %max3A_1725, %max3A_1726 : vector<32xbf16>
        %max3A_1733 = arith.maximumf %max3A_1727, %max3A_1728 : vector<32xbf16>
        %max3A_1734 = arith.maximumf %max3A_1729, %max3A_1730 : vector<32xbf16>
        %max3A_1735 = arith.maximumf %max3A_1731, %max3A_1732 : vector<32xbf16>
        %max3A_1736 = arith.maximumf %max3A_1733, %max3A_1734 : vector<32xbf16>
        %max3A_1737 = arith.maximumf %max3A_1735, %max3A_1736 : vector<32xbf16>
        %unpack3A_1738 = tpu.unpack_subelements %max3A_1737, 0 {pack_format = #tpu.pack_format<interleaved>} : vector<32xbf16> -> vector<16xf32>
        %unpack3A_1739 = tpu.unpack_subelements %max3A_1737, 1 {pack_format = #tpu.pack_format<interleaved>} : vector<32xbf16> -> vector<16xf32>
        %swap3A_1740 = arith.index_cast %add3A_738 : i32 to index
        %swap3A_1741 = arith.constant 96 : index
        %swap3A_1742 = tpu.vector_load %arg12[%swap3A_1740, %swap3A_1741] {strides = array<i32>} : memref<16x256xf32, #tpu.memory_space<vmem>>, vector<16xf32>,
        tpu.vector_store %arg12[%swap3A_1740, %swap3A_1741], %unpack3A_1738 {strides = array<i32>} : memref<16x256xf32, #tpu.memory_space<vmem>>, vector<16xf32>,
        %swap3A_1743 = arith.index_cast %add3A_738 : i32 to index
        %swap3A_1744 = arith.constant 224 : index
        %swap3A_1745 = tpu.vector_load %arg12[%swap3A_1743, %swap3A_1744] {strides = array<i32>} : memref<16x256xf32, #tpu.memory_space<vmem>>, vector<16xf32>,
        tpu.vector_store %arg12[%swap3A_1743, %swap3A_1744], %unpack3A_1739 {strides = array<i32>} : memref<16x256xf32, #tpu.memory_space<vmem>>, vector<16xf32>,
        %add3A_1746 = arith.constant 0 : i32
        %add3A_1747 = arith.addi %mul3A_740, %add3A_1746 : i32
        %get3A_1748 = arith.index_cast %add3A_1747 : i32 to index
        %get3A_1749 = arith.constant 112 : index
        %get3A_1750 = tpu.vector_load %arg10[%get3A_1748, %get3A_1749] {strides = array<i32>} : memref<256x128xi32, #tpu.memory_space<vmem>>, vector<16xi32>,
        %and3A_1751 = arith.andi %get3A_1750, %gather3A : vector<16xi32>
        %bitcast3A_1752 = vector.bitcast %and3A_1751 : vector<16xi32> to vector<32xbf16>
        %add3A_1753 = arith.constant 1 : i32
        %add3A_1754 = arith.addi %mul3A_740, %add3A_1753 : i32
        %get3A_1755 = arith.index_cast %add3A_1754 : i32 to index
        %get3A_1756 = arith.constant 112 : index
        %get3A_1757 = tpu.vector_load %arg10[%get3A_1755, %get3A_1756] {strides = array<i32>} : memref<256x128xi32, #tpu.memory_space<vmem>>, vector<16xi32>,
        %and3A_1758 = arith.andi %get3A_1757, %gather3A_747 : vector<16xi32>
        %bitcast3A_1759 = vector.bitcast %and3A_1758 : vector<16xi32> to vector<32xbf16>
        %add3A_1760 = arith.constant 2 : i32
        %add3A_1761 = arith.addi %mul3A_740, %add3A_1760 : i32
        %get3A_1762 = arith.index_cast %add3A_1761 : i32 to index
        %get3A_1763 = arith.constant 112 : index
        %get3A_1764 = tpu.vector_load %arg10[%get3A_1762, %get3A_1763] {strides = array<i32>} : memref<256x128xi32, #tpu.memory_space<vmem>>, vector<16xi32>,
        %and3A_1765 = arith.andi %get3A_1764, %gather3A_751 : vector<16xi32>
        %bitcast3A_1766 = vector.bitcast %and3A_1765 : vector<16xi32> to vector<32xbf16>
        %add3A_1767 = arith.constant 3 : i32
        %add3A_1768 = arith.addi %mul3A_740, %add3A_1767 : i32
        %get3A_1769 = arith.index_cast %add3A_1768 : i32 to index
        %get3A_1770 = arith.constant 112 : index
        %get3A_1771 = tpu.vector_load %arg10[%get3A_1769, %get3A_1770] {strides = array<i32>} : memref<256x128xi32, #tpu.memory_space<vmem>>, vector<16xi32>,
        %and3A_1772 = arith.andi %get3A_1771, %gather3A_755 : vector<16xi32>
        %bitcast3A_1773 = vector.bitcast %and3A_1772 : vector<16xi32> to vector<32xbf16>
        %add3A_1774 = arith.constant 4 : i32
        %add3A_1775 = arith.addi %mul3A_740, %add3A_1774 : i32
        %get3A_1776 = arith.index_cast %add3A_1775 : i32 to index
        %get3A_1777 = arith.constant 112 : index
        %get3A_1778 = tpu.vector_load %arg10[%get3A_1776, %get3A_1777] {strides = array<i32>} : memref<256x128xi32, #tpu.memory_space<vmem>>, vector<16xi32>,
        %and3A_1779 = arith.andi %get3A_1778, %gather3A_759 : vector<16xi32>
        %bitcast3A_1780 = vector.bitcast %and3A_1779 : vector<16xi32> to vector<32xbf16>
        %add3A_1781 = arith.constant 5 : i32
        %add3A_1782 = arith.addi %mul3A_740, %add3A_1781 : i32
        %get3A_1783 = arith.index_cast %add3A_1782 : i32 to index
        %get3A_1784 = arith.constant 112 : index
        %get3A_1785 = tpu.vector_load %arg10[%get3A_1783, %get3A_1784] {strides = array<i32>} : memref<256x128xi32, #tpu.memory_space<vmem>>, vector<16xi32>,
        %and3A_1786 = arith.andi %get3A_1785, %gather3A_763 : vector<16xi32>
        %bitcast3A_1787 = vector.bitcast %and3A_1786 : vector<16xi32> to vector<32xbf16>
        %add3A_1788 = arith.constant 6 : i32
        %add3A_1789 = arith.addi %mul3A_740, %add3A_1788 : i32
        %get3A_1790 = arith.index_cast %add3A_1789 : i32 to index
        %get3A_1791 = arith.constant 112 : index
        %get3A_1792 = tpu.vector_load %arg10[%get3A_1790, %get3A_1791] {strides = array<i32>} : memref<256x128xi32, #tpu.memory_space<vmem>>, vector<16xi32>,
        %and3A_1793 = arith.andi %get3A_1792, %gather3A_767 : vector<16xi32>
        %bitcast3A_1794 = vector.bitcast %and3A_1793 : vector<16xi32> to vector<32xbf16>
        %add3A_1795 = arith.constant 7 : i32
        %add3A_1796 = arith.addi %mul3A_740, %add3A_1795 : i32
        %get3A_1797 = arith.index_cast %add3A_1796 : i32 to index
        %get3A_1798 = arith.constant 112 : index
        %get3A_1799 = tpu.vector_load %arg10[%get3A_1797, %get3A_1798] {strides = array<i32>} : memref<256x128xi32, #tpu.memory_space<vmem>>, vector<16xi32>,
        %and3A_1800 = arith.andi %get3A_1799, %gather3A_771 : vector<16xi32>
        %bitcast3A_1801 = vector.bitcast %and3A_1800 : vector<16xi32> to vector<32xbf16>
        %add3A_1802 = arith.constant 8 : i32
        %add3A_1803 = arith.addi %mul3A_740, %add3A_1802 : i32
        %get3A_1804 = arith.index_cast %add3A_1803 : i32 to index
        %get3A_1805 = arith.constant 112 : index
        %get3A_1806 = tpu.vector_load %arg10[%get3A_1804, %get3A_1805] {strides = array<i32>} : memref<256x128xi32, #tpu.memory_space<vmem>>, vector<16xi32>,
        %and3A_1807 = arith.andi %get3A_1806, %gather3A_775 : vector<16xi32>
        %bitcast3A_1808 = vector.bitcast %and3A_1807 : vector<16xi32> to vector<32xbf16>
        %add3A_1809 = arith.constant 9 : i32
        %add3A_1810 = arith.addi %mul3A_740, %add3A_1809 : i32
        %get3A_1811 = arith.index_cast %add3A_1810 : i32 to index
        %get3A_1812 = arith.constant 112 : index
        %get3A_1813 = tpu.vector_load %arg10[%get3A_1811, %get3A_1812] {strides = array<i32>} : memref<256x128xi32, #tpu.memory_space<vmem>>, vector<16xi32>,
        %and3A_1814 = arith.andi %get3A_1813, %gather3A_779 : vector<16xi32>
        %bitcast3A_1815 = vector.bitcast %and3A_1814 : vector<16xi32> to vector<32xbf16>
        %add3A_1816 = arith.constant 10 : i32
        %add3A_1817 = arith.addi %mul3A_740, %add3A_1816 : i32
        %get3A_1818 = arith.index_cast %add3A_1817 : i32 to index
        %get3A_1819 = arith.constant 112 : index
        %get3A_1820 = tpu.vector_load %arg10[%get3A_1818, %get3A_1819] {strides = array<i32>} : memref<256x128xi32, #tpu.memory_space<vmem>>, vector<16xi32>,
        %and3A_1821 = arith.andi %get3A_1820, %gather3A_783 : vector<16xi32>
        %bitcast3A_1822 = vector.bitcast %and3A_1821 : vector<16xi32> to vector<32xbf16>
        %add3A_1823 = arith.constant 11 : i32
        %add3A_1824 = arith.addi %mul3A_740, %add3A_1823 : i32
        %get3A_1825 = arith.index_cast %add3A_1824 : i32 to index
        %get3A_1826 = arith.constant 112 : index
        %get3A_1827 = tpu.vector_load %arg10[%get3A_1825, %get3A_1826] {strides = array<i32>} : memref<256x128xi32, #tpu.memory_space<vmem>>, vector<16xi32>,
        %and3A_1828 = arith.andi %get3A_1827, %gather3A_787 : vector<16xi32>
        %bitcast3A_1829 = vector.bitcast %and3A_1828 : vector<16xi32> to vector<32xbf16>
        %add3A_1830 = arith.constant 12 : i32
        %add3A_1831 = arith.addi %mul3A_740, %add3A_1830 : i32
        %get3A_1832 = arith.index_cast %add3A_1831 : i32 to index
        %get3A_1833 = arith.constant 112 : index
        %get3A_1834 = tpu.vector_load %arg10[%get3A_1832, %get3A_1833] {strides = array<i32>} : memref<256x128xi32, #tpu.memory_space<vmem>>, vector<16xi32>,
        %and3A_1835 = arith.andi %get3A_1834, %gather3A_791 : vector<16xi32>
        %bitcast3A_1836 = vector.bitcast %and3A_1835 : vector<16xi32> to vector<32xbf16>
        %add3A_1837 = arith.constant 13 : i32
        %add3A_1838 = arith.addi %mul3A_740, %add3A_1837 : i32
        %get3A_1839 = arith.index_cast %add3A_1838 : i32 to index
        %get3A_1840 = arith.constant 112 : index
        %get3A_1841 = tpu.vector_load %arg10[%get3A_1839, %get3A_1840] {strides = array<i32>} : memref<256x128xi32, #tpu.memory_space<vmem>>, vector<16xi32>,
        %and3A_1842 = arith.andi %get3A_1841, %gather3A_795 : vector<16xi32>
        %bitcast3A_1843 = vector.bitcast %and3A_1842 : vector<16xi32> to vector<32xbf16>
        %add3A_1844 = arith.constant 14 : i32
        %add3A_1845 = arith.addi %mul3A_740, %add3A_1844 : i32
        %get3A_1846 = arith.index_cast %add3A_1845 : i32 to index
        %get3A_1847 = arith.constant 112 : index
        %get3A_1848 = tpu.vector_load %arg10[%get3A_1846, %get3A_1847] {strides = array<i32>} : memref<256x128xi32, #tpu.memory_space<vmem>>, vector<16xi32>,
        %and3A_1849 = arith.andi %get3A_1848, %gather3A_799 : vector<16xi32>
        %bitcast3A_1850 = vector.bitcast %and3A_1849 : vector<16xi32> to vector<32xbf16>
        %add3A_1851 = arith.constant 15 : i32
        %add3A_1852 = arith.addi %mul3A_740, %add3A_1851 : i32
        %get3A_1853 = arith.index_cast %add3A_1852 : i32 to index
        %get3A_1854 = arith.constant 112 : index
        %get3A_1855 = tpu.vector_load %arg10[%get3A_1853, %get3A_1854] {strides = array<i32>} : memref<256x128xi32, #tpu.memory_space<vmem>>, vector<16xi32>,
        %and3A_1856 = arith.andi %get3A_1855, %gather3A_803 : vector<16xi32>
        %bitcast3A_1857 = vector.bitcast %and3A_1856 : vector<16xi32> to vector<32xbf16>
        %max3A_1858 = arith.maximumf %bitcast3A_1752, %bitcast3A_1759 : vector<32xbf16>
        %max3A_1859 = arith.maximumf %bitcast3A_1766, %bitcast3A_1773 : vector<32xbf16>
        %max3A_1860 = arith.maximumf %bitcast3A_1780, %bitcast3A_1787 : vector<32xbf16>
        %max3A_1861 = arith.maximumf %bitcast3A_1794, %bitcast3A_1801 : vector<32xbf16>
        %max3A_1862 = arith.maximumf %bitcast3A_1808, %bitcast3A_1815 : vector<32xbf16>
        %max3A_1863 = arith.maximumf %bitcast3A_1822, %bitcast3A_1829 : vector<32xbf16>
        %max3A_1864 = arith.maximumf %bitcast3A_1836, %bitcast3A_1843 : vector<32xbf16>
        %max3A_1865 = arith.maximumf %bitcast3A_1850, %bitcast3A_1857 : vector<32xbf16>
        %max3A_1866 = arith.maximumf %max3A_1858, %max3A_1859 : vector<32xbf16>
        %max3A_1867 = arith.maximumf %max3A_1860, %max3A_1861 : vector<32xbf16>
        %max3A_1868 = arith.maximumf %max3A_1862, %max3A_1863 : vector<32xbf16>
        %max3A_1869 = arith.maximumf %max3A_1864, %max3A_1865 : vector<32xbf16>
        %max3A_1870 = arith.maximumf %max3A_1866, %max3A_1867 : vector<32xbf16>
        %max3A_1871 = arith.maximumf %max3A_1868, %max3A_1869 : vector<32xbf16>
        %max3A_1872 = arith.maximumf %max3A_1870, %max3A_1871 : vector<32xbf16>
        %unpack3A_1873 = tpu.unpack_subelements %max3A_1872, 0 {pack_format = #tpu.pack_format<interleaved>} : vector<32xbf16> -> vector<16xf32>
        %unpack3A_1874 = tpu.unpack_subelements %max3A_1872, 1 {pack_format = #tpu.pack_format<interleaved>} : vector<32xbf16> -> vector<16xf32>
        %swap3A_1875 = arith.index_cast %add3A_738 : i32 to index
        %swap3A_1876 = arith.constant 112 : index
        %swap3A_1877 = tpu.vector_load %arg12[%swap3A_1875, %swap3A_1876] {strides = array<i32>} : memref<16x256xf32, #tpu.memory_space<vmem>>, vector<16xf32>,
        tpu.vector_store %arg12[%swap3A_1875, %swap3A_1876], %unpack3A_1873 {strides = array<i32>} : memref<16x256xf32, #tpu.memory_space<vmem>>, vector<16xf32>,
        %swap3A_1878 = arith.index_cast %add3A_738 : i32 to index
        %swap3A_1879 = arith.constant 240 : index
        %swap3A_1880 = tpu.vector_load %arg12[%swap3A_1878, %swap3A_1879] {strides = array<i32>} : memref<16x256xf32, #tpu.memory_space<vmem>>, vector<16xf32>,
        tpu.vector_store %arg12[%swap3A_1878, %swap3A_1879], %unpack3A_1874 {strides = array<i32>} : memref<16x256xf32, #tpu.memory_space<vmem>>, vector<16xf32>,
      }
      %scan3A_697 = arith.constant 16 : i32
      %lt3A_698 = arith.cmpi slt, %div3A_682, %add3A_8 : i32
      %convert_element_type3A_699 = arith.extui %lt3A_698 : i1 to i32
      %cond3A_700 = arith.constant 0 : i32
      %cond3A_701 = arith.cmpi ne, %convert_element_type3A_699, %cond3A_700 : i32
      scf.if %cond3A_701 {
        %rem3A_734 = arith.constant 4 : i32
        %rem3A_735 = arith.remsi %mul3A_355, %rem3A_734 : i32
        %div3A_736 = arith.constant 4 : i32
        %div3A_737 = arith.divsi %mul3A_355, %div3A_736 : i32
        %add3A_738 = arith.addi %add3A_4, %div3A_737 : i32
        %min3A_739 = arith.constant 624 : i32
        %min3A_740 = arith.minsi %add3A_738, %min3A_739 : i32
        %mul3A_741 = arith.constant 10000 : i32
        %mul3A_742 = arith.muli %rem3A_735, %mul3A_741 : i32
        %mul3A_743 = arith.constant 16 : i32
        %mul3A_744 = arith.muli %min3A_740, %mul3A_743 : i32
        %add3A_745 = arith.addi %mul3A_742, %mul3A_744 : i32
        %multiple_of3A = tpu.assume_multiple %add3A_745, 16 : i32
        %dma_start3A_746 = arith.constant 0 : i32
        %dma_start3A_747 = tpu.memref_slice %arg4[%multiple_of3A, %dma_start3A_746] : memref<40000x256xf32, #tpu.memory_space<hbm>> -> memref<16x256xf32, #tpu.memory_space<hbm>>
        %dma_start3A_748 = arith.constant 0 : i32
        %dma_start3A_749 = tpu.memref_slice %arg4[%multiple_of3A, %dma_start3A_748] : memref<40000x256xf32, #tpu.memory_space<hbm>> -> memref<16x256xf32, #tpu.memory_space<hbm>>
        tpu.enqueue_dma source(%arg12 : memref<16x256xf32, #tpu.memory_space<vmem>>) target(%dma_start3A_749 : memref<16x256xf32, #tpu.memory_space<hbm>>) target_semaphore(%arg16 : memref<!tpu.dma_semaphore, #tpu.memory_space<semaphore_mem>>)
      } else {
      }
      %dma_wait3A_702 = arith.constant 0 : i32
      %dma_wait3A_703 = arith.constant 0 : i32
      %dma_wait3A_704 = tpu.memref_slice %arg2[%dma_wait3A_702, %dma_wait3A_703] : memref<40000x128xi32, #tpu.memory_space<hbm>> -> memref<40000x128xi32, #tpu.memory_space<hbm>>
      tpu.wait_indirect_dma semaphore(%arg15 : memref<!tpu.dma_semaphore, #tpu.memory_space<semaphore_mem>>) src(%dma_wait3A_704 : memref<40000x128xi32, #tpu.memory_space<hbm>>) dst(%arg11 : memref<256x128xi32, #tpu.memory_space<vmem>>)
      %lt3A_705 = arith.constant 39 : i32
      %lt3A_706 = arith.cmpi slt, %add3A_353, %lt3A_705 : i32
      %convert_element_type3A_707 = arith.extui %lt3A_706 : i1 to i32
      %cond3A_708 = arith.constant 0 : i32
      %cond3A_709 = arith.cmpi ne, %convert_element_type3A_707, %cond3A_708 : i32
      scf.if %cond3A_709 {
        %add3A_734 = arith.constant 2 : i32
        %add3A_735 = arith.addi %mul3A_355, %add3A_734 : i32
        %rem3A_736 = arith.constant 4 : i32
        %rem3A_737 = arith.remsi %add3A_735, %rem3A_736 : i32
        %div3A_738 = arith.constant 4 : i32
        %div3A_739 = arith.divsi %add3A_735, %div3A_738 : i32
        %add3A_740 = arith.addi %add3A_4, %div3A_739 : i32
        %min3A_741 = arith.constant 624 : i32
        %min3A_742 = arith.minsi %add3A_740, %min3A_741 : i32
        %eq3A_743 = arith.constant 0 : i32
        %eq3A_744 = arith.cmpi eq, %rem3A_737, %eq3A_743 : i32
        %convert_element_type3A_745 = arith.extui %eq3A_744 : i1 to i32
        %cond3A_746 = arith.constant 0 : i32
        %cond3A_747 = arith.cmpi ne, %convert_element_type3A_745, %cond3A_746 : i32
        scf.if %cond3A_747 {
          "tpu.region"() ({
            %run_scoped3A = tpu.sem_alloc : memref<!tpu.dma_semaphore, #tpu.memory_space<semaphore_mem>>
            %dma_start3A_1057 = arith.constant 0 : i32
            %dma_start3A_1058 = tpu.memref_slice %arg3[%min3A_742, %dma_start3A_1057] : memref<625x256xi32, #tpu.memory_space<hbm>> -> memref<1x256xi32, #tpu.memory_space<hbm>>
            %dma_start3A_1059 = tpu.memref_squeeze %dma_start3A_1058 : memref<1x256xi32, #tpu.memory_space<hbm>> -> memref<256xi32, #tpu.memory_space<hbm>>
            %dma_start3A_1060 = arith.constant 0 : i32
            %dma_start3A_1061 = tpu.memref_slice %arg3[%min3A_742, %dma_start3A_1060] : memref<625x256xi32, #tpu.memory_space<hbm>> -> memref<1x256xi32, #tpu.memory_space<hbm>>
            %dma_start3A_1062 = tpu.memref_squeeze %dma_start3A_1061 : memref<1x256xi32, #tpu.memory_space<hbm>> -> memref<256xi32, #tpu.memory_space<hbm>>
            tpu.enqueue_dma source(%dma_start3A_1062 : memref<256xi32, #tpu.memory_space<hbm>>) target(%arg5 : memref<256xi32, #tpu.memory_space<vmem>>) target_semaphore(%run_scoped3A : memref<!tpu.dma_semaphore, #tpu.memory_space<semaphore_mem>>)
            %dma_wait3A_1063 = arith.constant 0 : i32
            %dma_wait3A_1064 = tpu.memref_slice %arg3[%min3A_742, %dma_wait3A_1063] : memref<625x256xi32, #tpu.memory_space<hbm>> -> memref<1x256xi32, #tpu.memory_space<hbm>>
            %dma_wait3A_1065 = tpu.memref_squeeze %dma_wait3A_1064 : memref<1x256xi32, #tpu.memory_space<hbm>> -> memref<256xi32, #tpu.memory_space<hbm>>
            %dma_wait3A_1066 = arith.constant 0 : i32
            %dma_wait3A_1067 = tpu.memref_slice %arg3[%min3A_742, %dma_wait3A_1066] : memref<625x256xi32, #tpu.memory_space<hbm>> -> memref<1x256xi32, #tpu.memory_space<hbm>>
            %dma_wait3A_1068 = tpu.memref_squeeze %dma_wait3A_1067 : memref<1x256xi32, #tpu.memory_space<hbm>> -> memref<256xi32, #tpu.memory_space<hbm>>
            tpu.wait_dma2 semaphore(%run_scoped3A : memref<!tpu.dma_semaphore, #tpu.memory_space<semaphore_mem>>) src(%dma_wait3A_1068 : memref<256xi32, #tpu.memory_space<hbm>>) dst(%arg5 : memref<256xi32, #tpu.memory_space<vmem>>)
            tpu.yield
          }) : () -> ()
        } else {
        }
        %mul3A_748 = arith.constant 10000 : i32
        %mul3A_749 = arith.muli %rem3A_737, %mul3A_748 : i32
        %get3A_750 = arith.constant 0 : index
        %get3A_751 = tpu.vector_load %arg5[%get3A_750] {strides = array<i32>} : memref<256xi32, #tpu.memory_space<vmem>>, vector<16xi32>,
        %ge3A_752 = arith.constant 0 : i32
        %ge3A_753 = vector.broadcast %ge3A_752 : i32 to vector<16xi32>
        %ge3A_754 = arith.cmpi sge, %get3A_751, %ge3A_753 : vector<16xi32>
        %add3A_755 = vector.broadcast %mul3A_749 : i32 to vector<16xi32>
        %add3A_756 = arith.addi %get3A_751, %add3A_755 : vector<16xi32>
        %broadcast_in_dim3A_757 = arith.constant 0 : i32
        %broadcast_in_dim3A_758 = vector.broadcast %broadcast_in_dim3A_757 : i32 to vector<16xi32>
        %select_n3A_759 = arith.select %ge3A_754, %add3A_756, %broadcast_in_dim3A_758 : vector<16xi1>, vector<16xi32>
        %swap3A_760 = arith.constant 0 : index
        %swap3A_761 = tpu.vector_load %arg8[%swap3A_760] {strides = array<i32>} : memref<256xi32, #tpu.memory_space<vmem>>, vector<16xi32>,
        tpu.vector_store %arg8[%swap3A_760], %select_n3A_759 {strides = array<i32>} : memref<256xi32, #tpu.memory_space<vmem>>, vector<16xi32>,
        %broadcast_in_dim3A_762 = arith.constant -1 : i32
        %broadcast_in_dim3A_763 = vector.broadcast %broadcast_in_dim3A_762 : i32 to vector<16xi32>
        %broadcast_in_dim3A_764 = arith.constant 0 : i32
        %broadcast_in_dim3A_765 = vector.broadcast %broadcast_in_dim3A_764 : i32 to vector<16xi32>
        %select_n3A_766 = arith.select %ge3A_754, %broadcast_in_dim3A_763, %broadcast_in_dim3A_765 : vector<16xi1>, vector<16xi32>
        %swap3A_767 = arith.constant 0 : index
        %swap3A_768 = tpu.vector_load %arg6[%swap3A_767] {strides = array<i32>} : memref<256xi32, #tpu.memory_space<vmem>>, vector<16xi32>,
        tpu.vector_store %arg6[%swap3A_767], %select_n3A_766 {strides = array<i32>} : memref<256xi32, #tpu.memory_space<vmem>>, vector<16xi32>,
        %get3A_769 = arith.constant 16 : index
        %get3A_770 = tpu.vector_load %arg5[%get3A_769] {strides = array<i32>} : memref<256xi32, #tpu.memory_space<vmem>>, vector<16xi32>,
        %ge3A_771 = arith.constant 0 : i32
        %ge3A_772 = vector.broadcast %ge3A_771 : i32 to vector<16xi32>
        %ge3A_773 = arith.cmpi sge, %get3A_770, %ge3A_772 : vector<16xi32>
        %add3A_774 = vector.broadcast %mul3A_749 : i32 to vector<16xi32>
        %add3A_775 = arith.addi %get3A_770, %add3A_774 : vector<16xi32>
        %broadcast_in_dim3A_776 = arith.constant 0 : i32
        %broadcast_in_dim3A_777 = vector.broadcast %broadcast_in_dim3A_776 : i32 to vector<16xi32>
        %select_n3A_778 = arith.select %ge3A_773, %add3A_775, %broadcast_in_dim3A_777 : vector<16xi1>, vector<16xi32>
        %swap3A_779 = arith.constant 16 : index
        %swap3A_780 = tpu.vector_load %arg8[%swap3A_779] {strides = array<i32>} : memref<256xi32, #tpu.memory_space<vmem>>, vector<16xi32>,
        tpu.vector_store %arg8[%swap3A_779], %select_n3A_778 {strides = array<i32>} : memref<256xi32, #tpu.memory_space<vmem>>, vector<16xi32>,
        %broadcast_in_dim3A_781 = arith.constant -1 : i32
        %broadcast_in_dim3A_782 = vector.broadcast %broadcast_in_dim3A_781 : i32 to vector<16xi32>
        %broadcast_in_dim3A_783 = arith.constant 0 : i32
        %broadcast_in_dim3A_784 = vector.broadcast %broadcast_in_dim3A_783 : i32 to vector<16xi32>
        %select_n3A_785 = arith.select %ge3A_773, %broadcast_in_dim3A_782, %broadcast_in_dim3A_784 : vector<16xi1>, vector<16xi32>
        %swap3A_786 = arith.constant 16 : index
        %swap3A_787 = tpu.vector_load %arg6[%swap3A_786] {strides = array<i32>} : memref<256xi32, #tpu.memory_space<vmem>>, vector<16xi32>,
        tpu.vector_store %arg6[%swap3A_786], %select_n3A_785 {strides = array<i32>} : memref<256xi32, #tpu.memory_space<vmem>>, vector<16xi32>,
        %get3A_788 = arith.constant 32 : index
        %get3A_789 = tpu.vector_load %arg5[%get3A_788] {strides = array<i32>} : memref<256xi32, #tpu.memory_space<vmem>>, vector<16xi32>,
        %ge3A_790 = arith.constant 0 : i32
        %ge3A_791 = vector.broadcast %ge3A_790 : i32 to vector<16xi32>
        %ge3A_792 = arith.cmpi sge, %get3A_789, %ge3A_791 : vector<16xi32>
        %add3A_793 = vector.broadcast %mul3A_749 : i32 to vector<16xi32>
        %add3A_794 = arith.addi %get3A_789, %add3A_793 : vector<16xi32>
        %broadcast_in_dim3A_795 = arith.constant 0 : i32
        %broadcast_in_dim3A_796 = vector.broadcast %broadcast_in_dim3A_795 : i32 to vector<16xi32>
        %select_n3A_797 = arith.select %ge3A_792, %add3A_794, %broadcast_in_dim3A_796 : vector<16xi1>, vector<16xi32>
        %swap3A_798 = arith.constant 32 : index
        %swap3A_799 = tpu.vector_load %arg8[%swap3A_798] {strides = array<i32>} : memref<256xi32, #tpu.memory_space<vmem>>, vector<16xi32>,
        tpu.vector_store %arg8[%swap3A_798], %select_n3A_797 {strides = array<i32>} : memref<256xi32, #tpu.memory_space<vmem>>, vector<16xi32>,
        %broadcast_in_dim3A_800 = arith.constant -1 : i32
        %broadcast_in_dim3A_801 = vector.broadcast %broadcast_in_dim3A_800 : i32 to vector<16xi32>
        %broadcast_in_dim3A_802 = arith.constant 0 : i32
        %broadcast_in_dim3A_803 = vector.broadcast %broadcast_in_dim3A_802 : i32 to vector<16xi32>
        %select_n3A_804 = arith.select %ge3A_792, %broadcast_in_dim3A_801, %broadcast_in_dim3A_803 : vector<16xi1>, vector<16xi32>
        %swap3A_805 = arith.constant 32 : index
        %swap3A_806 = tpu.vector_load %arg6[%swap3A_805] {strides = array<i32>} : memref<256xi32, #tpu.memory_space<vmem>>, vector<16xi32>,
        tpu.vector_store %arg6[%swap3A_805], %select_n3A_804 {strides = array<i32>} : memref<256xi32, #tpu.memory_space<vmem>>, vector<16xi32>,
        %get3A_807 = arith.constant 48 : index
        %get3A_808 = tpu.vector_load %arg5[%get3A_807] {strides = array<i32>} : memref<256xi32, #tpu.memory_space<vmem>>, vector<16xi32>,
        %ge3A_809 = arith.constant 0 : i32
        %ge3A_810 = vector.broadcast %ge3A_809 : i32 to vector<16xi32>
        %ge3A_811 = arith.cmpi sge, %get3A_808, %ge3A_810 : vector<16xi32>
        %add3A_812 = vector.broadcast %mul3A_749 : i32 to vector<16xi32>
        %add3A_813 = arith.addi %get3A_808, %add3A_812 : vector<16xi32>
        %broadcast_in_dim3A_814 = arith.constant 0 : i32
        %broadcast_in_dim3A_815 = vector.broadcast %broadcast_in_dim3A_814 : i32 to vector<16xi32>
        %select_n3A_816 = arith.select %ge3A_811, %add3A_813, %broadcast_in_dim3A_815 : vector<16xi1>, vector<16xi32>
        %swap3A_817 = arith.constant 48 : index
        %swap3A_818 = tpu.vector_load %arg8[%swap3A_817] {strides = array<i32>} : memref<256xi32, #tpu.memory_space<vmem>>, vector<16xi32>,
        tpu.vector_store %arg8[%swap3A_817], %select_n3A_816 {strides = array<i32>} : memref<256xi32, #tpu.memory_space<vmem>>, vector<16xi32>,
        %broadcast_in_dim3A_819 = arith.constant -1 : i32
        %broadcast_in_dim3A_820 = vector.broadcast %broadcast_in_dim3A_819 : i32 to vector<16xi32>
        %broadcast_in_dim3A_821 = arith.constant 0 : i32
        %broadcast_in_dim3A_822 = vector.broadcast %broadcast_in_dim3A_821 : i32 to vector<16xi32>
        %select_n3A_823 = arith.select %ge3A_811, %broadcast_in_dim3A_820, %broadcast_in_dim3A_822 : vector<16xi1>, vector<16xi32>
        %swap3A_824 = arith.constant 48 : index
        %swap3A_825 = tpu.vector_load %arg6[%swap3A_824] {strides = array<i32>} : memref<256xi32, #tpu.memory_space<vmem>>, vector<16xi32>,
        tpu.vector_store %arg6[%swap3A_824], %select_n3A_823 {strides = array<i32>} : memref<256xi32, #tpu.memory_space<vmem>>, vector<16xi32>,
        %get3A_826 = arith.constant 64 : index
        %get3A_827 = tpu.vector_load %arg5[%get3A_826] {strides = array<i32>} : memref<256xi32, #tpu.memory_space<vmem>>, vector<16xi32>,
        %ge3A_828 = arith.constant 0 : i32
        %ge3A_829 = vector.broadcast %ge3A_828 : i32 to vector<16xi32>
        %ge3A_830 = arith.cmpi sge, %get3A_827, %ge3A_829 : vector<16xi32>
        %add3A_831 = vector.broadcast %mul3A_749 : i32 to vector<16xi32>
        %add3A_832 = arith.addi %get3A_827, %add3A_831 : vector<16xi32>
        %broadcast_in_dim3A_833 = arith.constant 0 : i32
        %broadcast_in_dim3A_834 = vector.broadcast %broadcast_in_dim3A_833 : i32 to vector<16xi32>
        %select_n3A_835 = arith.select %ge3A_830, %add3A_832, %broadcast_in_dim3A_834 : vector<16xi1>, vector<16xi32>
        %swap3A_836 = arith.constant 64 : index
        %swap3A_837 = tpu.vector_load %arg8[%swap3A_836] {strides = array<i32>} : memref<256xi32, #tpu.memory_space<vmem>>, vector<16xi32>,
        tpu.vector_store %arg8[%swap3A_836], %select_n3A_835 {strides = array<i32>} : memref<256xi32, #tpu.memory_space<vmem>>, vector<16xi32>,
        %broadcast_in_dim3A_838 = arith.constant -1 : i32
        %broadcast_in_dim3A_839 = vector.broadcast %broadcast_in_dim3A_838 : i32 to vector<16xi32>
        %broadcast_in_dim3A_840 = arith.constant 0 : i32
        %broadcast_in_dim3A_841 = vector.broadcast %broadcast_in_dim3A_840 : i32 to vector<16xi32>
        %select_n3A_842 = arith.select %ge3A_830, %broadcast_in_dim3A_839, %broadcast_in_dim3A_841 : vector<16xi1>, vector<16xi32>
        %swap3A_843 = arith.constant 64 : index
        %swap3A_844 = tpu.vector_load %arg6[%swap3A_843] {strides = array<i32>} : memref<256xi32, #tpu.memory_space<vmem>>, vector<16xi32>,
        tpu.vector_store %arg6[%swap3A_843], %select_n3A_842 {strides = array<i32>} : memref<256xi32, #tpu.memory_space<vmem>>, vector<16xi32>,
        %get3A_845 = arith.constant 80 : index
        %get3A_846 = tpu.vector_load %arg5[%get3A_845] {strides = array<i32>} : memref<256xi32, #tpu.memory_space<vmem>>, vector<16xi32>,
        %ge3A_847 = arith.constant 0 : i32
        %ge3A_848 = vector.broadcast %ge3A_847 : i32 to vector<16xi32>
        %ge3A_849 = arith.cmpi sge, %get3A_846, %ge3A_848 : vector<16xi32>
        %add3A_850 = vector.broadcast %mul3A_749 : i32 to vector<16xi32>
        %add3A_851 = arith.addi %get3A_846, %add3A_850 : vector<16xi32>
        %broadcast_in_dim3A_852 = arith.constant 0 : i32
        %broadcast_in_dim3A_853 = vector.broadcast %broadcast_in_dim3A_852 : i32 to vector<16xi32>
        %select_n3A_854 = arith.select %ge3A_849, %add3A_851, %broadcast_in_dim3A_853 : vector<16xi1>, vector<16xi32>
        %swap3A_855 = arith.constant 80 : index
        %swap3A_856 = tpu.vector_load %arg8[%swap3A_855] {strides = array<i32>} : memref<256xi32, #tpu.memory_space<vmem>>, vector<16xi32>,
        tpu.vector_store %arg8[%swap3A_855], %select_n3A_854 {strides = array<i32>} : memref<256xi32, #tpu.memory_space<vmem>>, vector<16xi32>,
        %broadcast_in_dim3A_857 = arith.constant -1 : i32
        %broadcast_in_dim3A_858 = vector.broadcast %broadcast_in_dim3A_857 : i32 to vector<16xi32>
        %broadcast_in_dim3A_859 = arith.constant 0 : i32
        %broadcast_in_dim3A_860 = vector.broadcast %broadcast_in_dim3A_859 : i32 to vector<16xi32>
        %select_n3A_861 = arith.select %ge3A_849, %broadcast_in_dim3A_858, %broadcast_in_dim3A_860 : vector<16xi1>, vector<16xi32>
        %swap3A_862 = arith.constant 80 : index
        %swap3A_863 = tpu.vector_load %arg6[%swap3A_862] {strides = array<i32>} : memref<256xi32, #tpu.memory_space<vmem>>, vector<16xi32>,
        tpu.vector_store %arg6[%swap3A_862], %select_n3A_861 {strides = array<i32>} : memref<256xi32, #tpu.memory_space<vmem>>, vector<16xi32>,
        %get3A_864 = arith.constant 96 : index
        %get3A_865 = tpu.vector_load %arg5[%get3A_864] {strides = array<i32>} : memref<256xi32, #tpu.memory_space<vmem>>, vector<16xi32>,
        %ge3A_866 = arith.constant 0 : i32
        %ge3A_867 = vector.broadcast %ge3A_866 : i32 to vector<16xi32>
        %ge3A_868 = arith.cmpi sge, %get3A_865, %ge3A_867 : vector<16xi32>
        %add3A_869 = vector.broadcast %mul3A_749 : i32 to vector<16xi32>
        %add3A_870 = arith.addi %get3A_865, %add3A_869 : vector<16xi32>
        %broadcast_in_dim3A_871 = arith.constant 0 : i32
        %broadcast_in_dim3A_872 = vector.broadcast %broadcast_in_dim3A_871 : i32 to vector<16xi32>
        %select_n3A_873 = arith.select %ge3A_868, %add3A_870, %broadcast_in_dim3A_872 : vector<16xi1>, vector<16xi32>
        %swap3A_874 = arith.constant 96 : index
        %swap3A_875 = tpu.vector_load %arg8[%swap3A_874] {strides = array<i32>} : memref<256xi32, #tpu.memory_space<vmem>>, vector<16xi32>,
        tpu.vector_store %arg8[%swap3A_874], %select_n3A_873 {strides = array<i32>} : memref<256xi32, #tpu.memory_space<vmem>>, vector<16xi32>,
        %broadcast_in_dim3A_876 = arith.constant -1 : i32
        %broadcast_in_dim3A_877 = vector.broadcast %broadcast_in_dim3A_876 : i32 to vector<16xi32>
        %broadcast_in_dim3A_878 = arith.constant 0 : i32
        %broadcast_in_dim3A_879 = vector.broadcast %broadcast_in_dim3A_878 : i32 to vector<16xi32>
        %select_n3A_880 = arith.select %ge3A_868, %broadcast_in_dim3A_877, %broadcast_in_dim3A_879 : vector<16xi1>, vector<16xi32>
        %swap3A_881 = arith.constant 96 : index
        %swap3A_882 = tpu.vector_load %arg6[%swap3A_881] {strides = array<i32>} : memref<256xi32, #tpu.memory_space<vmem>>, vector<16xi32>,
        tpu.vector_store %arg6[%swap3A_881], %select_n3A_880 {strides = array<i32>} : memref<256xi32, #tpu.memory_space<vmem>>, vector<16xi32>,
        %get3A_883 = arith.constant 112 : index
        %get3A_884 = tpu.vector_load %arg5[%get3A_883] {strides = array<i32>} : memref<256xi32, #tpu.memory_space<vmem>>, vector<16xi32>,
        %ge3A_885 = arith.constant 0 : i32
        %ge3A_886 = vector.broadcast %ge3A_885 : i32 to vector<16xi32>
        %ge3A_887 = arith.cmpi sge, %get3A_884, %ge3A_886 : vector<16xi32>
        %add3A_888 = vector.broadcast %mul3A_749 : i32 to vector<16xi32>
        %add3A_889 = arith.addi %get3A_884, %add3A_888 : vector<16xi32>
        %broadcast_in_dim3A_890 = arith.constant 0 : i32
        %broadcast_in_dim3A_891 = vector.broadcast %broadcast_in_dim3A_890 : i32 to vector<16xi32>
        %select_n3A_892 = arith.select %ge3A_887, %add3A_889, %broadcast_in_dim3A_891 : vector<16xi1>, vector<16xi32>
        %swap3A_893 = arith.constant 112 : index
        %swap3A_894 = tpu.vector_load %arg8[%swap3A_893] {strides = array<i32>} : memref<256xi32, #tpu.memory_space<vmem>>, vector<16xi32>,
        tpu.vector_store %arg8[%swap3A_893], %select_n3A_892 {strides = array<i32>} : memref<256xi32, #tpu.memory_space<vmem>>, vector<16xi32>,
        %broadcast_in_dim3A_895 = arith.constant -1 : i32
        %broadcast_in_dim3A_896 = vector.broadcast %broadcast_in_dim3A_895 : i32 to vector<16xi32>
        %broadcast_in_dim3A_897 = arith.constant 0 : i32
        %broadcast_in_dim3A_898 = vector.broadcast %broadcast_in_dim3A_897 : i32 to vector<16xi32>
        %select_n3A_899 = arith.select %ge3A_887, %broadcast_in_dim3A_896, %broadcast_in_dim3A_898 : vector<16xi1>, vector<16xi32>
        %swap3A_900 = arith.constant 112 : index
        %swap3A_901 = tpu.vector_load %arg6[%swap3A_900] {strides = array<i32>} : memref<256xi32, #tpu.memory_space<vmem>>, vector<16xi32>,
        tpu.vector_store %arg6[%swap3A_900], %select_n3A_899 {strides = array<i32>} : memref<256xi32, #tpu.memory_space<vmem>>, vector<16xi32>,
        %get3A_902 = arith.constant 128 : index
        %get3A_903 = tpu.vector_load %arg5[%get3A_902] {strides = array<i32>} : memref<256xi32, #tpu.memory_space<vmem>>, vector<16xi32>,
        %ge3A_904 = arith.constant 0 : i32
        %ge3A_905 = vector.broadcast %ge3A_904 : i32 to vector<16xi32>
        %ge3A_906 = arith.cmpi sge, %get3A_903, %ge3A_905 : vector<16xi32>
        %add3A_907 = vector.broadcast %mul3A_749 : i32 to vector<16xi32>
        %add3A_908 = arith.addi %get3A_903, %add3A_907 : vector<16xi32>
        %broadcast_in_dim3A_909 = arith.constant 0 : i32
        %broadcast_in_dim3A_910 = vector.broadcast %broadcast_in_dim3A_909 : i32 to vector<16xi32>
        %select_n3A_911 = arith.select %ge3A_906, %add3A_908, %broadcast_in_dim3A_910 : vector<16xi1>, vector<16xi32>
        %swap3A_912 = arith.constant 128 : index
        %swap3A_913 = tpu.vector_load %arg8[%swap3A_912] {strides = array<i32>} : memref<256xi32, #tpu.memory_space<vmem>>, vector<16xi32>,
        tpu.vector_store %arg8[%swap3A_912], %select_n3A_911 {strides = array<i32>} : memref<256xi32, #tpu.memory_space<vmem>>, vector<16xi32>,
        %broadcast_in_dim3A_914 = arith.constant -1 : i32
        %broadcast_in_dim3A_915 = vector.broadcast %broadcast_in_dim3A_914 : i32 to vector<16xi32>
        %broadcast_in_dim3A_916 = arith.constant 0 : i32
        %broadcast_in_dim3A_917 = vector.broadcast %broadcast_in_dim3A_916 : i32 to vector<16xi32>
        %select_n3A_918 = arith.select %ge3A_906, %broadcast_in_dim3A_915, %broadcast_in_dim3A_917 : vector<16xi1>, vector<16xi32>
        %swap3A_919 = arith.constant 128 : index
        %swap3A_920 = tpu.vector_load %arg6[%swap3A_919] {strides = array<i32>} : memref<256xi32, #tpu.memory_space<vmem>>, vector<16xi32>,
        tpu.vector_store %arg6[%swap3A_919], %select_n3A_918 {strides = array<i32>} : memref<256xi32, #tpu.memory_space<vmem>>, vector<16xi32>,
        %get3A_921 = arith.constant 144 : index
        %get3A_922 = tpu.vector_load %arg5[%get3A_921] {strides = array<i32>} : memref<256xi32, #tpu.memory_space<vmem>>, vector<16xi32>,
        %ge3A_923 = arith.constant 0 : i32
        %ge3A_924 = vector.broadcast %ge3A_923 : i32 to vector<16xi32>
        %ge3A_925 = arith.cmpi sge, %get3A_922, %ge3A_924 : vector<16xi32>
        %add3A_926 = vector.broadcast %mul3A_749 : i32 to vector<16xi32>
        %add3A_927 = arith.addi %get3A_922, %add3A_926 : vector<16xi32>
        %broadcast_in_dim3A_928 = arith.constant 0 : i32
        %broadcast_in_dim3A_929 = vector.broadcast %broadcast_in_dim3A_928 : i32 to vector<16xi32>
        %select_n3A_930 = arith.select %ge3A_925, %add3A_927, %broadcast_in_dim3A_929 : vector<16xi1>, vector<16xi32>
        %swap3A_931 = arith.constant 144 : index
        %swap3A_932 = tpu.vector_load %arg8[%swap3A_931] {strides = array<i32>} : memref<256xi32, #tpu.memory_space<vmem>>, vector<16xi32>,
        tpu.vector_store %arg8[%swap3A_931], %select_n3A_930 {strides = array<i32>} : memref<256xi32, #tpu.memory_space<vmem>>, vector<16xi32>,
        %broadcast_in_dim3A_933 = arith.constant -1 : i32
        %broadcast_in_dim3A_934 = vector.broadcast %broadcast_in_dim3A_933 : i32 to vector<16xi32>
        %broadcast_in_dim3A_935 = arith.constant 0 : i32
        %broadcast_in_dim3A_936 = vector.broadcast %broadcast_in_dim3A_935 : i32 to vector<16xi32>
        %select_n3A_937 = arith.select %ge3A_925, %broadcast_in_dim3A_934, %broadcast_in_dim3A_936 : vector<16xi1>, vector<16xi32>
        %swap3A_938 = arith.constant 144 : index
        %swap3A_939 = tpu.vector_load %arg6[%swap3A_938] {strides = array<i32>} : memref<256xi32, #tpu.memory_space<vmem>>, vector<16xi32>,
        tpu.vector_store %arg6[%swap3A_938], %select_n3A_937 {strides = array<i32>} : memref<256xi32, #tpu.memory_space<vmem>>, vector<16xi32>,
        %get3A_940 = arith.constant 160 : index
        %get3A_941 = tpu.vector_load %arg5[%get3A_940] {strides = array<i32>} : memref<256xi32, #tpu.memory_space<vmem>>, vector<16xi32>,
        %ge3A_942 = arith.constant 0 : i32
        %ge3A_943 = vector.broadcast %ge3A_942 : i32 to vector<16xi32>
        %ge3A_944 = arith.cmpi sge, %get3A_941, %ge3A_943 : vector<16xi32>
        %add3A_945 = vector.broadcast %mul3A_749 : i32 to vector<16xi32>
        %add3A_946 = arith.addi %get3A_941, %add3A_945 : vector<16xi32>
        %broadcast_in_dim3A_947 = arith.constant 0 : i32
        %broadcast_in_dim3A_948 = vector.broadcast %broadcast_in_dim3A_947 : i32 to vector<16xi32>
        %select_n3A_949 = arith.select %ge3A_944, %add3A_946, %broadcast_in_dim3A_948 : vector<16xi1>, vector<16xi32>
        %swap3A_950 = arith.constant 160 : index
        %swap3A_951 = tpu.vector_load %arg8[%swap3A_950] {strides = array<i32>} : memref<256xi32, #tpu.memory_space<vmem>>, vector<16xi32>,
        tpu.vector_store %arg8[%swap3A_950], %select_n3A_949 {strides = array<i32>} : memref<256xi32, #tpu.memory_space<vmem>>, vector<16xi32>,
        %broadcast_in_dim3A_952 = arith.constant -1 : i32
        %broadcast_in_dim3A_953 = vector.broadcast %broadcast_in_dim3A_952 : i32 to vector<16xi32>
        %broadcast_in_dim3A_954 = arith.constant 0 : i32
        %broadcast_in_dim3A_955 = vector.broadcast %broadcast_in_dim3A_954 : i32 to vector<16xi32>
        %select_n3A_956 = arith.select %ge3A_944, %broadcast_in_dim3A_953, %broadcast_in_dim3A_955 : vector<16xi1>, vector<16xi32>
        %swap3A_957 = arith.constant 160 : index
        %swap3A_958 = tpu.vector_load %arg6[%swap3A_957] {strides = array<i32>} : memref<256xi32, #tpu.memory_space<vmem>>, vector<16xi32>,
        tpu.vector_store %arg6[%swap3A_957], %select_n3A_956 {strides = array<i32>} : memref<256xi32, #tpu.memory_space<vmem>>, vector<16xi32>,
        %get3A_959 = arith.constant 176 : index
        %get3A_960 = tpu.vector_load %arg5[%get3A_959] {strides = array<i32>} : memref<256xi32, #tpu.memory_space<vmem>>, vector<16xi32>,
        %ge3A_961 = arith.constant 0 : i32
        %ge3A_962 = vector.broadcast %ge3A_961 : i32 to vector<16xi32>
        %ge3A_963 = arith.cmpi sge, %get3A_960, %ge3A_962 : vector<16xi32>
        %add3A_964 = vector.broadcast %mul3A_749 : i32 to vector<16xi32>
        %add3A_965 = arith.addi %get3A_960, %add3A_964 : vector<16xi32>
        %broadcast_in_dim3A_966 = arith.constant 0 : i32
        %broadcast_in_dim3A_967 = vector.broadcast %broadcast_in_dim3A_966 : i32 to vector<16xi32>
        %select_n3A_968 = arith.select %ge3A_963, %add3A_965, %broadcast_in_dim3A_967 : vector<16xi1>, vector<16xi32>
        %swap3A_969 = arith.constant 176 : index
        %swap3A_970 = tpu.vector_load %arg8[%swap3A_969] {strides = array<i32>} : memref<256xi32, #tpu.memory_space<vmem>>, vector<16xi32>,
        tpu.vector_store %arg8[%swap3A_969], %select_n3A_968 {strides = array<i32>} : memref<256xi32, #tpu.memory_space<vmem>>, vector<16xi32>,
        %broadcast_in_dim3A_971 = arith.constant -1 : i32
        %broadcast_in_dim3A_972 = vector.broadcast %broadcast_in_dim3A_971 : i32 to vector<16xi32>
        %broadcast_in_dim3A_973 = arith.constant 0 : i32
        %broadcast_in_dim3A_974 = vector.broadcast %broadcast_in_dim3A_973 : i32 to vector<16xi32>
        %select_n3A_975 = arith.select %ge3A_963, %broadcast_in_dim3A_972, %broadcast_in_dim3A_974 : vector<16xi1>, vector<16xi32>
        %swap3A_976 = arith.constant 176 : index
        %swap3A_977 = tpu.vector_load %arg6[%swap3A_976] {strides = array<i32>} : memref<256xi32, #tpu.memory_space<vmem>>, vector<16xi32>,
        tpu.vector_store %arg6[%swap3A_976], %select_n3A_975 {strides = array<i32>} : memref<256xi32, #tpu.memory_space<vmem>>, vector<16xi32>,
        %get3A_978 = arith.constant 192 : index
        %get3A_979 = tpu.vector_load %arg5[%get3A_978] {strides = array<i32>} : memref<256xi32, #tpu.memory_space<vmem>>, vector<16xi32>,
        %ge3A_980 = arith.constant 0 : i32
        %ge3A_981 = vector.broadcast %ge3A_980 : i32 to vector<16xi32>
        %ge3A_982 = arith.cmpi sge, %get3A_979, %ge3A_981 : vector<16xi32>
        %add3A_983 = vector.broadcast %mul3A_749 : i32 to vector<16xi32>
        %add3A_984 = arith.addi %get3A_979, %add3A_983 : vector<16xi32>
        %broadcast_in_dim3A_985 = arith.constant 0 : i32
        %broadcast_in_dim3A_986 = vector.broadcast %broadcast_in_dim3A_985 : i32 to vector<16xi32>
        %select_n3A_987 = arith.select %ge3A_982, %add3A_984, %broadcast_in_dim3A_986 : vector<16xi1>, vector<16xi32>
        %swap3A_988 = arith.constant 192 : index
        %swap3A_989 = tpu.vector_load %arg8[%swap3A_988] {strides = array<i32>} : memref<256xi32, #tpu.memory_space<vmem>>, vector<16xi32>,
        tpu.vector_store %arg8[%swap3A_988], %select_n3A_987 {strides = array<i32>} : memref<256xi32, #tpu.memory_space<vmem>>, vector<16xi32>,
        %broadcast_in_dim3A_990 = arith.constant -1 : i32
        %broadcast_in_dim3A_991 = vector.broadcast %broadcast_in_dim3A_990 : i32 to vector<16xi32>
        %broadcast_in_dim3A_992 = arith.constant 0 : i32
        %broadcast_in_dim3A_993 = vector.broadcast %broadcast_in_dim3A_992 : i32 to vector<16xi32>
        %select_n3A_994 = arith.select %ge3A_982, %broadcast_in_dim3A_991, %broadcast_in_dim3A_993 : vector<16xi1>, vector<16xi32>
        %swap3A_995 = arith.constant 192 : index
        %swap3A_996 = tpu.vector_load %arg6[%swap3A_995] {strides = array<i32>} : memref<256xi32, #tpu.memory_space<vmem>>, vector<16xi32>,
        tpu.vector_store %arg6[%swap3A_995], %select_n3A_994 {strides = array<i32>} : memref<256xi32, #tpu.memory_space<vmem>>, vector<16xi32>,
        %get3A_997 = arith.constant 208 : index
        %get3A_998 = tpu.vector_load %arg5[%get3A_997] {strides = array<i32>} : memref<256xi32, #tpu.memory_space<vmem>>, vector<16xi32>,
        %ge3A_999 = arith.constant 0 : i32
        %ge3A_1000 = vector.broadcast %ge3A_999 : i32 to vector<16xi32>
        %ge3A_1001 = arith.cmpi sge, %get3A_998, %ge3A_1000 : vector<16xi32>
        %add3A_1002 = vector.broadcast %mul3A_749 : i32 to vector<16xi32>
        %add3A_1003 = arith.addi %get3A_998, %add3A_1002 : vector<16xi32>
        %broadcast_in_dim3A_1004 = arith.constant 0 : i32
        %broadcast_in_dim3A_1005 = vector.broadcast %broadcast_in_dim3A_1004 : i32 to vector<16xi32>
        %select_n3A_1006 = arith.select %ge3A_1001, %add3A_1003, %broadcast_in_dim3A_1005 : vector<16xi1>, vector<16xi32>
        %swap3A_1007 = arith.constant 208 : index
        %swap3A_1008 = tpu.vector_load %arg8[%swap3A_1007] {strides = array<i32>} : memref<256xi32, #tpu.memory_space<vmem>>, vector<16xi32>,
        tpu.vector_store %arg8[%swap3A_1007], %select_n3A_1006 {strides = array<i32>} : memref<256xi32, #tpu.memory_space<vmem>>, vector<16xi32>,
        %broadcast_in_dim3A_1009 = arith.constant -1 : i32
        %broadcast_in_dim3A_1010 = vector.broadcast %broadcast_in_dim3A_1009 : i32 to vector<16xi32>
        %broadcast_in_dim3A_1011 = arith.constant 0 : i32
        %broadcast_in_dim3A_1012 = vector.broadcast %broadcast_in_dim3A_1011 : i32 to vector<16xi32>
        %select_n3A_1013 = arith.select %ge3A_1001, %broadcast_in_dim3A_1010, %broadcast_in_dim3A_1012 : vector<16xi1>, vector<16xi32>
        %swap3A_1014 = arith.constant 208 : index
        %swap3A_1015 = tpu.vector_load %arg6[%swap3A_1014] {strides = array<i32>} : memref<256xi32, #tpu.memory_space<vmem>>, vector<16xi32>,
        tpu.vector_store %arg6[%swap3A_1014], %select_n3A_1013 {strides = array<i32>} : memref<256xi32, #tpu.memory_space<vmem>>, vector<16xi32>,
        %get3A_1016 = arith.constant 224 : index
        %get3A_1017 = tpu.vector_load %arg5[%get3A_1016] {strides = array<i32>} : memref<256xi32, #tpu.memory_space<vmem>>, vector<16xi32>,
        %ge3A_1018 = arith.constant 0 : i32
        %ge3A_1019 = vector.broadcast %ge3A_1018 : i32 to vector<16xi32>
        %ge3A_1020 = arith.cmpi sge, %get3A_1017, %ge3A_1019 : vector<16xi32>
        %add3A_1021 = vector.broadcast %mul3A_749 : i32 to vector<16xi32>
        %add3A_1022 = arith.addi %get3A_1017, %add3A_1021 : vector<16xi32>
        %broadcast_in_dim3A_1023 = arith.constant 0 : i32
        %broadcast_in_dim3A_1024 = vector.broadcast %broadcast_in_dim3A_1023 : i32 to vector<16xi32>
        %select_n3A_1025 = arith.select %ge3A_1020, %add3A_1022, %broadcast_in_dim3A_1024 : vector<16xi1>, vector<16xi32>
        %swap3A_1026 = arith.constant 224 : index
        %swap3A_1027 = tpu.vector_load %arg8[%swap3A_1026] {strides = array<i32>} : memref<256xi32, #tpu.memory_space<vmem>>, vector<16xi32>,
        tpu.vector_store %arg8[%swap3A_1026], %select_n3A_1025 {strides = array<i32>} : memref<256xi32, #tpu.memory_space<vmem>>, vector<16xi32>,
        %broadcast_in_dim3A_1028 = arith.constant -1 : i32
        %broadcast_in_dim3A_1029 = vector.broadcast %broadcast_in_dim3A_1028 : i32 to vector<16xi32>
        %broadcast_in_dim3A_1030 = arith.constant 0 : i32
        %broadcast_in_dim3A_1031 = vector.broadcast %broadcast_in_dim3A_1030 : i32 to vector<16xi32>
        %select_n3A_1032 = arith.select %ge3A_1020, %broadcast_in_dim3A_1029, %broadcast_in_dim3A_1031 : vector<16xi1>, vector<16xi32>
        %swap3A_1033 = arith.constant 224 : index
        %swap3A_1034 = tpu.vector_load %arg6[%swap3A_1033] {strides = array<i32>} : memref<256xi32, #tpu.memory_space<vmem>>, vector<16xi32>,
        tpu.vector_store %arg6[%swap3A_1033], %select_n3A_1032 {strides = array<i32>} : memref<256xi32, #tpu.memory_space<vmem>>, vector<16xi32>,
        %get3A_1035 = arith.constant 240 : index
        %get3A_1036 = tpu.vector_load %arg5[%get3A_1035] {strides = array<i32>} : memref<256xi32, #tpu.memory_space<vmem>>, vector<16xi32>,
        %ge3A_1037 = arith.constant 0 : i32
        %ge3A_1038 = vector.broadcast %ge3A_1037 : i32 to vector<16xi32>
        %ge3A_1039 = arith.cmpi sge, %get3A_1036, %ge3A_1038 : vector<16xi32>
        %add3A_1040 = vector.broadcast %mul3A_749 : i32 to vector<16xi32>
        %add3A_1041 = arith.addi %get3A_1036, %add3A_1040 : vector<16xi32>
        %broadcast_in_dim3A_1042 = arith.constant 0 : i32
        %broadcast_in_dim3A_1043 = vector.broadcast %broadcast_in_dim3A_1042 : i32 to vector<16xi32>
        %select_n3A_1044 = arith.select %ge3A_1039, %add3A_1041, %broadcast_in_dim3A_1043 : vector<16xi1>, vector<16xi32>
        %swap3A_1045 = arith.constant 240 : index
        %swap3A_1046 = tpu.vector_load %arg8[%swap3A_1045] {strides = array<i32>} : memref<256xi32, #tpu.memory_space<vmem>>, vector<16xi32>,
        tpu.vector_store %arg8[%swap3A_1045], %select_n3A_1044 {strides = array<i32>} : memref<256xi32, #tpu.memory_space<vmem>>, vector<16xi32>,
        %broadcast_in_dim3A_1047 = arith.constant -1 : i32
        %broadcast_in_dim3A_1048 = vector.broadcast %broadcast_in_dim3A_1047 : i32 to vector<16xi32>
        %broadcast_in_dim3A_1049 = arith.constant 0 : i32
        %broadcast_in_dim3A_1050 = vector.broadcast %broadcast_in_dim3A_1049 : i32 to vector<16xi32>
        %select_n3A_1051 = arith.select %ge3A_1039, %broadcast_in_dim3A_1048, %broadcast_in_dim3A_1050 : vector<16xi1>, vector<16xi32>
        %swap3A_1052 = arith.constant 240 : index
        %swap3A_1053 = tpu.vector_load %arg6[%swap3A_1052] {strides = array<i32>} : memref<256xi32, #tpu.memory_space<vmem>>, vector<16xi32>,
        tpu.vector_store %arg6[%swap3A_1052], %select_n3A_1051 {strides = array<i32>} : memref<256xi32, #tpu.memory_space<vmem>>, vector<16xi32>,
        %dma_start3A_1054 = arith.constant 0 : i32
        %dma_start3A_1055 = arith.constant 0 : i32
        %dma_start3A_1056 = tpu.memref_slice %arg2[%dma_start3A_1054, %dma_start3A_1055] : memref<40000x128xi32, #tpu.memory_space<hbm>> -> memref<40000x128xi32, #tpu.memory_space<hbm>>
        tpu.enqueue_indirect_dma source(%dma_start3A_1056 : memref<40000x128xi32, #tpu.memory_space<hbm>>) target(%arg10 : memref<256x128xi32, #tpu.memory_space<vmem>>) offsets(%arg8 : memref<256xi32, #tpu.memory_space<vmem>>) semaphore(%arg14 : memref<!tpu.dma_semaphore, #tpu.memory_space<semaphore_mem>>)
      } else {
      }
      %add3A_710 = arith.constant 1 : i32
      %add3A_711 = arith.addi %mul3A_355, %add3A_710 : i32
      %div3A_712 = arith.constant 4 : i32
      %div3A_713 = arith.divsi %add3A_711, %div3A_712 : i32
      %sub3A_714 = arith.constant 2 : i32
      %sub3A_715 = arith.subi %add3A_711, %sub3A_714 : i32
      %ge3A_716 = arith.constant 0 : i32
      %ge3A_717 = arith.cmpi sge, %sub3A_715, %ge3A_716 : i32
      %div3A_718 = arith.constant 4 : i32
      %div3A_719 = arith.divsi %sub3A_715, %div3A_718 : i32
      %lt3A_720 = arith.cmpi slt, %div3A_719, %add3A_8 : i32
      %and3A_721 = arith.andi %ge3A_717, %lt3A_720 : i1
      %convert_element_type3A_722 = arith.extui %and3A_721 : i1 to i32
      %cond3A_723 = arith.constant 0 : i32
      %cond3A_724 = arith.cmpi ne, %convert_element_type3A_722, %cond3A_723 : i32
      scf.if %cond3A_724 {
        %rem3A_734 = arith.constant 4 : i32
        %rem3A_735 = arith.remsi %sub3A_715, %rem3A_734 : i32
        %div3A_736 = arith.constant 4 : i32
        %div3A_737 = arith.divsi %sub3A_715, %div3A_736 : i32
        %add3A_738 = arith.addi %add3A_4, %div3A_737 : i32
        %min3A_739 = arith.constant 624 : i32
        %min3A_740 = arith.minsi %add3A_738, %min3A_739 : i32
        %mul3A_741 = arith.constant 10000 : i32
        %mul3A_742 = arith.muli %rem3A_735, %mul3A_741 : i32
        %mul3A_743 = arith.constant 16 : i32
        %mul3A_744 = arith.muli %min3A_740, %mul3A_743 : i32
        %add3A_745 = arith.addi %mul3A_742, %mul3A_744 : i32
        %multiple_of3A = tpu.assume_multiple %add3A_745, 16 : i32
        %dma_wait3A_746 = arith.constant 0 : i32
        %dma_wait3A_747 = tpu.memref_slice %arg4[%multiple_of3A, %dma_wait3A_746] : memref<40000x256xf32, #tpu.memory_space<hbm>> -> memref<16x256xf32, #tpu.memory_space<hbm>>
        %dma_wait3A_748 = arith.constant 0 : i32
        %dma_wait3A_749 = tpu.memref_slice %arg4[%multiple_of3A, %dma_wait3A_748] : memref<40000x256xf32, #tpu.memory_space<hbm>> -> memref<16x256xf32, #tpu.memory_space<hbm>>
        tpu.wait_dma2 semaphore(%arg17 : memref<!tpu.dma_semaphore, #tpu.memory_space<semaphore_mem>>) src(%arg13 : memref<16x256xf32, #tpu.memory_space<vmem>>) dst(%dma_wait3A_749 : memref<16x256xf32, #tpu.memory_space<hbm>>)
      } else {
      }
      %scan3A_725 = arith.constant 0 : i32
      %scan3A_726 = arith.constant 16 : i32
      %scan3A_727 = arith.addi %scan3A_725, %scan3A_726 : i32
      %scan3A_728 = arith.constant 1 : i32
      scf.for %scan3A_734 = %scan3A_725 to %scan3A_727 step %scan3A_728  : i32 {
        %mul3A_735 = arith.constant 1 : i32
        %mul3A_736 = arith.muli %scan3A_734, %mul3A_735 : i32
        %add3A_737 = arith.constant 0 : i32
        %add3A_738 = arith.addi %add3A_737, %mul3A_736 : i32
        %mul3A_739 = arith.constant 16 : i32
        %mul3A_740 = arith.muli %add3A_738, %mul3A_739 : i32
        %add3A_741 = arith.constant 0 : i32
        %add3A_742 = arith.addi %mul3A_740, %add3A_741 : i32
        %broadcast_in_dim3A_743 = vector.broadcast %add3A_742 : i32 to vector<16xi32>
        %gather3A = tpu.vector_load_idx %arg7[%broadcast_in_dim3A_743] : memref<256xi32, #tpu.memory_space<vmem>>[vector<16xi32>], vector<16xi32>,
        %add3A_744 = arith.constant 1 : i32
        %add3A_745 = arith.addi %mul3A_740, %add3A_744 : i32
        %broadcast_in_dim3A_746 = vector.broadcast %add3A_745 : i32 to vector<16xi32>
        %gather3A_747 = tpu.vector_load_idx %arg7[%broadcast_in_dim3A_746] : memref<256xi32, #tpu.memory_space<vmem>>[vector<16xi32>], vector<16xi32>,
        %add3A_748 = arith.constant 2 : i32
        %add3A_749 = arith.addi %mul3A_740, %add3A_748 : i32
        %broadcast_in_dim3A_750 = vector.broadcast %add3A_749 : i32 to vector<16xi32>
        %gather3A_751 = tpu.vector_load_idx %arg7[%broadcast_in_dim3A_750] : memref<256xi32, #tpu.memory_space<vmem>>[vector<16xi32>], vector<16xi32>,
        %add3A_752 = arith.constant 3 : i32
        %add3A_753 = arith.addi %mul3A_740, %add3A_752 : i32
        %broadcast_in_dim3A_754 = vector.broadcast %add3A_753 : i32 to vector<16xi32>
        %gather3A_755 = tpu.vector_load_idx %arg7[%broadcast_in_dim3A_754] : memref<256xi32, #tpu.memory_space<vmem>>[vector<16xi32>], vector<16xi32>,
        %add3A_756 = arith.constant 4 : i32
        %add3A_757 = arith.addi %mul3A_740, %add3A_756 : i32
        %broadcast_in_dim3A_758 = vector.broadcast %add3A_757 : i32 to vector<16xi32>
        %gather3A_759 = tpu.vector_load_idx %arg7[%broadcast_in_dim3A_758] : memref<256xi32, #tpu.memory_space<vmem>>[vector<16xi32>], vector<16xi32>,
        %add3A_760 = arith.constant 5 : i32
        %add3A_761 = arith.addi %mul3A_740, %add3A_760 : i32
        %broadcast_in_dim3A_762 = vector.broadcast %add3A_761 : i32 to vector<16xi32>
        %gather3A_763 = tpu.vector_load_idx %arg7[%broadcast_in_dim3A_762] : memref<256xi32, #tpu.memory_space<vmem>>[vector<16xi32>], vector<16xi32>,
        %add3A_764 = arith.constant 6 : i32
        %add3A_765 = arith.addi %mul3A_740, %add3A_764 : i32
        %broadcast_in_dim3A_766 = vector.broadcast %add3A_765 : i32 to vector<16xi32>
        %gather3A_767 = tpu.vector_load_idx %arg7[%broadcast_in_dim3A_766] : memref<256xi32, #tpu.memory_space<vmem>>[vector<16xi32>], vector<16xi32>,
        %add3A_768 = arith.constant 7 : i32
        %add3A_769 = arith.addi %mul3A_740, %add3A_768 : i32
        %broadcast_in_dim3A_770 = vector.broadcast %add3A_769 : i32 to vector<16xi32>
        %gather3A_771 = tpu.vector_load_idx %arg7[%broadcast_in_dim3A_770] : memref<256xi32, #tpu.memory_space<vmem>>[vector<16xi32>], vector<16xi32>,
        %add3A_772 = arith.constant 8 : i32
        %add3A_773 = arith.addi %mul3A_740, %add3A_772 : i32
        %broadcast_in_dim3A_774 = vector.broadcast %add3A_773 : i32 to vector<16xi32>
        %gather3A_775 = tpu.vector_load_idx %arg7[%broadcast_in_dim3A_774] : memref<256xi32, #tpu.memory_space<vmem>>[vector<16xi32>], vector<16xi32>,
        %add3A_776 = arith.constant 9 : i32
        %add3A_777 = arith.addi %mul3A_740, %add3A_776 : i32
        %broadcast_in_dim3A_778 = vector.broadcast %add3A_777 : i32 to vector<16xi32>
        %gather3A_779 = tpu.vector_load_idx %arg7[%broadcast_in_dim3A_778] : memref<256xi32, #tpu.memory_space<vmem>>[vector<16xi32>], vector<16xi32>,
        %add3A_780 = arith.constant 10 : i32
        %add3A_781 = arith.addi %mul3A_740, %add3A_780 : i32
        %broadcast_in_dim3A_782 = vector.broadcast %add3A_781 : i32 to vector<16xi32>
        %gather3A_783 = tpu.vector_load_idx %arg7[%broadcast_in_dim3A_782] : memref<256xi32, #tpu.memory_space<vmem>>[vector<16xi32>], vector<16xi32>,
        %add3A_784 = arith.constant 11 : i32
        %add3A_785 = arith.addi %mul3A_740, %add3A_784 : i32
        %broadcast_in_dim3A_786 = vector.broadcast %add3A_785 : i32 to vector<16xi32>
        %gather3A_787 = tpu.vector_load_idx %arg7[%broadcast_in_dim3A_786] : memref<256xi32, #tpu.memory_space<vmem>>[vector<16xi32>], vector<16xi32>,
        %add3A_788 = arith.constant 12 : i32
        %add3A_789 = arith.addi %mul3A_740, %add3A_788 : i32
        %broadcast_in_dim3A_790 = vector.broadcast %add3A_789 : i32 to vector<16xi32>
        %gather3A_791 = tpu.vector_load_idx %arg7[%broadcast_in_dim3A_790] : memref<256xi32, #tpu.memory_space<vmem>>[vector<16xi32>], vector<16xi32>,
        %add3A_792 = arith.constant 13 : i32
        %add3A_793 = arith.addi %mul3A_740, %add3A_792 : i32
        %broadcast_in_dim3A_794 = vector.broadcast %add3A_793 : i32 to vector<16xi32>
        %gather3A_795 = tpu.vector_load_idx %arg7[%broadcast_in_dim3A_794] : memref<256xi32, #tpu.memory_space<vmem>>[vector<16xi32>], vector<16xi32>,
        %add3A_796 = arith.constant 14 : i32
        %add3A_797 = arith.addi %mul3A_740, %add3A_796 : i32
        %broadcast_in_dim3A_798 = vector.broadcast %add3A_797 : i32 to vector<16xi32>
        %gather3A_799 = tpu.vector_load_idx %arg7[%broadcast_in_dim3A_798] : memref<256xi32, #tpu.memory_space<vmem>>[vector<16xi32>], vector<16xi32>,
        %add3A_800 = arith.constant 15 : i32
        %add3A_801 = arith.addi %mul3A_740, %add3A_800 : i32
        %broadcast_in_dim3A_802 = vector.broadcast %add3A_801 : i32 to vector<16xi32>
        %gather3A_803 = tpu.vector_load_idx %arg7[%broadcast_in_dim3A_802] : memref<256xi32, #tpu.memory_space<vmem>>[vector<16xi32>], vector<16xi32>,
        %add3A_804 = arith.constant 0 : i32
        %add3A_805 = arith.addi %mul3A_740, %add3A_804 : i32
        %get3A_806 = arith.index_cast %add3A_805 : i32 to index
        %get3A_807 = arith.constant 0 : index
        %get3A_808 = tpu.vector_load %arg11[%get3A_806, %get3A_807] {strides = array<i32>} : memref<256x128xi32, #tpu.memory_space<vmem>>, vector<16xi32>,
        %and3A_809 = arith.andi %get3A_808, %gather3A : vector<16xi32>
        %bitcast3A = vector.bitcast %and3A_809 : vector<16xi32> to vector<32xbf16>
        %add3A_810 = arith.constant 1 : i32
        %add3A_811 = arith.addi %mul3A_740, %add3A_810 : i32
        %get3A_812 = arith.index_cast %add3A_811 : i32 to index
        %get3A_813 = arith.constant 0 : index
        %get3A_814 = tpu.vector_load %arg11[%get3A_812, %get3A_813] {strides = array<i32>} : memref<256x128xi32, #tpu.memory_space<vmem>>, vector<16xi32>,
        %and3A_815 = arith.andi %get3A_814, %gather3A_747 : vector<16xi32>
        %bitcast3A_816 = vector.bitcast %and3A_815 : vector<16xi32> to vector<32xbf16>
        %add3A_817 = arith.constant 2 : i32
        %add3A_818 = arith.addi %mul3A_740, %add3A_817 : i32
        %get3A_819 = arith.index_cast %add3A_818 : i32 to index
        %get3A_820 = arith.constant 0 : index
        %get3A_821 = tpu.vector_load %arg11[%get3A_819, %get3A_820] {strides = array<i32>} : memref<256x128xi32, #tpu.memory_space<vmem>>, vector<16xi32>,
        %and3A_822 = arith.andi %get3A_821, %gather3A_751 : vector<16xi32>
        %bitcast3A_823 = vector.bitcast %and3A_822 : vector<16xi32> to vector<32xbf16>
        %add3A_824 = arith.constant 3 : i32
        %add3A_825 = arith.addi %mul3A_740, %add3A_824 : i32
        %get3A_826 = arith.index_cast %add3A_825 : i32 to index
        %get3A_827 = arith.constant 0 : index
        %get3A_828 = tpu.vector_load %arg11[%get3A_826, %get3A_827] {strides = array<i32>} : memref<256x128xi32, #tpu.memory_space<vmem>>, vector<16xi32>,
        %and3A_829 = arith.andi %get3A_828, %gather3A_755 : vector<16xi32>
        %bitcast3A_830 = vector.bitcast %and3A_829 : vector<16xi32> to vector<32xbf16>
        %add3A_831 = arith.constant 4 : i32
        %add3A_832 = arith.addi %mul3A_740, %add3A_831 : i32
        %get3A_833 = arith.index_cast %add3A_832 : i32 to index
        %get3A_834 = arith.constant 0 : index
        %get3A_835 = tpu.vector_load %arg11[%get3A_833, %get3A_834] {strides = array<i32>} : memref<256x128xi32, #tpu.memory_space<vmem>>, vector<16xi32>,
        %and3A_836 = arith.andi %get3A_835, %gather3A_759 : vector<16xi32>
        %bitcast3A_837 = vector.bitcast %and3A_836 : vector<16xi32> to vector<32xbf16>
        %add3A_838 = arith.constant 5 : i32
        %add3A_839 = arith.addi %mul3A_740, %add3A_838 : i32
        %get3A_840 = arith.index_cast %add3A_839 : i32 to index
        %get3A_841 = arith.constant 0 : index
        %get3A_842 = tpu.vector_load %arg11[%get3A_840, %get3A_841] {strides = array<i32>} : memref<256x128xi32, #tpu.memory_space<vmem>>, vector<16xi32>,
        %and3A_843 = arith.andi %get3A_842, %gather3A_763 : vector<16xi32>
        %bitcast3A_844 = vector.bitcast %and3A_843 : vector<16xi32> to vector<32xbf16>
        %add3A_845 = arith.constant 6 : i32
        %add3A_846 = arith.addi %mul3A_740, %add3A_845 : i32
        %get3A_847 = arith.index_cast %add3A_846 : i32 to index
        %get3A_848 = arith.constant 0 : index
        %get3A_849 = tpu.vector_load %arg11[%get3A_847, %get3A_848] {strides = array<i32>} : memref<256x128xi32, #tpu.memory_space<vmem>>, vector<16xi32>,
        %and3A_850 = arith.andi %get3A_849, %gather3A_767 : vector<16xi32>
        %bitcast3A_851 = vector.bitcast %and3A_850 : vector<16xi32> to vector<32xbf16>
        %add3A_852 = arith.constant 7 : i32
        %add3A_853 = arith.addi %mul3A_740, %add3A_852 : i32
        %get3A_854 = arith.index_cast %add3A_853 : i32 to index
        %get3A_855 = arith.constant 0 : index
        %get3A_856 = tpu.vector_load %arg11[%get3A_854, %get3A_855] {strides = array<i32>} : memref<256x128xi32, #tpu.memory_space<vmem>>, vector<16xi32>,
        %and3A_857 = arith.andi %get3A_856, %gather3A_771 : vector<16xi32>
        %bitcast3A_858 = vector.bitcast %and3A_857 : vector<16xi32> to vector<32xbf16>
        %add3A_859 = arith.constant 8 : i32
        %add3A_860 = arith.addi %mul3A_740, %add3A_859 : i32
        %get3A_861 = arith.index_cast %add3A_860 : i32 to index
        %get3A_862 = arith.constant 0 : index
        %get3A_863 = tpu.vector_load %arg11[%get3A_861, %get3A_862] {strides = array<i32>} : memref<256x128xi32, #tpu.memory_space<vmem>>, vector<16xi32>,
        %and3A_864 = arith.andi %get3A_863, %gather3A_775 : vector<16xi32>
        %bitcast3A_865 = vector.bitcast %and3A_864 : vector<16xi32> to vector<32xbf16>
        %add3A_866 = arith.constant 9 : i32
        %add3A_867 = arith.addi %mul3A_740, %add3A_866 : i32
        %get3A_868 = arith.index_cast %add3A_867 : i32 to index
        %get3A_869 = arith.constant 0 : index
        %get3A_870 = tpu.vector_load %arg11[%get3A_868, %get3A_869] {strides = array<i32>} : memref<256x128xi32, #tpu.memory_space<vmem>>, vector<16xi32>,
        %and3A_871 = arith.andi %get3A_870, %gather3A_779 : vector<16xi32>
        %bitcast3A_872 = vector.bitcast %and3A_871 : vector<16xi32> to vector<32xbf16>
        %add3A_873 = arith.constant 10 : i32
        %add3A_874 = arith.addi %mul3A_740, %add3A_873 : i32
        %get3A_875 = arith.index_cast %add3A_874 : i32 to index
        %get3A_876 = arith.constant 0 : index
        %get3A_877 = tpu.vector_load %arg11[%get3A_875, %get3A_876] {strides = array<i32>} : memref<256x128xi32, #tpu.memory_space<vmem>>, vector<16xi32>,
        %and3A_878 = arith.andi %get3A_877, %gather3A_783 : vector<16xi32>
        %bitcast3A_879 = vector.bitcast %and3A_878 : vector<16xi32> to vector<32xbf16>
        %add3A_880 = arith.constant 11 : i32
        %add3A_881 = arith.addi %mul3A_740, %add3A_880 : i32
        %get3A_882 = arith.index_cast %add3A_881 : i32 to index
        %get3A_883 = arith.constant 0 : index
        %get3A_884 = tpu.vector_load %arg11[%get3A_882, %get3A_883] {strides = array<i32>} : memref<256x128xi32, #tpu.memory_space<vmem>>, vector<16xi32>,
        %and3A_885 = arith.andi %get3A_884, %gather3A_787 : vector<16xi32>
        %bitcast3A_886 = vector.bitcast %and3A_885 : vector<16xi32> to vector<32xbf16>
        %add3A_887 = arith.constant 12 : i32
        %add3A_888 = arith.addi %mul3A_740, %add3A_887 : i32
        %get3A_889 = arith.index_cast %add3A_888 : i32 to index
        %get3A_890 = arith.constant 0 : index
        %get3A_891 = tpu.vector_load %arg11[%get3A_889, %get3A_890] {strides = array<i32>} : memref<256x128xi32, #tpu.memory_space<vmem>>, vector<16xi32>,
        %and3A_892 = arith.andi %get3A_891, %gather3A_791 : vector<16xi32>
        %bitcast3A_893 = vector.bitcast %and3A_892 : vector<16xi32> to vector<32xbf16>
        %add3A_894 = arith.constant 13 : i32
        %add3A_895 = arith.addi %mul3A_740, %add3A_894 : i32
        %get3A_896 = arith.index_cast %add3A_895 : i32 to index
        %get3A_897 = arith.constant 0 : index
        %get3A_898 = tpu.vector_load %arg11[%get3A_896, %get3A_897] {strides = array<i32>} : memref<256x128xi32, #tpu.memory_space<vmem>>, vector<16xi32>,
        %and3A_899 = arith.andi %get3A_898, %gather3A_795 : vector<16xi32>
        %bitcast3A_900 = vector.bitcast %and3A_899 : vector<16xi32> to vector<32xbf16>
        %add3A_901 = arith.constant 14 : i32
        %add3A_902 = arith.addi %mul3A_740, %add3A_901 : i32
        %get3A_903 = arith.index_cast %add3A_902 : i32 to index
        %get3A_904 = arith.constant 0 : index
        %get3A_905 = tpu.vector_load %arg11[%get3A_903, %get3A_904] {strides = array<i32>} : memref<256x128xi32, #tpu.memory_space<vmem>>, vector<16xi32>,
        %and3A_906 = arith.andi %get3A_905, %gather3A_799 : vector<16xi32>
        %bitcast3A_907 = vector.bitcast %and3A_906 : vector<16xi32> to vector<32xbf16>
        %add3A_908 = arith.constant 15 : i32
        %add3A_909 = arith.addi %mul3A_740, %add3A_908 : i32
        %get3A_910 = arith.index_cast %add3A_909 : i32 to index
        %get3A_911 = arith.constant 0 : index
        %get3A_912 = tpu.vector_load %arg11[%get3A_910, %get3A_911] {strides = array<i32>} : memref<256x128xi32, #tpu.memory_space<vmem>>, vector<16xi32>,
        %and3A_913 = arith.andi %get3A_912, %gather3A_803 : vector<16xi32>
        %bitcast3A_914 = vector.bitcast %and3A_913 : vector<16xi32> to vector<32xbf16>
        %max3A = arith.maximumf %bitcast3A, %bitcast3A_816 : vector<32xbf16>
        %max3A_915 = arith.maximumf %bitcast3A_823, %bitcast3A_830 : vector<32xbf16>
        %max3A_916 = arith.maximumf %bitcast3A_837, %bitcast3A_844 : vector<32xbf16>
        %max3A_917 = arith.maximumf %bitcast3A_851, %bitcast3A_858 : vector<32xbf16>
        %max3A_918 = arith.maximumf %bitcast3A_865, %bitcast3A_872 : vector<32xbf16>
        %max3A_919 = arith.maximumf %bitcast3A_879, %bitcast3A_886 : vector<32xbf16>
        %max3A_920 = arith.maximumf %bitcast3A_893, %bitcast3A_900 : vector<32xbf16>
        %max3A_921 = arith.maximumf %bitcast3A_907, %bitcast3A_914 : vector<32xbf16>
        %max3A_922 = arith.maximumf %max3A, %max3A_915 : vector<32xbf16>
        %max3A_923 = arith.maximumf %max3A_916, %max3A_917 : vector<32xbf16>
        %max3A_924 = arith.maximumf %max3A_918, %max3A_919 : vector<32xbf16>
        %max3A_925 = arith.maximumf %max3A_920, %max3A_921 : vector<32xbf16>
        %max3A_926 = arith.maximumf %max3A_922, %max3A_923 : vector<32xbf16>
        %max3A_927 = arith.maximumf %max3A_924, %max3A_925 : vector<32xbf16>
        %max3A_928 = arith.maximumf %max3A_926, %max3A_927 : vector<32xbf16>
        %unpack3A = tpu.unpack_subelements %max3A_928, 0 {pack_format = #tpu.pack_format<interleaved>} : vector<32xbf16> -> vector<16xf32>
        %unpack3A_929 = tpu.unpack_subelements %max3A_928, 1 {pack_format = #tpu.pack_format<interleaved>} : vector<32xbf16> -> vector<16xf32>
        %swap3A_930 = arith.index_cast %add3A_738 : i32 to index
        %swap3A_931 = arith.constant 0 : index
        %swap3A_932 = tpu.vector_load %arg13[%swap3A_930, %swap3A_931] {strides = array<i32>} : memref<16x256xf32, #tpu.memory_space<vmem>>, vector<16xf32>,
        tpu.vector_store %arg13[%swap3A_930, %swap3A_931], %unpack3A {strides = array<i32>} : memref<16x256xf32, #tpu.memory_space<vmem>>, vector<16xf32>,
        %swap3A_933 = arith.index_cast %add3A_738 : i32 to index
        %swap3A_934 = arith.constant 128 : index
        %swap3A_935 = tpu.vector_load %arg13[%swap3A_933, %swap3A_934] {strides = array<i32>} : memref<16x256xf32, #tpu.memory_space<vmem>>, vector<16xf32>,
        tpu.vector_store %arg13[%swap3A_933, %swap3A_934], %unpack3A_929 {strides = array<i32>} : memref<16x256xf32, #tpu.memory_space<vmem>>, vector<16xf32>,
        %add3A_936 = arith.constant 0 : i32
        %add3A_937 = arith.addi %mul3A_740, %add3A_936 : i32
        %get3A_938 = arith.index_cast %add3A_937 : i32 to index
        %get3A_939 = arith.constant 16 : index
        %get3A_940 = tpu.vector_load %arg11[%get3A_938, %get3A_939] {strides = array<i32>} : memref<256x128xi32, #tpu.memory_space<vmem>>, vector<16xi32>,
        %and3A_941 = arith.andi %get3A_940, %gather3A : vector<16xi32>
        %bitcast3A_942 = vector.bitcast %and3A_941 : vector<16xi32> to vector<32xbf16>
        %add3A_943 = arith.constant 1 : i32
        %add3A_944 = arith.addi %mul3A_740, %add3A_943 : i32
        %get3A_945 = arith.index_cast %add3A_944 : i32 to index
        %get3A_946 = arith.constant 16 : index
        %get3A_947 = tpu.vector_load %arg11[%get3A_945, %get3A_946] {strides = array<i32>} : memref<256x128xi32, #tpu.memory_space<vmem>>, vector<16xi32>,
        %and3A_948 = arith.andi %get3A_947, %gather3A_747 : vector<16xi32>
        %bitcast3A_949 = vector.bitcast %and3A_948 : vector<16xi32> to vector<32xbf16>
        %add3A_950 = arith.constant 2 : i32
        %add3A_951 = arith.addi %mul3A_740, %add3A_950 : i32
        %get3A_952 = arith.index_cast %add3A_951 : i32 to index
        %get3A_953 = arith.constant 16 : index
        %get3A_954 = tpu.vector_load %arg11[%get3A_952, %get3A_953] {strides = array<i32>} : memref<256x128xi32, #tpu.memory_space<vmem>>, vector<16xi32>,
        %and3A_955 = arith.andi %get3A_954, %gather3A_751 : vector<16xi32>
        %bitcast3A_956 = vector.bitcast %and3A_955 : vector<16xi32> to vector<32xbf16>
        %add3A_957 = arith.constant 3 : i32
        %add3A_958 = arith.addi %mul3A_740, %add3A_957 : i32
        %get3A_959 = arith.index_cast %add3A_958 : i32 to index
        %get3A_960 = arith.constant 16 : index
        %get3A_961 = tpu.vector_load %arg11[%get3A_959, %get3A_960] {strides = array<i32>} : memref<256x128xi32, #tpu.memory_space<vmem>>, vector<16xi32>,
        %and3A_962 = arith.andi %get3A_961, %gather3A_755 : vector<16xi32>
        %bitcast3A_963 = vector.bitcast %and3A_962 : vector<16xi32> to vector<32xbf16>
        %add3A_964 = arith.constant 4 : i32
        %add3A_965 = arith.addi %mul3A_740, %add3A_964 : i32
        %get3A_966 = arith.index_cast %add3A_965 : i32 to index
        %get3A_967 = arith.constant 16 : index
        %get3A_968 = tpu.vector_load %arg11[%get3A_966, %get3A_967] {strides = array<i32>} : memref<256x128xi32, #tpu.memory_space<vmem>>, vector<16xi32>,
        %and3A_969 = arith.andi %get3A_968, %gather3A_759 : vector<16xi32>
        %bitcast3A_970 = vector.bitcast %and3A_969 : vector<16xi32> to vector<32xbf16>
        %add3A_971 = arith.constant 5 : i32
        %add3A_972 = arith.addi %mul3A_740, %add3A_971 : i32
        %get3A_973 = arith.index_cast %add3A_972 : i32 to index
        %get3A_974 = arith.constant 16 : index
        %get3A_975 = tpu.vector_load %arg11[%get3A_973, %get3A_974] {strides = array<i32>} : memref<256x128xi32, #tpu.memory_space<vmem>>, vector<16xi32>,
        %and3A_976 = arith.andi %get3A_975, %gather3A_763 : vector<16xi32>
        %bitcast3A_977 = vector.bitcast %and3A_976 : vector<16xi32> to vector<32xbf16>
        %add3A_978 = arith.constant 6 : i32
        %add3A_979 = arith.addi %mul3A_740, %add3A_978 : i32
        %get3A_980 = arith.index_cast %add3A_979 : i32 to index
        %get3A_981 = arith.constant 16 : index
        %get3A_982 = tpu.vector_load %arg11[%get3A_980, %get3A_981] {strides = array<i32>} : memref<256x128xi32, #tpu.memory_space<vmem>>, vector<16xi32>,
        %and3A_983 = arith.andi %get3A_982, %gather3A_767 : vector<16xi32>
        %bitcast3A_984 = vector.bitcast %and3A_983 : vector<16xi32> to vector<32xbf16>
        %add3A_985 = arith.constant 7 : i32
        %add3A_986 = arith.addi %mul3A_740, %add3A_985 : i32
        %get3A_987 = arith.index_cast %add3A_986 : i32 to index
        %get3A_988 = arith.constant 16 : index
        %get3A_989 = tpu.vector_load %arg11[%get3A_987, %get3A_988] {strides = array<i32>} : memref<256x128xi32, #tpu.memory_space<vmem>>, vector<16xi32>,
        %and3A_990 = arith.andi %get3A_989, %gather3A_771 : vector<16xi32>
        %bitcast3A_991 = vector.bitcast %and3A_990 : vector<16xi32> to vector<32xbf16>
        %add3A_992 = arith.constant 8 : i32
        %add3A_993 = arith.addi %mul3A_740, %add3A_992 : i32
        %get3A_994 = arith.index_cast %add3A_993 : i32 to index
        %get3A_995 = arith.constant 16 : index
        %get3A_996 = tpu.vector_load %arg11[%get3A_994, %get3A_995] {strides = array<i32>} : memref<256x128xi32, #tpu.memory_space<vmem>>, vector<16xi32>,
        %and3A_997 = arith.andi %get3A_996, %gather3A_775 : vector<16xi32>
        %bitcast3A_998 = vector.bitcast %and3A_997 : vector<16xi32> to vector<32xbf16>
        %add3A_999 = arith.constant 9 : i32
        %add3A_1000 = arith.addi %mul3A_740, %add3A_999 : i32
        %get3A_1001 = arith.index_cast %add3A_1000 : i32 to index
        %get3A_1002 = arith.constant 16 : index
        %get3A_1003 = tpu.vector_load %arg11[%get3A_1001, %get3A_1002] {strides = array<i32>} : memref<256x128xi32, #tpu.memory_space<vmem>>, vector<16xi32>,
        %and3A_1004 = arith.andi %get3A_1003, %gather3A_779 : vector<16xi32>
        %bitcast3A_1005 = vector.bitcast %and3A_1004 : vector<16xi32> to vector<32xbf16>
        %add3A_1006 = arith.constant 10 : i32
        %add3A_1007 = arith.addi %mul3A_740, %add3A_1006 : i32
        %get3A_1008 = arith.index_cast %add3A_1007 : i32 to index
        %get3A_1009 = arith.constant 16 : index
        %get3A_1010 = tpu.vector_load %arg11[%get3A_1008, %get3A_1009] {strides = array<i32>} : memref<256x128xi32, #tpu.memory_space<vmem>>, vector<16xi32>,
        %and3A_1011 = arith.andi %get3A_1010, %gather3A_783 : vector<16xi32>
        %bitcast3A_1012 = vector.bitcast %and3A_1011 : vector<16xi32> to vector<32xbf16>
        %add3A_1013 = arith.constant 11 : i32
        %add3A_1014 = arith.addi %mul3A_740, %add3A_1013 : i32
        %get3A_1015 = arith.index_cast %add3A_1014 : i32 to index
        %get3A_1016 = arith.constant 16 : index
        %get3A_1017 = tpu.vector_load %arg11[%get3A_1015, %get3A_1016] {strides = array<i32>} : memref<256x128xi32, #tpu.memory_space<vmem>>, vector<16xi32>,
        %and3A_1018 = arith.andi %get3A_1017, %gather3A_787 : vector<16xi32>
        %bitcast3A_1019 = vector.bitcast %and3A_1018 : vector<16xi32> to vector<32xbf16>
        %add3A_1020 = arith.constant 12 : i32
        %add3A_1021 = arith.addi %mul3A_740, %add3A_1020 : i32
        %get3A_1022 = arith.index_cast %add3A_1021 : i32 to index
        %get3A_1023 = arith.constant 16 : index
        %get3A_1024 = tpu.vector_load %arg11[%get3A_1022, %get3A_1023] {strides = array<i32>} : memref<256x128xi32, #tpu.memory_space<vmem>>, vector<16xi32>,
        %and3A_1025 = arith.andi %get3A_1024, %gather3A_791 : vector<16xi32>
        %bitcast3A_1026 = vector.bitcast %and3A_1025 : vector<16xi32> to vector<32xbf16>
        %add3A_1027 = arith.constant 13 : i32
        %add3A_1028 = arith.addi %mul3A_740, %add3A_1027 : i32
        %get3A_1029 = arith.index_cast %add3A_1028 : i32 to index
        %get3A_1030 = arith.constant 16 : index
        %get3A_1031 = tpu.vector_load %arg11[%get3A_1029, %get3A_1030] {strides = array<i32>} : memref<256x128xi32, #tpu.memory_space<vmem>>, vector<16xi32>,
        %and3A_1032 = arith.andi %get3A_1031, %gather3A_795 : vector<16xi32>
        %bitcast3A_1033 = vector.bitcast %and3A_1032 : vector<16xi32> to vector<32xbf16>
        %add3A_1034 = arith.constant 14 : i32
        %add3A_1035 = arith.addi %mul3A_740, %add3A_1034 : i32
        %get3A_1036 = arith.index_cast %add3A_1035 : i32 to index
        %get3A_1037 = arith.constant 16 : index
        %get3A_1038 = tpu.vector_load %arg11[%get3A_1036, %get3A_1037] {strides = array<i32>} : memref<256x128xi32, #tpu.memory_space<vmem>>, vector<16xi32>,
        %and3A_1039 = arith.andi %get3A_1038, %gather3A_799 : vector<16xi32>
        %bitcast3A_1040 = vector.bitcast %and3A_1039 : vector<16xi32> to vector<32xbf16>
        %add3A_1041 = arith.constant 15 : i32
        %add3A_1042 = arith.addi %mul3A_740, %add3A_1041 : i32
        %get3A_1043 = arith.index_cast %add3A_1042 : i32 to index
        %get3A_1044 = arith.constant 16 : index
        %get3A_1045 = tpu.vector_load %arg11[%get3A_1043, %get3A_1044] {strides = array<i32>} : memref<256x128xi32, #tpu.memory_space<vmem>>, vector<16xi32>,
        %and3A_1046 = arith.andi %get3A_1045, %gather3A_803 : vector<16xi32>
        %bitcast3A_1047 = vector.bitcast %and3A_1046 : vector<16xi32> to vector<32xbf16>
        %max3A_1048 = arith.maximumf %bitcast3A_942, %bitcast3A_949 : vector<32xbf16>
        %max3A_1049 = arith.maximumf %bitcast3A_956, %bitcast3A_963 : vector<32xbf16>
        %max3A_1050 = arith.maximumf %bitcast3A_970, %bitcast3A_977 : vector<32xbf16>
        %max3A_1051 = arith.maximumf %bitcast3A_984, %bitcast3A_991 : vector<32xbf16>
        %max3A_1052 = arith.maximumf %bitcast3A_998, %bitcast3A_1005 : vector<32xbf16>
        %max3A_1053 = arith.maximumf %bitcast3A_1012, %bitcast3A_1019 : vector<32xbf16>
        %max3A_1054 = arith.maximumf %bitcast3A_1026, %bitcast3A_1033 : vector<32xbf16>
        %max3A_1055 = arith.maximumf %bitcast3A_1040, %bitcast3A_1047 : vector<32xbf16>
        %max3A_1056 = arith.maximumf %max3A_1048, %max3A_1049 : vector<32xbf16>
        %max3A_1057 = arith.maximumf %max3A_1050, %max3A_1051 : vector<32xbf16>
        %max3A_1058 = arith.maximumf %max3A_1052, %max3A_1053 : vector<32xbf16>
        %max3A_1059 = arith.maximumf %max3A_1054, %max3A_1055 : vector<32xbf16>
        %max3A_1060 = arith.maximumf %max3A_1056, %max3A_1057 : vector<32xbf16>
        %max3A_1061 = arith.maximumf %max3A_1058, %max3A_1059 : vector<32xbf16>
        %max3A_1062 = arith.maximumf %max3A_1060, %max3A_1061 : vector<32xbf16>
        %unpack3A_1063 = tpu.unpack_subelements %max3A_1062, 0 {pack_format = #tpu.pack_format<interleaved>} : vector<32xbf16> -> vector<16xf32>
        %unpack3A_1064 = tpu.unpack_subelements %max3A_1062, 1 {pack_format = #tpu.pack_format<interleaved>} : vector<32xbf16> -> vector<16xf32>
        %swap3A_1065 = arith.index_cast %add3A_738 : i32 to index
        %swap3A_1066 = arith.constant 16 : index
        %swap3A_1067 = tpu.vector_load %arg13[%swap3A_1065, %swap3A_1066] {strides = array<i32>} : memref<16x256xf32, #tpu.memory_space<vmem>>, vector<16xf32>,
        tpu.vector_store %arg13[%swap3A_1065, %swap3A_1066], %unpack3A_1063 {strides = array<i32>} : memref<16x256xf32, #tpu.memory_space<vmem>>, vector<16xf32>,
        %swap3A_1068 = arith.index_cast %add3A_738 : i32 to index
        %swap3A_1069 = arith.constant 144 : index
        %swap3A_1070 = tpu.vector_load %arg13[%swap3A_1068, %swap3A_1069] {strides = array<i32>} : memref<16x256xf32, #tpu.memory_space<vmem>>, vector<16xf32>,
        tpu.vector_store %arg13[%swap3A_1068, %swap3A_1069], %unpack3A_1064 {strides = array<i32>} : memref<16x256xf32, #tpu.memory_space<vmem>>, vector<16xf32>,
        %add3A_1071 = arith.constant 0 : i32
        %add3A_1072 = arith.addi %mul3A_740, %add3A_1071 : i32
        %get3A_1073 = arith.index_cast %add3A_1072 : i32 to index
        %get3A_1074 = arith.constant 32 : index
        %get3A_1075 = tpu.vector_load %arg11[%get3A_1073, %get3A_1074] {strides = array<i32>} : memref<256x128xi32, #tpu.memory_space<vmem>>, vector<16xi32>,
        %and3A_1076 = arith.andi %get3A_1075, %gather3A : vector<16xi32>
        %bitcast3A_1077 = vector.bitcast %and3A_1076 : vector<16xi32> to vector<32xbf16>
        %add3A_1078 = arith.constant 1 : i32
        %add3A_1079 = arith.addi %mul3A_740, %add3A_1078 : i32
        %get3A_1080 = arith.index_cast %add3A_1079 : i32 to index
        %get3A_1081 = arith.constant 32 : index
        %get3A_1082 = tpu.vector_load %arg11[%get3A_1080, %get3A_1081] {strides = array<i32>} : memref<256x128xi32, #tpu.memory_space<vmem>>, vector<16xi32>,
        %and3A_1083 = arith.andi %get3A_1082, %gather3A_747 : vector<16xi32>
        %bitcast3A_1084 = vector.bitcast %and3A_1083 : vector<16xi32> to vector<32xbf16>
        %add3A_1085 = arith.constant 2 : i32
        %add3A_1086 = arith.addi %mul3A_740, %add3A_1085 : i32
        %get3A_1087 = arith.index_cast %add3A_1086 : i32 to index
        %get3A_1088 = arith.constant 32 : index
        %get3A_1089 = tpu.vector_load %arg11[%get3A_1087, %get3A_1088] {strides = array<i32>} : memref<256x128xi32, #tpu.memory_space<vmem>>, vector<16xi32>,
        %and3A_1090 = arith.andi %get3A_1089, %gather3A_751 : vector<16xi32>
        %bitcast3A_1091 = vector.bitcast %and3A_1090 : vector<16xi32> to vector<32xbf16>
        %add3A_1092 = arith.constant 3 : i32
        %add3A_1093 = arith.addi %mul3A_740, %add3A_1092 : i32
        %get3A_1094 = arith.index_cast %add3A_1093 : i32 to index
        %get3A_1095 = arith.constant 32 : index
        %get3A_1096 = tpu.vector_load %arg11[%get3A_1094, %get3A_1095] {strides = array<i32>} : memref<256x128xi32, #tpu.memory_space<vmem>>, vector<16xi32>,
        %and3A_1097 = arith.andi %get3A_1096, %gather3A_755 : vector<16xi32>
        %bitcast3A_1098 = vector.bitcast %and3A_1097 : vector<16xi32> to vector<32xbf16>
        %add3A_1099 = arith.constant 4 : i32
        %add3A_1100 = arith.addi %mul3A_740, %add3A_1099 : i32
        %get3A_1101 = arith.index_cast %add3A_1100 : i32 to index
        %get3A_1102 = arith.constant 32 : index
        %get3A_1103 = tpu.vector_load %arg11[%get3A_1101, %get3A_1102] {strides = array<i32>} : memref<256x128xi32, #tpu.memory_space<vmem>>, vector<16xi32>,
        %and3A_1104 = arith.andi %get3A_1103, %gather3A_759 : vector<16xi32>
        %bitcast3A_1105 = vector.bitcast %and3A_1104 : vector<16xi32> to vector<32xbf16>
        %add3A_1106 = arith.constant 5 : i32
        %add3A_1107 = arith.addi %mul3A_740, %add3A_1106 : i32
        %get3A_1108 = arith.index_cast %add3A_1107 : i32 to index
        %get3A_1109 = arith.constant 32 : index
        %get3A_1110 = tpu.vector_load %arg11[%get3A_1108, %get3A_1109] {strides = array<i32>} : memref<256x128xi32, #tpu.memory_space<vmem>>, vector<16xi32>,
        %and3A_1111 = arith.andi %get3A_1110, %gather3A_763 : vector<16xi32>
        %bitcast3A_1112 = vector.bitcast %and3A_1111 : vector<16xi32> to vector<32xbf16>
        %add3A_1113 = arith.constant 6 : i32
        %add3A_1114 = arith.addi %mul3A_740, %add3A_1113 : i32
        %get3A_1115 = arith.index_cast %add3A_1114 : i32 to index
        %get3A_1116 = arith.constant 32 : index
        %get3A_1117 = tpu.vector_load %arg11[%get3A_1115, %get3A_1116] {strides = array<i32>} : memref<256x128xi32, #tpu.memory_space<vmem>>, vector<16xi32>,
        %and3A_1118 = arith.andi %get3A_1117, %gather3A_767 : vector<16xi32>
        %bitcast3A_1119 = vector.bitcast %and3A_1118 : vector<16xi32> to vector<32xbf16>
        %add3A_1120 = arith.constant 7 : i32
        %add3A_1121 = arith.addi %mul3A_740, %add3A_1120 : i32
        %get3A_1122 = arith.index_cast %add3A_1121 : i32 to index
        %get3A_1123 = arith.constant 32 : index
        %get3A_1124 = tpu.vector_load %arg11[%get3A_1122, %get3A_1123] {strides = array<i32>} : memref<256x128xi32, #tpu.memory_space<vmem>>, vector<16xi32>,
        %and3A_1125 = arith.andi %get3A_1124, %gather3A_771 : vector<16xi32>
        %bitcast3A_1126 = vector.bitcast %and3A_1125 : vector<16xi32> to vector<32xbf16>
        %add3A_1127 = arith.constant 8 : i32
        %add3A_1128 = arith.addi %mul3A_740, %add3A_1127 : i32
        %get3A_1129 = arith.index_cast %add3A_1128 : i32 to index
        %get3A_1130 = arith.constant 32 : index
        %get3A_1131 = tpu.vector_load %arg11[%get3A_1129, %get3A_1130] {strides = array<i32>} : memref<256x128xi32, #tpu.memory_space<vmem>>, vector<16xi32>,
        %and3A_1132 = arith.andi %get3A_1131, %gather3A_775 : vector<16xi32>
        %bitcast3A_1133 = vector.bitcast %and3A_1132 : vector<16xi32> to vector<32xbf16>
        %add3A_1134 = arith.constant 9 : i32
        %add3A_1135 = arith.addi %mul3A_740, %add3A_1134 : i32
        %get3A_1136 = arith.index_cast %add3A_1135 : i32 to index
        %get3A_1137 = arith.constant 32 : index
        %get3A_1138 = tpu.vector_load %arg11[%get3A_1136, %get3A_1137] {strides = array<i32>} : memref<256x128xi32, #tpu.memory_space<vmem>>, vector<16xi32>,
        %and3A_1139 = arith.andi %get3A_1138, %gather3A_779 : vector<16xi32>
        %bitcast3A_1140 = vector.bitcast %and3A_1139 : vector<16xi32> to vector<32xbf16>
        %add3A_1141 = arith.constant 10 : i32
        %add3A_1142 = arith.addi %mul3A_740, %add3A_1141 : i32
        %get3A_1143 = arith.index_cast %add3A_1142 : i32 to index
        %get3A_1144 = arith.constant 32 : index
        %get3A_1145 = tpu.vector_load %arg11[%get3A_1143, %get3A_1144] {strides = array<i32>} : memref<256x128xi32, #tpu.memory_space<vmem>>, vector<16xi32>,
        %and3A_1146 = arith.andi %get3A_1145, %gather3A_783 : vector<16xi32>
        %bitcast3A_1147 = vector.bitcast %and3A_1146 : vector<16xi32> to vector<32xbf16>
        %add3A_1148 = arith.constant 11 : i32
        %add3A_1149 = arith.addi %mul3A_740, %add3A_1148 : i32
        %get3A_1150 = arith.index_cast %add3A_1149 : i32 to index
        %get3A_1151 = arith.constant 32 : index
        %get3A_1152 = tpu.vector_load %arg11[%get3A_1150, %get3A_1151] {strides = array<i32>} : memref<256x128xi32, #tpu.memory_space<vmem>>, vector<16xi32>,
        %and3A_1153 = arith.andi %get3A_1152, %gather3A_787 : vector<16xi32>
        %bitcast3A_1154 = vector.bitcast %and3A_1153 : vector<16xi32> to vector<32xbf16>
        %add3A_1155 = arith.constant 12 : i32
        %add3A_1156 = arith.addi %mul3A_740, %add3A_1155 : i32
        %get3A_1157 = arith.index_cast %add3A_1156 : i32 to index
        %get3A_1158 = arith.constant 32 : index
        %get3A_1159 = tpu.vector_load %arg11[%get3A_1157, %get3A_1158] {strides = array<i32>} : memref<256x128xi32, #tpu.memory_space<vmem>>, vector<16xi32>,
        %and3A_1160 = arith.andi %get3A_1159, %gather3A_791 : vector<16xi32>
        %bitcast3A_1161 = vector.bitcast %and3A_1160 : vector<16xi32> to vector<32xbf16>
        %add3A_1162 = arith.constant 13 : i32
        %add3A_1163 = arith.addi %mul3A_740, %add3A_1162 : i32
        %get3A_1164 = arith.index_cast %add3A_1163 : i32 to index
        %get3A_1165 = arith.constant 32 : index
        %get3A_1166 = tpu.vector_load %arg11[%get3A_1164, %get3A_1165] {strides = array<i32>} : memref<256x128xi32, #tpu.memory_space<vmem>>, vector<16xi32>,
        %and3A_1167 = arith.andi %get3A_1166, %gather3A_795 : vector<16xi32>
        %bitcast3A_1168 = vector.bitcast %and3A_1167 : vector<16xi32> to vector<32xbf16>
        %add3A_1169 = arith.constant 14 : i32
        %add3A_1170 = arith.addi %mul3A_740, %add3A_1169 : i32
        %get3A_1171 = arith.index_cast %add3A_1170 : i32 to index
        %get3A_1172 = arith.constant 32 : index
        %get3A_1173 = tpu.vector_load %arg11[%get3A_1171, %get3A_1172] {strides = array<i32>} : memref<256x128xi32, #tpu.memory_space<vmem>>, vector<16xi32>,
        %and3A_1174 = arith.andi %get3A_1173, %gather3A_799 : vector<16xi32>
        %bitcast3A_1175 = vector.bitcast %and3A_1174 : vector<16xi32> to vector<32xbf16>
        %add3A_1176 = arith.constant 15 : i32
        %add3A_1177 = arith.addi %mul3A_740, %add3A_1176 : i32
        %get3A_1178 = arith.index_cast %add3A_1177 : i32 to index
        %get3A_1179 = arith.constant 32 : index
        %get3A_1180 = tpu.vector_load %arg11[%get3A_1178, %get3A_1179] {strides = array<i32>} : memref<256x128xi32, #tpu.memory_space<vmem>>, vector<16xi32>,
        %and3A_1181 = arith.andi %get3A_1180, %gather3A_803 : vector<16xi32>
        %bitcast3A_1182 = vector.bitcast %and3A_1181 : vector<16xi32> to vector<32xbf16>
        %max3A_1183 = arith.maximumf %bitcast3A_1077, %bitcast3A_1084 : vector<32xbf16>
        %max3A_1184 = arith.maximumf %bitcast3A_1091, %bitcast3A_1098 : vector<32xbf16>
        %max3A_1185 = arith.maximumf %bitcast3A_1105, %bitcast3A_1112 : vector<32xbf16>
        %max3A_1186 = arith.maximumf %bitcast3A_1119, %bitcast3A_1126 : vector<32xbf16>
        %max3A_1187 = arith.maximumf %bitcast3A_1133, %bitcast3A_1140 : vector<32xbf16>
        %max3A_1188 = arith.maximumf %bitcast3A_1147, %bitcast3A_1154 : vector<32xbf16>
        %max3A_1189 = arith.maximumf %bitcast3A_1161, %bitcast3A_1168 : vector<32xbf16>
        %max3A_1190 = arith.maximumf %bitcast3A_1175, %bitcast3A_1182 : vector<32xbf16>
        %max3A_1191 = arith.maximumf %max3A_1183, %max3A_1184 : vector<32xbf16>
        %max3A_1192 = arith.maximumf %max3A_1185, %max3A_1186 : vector<32xbf16>
        %max3A_1193 = arith.maximumf %max3A_1187, %max3A_1188 : vector<32xbf16>
        %max3A_1194 = arith.maximumf %max3A_1189, %max3A_1190 : vector<32xbf16>
        %max3A_1195 = arith.maximumf %max3A_1191, %max3A_1192 : vector<32xbf16>
        %max3A_1196 = arith.maximumf %max3A_1193, %max3A_1194 : vector<32xbf16>
        %max3A_1197 = arith.maximumf %max3A_1195, %max3A_1196 : vector<32xbf16>
        %unpack3A_1198 = tpu.unpack_subelements %max3A_1197, 0 {pack_format = #tpu.pack_format<interleaved>} : vector<32xbf16> -> vector<16xf32>
        %unpack3A_1199 = tpu.unpack_subelements %max3A_1197, 1 {pack_format = #tpu.pack_format<interleaved>} : vector<32xbf16> -> vector<16xf32>
        %swap3A_1200 = arith.index_cast %add3A_738 : i32 to index
        %swap3A_1201 = arith.constant 32 : index
        %swap3A_1202 = tpu.vector_load %arg13[%swap3A_1200, %swap3A_1201] {strides = array<i32>} : memref<16x256xf32, #tpu.memory_space<vmem>>, vector<16xf32>,
        tpu.vector_store %arg13[%swap3A_1200, %swap3A_1201], %unpack3A_1198 {strides = array<i32>} : memref<16x256xf32, #tpu.memory_space<vmem>>, vector<16xf32>,
        %swap3A_1203 = arith.index_cast %add3A_738 : i32 to index
        %swap3A_1204 = arith.constant 160 : index
        %swap3A_1205 = tpu.vector_load %arg13[%swap3A_1203, %swap3A_1204] {strides = array<i32>} : memref<16x256xf32, #tpu.memory_space<vmem>>, vector<16xf32>,
        tpu.vector_store %arg13[%swap3A_1203, %swap3A_1204], %unpack3A_1199 {strides = array<i32>} : memref<16x256xf32, #tpu.memory_space<vmem>>, vector<16xf32>,
        %add3A_1206 = arith.constant 0 : i32
        %add3A_1207 = arith.addi %mul3A_740, %add3A_1206 : i32
        %get3A_1208 = arith.index_cast %add3A_1207 : i32 to index
        %get3A_1209 = arith.constant 48 : index
        %get3A_1210 = tpu.vector_load %arg11[%get3A_1208, %get3A_1209] {strides = array<i32>} : memref<256x128xi32, #tpu.memory_space<vmem>>, vector<16xi32>,
        %and3A_1211 = arith.andi %get3A_1210, %gather3A : vector<16xi32>
        %bitcast3A_1212 = vector.bitcast %and3A_1211 : vector<16xi32> to vector<32xbf16>
        %add3A_1213 = arith.constant 1 : i32
        %add3A_1214 = arith.addi %mul3A_740, %add3A_1213 : i32
        %get3A_1215 = arith.index_cast %add3A_1214 : i32 to index
        %get3A_1216 = arith.constant 48 : index
        %get3A_1217 = tpu.vector_load %arg11[%get3A_1215, %get3A_1216] {strides = array<i32>} : memref<256x128xi32, #tpu.memory_space<vmem>>, vector<16xi32>,
        %and3A_1218 = arith.andi %get3A_1217, %gather3A_747 : vector<16xi32>
        %bitcast3A_1219 = vector.bitcast %and3A_1218 : vector<16xi32> to vector<32xbf16>
        %add3A_1220 = arith.constant 2 : i32
        %add3A_1221 = arith.addi %mul3A_740, %add3A_1220 : i32
        %get3A_1222 = arith.index_cast %add3A_1221 : i32 to index
        %get3A_1223 = arith.constant 48 : index
        %get3A_1224 = tpu.vector_load %arg11[%get3A_1222, %get3A_1223] {strides = array<i32>} : memref<256x128xi32, #tpu.memory_space<vmem>>, vector<16xi32>,
        %and3A_1225 = arith.andi %get3A_1224, %gather3A_751 : vector<16xi32>
        %bitcast3A_1226 = vector.bitcast %and3A_1225 : vector<16xi32> to vector<32xbf16>
        %add3A_1227 = arith.constant 3 : i32
        %add3A_1228 = arith.addi %mul3A_740, %add3A_1227 : i32
        %get3A_1229 = arith.index_cast %add3A_1228 : i32 to index
        %get3A_1230 = arith.constant 48 : index
        %get3A_1231 = tpu.vector_load %arg11[%get3A_1229, %get3A_1230] {strides = array<i32>} : memref<256x128xi32, #tpu.memory_space<vmem>>, vector<16xi32>,
        %and3A_1232 = arith.andi %get3A_1231, %gather3A_755 : vector<16xi32>
        %bitcast3A_1233 = vector.bitcast %and3A_1232 : vector<16xi32> to vector<32xbf16>
        %add3A_1234 = arith.constant 4 : i32
        %add3A_1235 = arith.addi %mul3A_740, %add3A_1234 : i32
        %get3A_1236 = arith.index_cast %add3A_1235 : i32 to index
        %get3A_1237 = arith.constant 48 : index
        %get3A_1238 = tpu.vector_load %arg11[%get3A_1236, %get3A_1237] {strides = array<i32>} : memref<256x128xi32, #tpu.memory_space<vmem>>, vector<16xi32>,
        %and3A_1239 = arith.andi %get3A_1238, %gather3A_759 : vector<16xi32>
        %bitcast3A_1240 = vector.bitcast %and3A_1239 : vector<16xi32> to vector<32xbf16>
        %add3A_1241 = arith.constant 5 : i32
        %add3A_1242 = arith.addi %mul3A_740, %add3A_1241 : i32
        %get3A_1243 = arith.index_cast %add3A_1242 : i32 to index
        %get3A_1244 = arith.constant 48 : index
        %get3A_1245 = tpu.vector_load %arg11[%get3A_1243, %get3A_1244] {strides = array<i32>} : memref<256x128xi32, #tpu.memory_space<vmem>>, vector<16xi32>,
        %and3A_1246 = arith.andi %get3A_1245, %gather3A_763 : vector<16xi32>
        %bitcast3A_1247 = vector.bitcast %and3A_1246 : vector<16xi32> to vector<32xbf16>
        %add3A_1248 = arith.constant 6 : i32
        %add3A_1249 = arith.addi %mul3A_740, %add3A_1248 : i32
        %get3A_1250 = arith.index_cast %add3A_1249 : i32 to index
        %get3A_1251 = arith.constant 48 : index
        %get3A_1252 = tpu.vector_load %arg11[%get3A_1250, %get3A_1251] {strides = array<i32>} : memref<256x128xi32, #tpu.memory_space<vmem>>, vector<16xi32>,
        %and3A_1253 = arith.andi %get3A_1252, %gather3A_767 : vector<16xi32>
        %bitcast3A_1254 = vector.bitcast %and3A_1253 : vector<16xi32> to vector<32xbf16>
        %add3A_1255 = arith.constant 7 : i32
        %add3A_1256 = arith.addi %mul3A_740, %add3A_1255 : i32
        %get3A_1257 = arith.index_cast %add3A_1256 : i32 to index
        %get3A_1258 = arith.constant 48 : index
        %get3A_1259 = tpu.vector_load %arg11[%get3A_1257, %get3A_1258] {strides = array<i32>} : memref<256x128xi32, #tpu.memory_space<vmem>>, vector<16xi32>,
        %and3A_1260 = arith.andi %get3A_1259, %gather3A_771 : vector<16xi32>
        %bitcast3A_1261 = vector.bitcast %and3A_1260 : vector<16xi32> to vector<32xbf16>
        %add3A_1262 = arith.constant 8 : i32
        %add3A_1263 = arith.addi %mul3A_740, %add3A_1262 : i32
        %get3A_1264 = arith.index_cast %add3A_1263 : i32 to index
        %get3A_1265 = arith.constant 48 : index
        %get3A_1266 = tpu.vector_load %arg11[%get3A_1264, %get3A_1265] {strides = array<i32>} : memref<256x128xi32, #tpu.memory_space<vmem>>, vector<16xi32>,
        %and3A_1267 = arith.andi %get3A_1266, %gather3A_775 : vector<16xi32>
        %bitcast3A_1268 = vector.bitcast %and3A_1267 : vector<16xi32> to vector<32xbf16>
        %add3A_1269 = arith.constant 9 : i32
        %add3A_1270 = arith.addi %mul3A_740, %add3A_1269 : i32
        %get3A_1271 = arith.index_cast %add3A_1270 : i32 to index
        %get3A_1272 = arith.constant 48 : index
        %get3A_1273 = tpu.vector_load %arg11[%get3A_1271, %get3A_1272] {strides = array<i32>} : memref<256x128xi32, #tpu.memory_space<vmem>>, vector<16xi32>,
        %and3A_1274 = arith.andi %get3A_1273, %gather3A_779 : vector<16xi32>
        %bitcast3A_1275 = vector.bitcast %and3A_1274 : vector<16xi32> to vector<32xbf16>
        %add3A_1276 = arith.constant 10 : i32
        %add3A_1277 = arith.addi %mul3A_740, %add3A_1276 : i32
        %get3A_1278 = arith.index_cast %add3A_1277 : i32 to index
        %get3A_1279 = arith.constant 48 : index
        %get3A_1280 = tpu.vector_load %arg11[%get3A_1278, %get3A_1279] {strides = array<i32>} : memref<256x128xi32, #tpu.memory_space<vmem>>, vector<16xi32>,
        %and3A_1281 = arith.andi %get3A_1280, %gather3A_783 : vector<16xi32>
        %bitcast3A_1282 = vector.bitcast %and3A_1281 : vector<16xi32> to vector<32xbf16>
        %add3A_1283 = arith.constant 11 : i32
        %add3A_1284 = arith.addi %mul3A_740, %add3A_1283 : i32
        %get3A_1285 = arith.index_cast %add3A_1284 : i32 to index
        %get3A_1286 = arith.constant 48 : index
        %get3A_1287 = tpu.vector_load %arg11[%get3A_1285, %get3A_1286] {strides = array<i32>} : memref<256x128xi32, #tpu.memory_space<vmem>>, vector<16xi32>,
        %and3A_1288 = arith.andi %get3A_1287, %gather3A_787 : vector<16xi32>
        %bitcast3A_1289 = vector.bitcast %and3A_1288 : vector<16xi32> to vector<32xbf16>
        %add3A_1290 = arith.constant 12 : i32
        %add3A_1291 = arith.addi %mul3A_740, %add3A_1290 : i32
        %get3A_1292 = arith.index_cast %add3A_1291 : i32 to index
        %get3A_1293 = arith.constant 48 : index
        %get3A_1294 = tpu.vector_load %arg11[%get3A_1292, %get3A_1293] {strides = array<i32>} : memref<256x128xi32, #tpu.memory_space<vmem>>, vector<16xi32>,
        %and3A_1295 = arith.andi %get3A_1294, %gather3A_791 : vector<16xi32>
        %bitcast3A_1296 = vector.bitcast %and3A_1295 : vector<16xi32> to vector<32xbf16>
        %add3A_1297 = arith.constant 13 : i32
        %add3A_1298 = arith.addi %mul3A_740, %add3A_1297 : i32
        %get3A_1299 = arith.index_cast %add3A_1298 : i32 to index
        %get3A_1300 = arith.constant 48 : index
        %get3A_1301 = tpu.vector_load %arg11[%get3A_1299, %get3A_1300] {strides = array<i32>} : memref<256x128xi32, #tpu.memory_space<vmem>>, vector<16xi32>,
        %and3A_1302 = arith.andi %get3A_1301, %gather3A_795 : vector<16xi32>
        %bitcast3A_1303 = vector.bitcast %and3A_1302 : vector<16xi32> to vector<32xbf16>
        %add3A_1304 = arith.constant 14 : i32
        %add3A_1305 = arith.addi %mul3A_740, %add3A_1304 : i32
        %get3A_1306 = arith.index_cast %add3A_1305 : i32 to index
        %get3A_1307 = arith.constant 48 : index
        %get3A_1308 = tpu.vector_load %arg11[%get3A_1306, %get3A_1307] {strides = array<i32>} : memref<256x128xi32, #tpu.memory_space<vmem>>, vector<16xi32>,
        %and3A_1309 = arith.andi %get3A_1308, %gather3A_799 : vector<16xi32>
        %bitcast3A_1310 = vector.bitcast %and3A_1309 : vector<16xi32> to vector<32xbf16>
        %add3A_1311 = arith.constant 15 : i32
        %add3A_1312 = arith.addi %mul3A_740, %add3A_1311 : i32
        %get3A_1313 = arith.index_cast %add3A_1312 : i32 to index
        %get3A_1314 = arith.constant 48 : index
        %get3A_1315 = tpu.vector_load %arg11[%get3A_1313, %get3A_1314] {strides = array<i32>} : memref<256x128xi32, #tpu.memory_space<vmem>>, vector<16xi32>,
        %and3A_1316 = arith.andi %get3A_1315, %gather3A_803 : vector<16xi32>
        %bitcast3A_1317 = vector.bitcast %and3A_1316 : vector<16xi32> to vector<32xbf16>
        %max3A_1318 = arith.maximumf %bitcast3A_1212, %bitcast3A_1219 : vector<32xbf16>
        %max3A_1319 = arith.maximumf %bitcast3A_1226, %bitcast3A_1233 : vector<32xbf16>
        %max3A_1320 = arith.maximumf %bitcast3A_1240, %bitcast3A_1247 : vector<32xbf16>
        %max3A_1321 = arith.maximumf %bitcast3A_1254, %bitcast3A_1261 : vector<32xbf16>
        %max3A_1322 = arith.maximumf %bitcast3A_1268, %bitcast3A_1275 : vector<32xbf16>
        %max3A_1323 = arith.maximumf %bitcast3A_1282, %bitcast3A_1289 : vector<32xbf16>
        %max3A_1324 = arith.maximumf %bitcast3A_1296, %bitcast3A_1303 : vector<32xbf16>
        %max3A_1325 = arith.maximumf %bitcast3A_1310, %bitcast3A_1317 : vector<32xbf16>
        %max3A_1326 = arith.maximumf %max3A_1318, %max3A_1319 : vector<32xbf16>
        %max3A_1327 = arith.maximumf %max3A_1320, %max3A_1321 : vector<32xbf16>
        %max3A_1328 = arith.maximumf %max3A_1322, %max3A_1323 : vector<32xbf16>
        %max3A_1329 = arith.maximumf %max3A_1324, %max3A_1325 : vector<32xbf16>
        %max3A_1330 = arith.maximumf %max3A_1326, %max3A_1327 : vector<32xbf16>
        %max3A_1331 = arith.maximumf %max3A_1328, %max3A_1329 : vector<32xbf16>
        %max3A_1332 = arith.maximumf %max3A_1330, %max3A_1331 : vector<32xbf16>
        %unpack3A_1333 = tpu.unpack_subelements %max3A_1332, 0 {pack_format = #tpu.pack_format<interleaved>} : vector<32xbf16> -> vector<16xf32>
        %unpack3A_1334 = tpu.unpack_subelements %max3A_1332, 1 {pack_format = #tpu.pack_format<interleaved>} : vector<32xbf16> -> vector<16xf32>
        %swap3A_1335 = arith.index_cast %add3A_738 : i32 to index
        %swap3A_1336 = arith.constant 48 : index
        %swap3A_1337 = tpu.vector_load %arg13[%swap3A_1335, %swap3A_1336] {strides = array<i32>} : memref<16x256xf32, #tpu.memory_space<vmem>>, vector<16xf32>,
        tpu.vector_store %arg13[%swap3A_1335, %swap3A_1336], %unpack3A_1333 {strides = array<i32>} : memref<16x256xf32, #tpu.memory_space<vmem>>, vector<16xf32>,
        %swap3A_1338 = arith.index_cast %add3A_738 : i32 to index
        %swap3A_1339 = arith.constant 176 : index
        %swap3A_1340 = tpu.vector_load %arg13[%swap3A_1338, %swap3A_1339] {strides = array<i32>} : memref<16x256xf32, #tpu.memory_space<vmem>>, vector<16xf32>,
        tpu.vector_store %arg13[%swap3A_1338, %swap3A_1339], %unpack3A_1334 {strides = array<i32>} : memref<16x256xf32, #tpu.memory_space<vmem>>, vector<16xf32>,
        %add3A_1341 = arith.constant 0 : i32
        %add3A_1342 = arith.addi %mul3A_740, %add3A_1341 : i32
        %get3A_1343 = arith.index_cast %add3A_1342 : i32 to index
        %get3A_1344 = arith.constant 64 : index
        %get3A_1345 = tpu.vector_load %arg11[%get3A_1343, %get3A_1344] {strides = array<i32>} : memref<256x128xi32, #tpu.memory_space<vmem>>, vector<16xi32>,
        %and3A_1346 = arith.andi %get3A_1345, %gather3A : vector<16xi32>
        %bitcast3A_1347 = vector.bitcast %and3A_1346 : vector<16xi32> to vector<32xbf16>
        %add3A_1348 = arith.constant 1 : i32
        %add3A_1349 = arith.addi %mul3A_740, %add3A_1348 : i32
        %get3A_1350 = arith.index_cast %add3A_1349 : i32 to index
        %get3A_1351 = arith.constant 64 : index
        %get3A_1352 = tpu.vector_load %arg11[%get3A_1350, %get3A_1351] {strides = array<i32>} : memref<256x128xi32, #tpu.memory_space<vmem>>, vector<16xi32>,
        %and3A_1353 = arith.andi %get3A_1352, %gather3A_747 : vector<16xi32>
        %bitcast3A_1354 = vector.bitcast %and3A_1353 : vector<16xi32> to vector<32xbf16>
        %add3A_1355 = arith.constant 2 : i32
        %add3A_1356 = arith.addi %mul3A_740, %add3A_1355 : i32
        %get3A_1357 = arith.index_cast %add3A_1356 : i32 to index
        %get3A_1358 = arith.constant 64 : index
        %get3A_1359 = tpu.vector_load %arg11[%get3A_1357, %get3A_1358] {strides = array<i32>} : memref<256x128xi32, #tpu.memory_space<vmem>>, vector<16xi32>,
        %and3A_1360 = arith.andi %get3A_1359, %gather3A_751 : vector<16xi32>
        %bitcast3A_1361 = vector.bitcast %and3A_1360 : vector<16xi32> to vector<32xbf16>
        %add3A_1362 = arith.constant 3 : i32
        %add3A_1363 = arith.addi %mul3A_740, %add3A_1362 : i32
        %get3A_1364 = arith.index_cast %add3A_1363 : i32 to index
        %get3A_1365 = arith.constant 64 : index
        %get3A_1366 = tpu.vector_load %arg11[%get3A_1364, %get3A_1365] {strides = array<i32>} : memref<256x128xi32, #tpu.memory_space<vmem>>, vector<16xi32>,
        %and3A_1367 = arith.andi %get3A_1366, %gather3A_755 : vector<16xi32>
        %bitcast3A_1368 = vector.bitcast %and3A_1367 : vector<16xi32> to vector<32xbf16>
        %add3A_1369 = arith.constant 4 : i32
        %add3A_1370 = arith.addi %mul3A_740, %add3A_1369 : i32
        %get3A_1371 = arith.index_cast %add3A_1370 : i32 to index
        %get3A_1372 = arith.constant 64 : index
        %get3A_1373 = tpu.vector_load %arg11[%get3A_1371, %get3A_1372] {strides = array<i32>} : memref<256x128xi32, #tpu.memory_space<vmem>>, vector<16xi32>,
        %and3A_1374 = arith.andi %get3A_1373, %gather3A_759 : vector<16xi32>
        %bitcast3A_1375 = vector.bitcast %and3A_1374 : vector<16xi32> to vector<32xbf16>
        %add3A_1376 = arith.constant 5 : i32
        %add3A_1377 = arith.addi %mul3A_740, %add3A_1376 : i32
        %get3A_1378 = arith.index_cast %add3A_1377 : i32 to index
        %get3A_1379 = arith.constant 64 : index
        %get3A_1380 = tpu.vector_load %arg11[%get3A_1378, %get3A_1379] {strides = array<i32>} : memref<256x128xi32, #tpu.memory_space<vmem>>, vector<16xi32>,
        %and3A_1381 = arith.andi %get3A_1380, %gather3A_763 : vector<16xi32>
        %bitcast3A_1382 = vector.bitcast %and3A_1381 : vector<16xi32> to vector<32xbf16>
        %add3A_1383 = arith.constant 6 : i32
        %add3A_1384 = arith.addi %mul3A_740, %add3A_1383 : i32
        %get3A_1385 = arith.index_cast %add3A_1384 : i32 to index
        %get3A_1386 = arith.constant 64 : index
        %get3A_1387 = tpu.vector_load %arg11[%get3A_1385, %get3A_1386] {strides = array<i32>} : memref<256x128xi32, #tpu.memory_space<vmem>>, vector<16xi32>,
        %and3A_1388 = arith.andi %get3A_1387, %gather3A_767 : vector<16xi32>
        %bitcast3A_1389 = vector.bitcast %and3A_1388 : vector<16xi32> to vector<32xbf16>
        %add3A_1390 = arith.constant 7 : i32
        %add3A_1391 = arith.addi %mul3A_740, %add3A_1390 : i32
        %get3A_1392 = arith.index_cast %add3A_1391 : i32 to index
        %get3A_1393 = arith.constant 64 : index
        %get3A_1394 = tpu.vector_load %arg11[%get3A_1392, %get3A_1393] {strides = array<i32>} : memref<256x128xi32, #tpu.memory_space<vmem>>, vector<16xi32>,
        %and3A_1395 = arith.andi %get3A_1394, %gather3A_771 : vector<16xi32>
        %bitcast3A_1396 = vector.bitcast %and3A_1395 : vector<16xi32> to vector<32xbf16>
        %add3A_1397 = arith.constant 8 : i32
        %add3A_1398 = arith.addi %mul3A_740, %add3A_1397 : i32
        %get3A_1399 = arith.index_cast %add3A_1398 : i32 to index
        %get3A_1400 = arith.constant 64 : index
        %get3A_1401 = tpu.vector_load %arg11[%get3A_1399, %get3A_1400] {strides = array<i32>} : memref<256x128xi32, #tpu.memory_space<vmem>>, vector<16xi32>,
        %and3A_1402 = arith.andi %get3A_1401, %gather3A_775 : vector<16xi32>
        %bitcast3A_1403 = vector.bitcast %and3A_1402 : vector<16xi32> to vector<32xbf16>
        %add3A_1404 = arith.constant 9 : i32
        %add3A_1405 = arith.addi %mul3A_740, %add3A_1404 : i32
        %get3A_1406 = arith.index_cast %add3A_1405 : i32 to index
        %get3A_1407 = arith.constant 64 : index
        %get3A_1408 = tpu.vector_load %arg11[%get3A_1406, %get3A_1407] {strides = array<i32>} : memref<256x128xi32, #tpu.memory_space<vmem>>, vector<16xi32>,
        %and3A_1409 = arith.andi %get3A_1408, %gather3A_779 : vector<16xi32>
        %bitcast3A_1410 = vector.bitcast %and3A_1409 : vector<16xi32> to vector<32xbf16>
        %add3A_1411 = arith.constant 10 : i32
        %add3A_1412 = arith.addi %mul3A_740, %add3A_1411 : i32
        %get3A_1413 = arith.index_cast %add3A_1412 : i32 to index
        %get3A_1414 = arith.constant 64 : index
        %get3A_1415 = tpu.vector_load %arg11[%get3A_1413, %get3A_1414] {strides = array<i32>} : memref<256x128xi32, #tpu.memory_space<vmem>>, vector<16xi32>,
        %and3A_1416 = arith.andi %get3A_1415, %gather3A_783 : vector<16xi32>
        %bitcast3A_1417 = vector.bitcast %and3A_1416 : vector<16xi32> to vector<32xbf16>
        %add3A_1418 = arith.constant 11 : i32
        %add3A_1419 = arith.addi %mul3A_740, %add3A_1418 : i32
        %get3A_1420 = arith.index_cast %add3A_1419 : i32 to index
        %get3A_1421 = arith.constant 64 : index
        %get3A_1422 = tpu.vector_load %arg11[%get3A_1420, %get3A_1421] {strides = array<i32>} : memref<256x128xi32, #tpu.memory_space<vmem>>, vector<16xi32>,
        %and3A_1423 = arith.andi %get3A_1422, %gather3A_787 : vector<16xi32>
        %bitcast3A_1424 = vector.bitcast %and3A_1423 : vector<16xi32> to vector<32xbf16>
        %add3A_1425 = arith.constant 12 : i32
        %add3A_1426 = arith.addi %mul3A_740, %add3A_1425 : i32
        %get3A_1427 = arith.index_cast %add3A_1426 : i32 to index
        %get3A_1428 = arith.constant 64 : index
        %get3A_1429 = tpu.vector_load %arg11[%get3A_1427, %get3A_1428] {strides = array<i32>} : memref<256x128xi32, #tpu.memory_space<vmem>>, vector<16xi32>,
        %and3A_1430 = arith.andi %get3A_1429, %gather3A_791 : vector<16xi32>
        %bitcast3A_1431 = vector.bitcast %and3A_1430 : vector<16xi32> to vector<32xbf16>
        %add3A_1432 = arith.constant 13 : i32
        %add3A_1433 = arith.addi %mul3A_740, %add3A_1432 : i32
        %get3A_1434 = arith.index_cast %add3A_1433 : i32 to index
        %get3A_1435 = arith.constant 64 : index
        %get3A_1436 = tpu.vector_load %arg11[%get3A_1434, %get3A_1435] {strides = array<i32>} : memref<256x128xi32, #tpu.memory_space<vmem>>, vector<16xi32>,
        %and3A_1437 = arith.andi %get3A_1436, %gather3A_795 : vector<16xi32>
        %bitcast3A_1438 = vector.bitcast %and3A_1437 : vector<16xi32> to vector<32xbf16>
        %add3A_1439 = arith.constant 14 : i32
        %add3A_1440 = arith.addi %mul3A_740, %add3A_1439 : i32
        %get3A_1441 = arith.index_cast %add3A_1440 : i32 to index
        %get3A_1442 = arith.constant 64 : index
        %get3A_1443 = tpu.vector_load %arg11[%get3A_1441, %get3A_1442] {strides = array<i32>} : memref<256x128xi32, #tpu.memory_space<vmem>>, vector<16xi32>,
        %and3A_1444 = arith.andi %get3A_1443, %gather3A_799 : vector<16xi32>
        %bitcast3A_1445 = vector.bitcast %and3A_1444 : vector<16xi32> to vector<32xbf16>
        %add3A_1446 = arith.constant 15 : i32
        %add3A_1447 = arith.addi %mul3A_740, %add3A_1446 : i32
        %get3A_1448 = arith.index_cast %add3A_1447 : i32 to index
        %get3A_1449 = arith.constant 64 : index
        %get3A_1450 = tpu.vector_load %arg11[%get3A_1448, %get3A_1449] {strides = array<i32>} : memref<256x128xi32, #tpu.memory_space<vmem>>, vector<16xi32>,
        %and3A_1451 = arith.andi %get3A_1450, %gather3A_803 : vector<16xi32>
        %bitcast3A_1452 = vector.bitcast %and3A_1451 : vector<16xi32> to vector<32xbf16>
        %max3A_1453 = arith.maximumf %bitcast3A_1347, %bitcast3A_1354 : vector<32xbf16>
        %max3A_1454 = arith.maximumf %bitcast3A_1361, %bitcast3A_1368 : vector<32xbf16>
        %max3A_1455 = arith.maximumf %bitcast3A_1375, %bitcast3A_1382 : vector<32xbf16>
        %max3A_1456 = arith.maximumf %bitcast3A_1389, %bitcast3A_1396 : vector<32xbf16>
        %max3A_1457 = arith.maximumf %bitcast3A_1403, %bitcast3A_1410 : vector<32xbf16>
        %max3A_1458 = arith.maximumf %bitcast3A_1417, %bitcast3A_1424 : vector<32xbf16>
        %max3A_1459 = arith.maximumf %bitcast3A_1431, %bitcast3A_1438 : vector<32xbf16>
        %max3A_1460 = arith.maximumf %bitcast3A_1445, %bitcast3A_1452 : vector<32xbf16>
        %max3A_1461 = arith.maximumf %max3A_1453, %max3A_1454 : vector<32xbf16>
        %max3A_1462 = arith.maximumf %max3A_1455, %max3A_1456 : vector<32xbf16>
        %max3A_1463 = arith.maximumf %max3A_1457, %max3A_1458 : vector<32xbf16>
        %max3A_1464 = arith.maximumf %max3A_1459, %max3A_1460 : vector<32xbf16>
        %max3A_1465 = arith.maximumf %max3A_1461, %max3A_1462 : vector<32xbf16>
        %max3A_1466 = arith.maximumf %max3A_1463, %max3A_1464 : vector<32xbf16>
        %max3A_1467 = arith.maximumf %max3A_1465, %max3A_1466 : vector<32xbf16>
        %unpack3A_1468 = tpu.unpack_subelements %max3A_1467, 0 {pack_format = #tpu.pack_format<interleaved>} : vector<32xbf16> -> vector<16xf32>
        %unpack3A_1469 = tpu.unpack_subelements %max3A_1467, 1 {pack_format = #tpu.pack_format<interleaved>} : vector<32xbf16> -> vector<16xf32>
        %swap3A_1470 = arith.index_cast %add3A_738 : i32 to index
        %swap3A_1471 = arith.constant 64 : index
        %swap3A_1472 = tpu.vector_load %arg13[%swap3A_1470, %swap3A_1471] {strides = array<i32>} : memref<16x256xf32, #tpu.memory_space<vmem>>, vector<16xf32>,
        tpu.vector_store %arg13[%swap3A_1470, %swap3A_1471], %unpack3A_1468 {strides = array<i32>} : memref<16x256xf32, #tpu.memory_space<vmem>>, vector<16xf32>,
        %swap3A_1473 = arith.index_cast %add3A_738 : i32 to index
        %swap3A_1474 = arith.constant 192 : index
        %swap3A_1475 = tpu.vector_load %arg13[%swap3A_1473, %swap3A_1474] {strides = array<i32>} : memref<16x256xf32, #tpu.memory_space<vmem>>, vector<16xf32>,
        tpu.vector_store %arg13[%swap3A_1473, %swap3A_1474], %unpack3A_1469 {strides = array<i32>} : memref<16x256xf32, #tpu.memory_space<vmem>>, vector<16xf32>,
        %add3A_1476 = arith.constant 0 : i32
        %add3A_1477 = arith.addi %mul3A_740, %add3A_1476 : i32
        %get3A_1478 = arith.index_cast %add3A_1477 : i32 to index
        %get3A_1479 = arith.constant 80 : index
        %get3A_1480 = tpu.vector_load %arg11[%get3A_1478, %get3A_1479] {strides = array<i32>} : memref<256x128xi32, #tpu.memory_space<vmem>>, vector<16xi32>,
        %and3A_1481 = arith.andi %get3A_1480, %gather3A : vector<16xi32>
        %bitcast3A_1482 = vector.bitcast %and3A_1481 : vector<16xi32> to vector<32xbf16>
        %add3A_1483 = arith.constant 1 : i32
        %add3A_1484 = arith.addi %mul3A_740, %add3A_1483 : i32
        %get3A_1485 = arith.index_cast %add3A_1484 : i32 to index
        %get3A_1486 = arith.constant 80 : index
        %get3A_1487 = tpu.vector_load %arg11[%get3A_1485, %get3A_1486] {strides = array<i32>} : memref<256x128xi32, #tpu.memory_space<vmem>>, vector<16xi32>,
        %and3A_1488 = arith.andi %get3A_1487, %gather3A_747 : vector<16xi32>
        %bitcast3A_1489 = vector.bitcast %and3A_1488 : vector<16xi32> to vector<32xbf16>
        %add3A_1490 = arith.constant 2 : i32
        %add3A_1491 = arith.addi %mul3A_740, %add3A_1490 : i32
        %get3A_1492 = arith.index_cast %add3A_1491 : i32 to index
        %get3A_1493 = arith.constant 80 : index
        %get3A_1494 = tpu.vector_load %arg11[%get3A_1492, %get3A_1493] {strides = array<i32>} : memref<256x128xi32, #tpu.memory_space<vmem>>, vector<16xi32>,
        %and3A_1495 = arith.andi %get3A_1494, %gather3A_751 : vector<16xi32>
        %bitcast3A_1496 = vector.bitcast %and3A_1495 : vector<16xi32> to vector<32xbf16>
        %add3A_1497 = arith.constant 3 : i32
        %add3A_1498 = arith.addi %mul3A_740, %add3A_1497 : i32
        %get3A_1499 = arith.index_cast %add3A_1498 : i32 to index
        %get3A_1500 = arith.constant 80 : index
        %get3A_1501 = tpu.vector_load %arg11[%get3A_1499, %get3A_1500] {strides = array<i32>} : memref<256x128xi32, #tpu.memory_space<vmem>>, vector<16xi32>,
        %and3A_1502 = arith.andi %get3A_1501, %gather3A_755 : vector<16xi32>
        %bitcast3A_1503 = vector.bitcast %and3A_1502 : vector<16xi32> to vector<32xbf16>
        %add3A_1504 = arith.constant 4 : i32
        %add3A_1505 = arith.addi %mul3A_740, %add3A_1504 : i32
        %get3A_1506 = arith.index_cast %add3A_1505 : i32 to index
        %get3A_1507 = arith.constant 80 : index
        %get3A_1508 = tpu.vector_load %arg11[%get3A_1506, %get3A_1507] {strides = array<i32>} : memref<256x128xi32, #tpu.memory_space<vmem>>, vector<16xi32>,
        %and3A_1509 = arith.andi %get3A_1508, %gather3A_759 : vector<16xi32>
        %bitcast3A_1510 = vector.bitcast %and3A_1509 : vector<16xi32> to vector<32xbf16>
        %add3A_1511 = arith.constant 5 : i32
        %add3A_1512 = arith.addi %mul3A_740, %add3A_1511 : i32
        %get3A_1513 = arith.index_cast %add3A_1512 : i32 to index
        %get3A_1514 = arith.constant 80 : index
        %get3A_1515 = tpu.vector_load %arg11[%get3A_1513, %get3A_1514] {strides = array<i32>} : memref<256x128xi32, #tpu.memory_space<vmem>>, vector<16xi32>,
        %and3A_1516 = arith.andi %get3A_1515, %gather3A_763 : vector<16xi32>
        %bitcast3A_1517 = vector.bitcast %and3A_1516 : vector<16xi32> to vector<32xbf16>
        %add3A_1518 = arith.constant 6 : i32
        %add3A_1519 = arith.addi %mul3A_740, %add3A_1518 : i32
        %get3A_1520 = arith.index_cast %add3A_1519 : i32 to index
        %get3A_1521 = arith.constant 80 : index
        %get3A_1522 = tpu.vector_load %arg11[%get3A_1520, %get3A_1521] {strides = array<i32>} : memref<256x128xi32, #tpu.memory_space<vmem>>, vector<16xi32>,
        %and3A_1523 = arith.andi %get3A_1522, %gather3A_767 : vector<16xi32>
        %bitcast3A_1524 = vector.bitcast %and3A_1523 : vector<16xi32> to vector<32xbf16>
        %add3A_1525 = arith.constant 7 : i32
        %add3A_1526 = arith.addi %mul3A_740, %add3A_1525 : i32
        %get3A_1527 = arith.index_cast %add3A_1526 : i32 to index
        %get3A_1528 = arith.constant 80 : index
        %get3A_1529 = tpu.vector_load %arg11[%get3A_1527, %get3A_1528] {strides = array<i32>} : memref<256x128xi32, #tpu.memory_space<vmem>>, vector<16xi32>,
        %and3A_1530 = arith.andi %get3A_1529, %gather3A_771 : vector<16xi32>
        %bitcast3A_1531 = vector.bitcast %and3A_1530 : vector<16xi32> to vector<32xbf16>
        %add3A_1532 = arith.constant 8 : i32
        %add3A_1533 = arith.addi %mul3A_740, %add3A_1532 : i32
        %get3A_1534 = arith.index_cast %add3A_1533 : i32 to index
        %get3A_1535 = arith.constant 80 : index
        %get3A_1536 = tpu.vector_load %arg11[%get3A_1534, %get3A_1535] {strides = array<i32>} : memref<256x128xi32, #tpu.memory_space<vmem>>, vector<16xi32>,
        %and3A_1537 = arith.andi %get3A_1536, %gather3A_775 : vector<16xi32>
        %bitcast3A_1538 = vector.bitcast %and3A_1537 : vector<16xi32> to vector<32xbf16>
        %add3A_1539 = arith.constant 9 : i32
        %add3A_1540 = arith.addi %mul3A_740, %add3A_1539 : i32
        %get3A_1541 = arith.index_cast %add3A_1540 : i32 to index
        %get3A_1542 = arith.constant 80 : index
        %get3A_1543 = tpu.vector_load %arg11[%get3A_1541, %get3A_1542] {strides = array<i32>} : memref<256x128xi32, #tpu.memory_space<vmem>>, vector<16xi32>,
        %and3A_1544 = arith.andi %get3A_1543, %gather3A_779 : vector<16xi32>
        %bitcast3A_1545 = vector.bitcast %and3A_1544 : vector<16xi32> to vector<32xbf16>
        %add3A_1546 = arith.constant 10 : i32
        %add3A_1547 = arith.addi %mul3A_740, %add3A_1546 : i32
        %get3A_1548 = arith.index_cast %add3A_1547 : i32 to index
        %get3A_1549 = arith.constant 80 : index
        %get3A_1550 = tpu.vector_load %arg11[%get3A_1548, %get3A_1549] {strides = array<i32>} : memref<256x128xi32, #tpu.memory_space<vmem>>, vector<16xi32>,
        %and3A_1551 = arith.andi %get3A_1550, %gather3A_783 : vector<16xi32>
        %bitcast3A_1552 = vector.bitcast %and3A_1551 : vector<16xi32> to vector<32xbf16>
        %add3A_1553 = arith.constant 11 : i32
        %add3A_1554 = arith.addi %mul3A_740, %add3A_1553 : i32
        %get3A_1555 = arith.index_cast %add3A_1554 : i32 to index
        %get3A_1556 = arith.constant 80 : index
        %get3A_1557 = tpu.vector_load %arg11[%get3A_1555, %get3A_1556] {strides = array<i32>} : memref<256x128xi32, #tpu.memory_space<vmem>>, vector<16xi32>,
        %and3A_1558 = arith.andi %get3A_1557, %gather3A_787 : vector<16xi32>
        %bitcast3A_1559 = vector.bitcast %and3A_1558 : vector<16xi32> to vector<32xbf16>
        %add3A_1560 = arith.constant 12 : i32
        %add3A_1561 = arith.addi %mul3A_740, %add3A_1560 : i32
        %get3A_1562 = arith.index_cast %add3A_1561 : i32 to index
        %get3A_1563 = arith.constant 80 : index
        %get3A_1564 = tpu.vector_load %arg11[%get3A_1562, %get3A_1563] {strides = array<i32>} : memref<256x128xi32, #tpu.memory_space<vmem>>, vector<16xi32>,
        %and3A_1565 = arith.andi %get3A_1564, %gather3A_791 : vector<16xi32>
        %bitcast3A_1566 = vector.bitcast %and3A_1565 : vector<16xi32> to vector<32xbf16>
        %add3A_1567 = arith.constant 13 : i32
        %add3A_1568 = arith.addi %mul3A_740, %add3A_1567 : i32
        %get3A_1569 = arith.index_cast %add3A_1568 : i32 to index
        %get3A_1570 = arith.constant 80 : index
        %get3A_1571 = tpu.vector_load %arg11[%get3A_1569, %get3A_1570] {strides = array<i32>} : memref<256x128xi32, #tpu.memory_space<vmem>>, vector<16xi32>,
        %and3A_1572 = arith.andi %get3A_1571, %gather3A_795 : vector<16xi32>
        %bitcast3A_1573 = vector.bitcast %and3A_1572 : vector<16xi32> to vector<32xbf16>
        %add3A_1574 = arith.constant 14 : i32
        %add3A_1575 = arith.addi %mul3A_740, %add3A_1574 : i32
        %get3A_1576 = arith.index_cast %add3A_1575 : i32 to index
        %get3A_1577 = arith.constant 80 : index
        %get3A_1578 = tpu.vector_load %arg11[%get3A_1576, %get3A_1577] {strides = array<i32>} : memref<256x128xi32, #tpu.memory_space<vmem>>, vector<16xi32>,
        %and3A_1579 = arith.andi %get3A_1578, %gather3A_799 : vector<16xi32>
        %bitcast3A_1580 = vector.bitcast %and3A_1579 : vector<16xi32> to vector<32xbf16>
        %add3A_1581 = arith.constant 15 : i32
        %add3A_1582 = arith.addi %mul3A_740, %add3A_1581 : i32
        %get3A_1583 = arith.index_cast %add3A_1582 : i32 to index
        %get3A_1584 = arith.constant 80 : index
        %get3A_1585 = tpu.vector_load %arg11[%get3A_1583, %get3A_1584] {strides = array<i32>} : memref<256x128xi32, #tpu.memory_space<vmem>>, vector<16xi32>,
        %and3A_1586 = arith.andi %get3A_1585, %gather3A_803 : vector<16xi32>
        %bitcast3A_1587 = vector.bitcast %and3A_1586 : vector<16xi32> to vector<32xbf16>
        %max3A_1588 = arith.maximumf %bitcast3A_1482, %bitcast3A_1489 : vector<32xbf16>
        %max3A_1589 = arith.maximumf %bitcast3A_1496, %bitcast3A_1503 : vector<32xbf16>
        %max3A_1590 = arith.maximumf %bitcast3A_1510, %bitcast3A_1517 : vector<32xbf16>
        %max3A_1591 = arith.maximumf %bitcast3A_1524, %bitcast3A_1531 : vector<32xbf16>
        %max3A_1592 = arith.maximumf %bitcast3A_1538, %bitcast3A_1545 : vector<32xbf16>
        %max3A_1593 = arith.maximumf %bitcast3A_1552, %bitcast3A_1559 : vector<32xbf16>
        %max3A_1594 = arith.maximumf %bitcast3A_1566, %bitcast3A_1573 : vector<32xbf16>
        %max3A_1595 = arith.maximumf %bitcast3A_1580, %bitcast3A_1587 : vector<32xbf16>
        %max3A_1596 = arith.maximumf %max3A_1588, %max3A_1589 : vector<32xbf16>
        %max3A_1597 = arith.maximumf %max3A_1590, %max3A_1591 : vector<32xbf16>
        %max3A_1598 = arith.maximumf %max3A_1592, %max3A_1593 : vector<32xbf16>
        %max3A_1599 = arith.maximumf %max3A_1594, %max3A_1595 : vector<32xbf16>
        %max3A_1600 = arith.maximumf %max3A_1596, %max3A_1597 : vector<32xbf16>
        %max3A_1601 = arith.maximumf %max3A_1598, %max3A_1599 : vector<32xbf16>
        %max3A_1602 = arith.maximumf %max3A_1600, %max3A_1601 : vector<32xbf16>
        %unpack3A_1603 = tpu.unpack_subelements %max3A_1602, 0 {pack_format = #tpu.pack_format<interleaved>} : vector<32xbf16> -> vector<16xf32>
        %unpack3A_1604 = tpu.unpack_subelements %max3A_1602, 1 {pack_format = #tpu.pack_format<interleaved>} : vector<32xbf16> -> vector<16xf32>
        %swap3A_1605 = arith.index_cast %add3A_738 : i32 to index
        %swap3A_1606 = arith.constant 80 : index
        %swap3A_1607 = tpu.vector_load %arg13[%swap3A_1605, %swap3A_1606] {strides = array<i32>} : memref<16x256xf32, #tpu.memory_space<vmem>>, vector<16xf32>,
        tpu.vector_store %arg13[%swap3A_1605, %swap3A_1606], %unpack3A_1603 {strides = array<i32>} : memref<16x256xf32, #tpu.memory_space<vmem>>, vector<16xf32>,
        %swap3A_1608 = arith.index_cast %add3A_738 : i32 to index
        %swap3A_1609 = arith.constant 208 : index
        %swap3A_1610 = tpu.vector_load %arg13[%swap3A_1608, %swap3A_1609] {strides = array<i32>} : memref<16x256xf32, #tpu.memory_space<vmem>>, vector<16xf32>,
        tpu.vector_store %arg13[%swap3A_1608, %swap3A_1609], %unpack3A_1604 {strides = array<i32>} : memref<16x256xf32, #tpu.memory_space<vmem>>, vector<16xf32>,
        %add3A_1611 = arith.constant 0 : i32
        %add3A_1612 = arith.addi %mul3A_740, %add3A_1611 : i32
        %get3A_1613 = arith.index_cast %add3A_1612 : i32 to index
        %get3A_1614 = arith.constant 96 : index
        %get3A_1615 = tpu.vector_load %arg11[%get3A_1613, %get3A_1614] {strides = array<i32>} : memref<256x128xi32, #tpu.memory_space<vmem>>, vector<16xi32>,
        %and3A_1616 = arith.andi %get3A_1615, %gather3A : vector<16xi32>
        %bitcast3A_1617 = vector.bitcast %and3A_1616 : vector<16xi32> to vector<32xbf16>
        %add3A_1618 = arith.constant 1 : i32
        %add3A_1619 = arith.addi %mul3A_740, %add3A_1618 : i32
        %get3A_1620 = arith.index_cast %add3A_1619 : i32 to index
        %get3A_1621 = arith.constant 96 : index
        %get3A_1622 = tpu.vector_load %arg11[%get3A_1620, %get3A_1621] {strides = array<i32>} : memref<256x128xi32, #tpu.memory_space<vmem>>, vector<16xi32>,
        %and3A_1623 = arith.andi %get3A_1622, %gather3A_747 : vector<16xi32>
        %bitcast3A_1624 = vector.bitcast %and3A_1623 : vector<16xi32> to vector<32xbf16>
        %add3A_1625 = arith.constant 2 : i32
        %add3A_1626 = arith.addi %mul3A_740, %add3A_1625 : i32
        %get3A_1627 = arith.index_cast %add3A_1626 : i32 to index
        %get3A_1628 = arith.constant 96 : index
        %get3A_1629 = tpu.vector_load %arg11[%get3A_1627, %get3A_1628] {strides = array<i32>} : memref<256x128xi32, #tpu.memory_space<vmem>>, vector<16xi32>,
        %and3A_1630 = arith.andi %get3A_1629, %gather3A_751 : vector<16xi32>
        %bitcast3A_1631 = vector.bitcast %and3A_1630 : vector<16xi32> to vector<32xbf16>
        %add3A_1632 = arith.constant 3 : i32
        %add3A_1633 = arith.addi %mul3A_740, %add3A_1632 : i32
        %get3A_1634 = arith.index_cast %add3A_1633 : i32 to index
        %get3A_1635 = arith.constant 96 : index
        %get3A_1636 = tpu.vector_load %arg11[%get3A_1634, %get3A_1635] {strides = array<i32>} : memref<256x128xi32, #tpu.memory_space<vmem>>, vector<16xi32>,
        %and3A_1637 = arith.andi %get3A_1636, %gather3A_755 : vector<16xi32>
        %bitcast3A_1638 = vector.bitcast %and3A_1637 : vector<16xi32> to vector<32xbf16>
        %add3A_1639 = arith.constant 4 : i32
        %add3A_1640 = arith.addi %mul3A_740, %add3A_1639 : i32
        %get3A_1641 = arith.index_cast %add3A_1640 : i32 to index
        %get3A_1642 = arith.constant 96 : index
        %get3A_1643 = tpu.vector_load %arg11[%get3A_1641, %get3A_1642] {strides = array<i32>} : memref<256x128xi32, #tpu.memory_space<vmem>>, vector<16xi32>,
        %and3A_1644 = arith.andi %get3A_1643, %gather3A_759 : vector<16xi32>
        %bitcast3A_1645 = vector.bitcast %and3A_1644 : vector<16xi32> to vector<32xbf16>
        %add3A_1646 = arith.constant 5 : i32
        %add3A_1647 = arith.addi %mul3A_740, %add3A_1646 : i32
        %get3A_1648 = arith.index_cast %add3A_1647 : i32 to index
        %get3A_1649 = arith.constant 96 : index
        %get3A_1650 = tpu.vector_load %arg11[%get3A_1648, %get3A_1649] {strides = array<i32>} : memref<256x128xi32, #tpu.memory_space<vmem>>, vector<16xi32>,
        %and3A_1651 = arith.andi %get3A_1650, %gather3A_763 : vector<16xi32>
        %bitcast3A_1652 = vector.bitcast %and3A_1651 : vector<16xi32> to vector<32xbf16>
        %add3A_1653 = arith.constant 6 : i32
        %add3A_1654 = arith.addi %mul3A_740, %add3A_1653 : i32
        %get3A_1655 = arith.index_cast %add3A_1654 : i32 to index
        %get3A_1656 = arith.constant 96 : index
        %get3A_1657 = tpu.vector_load %arg11[%get3A_1655, %get3A_1656] {strides = array<i32>} : memref<256x128xi32, #tpu.memory_space<vmem>>, vector<16xi32>,
        %and3A_1658 = arith.andi %get3A_1657, %gather3A_767 : vector<16xi32>
        %bitcast3A_1659 = vector.bitcast %and3A_1658 : vector<16xi32> to vector<32xbf16>
        %add3A_1660 = arith.constant 7 : i32
        %add3A_1661 = arith.addi %mul3A_740, %add3A_1660 : i32
        %get3A_1662 = arith.index_cast %add3A_1661 : i32 to index
        %get3A_1663 = arith.constant 96 : index
        %get3A_1664 = tpu.vector_load %arg11[%get3A_1662, %get3A_1663] {strides = array<i32>} : memref<256x128xi32, #tpu.memory_space<vmem>>, vector<16xi32>,
        %and3A_1665 = arith.andi %get3A_1664, %gather3A_771 : vector<16xi32>
        %bitcast3A_1666 = vector.bitcast %and3A_1665 : vector<16xi32> to vector<32xbf16>
        %add3A_1667 = arith.constant 8 : i32
        %add3A_1668 = arith.addi %mul3A_740, %add3A_1667 : i32
        %get3A_1669 = arith.index_cast %add3A_1668 : i32 to index
        %get3A_1670 = arith.constant 96 : index
        %get3A_1671 = tpu.vector_load %arg11[%get3A_1669, %get3A_1670] {strides = array<i32>} : memref<256x128xi32, #tpu.memory_space<vmem>>, vector<16xi32>,
        %and3A_1672 = arith.andi %get3A_1671, %gather3A_775 : vector<16xi32>
        %bitcast3A_1673 = vector.bitcast %and3A_1672 : vector<16xi32> to vector<32xbf16>
        %add3A_1674 = arith.constant 9 : i32
        %add3A_1675 = arith.addi %mul3A_740, %add3A_1674 : i32
        %get3A_1676 = arith.index_cast %add3A_1675 : i32 to index
        %get3A_1677 = arith.constant 96 : index
        %get3A_1678 = tpu.vector_load %arg11[%get3A_1676, %get3A_1677] {strides = array<i32>} : memref<256x128xi32, #tpu.memory_space<vmem>>, vector<16xi32>,
        %and3A_1679 = arith.andi %get3A_1678, %gather3A_779 : vector<16xi32>
        %bitcast3A_1680 = vector.bitcast %and3A_1679 : vector<16xi32> to vector<32xbf16>
        %add3A_1681 = arith.constant 10 : i32
        %add3A_1682 = arith.addi %mul3A_740, %add3A_1681 : i32
        %get3A_1683 = arith.index_cast %add3A_1682 : i32 to index
        %get3A_1684 = arith.constant 96 : index
        %get3A_1685 = tpu.vector_load %arg11[%get3A_1683, %get3A_1684] {strides = array<i32>} : memref<256x128xi32, #tpu.memory_space<vmem>>, vector<16xi32>,
        %and3A_1686 = arith.andi %get3A_1685, %gather3A_783 : vector<16xi32>
        %bitcast3A_1687 = vector.bitcast %and3A_1686 : vector<16xi32> to vector<32xbf16>
        %add3A_1688 = arith.constant 11 : i32
        %add3A_1689 = arith.addi %mul3A_740, %add3A_1688 : i32
        %get3A_1690 = arith.index_cast %add3A_1689 : i32 to index
        %get3A_1691 = arith.constant 96 : index
        %get3A_1692 = tpu.vector_load %arg11[%get3A_1690, %get3A_1691] {strides = array<i32>} : memref<256x128xi32, #tpu.memory_space<vmem>>, vector<16xi32>,
        %and3A_1693 = arith.andi %get3A_1692, %gather3A_787 : vector<16xi32>
        %bitcast3A_1694 = vector.bitcast %and3A_1693 : vector<16xi32> to vector<32xbf16>
        %add3A_1695 = arith.constant 12 : i32
        %add3A_1696 = arith.addi %mul3A_740, %add3A_1695 : i32
        %get3A_1697 = arith.index_cast %add3A_1696 : i32 to index
        %get3A_1698 = arith.constant 96 : index
        %get3A_1699 = tpu.vector_load %arg11[%get3A_1697, %get3A_1698] {strides = array<i32>} : memref<256x128xi32, #tpu.memory_space<vmem>>, vector<16xi32>,
        %and3A_1700 = arith.andi %get3A_1699, %gather3A_791 : vector<16xi32>
        %bitcast3A_1701 = vector.bitcast %and3A_1700 : vector<16xi32> to vector<32xbf16>
        %add3A_1702 = arith.constant 13 : i32
        %add3A_1703 = arith.addi %mul3A_740, %add3A_1702 : i32
        %get3A_1704 = arith.index_cast %add3A_1703 : i32 to index
        %get3A_1705 = arith.constant 96 : index
        %get3A_1706 = tpu.vector_load %arg11[%get3A_1704, %get3A_1705] {strides = array<i32>} : memref<256x128xi32, #tpu.memory_space<vmem>>, vector<16xi32>,
        %and3A_1707 = arith.andi %get3A_1706, %gather3A_795 : vector<16xi32>
        %bitcast3A_1708 = vector.bitcast %and3A_1707 : vector<16xi32> to vector<32xbf16>
        %add3A_1709 = arith.constant 14 : i32
        %add3A_1710 = arith.addi %mul3A_740, %add3A_1709 : i32
        %get3A_1711 = arith.index_cast %add3A_1710 : i32 to index
        %get3A_1712 = arith.constant 96 : index
        %get3A_1713 = tpu.vector_load %arg11[%get3A_1711, %get3A_1712] {strides = array<i32>} : memref<256x128xi32, #tpu.memory_space<vmem>>, vector<16xi32>,
        %and3A_1714 = arith.andi %get3A_1713, %gather3A_799 : vector<16xi32>
        %bitcast3A_1715 = vector.bitcast %and3A_1714 : vector<16xi32> to vector<32xbf16>
        %add3A_1716 = arith.constant 15 : i32
        %add3A_1717 = arith.addi %mul3A_740, %add3A_1716 : i32
        %get3A_1718 = arith.index_cast %add3A_1717 : i32 to index
        %get3A_1719 = arith.constant 96 : index
        %get3A_1720 = tpu.vector_load %arg11[%get3A_1718, %get3A_1719] {strides = array<i32>} : memref<256x128xi32, #tpu.memory_space<vmem>>, vector<16xi32>,
        %and3A_1721 = arith.andi %get3A_1720, %gather3A_803 : vector<16xi32>
        %bitcast3A_1722 = vector.bitcast %and3A_1721 : vector<16xi32> to vector<32xbf16>
        %max3A_1723 = arith.maximumf %bitcast3A_1617, %bitcast3A_1624 : vector<32xbf16>
        %max3A_1724 = arith.maximumf %bitcast3A_1631, %bitcast3A_1638 : vector<32xbf16>
        %max3A_1725 = arith.maximumf %bitcast3A_1645, %bitcast3A_1652 : vector<32xbf16>
        %max3A_1726 = arith.maximumf %bitcast3A_1659, %bitcast3A_1666 : vector<32xbf16>
        %max3A_1727 = arith.maximumf %bitcast3A_1673, %bitcast3A_1680 : vector<32xbf16>
        %max3A_1728 = arith.maximumf %bitcast3A_1687, %bitcast3A_1694 : vector<32xbf16>
        %max3A_1729 = arith.maximumf %bitcast3A_1701, %bitcast3A_1708 : vector<32xbf16>
        %max3A_1730 = arith.maximumf %bitcast3A_1715, %bitcast3A_1722 : vector<32xbf16>
        %max3A_1731 = arith.maximumf %max3A_1723, %max3A_1724 : vector<32xbf16>
        %max3A_1732 = arith.maximumf %max3A_1725, %max3A_1726 : vector<32xbf16>
        %max3A_1733 = arith.maximumf %max3A_1727, %max3A_1728 : vector<32xbf16>
        %max3A_1734 = arith.maximumf %max3A_1729, %max3A_1730 : vector<32xbf16>
        %max3A_1735 = arith.maximumf %max3A_1731, %max3A_1732 : vector<32xbf16>
        %max3A_1736 = arith.maximumf %max3A_1733, %max3A_1734 : vector<32xbf16>
        %max3A_1737 = arith.maximumf %max3A_1735, %max3A_1736 : vector<32xbf16>
        %unpack3A_1738 = tpu.unpack_subelements %max3A_1737, 0 {pack_format = #tpu.pack_format<interleaved>} : vector<32xbf16> -> vector<16xf32>
        %unpack3A_1739 = tpu.unpack_subelements %max3A_1737, 1 {pack_format = #tpu.pack_format<interleaved>} : vector<32xbf16> -> vector<16xf32>
        %swap3A_1740 = arith.index_cast %add3A_738 : i32 to index
        %swap3A_1741 = arith.constant 96 : index
        %swap3A_1742 = tpu.vector_load %arg13[%swap3A_1740, %swap3A_1741] {strides = array<i32>} : memref<16x256xf32, #tpu.memory_space<vmem>>, vector<16xf32>,
        tpu.vector_store %arg13[%swap3A_1740, %swap3A_1741], %unpack3A_1738 {strides = array<i32>} : memref<16x256xf32, #tpu.memory_space<vmem>>, vector<16xf32>,
        %swap3A_1743 = arith.index_cast %add3A_738 : i32 to index
        %swap3A_1744 = arith.constant 224 : index
        %swap3A_1745 = tpu.vector_load %arg13[%swap3A_1743, %swap3A_1744] {strides = array<i32>} : memref<16x256xf32, #tpu.memory_space<vmem>>, vector<16xf32>,
        tpu.vector_store %arg13[%swap3A_1743, %swap3A_1744], %unpack3A_1739 {strides = array<i32>} : memref<16x256xf32, #tpu.memory_space<vmem>>, vector<16xf32>,
        %add3A_1746 = arith.constant 0 : i32
        %add3A_1747 = arith.addi %mul3A_740, %add3A_1746 : i32
        %get3A_1748 = arith.index_cast %add3A_1747 : i32 to index
        %get3A_1749 = arith.constant 112 : index
        %get3A_1750 = tpu.vector_load %arg11[%get3A_1748, %get3A_1749] {strides = array<i32>} : memref<256x128xi32, #tpu.memory_space<vmem>>, vector<16xi32>,
        %and3A_1751 = arith.andi %get3A_1750, %gather3A : vector<16xi32>
        %bitcast3A_1752 = vector.bitcast %and3A_1751 : vector<16xi32> to vector<32xbf16>
        %add3A_1753 = arith.constant 1 : i32
        %add3A_1754 = arith.addi %mul3A_740, %add3A_1753 : i32
        %get3A_1755 = arith.index_cast %add3A_1754 : i32 to index
        %get3A_1756 = arith.constant 112 : index
        %get3A_1757 = tpu.vector_load %arg11[%get3A_1755, %get3A_1756] {strides = array<i32>} : memref<256x128xi32, #tpu.memory_space<vmem>>, vector<16xi32>,
        %and3A_1758 = arith.andi %get3A_1757, %gather3A_747 : vector<16xi32>
        %bitcast3A_1759 = vector.bitcast %and3A_1758 : vector<16xi32> to vector<32xbf16>
        %add3A_1760 = arith.constant 2 : i32
        %add3A_1761 = arith.addi %mul3A_740, %add3A_1760 : i32
        %get3A_1762 = arith.index_cast %add3A_1761 : i32 to index
        %get3A_1763 = arith.constant 112 : index
        %get3A_1764 = tpu.vector_load %arg11[%get3A_1762, %get3A_1763] {strides = array<i32>} : memref<256x128xi32, #tpu.memory_space<vmem>>, vector<16xi32>,
        %and3A_1765 = arith.andi %get3A_1764, %gather3A_751 : vector<16xi32>
        %bitcast3A_1766 = vector.bitcast %and3A_1765 : vector<16xi32> to vector<32xbf16>
        %add3A_1767 = arith.constant 3 : i32
        %add3A_1768 = arith.addi %mul3A_740, %add3A_1767 : i32
        %get3A_1769 = arith.index_cast %add3A_1768 : i32 to index
        %get3A_1770 = arith.constant 112 : index
        %get3A_1771 = tpu.vector_load %arg11[%get3A_1769, %get3A_1770] {strides = array<i32>} : memref<256x128xi32, #tpu.memory_space<vmem>>, vector<16xi32>,
        %and3A_1772 = arith.andi %get3A_1771, %gather3A_755 : vector<16xi32>
        %bitcast3A_1773 = vector.bitcast %and3A_1772 : vector<16xi32> to vector<32xbf16>
        %add3A_1774 = arith.constant 4 : i32
        %add3A_1775 = arith.addi %mul3A_740, %add3A_1774 : i32
        %get3A_1776 = arith.index_cast %add3A_1775 : i32 to index
        %get3A_1777 = arith.constant 112 : index
        %get3A_1778 = tpu.vector_load %arg11[%get3A_1776, %get3A_1777] {strides = array<i32>} : memref<256x128xi32, #tpu.memory_space<vmem>>, vector<16xi32>,
        %and3A_1779 = arith.andi %get3A_1778, %gather3A_759 : vector<16xi32>
        %bitcast3A_1780 = vector.bitcast %and3A_1779 : vector<16xi32> to vector<32xbf16>
        %add3A_1781 = arith.constant 5 : i32
        %add3A_1782 = arith.addi %mul3A_740, %add3A_1781 : i32
        %get3A_1783 = arith.index_cast %add3A_1782 : i32 to index
        %get3A_1784 = arith.constant 112 : index
        %get3A_1785 = tpu.vector_load %arg11[%get3A_1783, %get3A_1784] {strides = array<i32>} : memref<256x128xi32, #tpu.memory_space<vmem>>, vector<16xi32>,
        %and3A_1786 = arith.andi %get3A_1785, %gather3A_763 : vector<16xi32>
        %bitcast3A_1787 = vector.bitcast %and3A_1786 : vector<16xi32> to vector<32xbf16>
        %add3A_1788 = arith.constant 6 : i32
        %add3A_1789 = arith.addi %mul3A_740, %add3A_1788 : i32
        %get3A_1790 = arith.index_cast %add3A_1789 : i32 to index
        %get3A_1791 = arith.constant 112 : index
        %get3A_1792 = tpu.vector_load %arg11[%get3A_1790, %get3A_1791] {strides = array<i32>} : memref<256x128xi32, #tpu.memory_space<vmem>>, vector<16xi32>,
        %and3A_1793 = arith.andi %get3A_1792, %gather3A_767 : vector<16xi32>
        %bitcast3A_1794 = vector.bitcast %and3A_1793 : vector<16xi32> to vector<32xbf16>
        %add3A_1795 = arith.constant 7 : i32
        %add3A_1796 = arith.addi %mul3A_740, %add3A_1795 : i32
        %get3A_1797 = arith.index_cast %add3A_1796 : i32 to index
        %get3A_1798 = arith.constant 112 : index
        %get3A_1799 = tpu.vector_load %arg11[%get3A_1797, %get3A_1798] {strides = array<i32>} : memref<256x128xi32, #tpu.memory_space<vmem>>, vector<16xi32>,
        %and3A_1800 = arith.andi %get3A_1799, %gather3A_771 : vector<16xi32>
        %bitcast3A_1801 = vector.bitcast %and3A_1800 : vector<16xi32> to vector<32xbf16>
        %add3A_1802 = arith.constant 8 : i32
        %add3A_1803 = arith.addi %mul3A_740, %add3A_1802 : i32
        %get3A_1804 = arith.index_cast %add3A_1803 : i32 to index
        %get3A_1805 = arith.constant 112 : index
        %get3A_1806 = tpu.vector_load %arg11[%get3A_1804, %get3A_1805] {strides = array<i32>} : memref<256x128xi32, #tpu.memory_space<vmem>>, vector<16xi32>,
        %and3A_1807 = arith.andi %get3A_1806, %gather3A_775 : vector<16xi32>
        %bitcast3A_1808 = vector.bitcast %and3A_1807 : vector<16xi32> to vector<32xbf16>
        %add3A_1809 = arith.constant 9 : i32
        %add3A_1810 = arith.addi %mul3A_740, %add3A_1809 : i32
        %get3A_1811 = arith.index_cast %add3A_1810 : i32 to index
        %get3A_1812 = arith.constant 112 : index
        %get3A_1813 = tpu.vector_load %arg11[%get3A_1811, %get3A_1812] {strides = array<i32>} : memref<256x128xi32, #tpu.memory_space<vmem>>, vector<16xi32>,
        %and3A_1814 = arith.andi %get3A_1813, %gather3A_779 : vector<16xi32>
        %bitcast3A_1815 = vector.bitcast %and3A_1814 : vector<16xi32> to vector<32xbf16>
        %add3A_1816 = arith.constant 10 : i32
        %add3A_1817 = arith.addi %mul3A_740, %add3A_1816 : i32
        %get3A_1818 = arith.index_cast %add3A_1817 : i32 to index
        %get3A_1819 = arith.constant 112 : index
        %get3A_1820 = tpu.vector_load %arg11[%get3A_1818, %get3A_1819] {strides = array<i32>} : memref<256x128xi32, #tpu.memory_space<vmem>>, vector<16xi32>,
        %and3A_1821 = arith.andi %get3A_1820, %gather3A_783 : vector<16xi32>
        %bitcast3A_1822 = vector.bitcast %and3A_1821 : vector<16xi32> to vector<32xbf16>
        %add3A_1823 = arith.constant 11 : i32
        %add3A_1824 = arith.addi %mul3A_740, %add3A_1823 : i32
        %get3A_1825 = arith.index_cast %add3A_1824 : i32 to index
        %get3A_1826 = arith.constant 112 : index
        %get3A_1827 = tpu.vector_load %arg11[%get3A_1825, %get3A_1826] {strides = array<i32>} : memref<256x128xi32, #tpu.memory_space<vmem>>, vector<16xi32>,
        %and3A_1828 = arith.andi %get3A_1827, %gather3A_787 : vector<16xi32>
        %bitcast3A_1829 = vector.bitcast %and3A_1828 : vector<16xi32> to vector<32xbf16>
        %add3A_1830 = arith.constant 12 : i32
        %add3A_1831 = arith.addi %mul3A_740, %add3A_1830 : i32
        %get3A_1832 = arith.index_cast %add3A_1831 : i32 to index
        %get3A_1833 = arith.constant 112 : index
        %get3A_1834 = tpu.vector_load %arg11[%get3A_1832, %get3A_1833] {strides = array<i32>} : memref<256x128xi32, #tpu.memory_space<vmem>>, vector<16xi32>,
        %and3A_1835 = arith.andi %get3A_1834, %gather3A_791 : vector<16xi32>
        %bitcast3A_1836 = vector.bitcast %and3A_1835 : vector<16xi32> to vector<32xbf16>
        %add3A_1837 = arith.constant 13 : i32
        %add3A_1838 = arith.addi %mul3A_740, %add3A_1837 : i32
        %get3A_1839 = arith.index_cast %add3A_1838 : i32 to index
        %get3A_1840 = arith.constant 112 : index
        %get3A_1841 = tpu.vector_load %arg11[%get3A_1839, %get3A_1840] {strides = array<i32>} : memref<256x128xi32, #tpu.memory_space<vmem>>, vector<16xi32>,
        %and3A_1842 = arith.andi %get3A_1841, %gather3A_795 : vector<16xi32>
        %bitcast3A_1843 = vector.bitcast %and3A_1842 : vector<16xi32> to vector<32xbf16>
        %add3A_1844 = arith.constant 14 : i32
        %add3A_1845 = arith.addi %mul3A_740, %add3A_1844 : i32
        %get3A_1846 = arith.index_cast %add3A_1845 : i32 to index
        %get3A_1847 = arith.constant 112 : index
        %get3A_1848 = tpu.vector_load %arg11[%get3A_1846, %get3A_1847] {strides = array<i32>} : memref<256x128xi32, #tpu.memory_space<vmem>>, vector<16xi32>,
        %and3A_1849 = arith.andi %get3A_1848, %gather3A_799 : vector<16xi32>
        %bitcast3A_1850 = vector.bitcast %and3A_1849 : vector<16xi32> to vector<32xbf16>
        %add3A_1851 = arith.constant 15 : i32
        %add3A_1852 = arith.addi %mul3A_740, %add3A_1851 : i32
        %get3A_1853 = arith.index_cast %add3A_1852 : i32 to index
        %get3A_1854 = arith.constant 112 : index
        %get3A_1855 = tpu.vector_load %arg11[%get3A_1853, %get3A_1854] {strides = array<i32>} : memref<256x128xi32, #tpu.memory_space<vmem>>, vector<16xi32>,
        %and3A_1856 = arith.andi %get3A_1855, %gather3A_803 : vector<16xi32>
        %bitcast3A_1857 = vector.bitcast %and3A_1856 : vector<16xi32> to vector<32xbf16>
        %max3A_1858 = arith.maximumf %bitcast3A_1752, %bitcast3A_1759 : vector<32xbf16>
        %max3A_1859 = arith.maximumf %bitcast3A_1766, %bitcast3A_1773 : vector<32xbf16>
        %max3A_1860 = arith.maximumf %bitcast3A_1780, %bitcast3A_1787 : vector<32xbf16>
        %max3A_1861 = arith.maximumf %bitcast3A_1794, %bitcast3A_1801 : vector<32xbf16>
        %max3A_1862 = arith.maximumf %bitcast3A_1808, %bitcast3A_1815 : vector<32xbf16>
        %max3A_1863 = arith.maximumf %bitcast3A_1822, %bitcast3A_1829 : vector<32xbf16>
        %max3A_1864 = arith.maximumf %bitcast3A_1836, %bitcast3A_1843 : vector<32xbf16>
        %max3A_1865 = arith.maximumf %bitcast3A_1850, %bitcast3A_1857 : vector<32xbf16>
        %max3A_1866 = arith.maximumf %max3A_1858, %max3A_1859 : vector<32xbf16>
        %max3A_1867 = arith.maximumf %max3A_1860, %max3A_1861 : vector<32xbf16>
        %max3A_1868 = arith.maximumf %max3A_1862, %max3A_1863 : vector<32xbf16>
        %max3A_1869 = arith.maximumf %max3A_1864, %max3A_1865 : vector<32xbf16>
        %max3A_1870 = arith.maximumf %max3A_1866, %max3A_1867 : vector<32xbf16>
        %max3A_1871 = arith.maximumf %max3A_1868, %max3A_1869 : vector<32xbf16>
        %max3A_1872 = arith.maximumf %max3A_1870, %max3A_1871 : vector<32xbf16>
        %unpack3A_1873 = tpu.unpack_subelements %max3A_1872, 0 {pack_format = #tpu.pack_format<interleaved>} : vector<32xbf16> -> vector<16xf32>
        %unpack3A_1874 = tpu.unpack_subelements %max3A_1872, 1 {pack_format = #tpu.pack_format<interleaved>} : vector<32xbf16> -> vector<16xf32>
        %swap3A_1875 = arith.index_cast %add3A_738 : i32 to index
        %swap3A_1876 = arith.constant 112 : index
        %swap3A_1877 = tpu.vector_load %arg13[%swap3A_1875, %swap3A_1876] {strides = array<i32>} : memref<16x256xf32, #tpu.memory_space<vmem>>, vector<16xf32>,
        tpu.vector_store %arg13[%swap3A_1875, %swap3A_1876], %unpack3A_1873 {strides = array<i32>} : memref<16x256xf32, #tpu.memory_space<vmem>>, vector<16xf32>,
        %swap3A_1878 = arith.index_cast %add3A_738 : i32 to index
        %swap3A_1879 = arith.constant 240 : index
        %swap3A_1880 = tpu.vector_load %arg13[%swap3A_1878, %swap3A_1879] {strides = array<i32>} : memref<16x256xf32, #tpu.memory_space<vmem>>, vector<16xf32>,
        tpu.vector_store %arg13[%swap3A_1878, %swap3A_1879], %unpack3A_1874 {strides = array<i32>} : memref<16x256xf32, #tpu.memory_space<vmem>>, vector<16xf32>,
      }
      %scan3A_729 = arith.constant 16 : i32
      %lt3A_730 = arith.cmpi slt, %div3A_713, %add3A_8 : i32
      %convert_element_type3A_731 = arith.extui %lt3A_730 : i1 to i32
      %cond3A_732 = arith.constant 0 : i32
      %cond3A_733 = arith.cmpi ne, %convert_element_type3A_731, %cond3A_732 : i32
      scf.if %cond3A_733 {
        %rem3A_734 = arith.constant 4 : i32
        %rem3A_735 = arith.remsi %add3A_711, %rem3A_734 : i32
        %div3A_736 = arith.constant 4 : i32
        %div3A_737 = arith.divsi %add3A_711, %div3A_736 : i32
        %add3A_738 = arith.addi %add3A_4, %div3A_737 : i32
        %min3A_739 = arith.constant 624 : i32
        %min3A_740 = arith.minsi %add3A_738, %min3A_739 : i32
        %mul3A_741 = arith.constant 10000 : i32
        %mul3A_742 = arith.muli %rem3A_735, %mul3A_741 : i32
        %mul3A_743 = arith.constant 16 : i32
        %mul3A_744 = arith.muli %min3A_740, %mul3A_743 : i32
        %add3A_745 = arith.addi %mul3A_742, %mul3A_744 : i32
        %multiple_of3A = tpu.assume_multiple %add3A_745, 16 : i32
        %dma_start3A_746 = arith.constant 0 : i32
        %dma_start3A_747 = tpu.memref_slice %arg4[%multiple_of3A, %dma_start3A_746] : memref<40000x256xf32, #tpu.memory_space<hbm>> -> memref<16x256xf32, #tpu.memory_space<hbm>>
        %dma_start3A_748 = arith.constant 0 : i32
        %dma_start3A_749 = tpu.memref_slice %arg4[%multiple_of3A, %dma_start3A_748] : memref<40000x256xf32, #tpu.memory_space<hbm>> -> memref<16x256xf32, #tpu.memory_space<hbm>>
        tpu.enqueue_dma source(%arg13 : memref<16x256xf32, #tpu.memory_space<vmem>>) target(%dma_start3A_749 : memref<16x256xf32, #tpu.memory_space<hbm>>) target_semaphore(%arg17 : memref<!tpu.dma_semaphore, #tpu.memory_space<semaphore_mem>>)
      } else {
      }
    }
    %scan3A_325 = arith.constant 40 : i32
    %ge3A_326 = arith.constant 78 : i32
    %ge3A_327 = arith.constant 0 : i32
    %ge3A_328 = arith.cmpi sge, %ge3A_326, %ge3A_327 : i32
    %div3A_329 = arith.constant 78 : i32
    %div3A_330 = arith.constant 4 : i32
    %div3A_331 = arith.divsi %div3A_329, %div3A_330 : i32
    %lt3A_332 = arith.cmpi slt, %div3A_331, %add3A_8 : i32
    %and3A = arith.andi %ge3A_328, %lt3A_332 : i1
    %convert_element_type3A_333 = arith.extui %and3A : i1 to i32
    %cond3A_334 = arith.constant 78 : i32
    %cond3A_335 = arith.constant 0 : i32
    %cond3A_336 = arith.cmpi ne, %convert_element_type3A_333, %cond3A_335 : i32
    scf.if %cond3A_336 {
      %rem3A_349 = arith.constant 4 : i32
      %rem3A_350 = arith.remsi %cond3A_334, %rem3A_349 : i32
      %div3A_351 = arith.constant 4 : i32
      %div3A_352 = arith.divsi %cond3A_334, %div3A_351 : i32
      %add3A_353 = arith.addi %add3A_4, %div3A_352 : i32
      %min3A_354 = arith.constant 624 : i32
      %min3A_355 = arith.minsi %add3A_353, %min3A_354 : i32
      %mul3A_356 = arith.constant 10000 : i32
      %mul3A_357 = arith.muli %rem3A_350, %mul3A_356 : i32
      %mul3A_358 = arith.constant 16 : i32
      %mul3A_359 = arith.muli %min3A_355, %mul3A_358 : i32
      %add3A_360 = arith.addi %mul3A_357, %mul3A_359 : i32
      %multiple_of3A = tpu.assume_multiple %add3A_360, 16 : i32
      %dma_wait3A = arith.constant 0 : i32
      %dma_wait3A_361 = tpu.memref_slice %arg4[%multiple_of3A, %dma_wait3A] : memref<40000x256xf32, #tpu.memory_space<hbm>> -> memref<16x256xf32, #tpu.memory_space<hbm>>
      %dma_wait3A_362 = arith.constant 0 : i32
      %dma_wait3A_363 = tpu.memref_slice %arg4[%multiple_of3A, %dma_wait3A_362] : memref<40000x256xf32, #tpu.memory_space<hbm>> -> memref<16x256xf32, #tpu.memory_space<hbm>>
      tpu.wait_dma2 semaphore(%arg16 : memref<!tpu.dma_semaphore, #tpu.memory_space<semaphore_mem>>) src(%arg12 : memref<16x256xf32, #tpu.memory_space<vmem>>) dst(%dma_wait3A_363 : memref<16x256xf32, #tpu.memory_space<hbm>>)
    } else {
    }
    %ge3A_337 = arith.constant 79 : i32
    %ge3A_338 = arith.constant 0 : i32
    %ge3A_339 = arith.cmpi sge, %ge3A_337, %ge3A_338 : i32
    %div3A_340 = arith.constant 79 : i32
    %div3A_341 = arith.constant 4 : i32
    %div3A_342 = arith.divsi %div3A_340, %div3A_341 : i32
    %lt3A_343 = arith.cmpi slt, %div3A_342, %add3A_8 : i32
    %and3A_344 = arith.andi %ge3A_339, %lt3A_343 : i1
    %convert_element_type3A_345 = arith.extui %and3A_344 : i1 to i32
    %cond3A_346 = arith.constant 79 : i32
    %cond3A_347 = arith.constant 0 : i32
    %cond3A_348 = arith.cmpi ne, %convert_element_type3A_345, %cond3A_347 : i32
    scf.if %cond3A_348 {
      %rem3A_349 = arith.constant 4 : i32
      %rem3A_350 = arith.remsi %cond3A_346, %rem3A_349 : i32
      %div3A_351 = arith.constant 4 : i32
      %div3A_352 = arith.divsi %cond3A_346, %div3A_351 : i32
      %add3A_353 = arith.addi %add3A_4, %div3A_352 : i32
      %min3A_354 = arith.constant 624 : i32
      %min3A_355 = arith.minsi %add3A_353, %min3A_354 : i32
      %mul3A_356 = arith.constant 10000 : i32
      %mul3A_357 = arith.muli %rem3A_350, %mul3A_356 : i32
      %mul3A_358 = arith.constant 16 : i32
      %mul3A_359 = arith.muli %min3A_355, %mul3A_358 : i32
      %add3A_360 = arith.addi %mul3A_357, %mul3A_359 : i32
      %multiple_of3A = tpu.assume_multiple %add3A_360, 16 : i32
      %dma_wait3A = arith.constant 0 : i32
      %dma_wait3A_361 = tpu.memref_slice %arg4[%multiple_of3A, %dma_wait3A] : memref<40000x256xf32, #tpu.memory_space<hbm>> -> memref<16x256xf32, #tpu.memory_space<hbm>>
      %dma_wait3A_362 = arith.constant 0 : i32
      %dma_wait3A_363 = tpu.memref_slice %arg4[%multiple_of3A, %dma_wait3A_362] : memref<40000x256xf32, #tpu.memory_space<hbm>> -> memref<16x256xf32, #tpu.memory_space<hbm>>
      tpu.wait_dma2 semaphore(%arg17 : memref<!tpu.dma_semaphore, #tpu.memory_space<semaphore_mem>>) src(%arg13 : memref<16x256xf32, #tpu.memory_space<vmem>>) dst(%dma_wait3A_363 : memref<16x256xf32, #tpu.memory_space<hbm>>)
    } else {
    }
    return
  }
}

</mosaic_0001>

<sc_bundles>
// kernel: kernel.3.cloned.1.call-start
scs
__scs_entry_jumppad:
0x0: {  	(pc) =	sbr.rel $0x88, $3  }
0x1: {  	(tag) =	ssettag $0x0;
	lr =	simm.s32 $0x1  }
0x2: {  	[smem:$0x3F9F] =	sst lr;
	_ =	strace $0xD0000000  }
0x3: {  	_ = 	snop  }
0x4: {  	_ = 	snop  }
0x5: {  	_ = 	snop  }
0x6: {  	_ = 	snop  }
0x7: {  	_ = 	snop  }
__scs_overlays_trampoline_lowered:
0x8: {  	[smem:$0x3FAE] =	sst s0  }
0x9: {  	[smem:$0x3FAF] =	sst s1  }
0xa: {  	[smem:$0x3FB0] =	sst s2  }
0xb: {  	[smem:$0x3FB1] =	sst s3  }
0xc: {  	[smem:$0x3FB2] =	sst s4  }
0xd: {  	[smem:$0x3FB3] =	sst s5  }
0xe: {  	[smem:$0x3FB4] =	sst s6  }
0xf: {  	[smem:$0x3FB5] =	sst s7  }
0x10: {  	[smem:$0x3FB6] =	sst s8  }
0x11: {  	[smem:$0x3FB7] =	sst s9;
	s0 =	simm.s32 @!p0 $0x0  }
0x12: {  	s1 =	sld [smem:$0x3F9D];
	s0 =	simm.s32 @p0 $0x1  }
0x13: {  	[smem:$0x3FB8] =	sst s0;
	s0 =	simm.s32 @!p1 $0x0  }
0x14: {  	s2 =	sld [smem:$0x3F9C];
	s0 =	simm.s32 @p1 $0x1  }
0x15: {  	[smem:$0x3FB9] =	sst s0;
	s0 =	simm.s32 @!p2 $0x0  }
0x16: {  	s3 =	sld [smem:$0x3FDB];
	s0 =	simm.s32 @p2 $0x1  }
0x17: {  	s4 =	simm.s32 $0x1BF5;
	[smem:$0x3FBB] =	sst s0  }
0x18: {  	s0 =	sld [smem:$0x3F9E];
	_ =	swait.ge [sflag:s4], $0x0  }
0x19: {  	s7 =	sld [smem:$0x3F9F]  }
0x1a: {  	s8 =	sadd.s32 $0xFFFFE003, lr  }
0x1b: {  	s9 =	sadd.s32 $0xFFFFFEF7, lr;
	s5 =	simm.s32 $0xFFFFFFFF;
	p2 =	slt.u32 s8, $0xFFFFF086  }
0x1c: {  	p1 =	slt.u32 s9, $0xF7A;
	s5 =	simm.s32 @!p2 $0x0  }
0x1d: {  	s5 =	simm.s32 @p1 $0x1;
	p0 =	seq.s32 s7, s2  }
0x1e: {  	s7 =	smul.u32 @!p0 $0xF7A, s2;
	p2 =	seq.s32 @!p0 s5, $0x0  }
0x1f: {  	s9 =	smul.u32 $0xF7A, s1;
	s8 =	simm.s32 @!p0 $0x1BF5;
	p2 =	por !p2, p0  }
0x20: {  	[sflag:s8] =	ssyncset.s32 @!p0 $0xFFFFF086;
	s6 =	sadd.s32 @!p0 s3, s7;
	s7 =	simm.s32 @!p0 $0x108  }
0x21: {  	s3 =	sadd.s32 s3, s9;
	s6 =	sadd.s32 @!p0 $0x88, s6;
	s7 =	simm.s32 @p2 $0x1082  }
0x22: {  	[simem:s7], [sflag:s8] =	dma.local @!p0 [hbm:s6], $0xF7A  }
0x23: {  	s9 =	sor.u32 $0xD0000000, s2;
	s6 =	simm.s32 $0x108;
	_ =	swait.ge @!p0 [sflag:s8], $0x0  }
0x24: {  	s3 =	sadd.s32 $0x88, s3;
	s6 =	simm.s32 @!p1 $0x1082;
	[sflag:s4] =	ssyncset.s32 $0xFFFFF086  }
0x25: {  	[simem:s6], [sflag:s4] =	dma.local [hbm:s3], $0xF7A  }
0x26: {  	[smem:$0x3F9F] =	sst s1;
	(tag) =	ssettag s2;
	_ =	strace s9  }
0x27: {  	s1 =	sld [smem:$0x3FAF]  }
0x28: {  	s2 =	sld [smem:$0x3FB0]  }
0x29: {  	s4 =	sld [smem:$0x3FB2]  }
0x2a: {  	p0 =	seq.s32 s5, $0x0;
	s5 =	sld [smem:$0x3FB3]  }
0x2b: {  	s6 =	sld [smem:$0x3FB4]  }
0x2c: {  	s7 =	sld [smem:$0x3FB5]  }
0x2d: {  	s3 =	simm.s32 $0x108;
	s8 =	sld [smem:$0x3FB6]  }
0x2e: {  	s3 =	simm.s32 @!p0 $0x1082;
	s9 =	sld [smem:$0x3FB7]  }
0x2f: {  	lr =	sadd.s32 s0, s3;
	s0 =	sld [smem:$0x3FAE]  }
0x30: {  	s3 =	sld [smem:$0x3FB1]  }
0x31: {  	[smem:$0x3FBA] =	sst s10  }
0x32: {  	s10 =	sld [smem:$0x3FB8];
	_ =	sdelay $0x3  }
0x33: {  	p0 =	seq.s32 s10, $0x1;
	s10 =	sld [smem:$0x3FBA];
	_ =	sdelay $0x3  }
0x34: {  	[smem:$0x3FBA] =	sst s10  }
0x35: {  	s10 =	sld [smem:$0x3FB9];
	_ =	sdelay $0x3  }
0x36: {  	p1 =	seq.s32 s10, $0x1;
	s10 =	sld [smem:$0x3FBA];
	_ =	sdelay $0x3  }
0x37: {  	[smem:$0x3FBA] =	sst s10  }
0x38: {  	s10 =	sld [smem:$0x3FBB]  }
0x39: {  	_ = 	snop;
	(pc) =	sbr.ind lr, $3  }
0x3a: {  	_ = 	snop  }
0x3b: {  	_ = 	snop  }
0x3c: {  	p2 =	seq.s32 s10, $0x1;
	s10 =	sld [smem:$0x3FBA]  }
0x3d: {  	_ =	shalt  }
0x3e: {  	_ =	shalt  }
0x3f: {  	_ =	shalt  }
0x40: {  	_ =	shalt  }
0x41: {  	_ =	shalt  }
0x42: {  	_ =	shalt  }
0x43: {  	_ =	shalt  }
0x44: {  	_ =	shalt  }
0x45: {  	_ =	shalt  }
0x46: {  	_ =	shalt  }
0x47: {  	_ =	shalt  }
0x48: {  	_ =	shalt  }
0x49: {  	_ =	shalt  }
0x4a: {  	_ =	shalt  }
0x4b: {  	_ =	shalt  }
0x4c: {  	_ =	shalt  }
0x4d: {  	_ =	shalt  }
0x4e: {  	_ =	shalt  }
0x4f: {  	_ =	shalt  }
0x50: {  	_ =	shalt  }
0x51: {  	_ =	shalt  }
0x52: {  	_ =	shalt  }
0x53: {  	_ =	shalt  }
0x54: {  	_ =	shalt  }
0x55: {  	_ =	shalt  }
0x56: {  	_ =	shalt  }
0x57: {  	_ =	shalt  }
0x58: {  	_ =	shalt  }
0x59: {  	_ =	shalt  }
0x5a: {  	_ =	shalt  }
0x5b: {  	_ =	shalt  }
0x5c: {  	_ =	shalt  }
0x5d: {  	_ =	shalt  }
0x5e: {  	_ =	shalt  }
0x5f: {  	_ =	shalt  }
0x60: {  	_ =	shalt  }
0x61: {  	_ =	shalt  }
0x62: {  	_ =	shalt  }
0x63: {  	_ =	shalt  }
0x64: {  	_ =	shalt  }
0x65: {  	_ =	shalt  }
0x66: {  	_ =	shalt  }
0x67: {  	_ =	shalt  }
0x68: {  	_ =	shalt  }
0x69: {  	_ =	shalt  }
0x6a: {  	_ =	shalt  }
0x6b: {  	_ =	shalt  }
0x6c: {  	_ =	shalt  }
0x6d: {  	_ =	shalt  }
0x6e: {  	_ =	shalt  }
0x6f: {  	_ =	shalt  }
0x70: {  	_ =	shalt  }
0x71: {  	_ =	shalt  }
0x72: {  	_ =	shalt  }
0x73: {  	_ =	shalt  }
0x74: {  	_ =	shalt  }
0x75: {  	_ =	shalt  }
0x76: {  	_ =	shalt  }
0x77: {  	_ =	shalt  }
0x78: {  	_ =	shalt  }
0x79: {  	_ =	shalt  }
0x7a: {  	_ =	shalt  }
0x7b: {  	_ =	shalt  }
0x7c: {  	_ =	shalt  }
0x7d: {  	_ =	shalt  }
0x7e: {  	_ =	shalt  }
0x7f: {  	_ =	shalt  }
0x80: {  	_ =	shalt  }
0x81: {  	_ =	shalt  }
0x82: {  	_ =	shalt  }
0x83: {  	_ =	shalt  }
0x84: {  	_ =	shalt  }
0x85: {  	_ =	shalt  }
0x86: {  	_ =	shalt  }
0x87: {  	_ =	shalt  }
.Lfunc_end0:
.L_simem_size_0:
called_computation_lowered:
.L_overlay_start_0:
0x88: {  	s2 =	sld [smem:$0x3FD9]  }
0x89: {  	s3 =	sld [smem:$0x3FFE];
	_ =	sdelay $0x1  }
0x8a: {  	s1 =	srdreg.scid  }
0x8b: {  	s0 =	sand.u32 $0x1, s1  }
0x8c: {  	s17 =	sshll.u32 s0, $0xA;
	s2 =	sadd.s32 s3, s2  }
0x8d: {  	s2 =	sadd.s32 s2, s17  }
0x8e: {  	[smem:$0x3FC6] =	sst s2  }
0x8f: {  	_ = 	snop  }
0x90: {  	s2 =	sld [smem:$0x3FD0];
	(tm) =	ssettm $0x1  }
0x91: {  	s18 =	sld [smem:$0x3FFB];
	_ =	sdelay $0x3  }
0x92: {  	_ =	strace s18  }
0x93: {  	s3 =	sld [smem:$0x3FFC];
	_ =	sdelay $0x3  }
0x94: {  	_ =	strace s3  }
0x95: {  	s3 =	sld [smem:$0x3FFD];
	_ =	sdelay $0x3  }
0x96: {  	_ =	strace s3  }
0x97: {  	_ =	strace $0x8FFFFFFF  }
0x98: {  	s19 =	sld [smem:$0x3FDB];
	_ =	sdelay $0x1  }
0x99: {  	s4 =	simm.s32 $_scs_section_size  }
0x9a: {  	s5 =	simm.s32 $_size__tile_overlayer_lowered;
	s6 =	simm.s32 $_tile_overlayer_lowered  }
0x9b: {  	s22 =	simm.s32 $0x1BFF;
	s21 =	sshll.u32 s6, $0x1;
	s3 =	sadd.s32 s4, s19  }
0x9c: {  	s7 =	simm.s32 $0x0;
	s20 =	sshll.u32 s5, $0x1;
	s5 =	sadd.s32 s21, s3  }
0x9d: {  	[timem:s7], [sflag:s22] =	dma.local [hbm:s5], s20  }
0x9e: {  	_ =	swait.ge [sflag:s22], s20  }
0x9f: {  	s4 =	ssub.s32 $0x0, s20;
	[sflag:s22] =	ssyncset.done $0x0  }
0xa0: {  	[sflag:s22] =	ssyncadd.s32 s4;
	_ =	sdelay $0x1  }
0xa1: {  	s23 =	simm.s32 $0x1B8B  }
0xa2: {  	_ =	swait.ge [sflag:s23], $0x1  }
0xa3: {  	[sflag:s23] =	ssyncset.done $0x0  }
0xa4: {  	s25 =	simm.s32 $0x1B8E;
	s24 =	sld [smem:$0x3FFE];
	[sflag:s23] =	ssyncadd.s32 $0xFFFFFFFF  }
0xa5: {  	s26 =	simm.s32 $execute0_lowered;
	[smem:$0x3FD2] =	sst s25  }
0xa6: {  	s5 =	sshll.u32 s26, $0x1;
	_ =	strace $0x80000046;
	[dreg:$0x1] =	wrdreg $0xFFFFFFFF  }
0xa7: {  	s28 =	simm.s32 $_size_execute0_lowered;
	s3 =	sadd.s32 s3, s5;
	[dreg:$0x0] =	wrdreg $0x0  }
0xa8: {  	s5 =	sshll.u32 s28, $0x1;
	[dreg:$0x2] =	wrdreg s3  }
0xa9: {  	[dreg:$0x3] =	wrdreg s5  }
0xaa: {  	[dreg:$0x4] =	wrdreg $0xC0  }
0xab: {  	_ =	task [dreg:s7], $0x5FFFF  }
0xac: {  	[dreg:$0x1] =	wrdreg $0xFFFFFFFF  }
0xad: {  	[dreg:$0x0] =	wrdreg $0x60  }
0xae: {  	[dreg:$0x2] =	wrdreg s24  }
0xaf: {  	[dreg:$0x3] =	wrdreg s2  }
0xb0: {  	[dreg:$0x4] =	wrdreg $0x9  }
0xb1: {  	_ =	task.clear_ibuf [dreg:s7], $0x5FFFF;
	_ =	strace $0x90000046  }
0xb2: {  	s29 =	simm.s32 $0x9;
	_ =	strace $0x80000048  }
0xb3: {  	_ =	swait.ge [sflag:s29], $0x1  }
0xb4: {  	[sflag:s29] =	ssyncadd.s32 $0xFFFFFFFF  }
0xb5: {  	_ =	strace $0x90000048  }
0xb6: {  	_ =	sfence  }
0xb7: {  	s30 =	sld [smem:$0x0];
	_ =	sdelay $0x2  }
0xb8: {  	s31 =	sshll.u32 s1, $0xD;
	s1 =	sshrl.u32 s1, $0x2  }
0xb9: {  	s3 =	sand.u32 $0x4000, s31;
	s1 =	sadd.s32 s1, s30  }
0xba: {  	s0 =	sor.u32 s3, s0;
	s1 =	sshll.u32 s1, $0x11  }
0xbb: {  	s0 =	sor.u32 s1, s0  }
0xbc: {  	s0 =	sadd.s32 $0x8F2B, s0  }
0xbd: {  	[sflag:s0] =	ssyncadd.remote.s32 $0x1  }
0xbe: {  	_ =	sfence.sel $0xFFFF  }
0xbf: {  	[dreg:$0x0] =	wrdreg $0xFFFFFFFF;
	(pc) =	sbr.abs _section_cstart, $3  }
0xc0: {  	[dreg:$0x1] =	wrdreg $0xFFFFFFFF  }
0xc1: {  	_ =	task.clear_ibuf [dreg:s7], $0x2FFFF;
	_ =	strace $0x9FFFFFFF  }
0xc2: {  	(tm) =	ssettm $0x7FFFFFFF  }
0xc3: {  	_ =	shalt  }
tec
execute0_lowered:
.L_overlay_start_1:
0x0: {  	(tag) =	ssettag $0x1  }
0x1: {  	s1 =	rddreg [dreg:$0x0];
	s3 =	srdreg.scid  }
0x2: {  	s0 =	stileid.u32;
	s2 =	rddreg [dreg:$0x1]  }
0x3: {  	s10 =	simm.s32 $0x80;
	s11 =	simm.s32 $0x400;
	s12 =	simm.s32 $0x5  }
0x4: {  	s13 =	simm.s32 $0x100;
	s14 =	simm.s32 $0x300;
	s15 =	simm.s32 $0x500  }
0x5: {  	s16 =	simm.s32 $0x1;
	s17 =	simm.s32 $0x8500;
	s18 =	simm.s32 $0x2  }
0x6: {  	s4 =	sand.u32 $0x1, s3;
	s5 =	sshll.u32 s0, $0x1;
	s3 =	simm.s32 $0x0  }
0x7: {  	s19 =	simm.s32 $0x200;
	s20 =	sor.u32 s4, s5;
	[smem:$0x7FF] =	sst s3  }
0x8: {  	s7 =	ssub.s32 $0x2, s4;
	s4 =	sadd.s32 $0x5400, s1;
	s5 =	smul.u32 $0x13, s20  }
0x9: {  	_ =	strace $0x80000047;
	s6 =	smin.u32 s20, $0x11;
	s8 =	sshrl.u32 s7, $0x1  }
0xa: {  	p0 =	slt.u32 s20, $0x11;
	s29 =	ssub.s32 s7, s8;
	s5 =	sadd.s32 s6, s5  }
0xb: {  	s7 =	simm.s32 $0x14;
	s6 =	sadd.s32 $0x400, s1;
	s30 =	sshll.u32 s5, $0x4  }
0xc: {  	s7 =	simm.s32 @!p0 $0x13;
	s31 =	sshll.u32 s5, $0x5;
	s9 =	sand.u32 $0x70, s30  }
0xd: {  	p0 =	sgt.u32 s20, $0x10;
	s8 =	sand.u32 $0xFF00, s31;
	s9 =	sadd.s32 s6, s9  }
0xe: {  	v0 =	vimm.s32 $0x0;
	s20 =	simm.s32 $0x0;
	s8 =	sadd.s32 s8, s9;
	s9 =	smax.u32 s29, $0x1  }
.LBB2_1:
0xf: {  	[tilespmem:s3], [sflag:$0x5] =	stream.strided.gather [hbm4b:s8+s10], $0x100, s11, s10, $0x38;
	[tilespmem:$0x12500] =	vst v63  }
0x10: {  	_ =	swait.ge [sflag:s12], $0x100  }
0x11: {  	[sflag:s12] =	ssyncset.done $0x0  }
0x12: {  	[sflag:s12] =	ssyncadd.s32 $0xFFFFFF00  }
0x13: {  	v1 =	vld [tilespmem:$0x0];
	_ =	sdelay $0x1  }
0x14: {  	v2 =	vld [tilespmem:$0x10];
	_ =	sdelay $0x1  }
0x15: {  	v3 =	vld [tilespmem:$0x20]  }
0x16: {  	vm0 =	vgt.s32 v1, $0x0  }
0x17: {  	v4 =	vld [tilespmem:$0x30];
	vm1 =	vgt.s32 v1, $0xFFFFFFFF;
	v1 =	vnsel vm0, $0x0, v1  }
0x18: {  	vm10 =	vgt.s32 v2, $0x0;
	[tilespmem:$0x300] =	vst v1;
	v1 =	vsel vm1, $0xFFFFFFFF, v0  }
0x19: {  	vm11 =	vgt.s32 v2, $0xFFFFFFFF;
	[tilespmem:$0x100] =	vst v1;
	v1 =	vnsel vm10, $0x0, v2;
	v2 =	vld [tilespmem:$0x40]  }
0x1a: {  	vm12 =	vgt.s32 v3, $0x0;
	[tilespmem:$0x310] =	vst v1;
	v1 =	vsel vm11, $0xFFFFFFFF, v0  }
0x1b: {  	vm13 =	vgt.s32 v3, $0xFFFFFFFF;
	[tilespmem:$0x110] =	vst v1;
	v1 =	vnsel vm12, $0x0, v3;
	v3 =	vld [tilespmem:$0x50]  }
0x1c: {  	vm14 =	vgt.s32 v4, $0x0;
	[tilespmem:$0x320] =	vst v1;
	v1 =	vsel vm13, $0xFFFFFFFF, v0  }
0x1d: {  	v60 =	vld [tilespmem:$0x60];
	vm15 =	vgt.s32 v4, $0xFFFFFFFF;
	[tilespmem:$0x120] =	vst v1;
	v1 =	vnsel vm14, $0x0, v4  }
0x1e: {  	[tilespmem:$0x330] =	vst v1;
	v1 =	vsel vm15, $0xFFFFFFFF, v0;
	vm4 =	vgt.s32 v2, $0x0  }
0x1f: {  	vm5 =	vgt.s32 v2, $0xFFFFFFFF;
	[tilespmem:$0x130] =	vst v1;
	v1 =	vnsel vm4, $0x0, v2;
	v2 =	vld [tilespmem:$0x70]  }
0x20: {  	[tilespmem:$0x340] =	vst v1;
	v1 =	vsel vm5, $0xFFFFFFFF, v0;
	vm6 =	vgt.s32 v3, $0x0  }
0x21: {  	vm7 =	vgt.s32 v3, $0xFFFFFFFF;
	[tilespmem:$0x140] =	vst v1;
	v1 =	vnsel vm6, $0x0, v3;
	v3 =	vld [tilespmem:$0x80]  }
0x22: {  	vm8 =	vgt.s32 v60, $0x0;
	[tilespmem:$0x350] =	vst v1;
	v1 =	vsel vm7, $0xFFFFFFFF, v0  }
0x23: {  	v61 =	vld [tilespmem:$0x90];
	vm9 =	vgt.s32 v60, $0xFFFFFFFF;
	[tilespmem:$0x150] =	vst v1;
	v1 =	vnsel vm8, $0x0, v60  }
0x24: {  	[tilespmem:$0x360] =	vst v1;
	v1 =	vsel vm9, $0xFFFFFFFF, v0;
	vm10 =	vgt.s32 v2, $0x0  }
0x25: {  	vm11 =	vgt.s32 v2, $0xFFFFFFFF;
	[tilespmem:$0x160] =	vst v1;
	v1 =	vnsel vm10, $0x0, v2;
	v2 =	vld [tilespmem:$0xA0]  }
0x26: {  	[tilespmem:$0x370] =	vst v1;
	v1 =	vsel vm11, $0xFFFFFFFF, v0;
	vm12 =	vgt.s32 v3, $0x0  }
0x27: {  	vm13 =	vgt.s32 v3, $0xFFFFFFFF;
	[tilespmem:$0x170] =	vst v1;
	v1 =	vnsel vm12, $0x0, v3;
	v3 =	vld [tilespmem:$0xB0]  }
0x28: {  	vm14 =	vgt.s32 v61, $0x0;
	[tilespmem:$0x380] =	vst v1;
	v1 =	vsel vm13, $0xFFFFFFFF, v0  }
0x29: {  	v62 =	vld [tilespmem:$0xC0];
	vm15 =	vgt.s32 v61, $0xFFFFFFFF;
	[tilespmem:$0x180] =	vst v1;
	v1 =	vnsel vm14, $0x0, v61  }
0x2a: {  	[tilespmem:$0x390] =	vst v1;
	v1 =	vsel vm15, $0xFFFFFFFF, v0;
	vm4 =	vgt.s32 v2, $0x0  }
0x2b: {  	vm5 =	vgt.s32 v2, $0xFFFFFFFF;
	[tilespmem:$0x190] =	vst v1;
	v1 =	vnsel vm4, $0x0, v2;
	v2 =	vld [tilespmem:$0xD0]  }
0x2c: {  	[tilespmem:$0x3A0] =	vst v1;
	v1 =	vsel vm5, $0xFFFFFFFF, v0;
	vm6 =	vgt.s32 v3, $0x0  }
0x2d: {  	vm7 =	vgt.s32 v3, $0xFFFFFFFF;
	[tilespmem:$0x1A0] =	vst v1;
	v1 =	vnsel vm6, $0x0, v3;
	v3 =	vld [tilespmem:$0xE0]  }
0x2e: {  	vm8 =	vgt.s32 v62, $0x0;
	[tilespmem:$0x3B0] =	vst v1;
	v1 =	vsel vm7, $0xFFFFFFFF, v0  }
0x2f: {  	v63 =	vld [tilespmem:$0xF0];
	vm9 =	vgt.s32 v62, $0xFFFFFFFF;
	[tilespmem:$0x1B0] =	vst v1;
	v1 =	vnsel vm8, $0x0, v62  }
0x30: {  	[tilespmem:$0x3C0] =	vst v1;
	v1 =	vsel vm9, $0xFFFFFFFF, v0;
	vm10 =	vgt.s32 v2, $0x0  }
0x31: {  	vm11 =	vgt.s32 v2, $0xFFFFFFFF;
	[tilespmem:$0x1C0] =	vst v1;
	v1 =	vnsel vm10, $0x0, v2  }
0x32: {  	[tilespmem:$0x3D0] =	vst v1;
	v1 =	vsel vm11, $0xFFFFFFFF, v0;
	vm12 =	vgt.s32 v3, $0x0  }
0x33: {  	vm13 =	vgt.s32 v3, $0xFFFFFFFF;
	[tilespmem:$0x1D0] =	vst v1;
	v1 =	vnsel vm12, $0x0, v3  }
0x34: {  	vm14 =	vgt.s32 v63, $0x0;
	[tilespmem:$0x3E0] =	vst v1;
	v1 =	vsel vm13, $0xFFFFFFFF, v0  }
0x35: {  	vm15 =	vgt.s32 v63, $0xFFFFFFFF;
	[tilespmem:$0x1E0] =	vst v1;
	v1 =	vnsel vm14, $0x0, v63  }
0x36: {  	[tilespmem:$0x3F0] =	vst v1;
	v1 =	vsel vm15, $0xFFFFFFFF, v0  }
0x37: {  	s21 =	simm.s32 $0x0;
	[tilespmem:$0x1F0] =	vst v1  }
0x38: {  	[tilespmem:s15], [sflag:$0x1] =	stream.indirect.gather [hbm4b:s4+s13], $0x80, s14, s13, $0xb8;
	[tilespmem:$0x12500] =	vst v63  }
.LBB2_2:
0x39: {  	_ =	swait.ge [sflag:s16], $0x8000  }
0x3a: {  	[sflag:s16] =	ssyncset.done $0x0  }
0x3b: {  	[sflag:s16] =	ssyncadd.s32 $0xFFFF8000  }
0x3c: {  	s23 =	sshll.u32 s21, $0x1;
	v1 =	vld [tilespmem:$0x0]  }
0x3d: {  	s24 =	sand.u32 $0x2, s23  }
0x3e: {  	s22 =	sor.u32 $0x1, s24;
	v2 =	vld [tilespmem:$0x10]  }
0x3f: {  	s1 =	smul.u32 $0x2710, s22  }
0x40: {  	v3 =	vld [tilespmem:$0x20]  }
0x41: {  	vm0 =	vgt.s32 v1, $0xFFFFFFFF;
	v1 =	vadd.s32 s1, v1  }
0x42: {  	v4 =	vld [tilespmem:$0x30];
	v1 =	vnsel vm0, $0x0, v1  }
0x43: {  	vm13 =	vgt.s32 v2, $0xFFFFFFFF;
	v2 =	vadd.s32 s1, v2;
	[tilespmem:$0x400] =	vst v1;
	v1 =	vsel vm0, $0xFFFFFFFF, v0  }
0x44: {  	[tilespmem:$0x200] =	vst v1;
	v1 =	vnsel vm13, $0x0, v2;
	v2 =	vld [tilespmem:$0x40]  }
0x45: {  	vm14 =	vgt.s32 v3, $0xFFFFFFFF;
	v3 =	vadd.s32 s1, v3;
	[tilespmem:$0x410] =	vst v1;
	v1 =	vsel vm13, $0xFFFFFFFF, v0  }
0x46: {  	[tilespmem:$0x210] =	vst v1;
	v1 =	vnsel vm14, $0x0, v3;
	v3 =	vld [tilespmem:$0x50]  }
0x47: {  	vm15 =	vgt.s32 v4, $0xFFFFFFFF;
	v4 =	vadd.s32 s1, v4;
	[tilespmem:$0x420] =	vst v1;
	v1 =	vsel vm14, $0xFFFFFFFF, v0  }
0x48: {  	v60 =	vld [tilespmem:$0x60];
	[tilespmem:$0x220] =	vst v1;
	v1 =	vnsel vm15, $0x0, v4  }
0x49: {  	[tilespmem:$0x430] =	vst v1;
	v1 =	vsel vm15, $0xFFFFFFFF, v0;
	vm4 =	vgt.s32 v2, $0xFFFFFFFF;
	v2 =	vadd.s32 s1, v2  }
0x4a: {  	[tilespmem:$0x230] =	vst v1;
	v1 =	vnsel vm4, $0x0, v2;
	v2 =	vld [tilespmem:$0x70]  }
0x4b: {  	[tilespmem:$0x440] =	vst v1;
	v1 =	vsel vm4, $0xFFFFFFFF, v0;
	vm5 =	vgt.s32 v3, $0xFFFFFFFF;
	v3 =	vadd.s32 s1, v3  }
0x4c: {  	[tilespmem:$0x240] =	vst v1;
	v1 =	vnsel vm5, $0x0, v3;
	v3 =	vld [tilespmem:$0x80]  }
0x4d: {  	vm6 =	vgt.s32 v60, $0xFFFFFFFF;
	v4 =	vadd.s32 s1, v60;
	[tilespmem:$0x450] =	vst v1;
	v1 =	vsel vm5, $0xFFFFFFFF, v0  }
0x4e: {  	v61 =	vld [tilespmem:$0x90];
	[tilespmem:$0x250] =	vst v1;
	v1 =	vnsel vm6, $0x0, v4  }
0x4f: {  	[tilespmem:$0x460] =	vst v1;
	v1 =	vsel vm6, $0xFFFFFFFF, v0;
	vm7 =	vgt.s32 v2, $0xFFFFFFFF;
	v2 =	vadd.s32 s1, v2  }
0x50: {  	[tilespmem:$0x260] =	vst v1;
	v1 =	vnsel vm7, $0x0, v2;
	v2 =	vld [tilespmem:$0xA0]  }
0x51: {  	[tilespmem:$0x470] =	vst v1;
	v1 =	vsel vm7, $0xFFFFFFFF, v0;
	vm8 =	vgt.s32 v3, $0xFFFFFFFF;
	v3 =	vadd.s32 s1, v3  }
0x52: {  	[tilespmem:$0x270] =	vst v1;
	v1 =	vnsel vm8, $0x0, v3;
	v3 =	vld [tilespmem:$0xB0]  }
0x53: {  	vm9 =	vgt.s32 v61, $0xFFFFFFFF;
	v4 =	vadd.s32 s1, v61;
	[tilespmem:$0x480] =	vst v1;
	v1 =	vsel vm8, $0xFFFFFFFF, v0  }
0x54: {  	v62 =	vld [tilespmem:$0xC0];
	[tilespmem:$0x280] =	vst v1;
	v1 =	vnsel vm9, $0x0, v4  }
0x55: {  	[tilespmem:$0x490] =	vst v1;
	v1 =	vsel vm9, $0xFFFFFFFF, v0;
	vm10 =	vgt.s32 v2, $0xFFFFFFFF;
	v2 =	vadd.s32 s1, v2  }
0x56: {  	[tilespmem:$0x290] =	vst v1;
	v1 =	vnsel vm10, $0x0, v2;
	v2 =	vld [tilespmem:$0xD0]  }
0x57: {  	[tilespmem:$0x4A0] =	vst v1;
	v1 =	vsel vm10, $0xFFFFFFFF, v0;
	vm11 =	vgt.s32 v3, $0xFFFFFFFF;
	v3 =	vadd.s32 s1, v3  }
0x58: {  	[tilespmem:$0x2A0] =	vst v1;
	v1 =	vnsel vm11, $0x0, v3;
	v3 =	vld [tilespmem:$0xE0]  }
0x59: {  	v63 =	vld [tilespmem:$0xF0];
	vm12 =	vgt.s32 v62, $0xFFFFFFFF;
	v4 =	vadd.s32 s1, v62;
	[tilespmem:$0x4B0] =	vst v1;
	v1 =	vsel vm11, $0xFFFFFFFF, v0  }
0x5a: {  	s26 =	sadd.s32 $0xFFFFFFFE, s23;
	[tilespmem:$0x2B0] =	vst v1;
	v1 =	vnsel vm12, $0x0, v4  }
0x5b: {  	s25 =	sshll.u32 s26, $0x18;
	[tilespmem:$0x4C0] =	vst v1;
	v1 =	vsel vm12, $0xFFFFFFFF, v0;
	vm13 =	vgt.s32 v2, $0xFFFFFFFF;
	v2 =	vadd.s32 s1, v2  }
0x5c: {  	s25 =	sshra.s32 s25, $0x1F;
	[tilespmem:$0x2C0] =	vst v1;
	v1 =	vnsel vm13, $0x0, v2  }
0x5d: {  	s25 =	sand.u32 $0x3, s25;
	[tilespmem:$0x4D0] =	vst v1;
	v1 =	vsel vm13, $0xFFFFFFFF, v0;
	vm14 =	vgt.s32 v3, $0xFFFFFFFF;
	v2 =	vadd.s32 s1, v3  }
0x5e: {  	[tilespmem:$0x2D0] =	vst v1;
	v1 =	vnsel vm14, $0x0, v2;
	v2 =	vadd.s32 s1, v63;
	s1 =	sadd.s32 s25, s26  }
0x5f: {  	vm15 =	vgt.s32 v63, $0xFFFFFFFF;
	[tilespmem:$0x4E0] =	vst v1;
	v1 =	vsel vm14, $0xFFFFFFFF, v0;
	s1 =	sshll.u32 s1, $0x18  }
0x60: {  	p1 =	seq.s32 s21, $0x0;
	[tilespmem:$0x2E0] =	vst v1;
	v1 =	vnsel vm15, $0x0, v2;
	s1 =	sshra.s32 s1, $0x1A  }
0x61: {  	[tilespmem:$0x4F0] =	vst v1;
	v1 =	vsel vm15, $0xFFFFFFFF, v0;
	p2 =	sle.s32 @!p1 s7, s1  }
0x62: {  	[tilespmem:$0x2F0] =	vst v1;
	p2 =	por p2, p1  }
0x63: {  	[tilespmem:s17], [sflag:$0x2] =	stream.indirect.gather [hbm4b:s4+s13], $0x80, s11, s13, $0xb8;
	[tilespmem:$0x12500] =	vst v63  }
0x64: {  	s28 =	simm.s32 $0xF;
	s1 =	simm.s32 @!p2 $0x3  }
0x65: {  	s29 =	simm.s32 $0x0;
	s25 =	sshrl.u32 s21, $0x1;
	_ =	swait.ge @!p2 [sflag:s1], $0x1000  }
0x66: {  	s30 =	simm.s32 $0x900;
	s26 =	sadd.s32 s5, s25;
	[sflag:s1] =	ssyncset.done @!p2 $0x0  }
0x67: {  	s31 =	simm.s32 $0x0;
	s26 =	smin.u32 s26, $0x270;
	[sflag:s1] =	ssyncadd.s32 @!p2 $0xFFFFF000  }
.LBB2_3:
0x68: {  	v17 =	vld [tilespmem:s30+$0xFFFFFC00]  }
0x69: {  	v18 =	vld [tilespmem:s30+$0xFFFFFC80]  }
0x6a: {  	v19 =	vld [tilespmem:s30+$0xFFFFFD00]  }
0x6b: {  	v20 =	vld [tilespmem:s30+$0xFFFFFD80]  }
0x6c: {  	v21 =	vld [tilespmem:s30+$0xFFFFFE00]  }
0x6d: {  	v22 =	vld [tilespmem:s30+$0xFFFFFE80]  }
0x6e: {  	v23 =	vld [tilespmem:s30+$0xFFFFFF00]  }
0x6f: {  	v24 =	vld [tilespmem:s30+$0xFFFFFF80]  }
0x70: {  	s1 =	sadd.s32 $0xFFFFFFF1, s28;
	v25 =	vld [tilespmem:s30+$0x0]  }
0x71: {  	s0 =	sadd.s32 $0xFFFFFFF2, s28;
	v26 =	vld [tilespmem:s30+$0x80];
	v1 =	vmov s1  }
0x72: {  	v16 =	vmov s28;
	v27 =	vld [tilespmem:s30+$0x100];
	v2 =	vmov s0;
	s0 =	sadd.s32 $0xFFFFFFF3, s28;
	v1 =	vand.u32 $0xFFFFFFF0, v1  }
0x73: {  	v28 =	vld [tilespmem:s30+$0x180];
	v2 =	vand.u32 $0xFFFFFFF1, v2;
	v3 =	vmov s0;
	s0 =	sadd.s32 $0xFFFFFFF4, s28;
	v1 =	vbroadcast v1, $0x0  }
0x74: {  	v29 =	vld [tilespmem:s30+$0x200];
	v2 =	vbroadcast v2, $0x0;
	v3 =	vand.u32 $0xFFFFFFF2, v3;
	v4 =	vmov s0;
	s0 =	sadd.s32 $0xFFFFFFF5, s28  }
0x75: {  	v30 =	vld [tilespmem:s30+$0x280];
	v3 =	vbroadcast v3, $0x0;
	v4 =	vand.u32 $0xFFFFFFF3, v4;
	v5 =	vmov s0;
	s0 =	sadd.s32 $0xFFFFFFF6, s28  }
0x76: {  	v31 =	vld [tilespmem:s30+$0x300];
	v4 =	vbroadcast v4, $0x0;
	v5 =	vand.u32 $0xFFFFFFF4, v5;
	v6 =	vmov s0;
	s0 =	sadd.s32 $0xFFFFFFF7, s28  }
0x77: {  	v32 =	vld [tilespmem:s30+$0x380];
	v5 =	vbroadcast v5, $0x0;
	v6 =	vand.u32 $0xFFFFFFF5, v6;
	v7 =	vmov s0;
	s0 =	sadd.s32 $0xFFFFFFF8, s28  }
0x78: {  	v16 =	vld.idx.msk [tilespmem:v16+s13+$0x0], $0xffff;
	v6 =	vbroadcast v6, $0x0;
	v7 =	vand.u32 $0xFFFFFFF6, v7;
	v8 =	vmov s0;
	s0 =	sadd.s32 $0xFFFFFFF9, s28  }
0x79: {  	v7 =	vbroadcast v7, $0x0;
	v8 =	vand.u32 $0xFFFFFFF7, v8;
	v9 =	vmov s0;
	s0 =	sadd.s32 $0xFFFFFFFA, s28;
	v1 =	vld.idx.msk [tilespmem:v1+s13+$0x0], $0xffff  }
0x7a: {  	v2 =	vld.idx.msk [tilespmem:v2+s13+$0x0], $0xffff;
	v8 =	vbroadcast v8, $0x0;
	v9 =	vand.u32 $0xFFFFFFF8, v9;
	v10 =	vmov s0;
	s0 =	sadd.s32 $0xFFFFFFFB, s28  }
0x7b: {  	v3 =	vld.idx.msk [tilespmem:v3+s13+$0x0], $0xffff;
	v9 =	vbroadcast v9, $0x0;
	v10 =	vand.u32 $0xFFFFFFF9, v10;
	v11 =	vmov s0;
	s0 =	sadd.s32 $0xFFFFFFFC, s28  }
0x7c: {  	v4 =	vld.idx.msk [tilespmem:v4+s13+$0x0], $0xffff;
	v10 =	vbroadcast v10, $0x0;
	v11 =	vand.u32 $0xFFFFFFFA, v11;
	v12 =	vmov s0;
	s0 =	sadd.s32 $0xFFFFFFFD, s28  }
0x7d: {  	v5 =	vld.idx.msk [tilespmem:v5+s13+$0x0], $0xffff;
	v11 =	vbroadcast v11, $0x0;
	v12 =	vand.u32 $0xFFFFFFFB, v12;
	v13 =	vmov s0;
	s0 =	sadd.s32 $0xFFFFFFFE, s28  }
0x7e: {  	v6 =	vld.idx.msk [tilespmem:v6+s13+$0x0], $0xffff;
	v12 =	vbroadcast v12, $0x0;
	v13 =	vand.u32 $0xFFFFFFFC, v13;
	v14 =	vmov s0;
	s0 =	sadd.s32 $0xFFFFFFFF, s28  }
0x7f: {  	v7 =	vld.idx.msk [tilespmem:v7+s13+$0x0], $0xffff;
	v13 =	vbroadcast v13, $0x0;
	v14 =	vand.u32 $0xFFFFFFFD, v14;
	v15 =	vmov s0  }
0x80: {  	v8 =	vld.idx.msk [tilespmem:v8+s13+$0x0], $0xffff;
	v14 =	vbroadcast v14, $0x0;
	v15 =	vand.u32 $0xFFFFFFFE, v15  }
0x81: {  	v9 =	vld.idx.msk [tilespmem:v9+s13+$0x0], $0xffff;
	v15 =	vbroadcast v15, $0x0  }
0x82: {  	v10 =	vld.idx.msk [tilespmem:v10+s13+$0x0], $0xffff  }
0x83: {  	v11 =	vld.idx.msk [tilespmem:v11+s13+$0x0], $0xffff  }
0x84: {  	v12 =	vld.idx.msk [tilespmem:v12+s13+$0x0], $0xffff  }
0x85: {  	v17 =	vand.u32 v1, v17;
	v13 =	vld.idx.msk [tilespmem:v13+s13+$0x0], $0xffff  }
0x86: {  	v18 =	vand.u32 v2, v18;
	v19 =	vand.u32 v3, v19;
	v20 =	vand.u32 v4, v20;
	v14 =	vld.idx.msk [tilespmem:v14+s13+$0x0], $0xffff  }
0x87: {  	v32 =	vand.u32 v16, v32;
	v17 =	vmax.bf16 v17, v18;
	v60 =	vmax.bf16 v19, v20;
	v15 =	vld.idx.msk [tilespmem:v15+s13+$0x0], $0xffff  }
0x88: {  	v21 =	vand.u32 v5, v21;
	v22 =	vand.u32 v6, v22;
	v17 =	vmax.bf16 v17, v60  }
0x89: {  	v23 =	vand.u32 v7, v23;
	v61 =	vmax.bf16 v21, v22;
	v24 =	vand.u32 v8, v24  }
0x8a: {  	v25 =	vand.u32 v9, v25;
	v62 =	vmax.bf16 v23, v24;
	v26 =	vand.u32 v10, v26  }
0x8b: {  	v27 =	vand.u32 v11, v27;
	v63 =	vmax.bf16 v25, v26;
	v28 =	vand.u32 v12, v28  }
0x8c: {  	v29 =	vand.u32 v13, v29;
	v30 =	vand.u32 v14, v30;
	v31 =	vand.u32 v15, v31  }
0x8d: {  	v28 =	vmax.bf16 v27, v28;
	v30 =	vmax.bf16 v29, v30;
	v32 =	vmax.bf16 v31, v32  }
0x8e: {  	v33 =	vmax.bf16 v61, v62;
	v34 =	vmax.bf16 v63, v28;
	v35 =	vmax.bf16 v30, v32  }
0x8f: {  	v17 =	vmax.bf16 v17, v33;
	v36 =	vmax.bf16 v34, v35  }
0x90: {  	s1 =	sand.u32 $0x800, s29;
	s0 =	sand.u32 $0x380, s31;
	v17 =	vmax.bf16 v17, v36  }
0x91: {  	s0 =	sor.u32 s0, s1;
	v18 =	vunpack.i.l.bf16.f32 v17  }
0x92: {  	s1 =	sadd.s32 $0x10500, s0;
	v17 =	vunpack.i.u.bf16.f32 v17;
	[tilespmem:s0+$0x10500] =	vst v18  }
0x93: {  	[tilespmem:s1+$0x400] =	vst v17  }
0x94: {  	v17 =	vld [tilespmem:s30+$0xFFFFFC10]  }
0x95: {  	v18 =	vld [tilespmem:s30+$0xFFFFFC90]  }
0x96: {  	v37 =	vld [tilespmem:s30+$0xFFFFFD10]  }
0x97: {  	v38 =	vld [tilespmem:s30+$0xFFFFFD90]  }
0x98: {  	v39 =	vld [tilespmem:s30+$0xFFFFFE10]  }
0x99: {  	v40 =	vld [tilespmem:s30+$0xFFFFFE90]  }
0x9a: {  	v41 =	vld [tilespmem:s30+$0xFFFFFF10]  }
0x9b: {  	v42 =	vld [tilespmem:s30+$0xFFFFFF90]  }
0x9c: {  	v43 =	vld [tilespmem:s30+$0x10]  }
0x9d: {  	v44 =	vld [tilespmem:s30+$0x90]  }
0x9e: {  	v45 =	vld [tilespmem:s30+$0x110]  }
0x9f: {  	v46 =	vld [tilespmem:s30+$0x190]  }
0xa0: {  	v47 =	vld [tilespmem:s30+$0x210]  }
0xa1: {  	v48 =	vld [tilespmem:s30+$0x290]  }
0xa2: {  	v49 =	vld [tilespmem:s30+$0x310]  }
0xa3: {  	v50 =	vld [tilespmem:s30+$0x390];
	v17 =	vand.u32 v1, v17  }
0xa4: {  	v18 =	vand.u32 v2, v18;
	v19 =	vand.u32 v3, v37;
	v20 =	vand.u32 v4, v38  }
0xa5: {  	v21 =	vand.u32 v5, v39;
	v22 =	vand.u32 v6, v40;
	v23 =	vand.u32 v7, v41  }
0xa6: {  	v24 =	vand.u32 v8, v42;
	v25 =	vand.u32 v9, v43;
	v26 =	vand.u32 v10, v44  }
0xa7: {  	v27 =	vand.u32 v11, v45;
	v28 =	vand.u32 v12, v46;
	v29 =	vand.u32 v13, v47  }
0xa8: {  	v30 =	vand.u32 v14, v48;
	v31 =	vand.u32 v15, v49;
	v32 =	vand.u32 v16, v50  }
0xa9: {  	v17 =	vmax.bf16 v17, v18;
	v51 =	vmax.bf16 v19, v20;
	v52 =	vmax.bf16 v21, v22  }
0xaa: {  	v53 =	vmax.bf16 v23, v24;
	v54 =	vmax.bf16 v25, v26;
	v55 =	vmax.bf16 v27, v28  }
0xab: {  	v56 =	vmax.bf16 v29, v30;
	v57 =	vmax.bf16 v31, v32;
	v17 =	vmax.bf16 v17, v51  }
0xac: {  	v58 =	vmax.bf16 v52, v53;
	v59 =	vmax.bf16 v54, v55;
	v60 =	vmax.bf16 v56, v57  }
0xad: {  	v17 =	vmax.bf16 v17, v58;
	v61 =	vmax.bf16 v59, v60  }
0xae: {  	v17 =	vmax.bf16 v17, v61  }
0xaf: {  	v18 =	vunpack.i.l.bf16.f32 v17  }
0xb0: {  	v17 =	vunpack.i.u.bf16.f32 v17;
	[tilespmem:s1+$0x10] =	vst v18  }
0xb1: {  	[tilespmem:s1+$0x410] =	vst v17  }
0xb2: {  	v17 =	vld [tilespmem:s30+$0xFFFFFC20]  }
0xb3: {  	v18 =	vld [tilespmem:s30+$0xFFFFFCA0]  }
0xb4: {  	v62 =	vld [tilespmem:s30+$0xFFFFFD20]  }
0xb5: {  	v63 =	vld [tilespmem:s30+$0xFFFFFDA0]  }
0xb6: {  	v36 =	vld [tilespmem:s30+$0xFFFFFE20]  }
0xb7: {  	v37 =	vld [tilespmem:s30+$0xFFFFFEA0]  }
0xb8: {  	v38 =	vld [tilespmem:s30+$0xFFFFFF20]  }
0xb9: {  	v39 =	vld [tilespmem:s30+$0xFFFFFFA0]  }
0xba: {  	v40 =	vld [tilespmem:s30+$0x20]  }
0xbb: {  	v41 =	vld [tilespmem:s30+$0xA0]  }
0xbc: {  	v42 =	vld [tilespmem:s30+$0x120]  }
0xbd: {  	v43 =	vld [tilespmem:s30+$0x1A0]  }
0xbe: {  	v44 =	vld [tilespmem:s30+$0x220]  }
0xbf: {  	v45 =	vld [tilespmem:s30+$0x2A0]  }
0xc0: {  	v46 =	vld [tilespmem:s30+$0x320]  }
0xc1: {  	v47 =	vld [tilespmem:s30+$0x3A0];
	v17 =	vand.u32 v1, v17  }
0xc2: {  	v18 =	vand.u32 v2, v18;
	v19 =	vand.u32 v3, v62;
	v20 =	vand.u32 v4, v63  }
0xc3: {  	v21 =	vand.u32 v5, v36;
	v22 =	vand.u32 v6, v37;
	v23 =	vand.u32 v7, v38  }
0xc4: {  	v24 =	vand.u32 v8, v39;
	v25 =	vand.u32 v9, v40;
	v26 =	vand.u32 v10, v41  }
0xc5: {  	v27 =	vand.u32 v11, v42;
	v28 =	vand.u32 v12, v43;
	v29 =	vand.u32 v13, v44  }
0xc6: {  	v30 =	vand.u32 v14, v45;
	v31 =	vand.u32 v15, v46;
	v32 =	vand.u32 v16, v47  }
0xc7: {  	v17 =	vmax.bf16 v17, v18;
	v48 =	vmax.bf16 v19, v20;
	v49 =	vmax.bf16 v21, v22  }
0xc8: {  	v50 =	vmax.bf16 v23, v24;
	v51 =	vmax.bf16 v25, v26;
	v52 =	vmax.bf16 v27, v28  }
0xc9: {  	v53 =	vmax.bf16 v29, v30;
	v54 =	vmax.bf16 v31, v32;
	v17 =	vmax.bf16 v17, v48  }
0xca: {  	v55 =	vmax.bf16 v49, v50;
	v56 =	vmax.bf16 v51, v52;
	v57 =	vmax.bf16 v53, v54  }
0xcb: {  	v17 =	vmax.bf16 v17, v55;
	v58 =	vmax.bf16 v56, v57  }
0xcc: {  	v17 =	vmax.bf16 v17, v58  }
0xcd: {  	v18 =	vunpack.i.l.bf16.f32 v17  }
0xce: {  	v17 =	vunpack.i.u.bf16.f32 v17;
	[tilespmem:s1+$0x20] =	vst v18  }
0xcf: {  	[tilespmem:s1+$0x420] =	vst v17  }
0xd0: {  	v17 =	vld [tilespmem:s30+$0xFFFFFC30]  }
0xd1: {  	v18 =	vld [tilespmem:s30+$0xFFFFFCB0]  }
0xd2: {  	v59 =	vld [tilespmem:s30+$0xFFFFFD30]  }
0xd3: {  	v60 =	vld [tilespmem:s30+$0xFFFFFDB0]  }
0xd4: {  	v61 =	vld [tilespmem:s30+$0xFFFFFE30]  }
0xd5: {  	v62 =	vld [tilespmem:s30+$0xFFFFFEB0]  }
0xd6: {  	v63 =	vld [tilespmem:s30+$0xFFFFFF30]  }
0xd7: {  	v36 =	vld [tilespmem:s30+$0xFFFFFFB0]  }
0xd8: {  	v37 =	vld [tilespmem:s30+$0x30]  }
0xd9: {  	v38 =	vld [tilespmem:s30+$0xB0]  }
0xda: {  	v39 =	vld [tilespmem:s30+$0x130]  }
0xdb: {  	v40 =	vld [tilespmem:s30+$0x1B0]  }
0xdc: {  	v41 =	vld [tilespmem:s30+$0x230]  }
0xdd: {  	v42 =	vld [tilespmem:s30+$0x2B0]  }
0xde: {  	v43 =	vld [tilespmem:s30+$0x330]  }
0xdf: {  	v44 =	vld [tilespmem:s30+$0x3B0];
	v17 =	vand.u32 v1, v17  }
0xe0: {  	v18 =	vand.u32 v2, v18;
	v19 =	vand.u32 v3, v59;
	v20 =	vand.u32 v4, v60  }
0xe1: {  	v21 =	vand.u32 v5, v61;
	v22 =	vand.u32 v6, v62;
	v23 =	vand.u32 v7, v63  }
0xe2: {  	v24 =	vand.u32 v8, v36;
	v25 =	vand.u32 v9, v37;
	v26 =	vand.u32 v10, v38  }
0xe3: {  	v27 =	vand.u32 v11, v39;
	v28 =	vand.u32 v12, v40;
	v29 =	vand.u32 v13, v41  }
0xe4: {  	v30 =	vand.u32 v14, v42;
	v31 =	vand.u32 v15, v43;
	v32 =	vand.u32 v16, v44  }
0xe5: {  	v17 =	vmax.bf16 v17, v18;
	v45 =	vmax.bf16 v19, v20;
	v46 =	vmax.bf16 v21, v22  }
0xe6: {  	v47 =	vmax.bf16 v23, v24;
	v48 =	vmax.bf16 v25, v26;
	v49 =	vmax.bf16 v27, v28  }
0xe7: {  	v50 =	vmax.bf16 v29, v30;
	v51 =	vmax.bf16 v31, v32;
	v17 =	vmax.bf16 v17, v45  }
0xe8: {  	v52 =	vmax.bf16 v46, v47;
	v53 =	vmax.bf16 v48, v49;
	v54 =	vmax.bf16 v50, v51  }
0xe9: {  	v17 =	vmax.bf16 v17, v52;
	v55 =	vmax.bf16 v53, v54  }
0xea: {  	v17 =	vmax.bf16 v17, v55  }
0xeb: {  	v18 =	vunpack.i.l.bf16.f32 v17  }
0xec: {  	v17 =	vunpack.i.u.bf16.f32 v17;
	[tilespmem:s1+$0x30] =	vst v18  }
0xed: {  	[tilespmem:s1+$0x430] =	vst v17  }
0xee: {  	v17 =	vld [tilespmem:s30+$0xFFFFFC40]  }
0xef: {  	v18 =	vld [tilespmem:s30+$0xFFFFFCC0]  }
0xf0: {  	v56 =	vld [tilespmem:s30+$0xFFFFFD40]  }
0xf1: {  	v57 =	vld [tilespmem:s30+$0xFFFFFDC0]  }
0xf2: {  	v58 =	vld [tilespmem:s30+$0xFFFFFE40]  }
0xf3: {  	v59 =	vld [tilespmem:s30+$0xFFFFFEC0]  }
0xf4: {  	v60 =	vld [tilespmem:s30+$0xFFFFFF40]  }
0xf5: {  	v61 =	vld [tilespmem:s30+$0xFFFFFFC0]  }
0xf6: {  	v62 =	vld [tilespmem:s30+$0x40]  }
0xf7: {  	v63 =	vld [tilespmem:s30+$0xC0]  }
0xf8: {  	v36 =	vld [tilespmem:s30+$0x140]  }
0xf9: {  	v37 =	vld [tilespmem:s30+$0x1C0]  }
0xfa: {  	v38 =	vld [tilespmem:s30+$0x240]  }
0xfb: {  	v39 =	vld [tilespmem:s30+$0x2C0]  }
0xfc: {  	v40 =	vld [tilespmem:s30+$0x340]  }
0xfd: {  	v41 =	vld [tilespmem:s30+$0x3C0];
	v17 =	vand.u32 v1, v17  }
0xfe: {  	v18 =	vand.u32 v2, v18;
	v19 =	vand.u32 v3, v56;
	v20 =	vand.u32 v4, v57  }
0xff: {  	v21 =	vand.u32 v5, v58;
	v22 =	vand.u32 v6, v59;
	v23 =	vand.u32 v7, v60  }
0x100: {  	v24 =	vand.u32 v8, v61;
	v25 =	vand.u32 v9, v62;
	v26 =	vand.u32 v10, v63  }
0x101: {  	v27 =	vand.u32 v11, v36;
	v28 =	vand.u32 v12, v37;
	v29 =	vand.u32 v13, v38  }
0x102: {  	v30 =	vand.u32 v14, v39;
	v31 =	vand.u32 v15, v40;
	v32 =	vand.u32 v16, v41  }
0x103: {  	v17 =	vmax.bf16 v17, v18;
	v42 =	vmax.bf16 v19, v20;
	v43 =	vmax.bf16 v21, v22  }
0x104: {  	v44 =	vmax.bf16 v23, v24;
	v45 =	vmax.bf16 v25, v26;
	v46 =	vmax.bf16 v27, v28  }
0x105: {  	v47 =	vmax.bf16 v29, v30;
	v48 =	vmax.bf16 v31, v32;
	v17 =	vmax.bf16 v17, v42  }
0x106: {  	v49 =	vmax.bf16 v43, v44;
	v50 =	vmax.bf16 v45, v46;
	v51 =	vmax.bf16 v47, v48  }
0x107: {  	v17 =	vmax.bf16 v17, v49;
	v52 =	vmax.bf16 v50, v51  }
0x108: {  	v17 =	vmax.bf16 v17, v52  }
0x109: {  	v18 =	vunpack.i.l.bf16.f32 v17  }
0x10a: {  	v17 =	vunpack.i.u.bf16.f32 v17;
	[tilespmem:s1+$0x40] =	vst v18  }
0x10b: {  	[tilespmem:s1+$0x440] =	vst v17  }
0x10c: {  	v17 =	vld [tilespmem:s30+$0xFFFFFC50]  }
0x10d: {  	v18 =	vld [tilespmem:s30+$0xFFFFFCD0]  }
0x10e: {  	v53 =	vld [tilespmem:s30+$0xFFFFFD50]  }
0x10f: {  	v54 =	vld [tilespmem:s30+$0xFFFFFDD0]  }
0x110: {  	v55 =	vld [tilespmem:s30+$0xFFFFFE50]  }
0x111: {  	v56 =	vld [tilespmem:s30+$0xFFFFFED0]  }
0x112: {  	v57 =	vld [tilespmem:s30+$0xFFFFFF50]  }
0x113: {  	v58 =	vld [tilespmem:s30+$0xFFFFFFD0]  }
0x114: {  	v59 =	vld [tilespmem:s30+$0x50]  }
0x115: {  	v60 =	vld [tilespmem:s30+$0xD0]  }
0x116: {  	v61 =	vld [tilespmem:s30+$0x150]  }
0x117: {  	v62 =	vld [tilespmem:s30+$0x1D0]  }
0x118: {  	v63 =	vld [tilespmem:s30+$0x250]  }
0x119: {  	v36 =	vld [tilespmem:s30+$0x2D0]  }
0x11a: {  	v37 =	vld [tilespmem:s30+$0x350]  }
0x11b: {  	v38 =	vld [tilespmem:s30+$0x3D0];
	v17 =	vand.u32 v1, v17  }
0x11c: {  	v18 =	vand.u32 v2, v18;
	v19 =	vand.u32 v3, v53;
	v20 =	vand.u32 v4, v54  }
0x11d: {  	v21 =	vand.u32 v5, v55;
	v22 =	vand.u32 v6, v56;
	v23 =	vand.u32 v7, v57  }
0x11e: {  	v24 =	vand.u32 v8, v58;
	v25 =	vand.u32 v9, v59;
	v26 =	vand.u32 v10, v60  }
0x11f: {  	v27 =	vand.u32 v11, v61;
	v28 =	vand.u32 v12, v62;
	v29 =	vand.u32 v13, v63  }
0x120: {  	v30 =	vand.u32 v14, v36;
	v31 =	vand.u32 v15, v37;
	v32 =	vand.u32 v16, v38  }
0x121: {  	v17 =	vmax.bf16 v17, v18;
	v39 =	vmax.bf16 v19, v20;
	v40 =	vmax.bf16 v21, v22  }
0x122: {  	v41 =	vmax.bf16 v23, v24;
	v42 =	vmax.bf16 v25, v26;
	v43 =	vmax.bf16 v27, v28  }
0x123: {  	v44 =	vmax.bf16 v29, v30;
	v45 =	vmax.bf16 v31, v32;
	v17 =	vmax.bf16 v17, v39  }
0x124: {  	v46 =	vmax.bf16 v40, v41;
	v47 =	vmax.bf16 v42, v43;
	v48 =	vmax.bf16 v44, v45  }
0x125: {  	v17 =	vmax.bf16 v17, v46;
	v49 =	vmax.bf16 v47, v48  }
0x126: {  	v17 =	vmax.bf16 v17, v49  }
0x127: {  	v18 =	vunpack.i.l.bf16.f32 v17  }
0x128: {  	v17 =	vunpack.i.u.bf16.f32 v17;
	[tilespmem:s1+$0x50] =	vst v18  }
0x129: {  	[tilespmem:s1+$0x450] =	vst v17  }
0x12a: {  	v17 =	vld [tilespmem:s30+$0xFFFFFC60]  }
0x12b: {  	v18 =	vld [tilespmem:s30+$0xFFFFFCE0]  }
0x12c: {  	v50 =	vld [tilespmem:s30+$0xFFFFFD60]  }
0x12d: {  	v51 =	vld [tilespmem:s30+$0xFFFFFDE0]  }
0x12e: {  	v52 =	vld [tilespmem:s30+$0xFFFFFE60]  }
0x12f: {  	v53 =	vld [tilespmem:s30+$0xFFFFFEE0]  }
0x130: {  	v54 =	vld [tilespmem:s30+$0xFFFFFF60]  }
0x131: {  	v55 =	vld [tilespmem:s30+$0xFFFFFFE0]  }
0x132: {  	v56 =	vld [tilespmem:s30+$0x60]  }
0x133: {  	v57 =	vld [tilespmem:s30+$0xE0]  }
0x134: {  	v58 =	vld [tilespmem:s30+$0x160]  }
0x135: {  	v59 =	vld [tilespmem:s30+$0x1E0]  }
0x136: {  	v60 =	vld [tilespmem:s30+$0x260]  }
0x137: {  	v61 =	vld [tilespmem:s30+$0x2E0]  }
0x138: {  	v62 =	vld [tilespmem:s30+$0x360]  }
0x139: {  	v63 =	vld [tilespmem:s30+$0x3E0];
	v17 =	vand.u32 v1, v17  }
0x13a: {  	v18 =	vand.u32 v2, v18;
	v19 =	vand.u32 v3, v50;
	v20 =	vand.u32 v4, v51  }
0x13b: {  	v21 =	vand.u32 v5, v52;
	v22 =	vand.u32 v6, v53;
	v23 =	vand.u32 v7, v54  }
0x13c: {  	v24 =	vand.u32 v8, v55;
	v25 =	vand.u32 v9, v56;
	v26 =	vand.u32 v10, v57  }
0x13d: {  	v27 =	vand.u32 v11, v58;
	v28 =	vand.u32 v12, v59;
	v29 =	vand.u32 v13, v60  }
0x13e: {  	v30 =	vand.u32 v14, v61;
	v31 =	vand.u32 v15, v62;
	v32 =	vand.u32 v16, v63  }
0x13f: {  	v17 =	vmax.bf16 v17, v18;
	v33 =	vmax.bf16 v19, v20;
	v34 =	vmax.bf16 v21, v22  }
0x140: {  	v35 =	vmax.bf16 v23, v24;
	v36 =	vmax.bf16 v25, v26;
	v37 =	vmax.bf16 v27, v28  }
0x141: {  	v38 =	vmax.bf16 v29, v30;
	v39 =	vmax.bf16 v31, v32;
	v17 =	vmax.bf16 v17, v33  }
0x142: {  	v40 =	vmax.bf16 v34, v35;
	v41 =	vmax.bf16 v36, v37;
	v42 =	vmax.bf16 v38, v39  }
0x143: {  	v17 =	vmax.bf16 v17, v40;
	v43 =	vmax.bf16 v41, v42  }
0x144: {  	v17 =	vmax.bf16 v17, v43  }
0x145: {  	v18 =	vunpack.i.l.bf16.f32 v17  }
0x146: {  	v17 =	vunpack.i.u.bf16.f32 v17;
	[tilespmem:s1+$0x60] =	vst v18  }
0x147: {  	[tilespmem:s1+$0x460] =	vst v17  }
0x148: {  	v17 =	vld [tilespmem:s30+$0xFFFFFC70]  }
0x149: {  	v18 =	vld [tilespmem:s30+$0xFFFFFCF0]  }
0x14a: {  	v44 =	vld [tilespmem:s30+$0xFFFFFD70]  }
0x14b: {  	v45 =	vld [tilespmem:s30+$0xFFFFFDF0]  }
0x14c: {  	v46 =	vld [tilespmem:s30+$0xFFFFFE70]  }
0x14d: {  	v47 =	vld [tilespmem:s30+$0xFFFFFEF0]  }
0x14e: {  	v48 =	vld [tilespmem:s30+$0xFFFFFF70]  }
0x14f: {  	v49 =	vld [tilespmem:s30+$0xFFFFFFF0]  }
0x150: {  	v50 =	vld [tilespmem:s30+$0x70]  }
0x151: {  	v51 =	vld [tilespmem:s30+$0xF0]  }
0x152: {  	v52 =	vld [tilespmem:s30+$0x170]  }
0x153: {  	v53 =	vld [tilespmem:s30+$0x1F0]  }
0x154: {  	v54 =	vld [tilespmem:s30+$0x270]  }
0x155: {  	v55 =	vld [tilespmem:s30+$0x2F0]  }
0x156: {  	v56 =	vld [tilespmem:s30+$0x370]  }
0x157: {  	v57 =	vld [tilespmem:s30+$0x3F0];
	v1 =	vand.u32 v1, v17  }
0x158: {  	v2 =	vand.u32 v2, v18;
	v3 =	vand.u32 v3, v44;
	v4 =	vand.u32 v4, v45  }
0x159: {  	v5 =	vand.u32 v5, v46;
	v6 =	vand.u32 v6, v47;
	v7 =	vand.u32 v7, v48  }
0x15a: {  	v8 =	vand.u32 v8, v49;
	v9 =	vand.u32 v9, v50;
	v10 =	vand.u32 v10, v51  }
0x15b: {  	v11 =	vand.u32 v11, v52;
	v12 =	vand.u32 v12, v53;
	v13 =	vand.u32 v13, v54  }
0x15c: {  	v14 =	vand.u32 v14, v55;
	v15 =	vand.u32 v15, v56;
	v16 =	vand.u32 v16, v57  }
0x15d: {  	v1 =	vmax.bf16 v1, v2;
	v2 =	vmax.bf16 v3, v4;
	v3 =	vmax.bf16 v5, v6  }
0x15e: {  	v58 =	vmax.bf16 v7, v8;
	v59 =	vmax.bf16 v9, v10;
	v60 =	vmax.bf16 v11, v12  }
0x15f: {  	v61 =	vmax.bf16 v13, v14;
	v62 =	vmax.bf16 v15, v16;
	v1 =	vmax.bf16 v1, v2  }
0x160: {  	p2 =	sne.s32 s28, $0xFF;
	v2 =	vmax.bf16 v3, v58;
	v3 =	vmax.bf16 v59, v60;
	v63 =	vmax.bf16 v61, v62  }
.Ltmp0:
0x161: {  	v1 =	vmax.bf16 v1, v2;
	v2 =	vmax.bf16 v3, v63;
	(pc) =	sbr.rel @p2 .LBB2_3-.Ltmp0, $4  }
0x162: {  	v1 =	vmax.bf16 v1, v2  }
0x163: {  	v2 =	vunpack.i.l.bf16.f32 v1  }
0x164: {  	s29 =	sadd.s32 $0x100, s29;
	v1 =	vunpack.i.u.bf16.f32 v1;
	[tilespmem:s1+$0x70] =	vst v2  }
0x165: {  	s28 =	sadd.s32 $0x10, s28;
	s31 =	sadd.s32 $0x80, s31;
	s30 =	sadd.s32 $0x800, s30;
	[tilespmem:s1+$0x470] =	vst v1  }
0x166: {  	p2 =	sge.u32 s25, s7  }
0x167: {  	s0 =	smul.u32 @!p2 $0x271000, s24  }
0x168: {  	s24 =	sshll.u32 @!p2 s26, $0xC  }
0x169: {  	s0 =	sadd.s32 @!p2 s0, s24  }
0x16a: {  	p3 =	seq.s32 s21, $0x27;
	s1 =	simm.s32 @!p2 $0x0;
	s0 =	sshrl.u32 @!p2 s0, $0x3  }
.Ltmp1:
0x16b: {  	s25 =	simm.s32 @!p2 $0x10500;
	s0 =	sadd.s32 @!p2 s2, s0;
	(pc) =	sbr.rel @p3 .LBB2_6-.Ltmp1, $4  }
0x16c: {  	[hbm4b:s0+s1] =	stream.linear.scatter @!p2 [tilespmem:s25], [sflag:$0x3], $0x1000, $0x38;
	[tilespmem:$0x12500] =	vst v63  }
0x16d: {  	_ =	swait.ge [sflag:s18], $0x8000  }
0x16e: {  	[sflag:s18] =	ssyncset.done $0x0  }
0x16f: {  	[sflag:s18] =	ssyncadd.s32 $0xFFFF8000  }
0x170: {  	s0 =	sadd.s32 $0x2, s23  }
0x171: {  	s1 =	sand.u32 $0x2, s0  }
0x172: {  	p3 =	sne.s32 s1, $0x0  }
0x173: {  	s0 =	sshrl.u32 @!p3 s0, $0x2  }
0x174: {  	s0 =	sadd.s32 @!p3 s5, s0  }
0x175: {  	s0 =	smin.u32 @!p3 s0, $0x270  }
0x176: {  	s25 =	sshll.u32 @!p3 s0, $0x4  }
0x177: {  	s0 =	sshll.u32 @!p3 s0, $0x5;
	s25 =	sand.u32 @!p3 $0x70, s25  }
0x178: {  	s26 =	simm.s32 @!p3 $0x400;
	s0 =	sand.u32 @!p3 $0x7F00, s0;
	s25 =	sadd.s32 @!p3 s6, s25  }
0x179: {  	s28 =	simm.s32 @!p3 $0x0;
	s0 =	sadd.s32 @!p3 s0, s25;
	s25 =	simm.s32 @!p3 $0x80  }
0x17a: {  	[tilespmem:s28], [sflag:$0x5] =	stream.strided.gather @!p3 [hbm4b:s0+s25], $0x100, s26, s25, $0x38;
	[tilespmem:$0x12500] =	vst v63  }
0x17b: {  	s0 =	simm.s32 @!p3 $0x5  }
0x17c: {  	_ =	swait.ge @!p3 [sflag:s0], $0x100  }
0x17d: {  	[sflag:s0] =	ssyncset.done @!p3 $0x0  }
0x17e: {  	[sflag:s0] =	ssyncadd.s32 @!p3 $0xFFFFFF00  }
0x17f: {  	v1 =	vld [tilespmem:$0x0];
	_ =	sdelay $0x1  }
0x180: {  	v2 =	vld [tilespmem:$0x10]  }
0x181: {  	s1 =	smul.u32 $0x2710, s1  }
0x182: {  	v3 =	vld [tilespmem:$0x20]  }
0x183: {  	vm0 =	vgt.s32 v1, $0xFFFFFFFF;
	v1 =	vadd.s32 s1, v1  }
0x184: {  	v4 =	vld [tilespmem:$0x30];
	v1 =	vnsel vm0, $0x0, v1  }
0x185: {  	vm13 =	vgt.s32 v2, $0xFFFFFFFF;
	v2 =	vadd.s32 s1, v2;
	[tilespmem:$0x300] =	vst v1;
	v1 =	vsel vm0, $0xFFFFFFFF, v0  }
0x186: {  	[tilespmem:$0x100] =	vst v1;
	v1 =	vnsel vm13, $0x0, v2;
	v2 =	vld [tilespmem:$0x40]  }
0x187: {  	vm14 =	vgt.s32 v3, $0xFFFFFFFF;
	v3 =	vadd.s32 s1, v3;
	[tilespmem:$0x310] =	vst v1;
	v1 =	vsel vm13, $0xFFFFFFFF, v0  }
0x188: {  	[tilespmem:$0x110] =	vst v1;
	v1 =	vnsel vm14, $0x0, v3;
	v3 =	vld [tilespmem:$0x50]  }
0x189: {  	vm15 =	vgt.s32 v4, $0xFFFFFFFF;
	v4 =	vadd.s32 s1, v4;
	[tilespmem:$0x320] =	vst v1;
	v1 =	vsel vm14, $0xFFFFFFFF, v0  }
0x18a: {  	v60 =	vld [tilespmem:$0x60];
	[tilespmem:$0x120] =	vst v1;
	v1 =	vnsel vm15, $0x0, v4  }
0x18b: {  	[tilespmem:$0x330] =	vst v1;
	v1 =	vsel vm15, $0xFFFFFFFF, v0;
	vm4 =	vgt.s32 v2, $0xFFFFFFFF;
	v2 =	vadd.s32 s1, v2  }
0x18c: {  	[tilespmem:$0x130] =	vst v1;
	v1 =	vnsel vm4, $0x0, v2;
	v2 =	vld [tilespmem:$0x70]  }
0x18d: {  	[tilespmem:$0x340] =	vst v1;
	v1 =	vsel vm4, $0xFFFFFFFF, v0;
	vm5 =	vgt.s32 v3, $0xFFFFFFFF;
	v3 =	vadd.s32 s1, v3  }
0x18e: {  	[tilespmem:$0x140] =	vst v1;
	v1 =	vnsel vm5, $0x0, v3;
	v3 =	vld [tilespmem:$0x80]  }
0x18f: {  	vm6 =	vgt.s32 v60, $0xFFFFFFFF;
	v4 =	vadd.s32 s1, v60;
	[tilespmem:$0x350] =	vst v1;
	v1 =	vsel vm5, $0xFFFFFFFF, v0  }
0x190: {  	v61 =	vld [tilespmem:$0x90];
	[tilespmem:$0x150] =	vst v1;
	v1 =	vnsel vm6, $0x0, v4  }
0x191: {  	[tilespmem:$0x360] =	vst v1;
	v1 =	vsel vm6, $0xFFFFFFFF, v0;
	vm7 =	vgt.s32 v2, $0xFFFFFFFF;
	v2 =	vadd.s32 s1, v2  }
0x192: {  	[tilespmem:$0x160] =	vst v1;
	v1 =	vnsel vm7, $0x0, v2;
	v2 =	vld [tilespmem:$0xA0]  }
0x193: {  	[tilespmem:$0x370] =	vst v1;
	v1 =	vsel vm7, $0xFFFFFFFF, v0;
	vm8 =	vgt.s32 v3, $0xFFFFFFFF;
	v3 =	vadd.s32 s1, v3  }
0x194: {  	[tilespmem:$0x170] =	vst v1;
	v1 =	vnsel vm8, $0x0, v3;
	v3 =	vld [tilespmem:$0xB0]  }
0x195: {  	vm9 =	vgt.s32 v61, $0xFFFFFFFF;
	v4 =	vadd.s32 s1, v61;
	[tilespmem:$0x380] =	vst v1;
	v1 =	vsel vm8, $0xFFFFFFFF, v0  }
0x196: {  	v62 =	vld [tilespmem:$0xC0];
	[tilespmem:$0x180] =	vst v1;
	v1 =	vnsel vm9, $0x0, v4  }
0x197: {  	[tilespmem:$0x390] =	vst v1;
	v1 =	vsel vm9, $0xFFFFFFFF, v0;
	vm10 =	vgt.s32 v2, $0xFFFFFFFF;
	v2 =	vadd.s32 s1, v2  }
0x198: {  	[tilespmem:$0x190] =	vst v1;
	v1 =	vnsel vm10, $0x0, v2;
	v2 =	vld [tilespmem:$0xD0]  }
0x199: {  	[tilespmem:$0x3A0] =	vst v1;
	v1 =	vsel vm10, $0xFFFFFFFF, v0;
	vm11 =	vgt.s32 v3, $0xFFFFFFFF;
	v3 =	vadd.s32 s1, v3  }
0x19a: {  	[tilespmem:$0x1A0] =	vst v1;
	v1 =	vnsel vm11, $0x0, v3;
	v3 =	vld [tilespmem:$0xE0]  }
0x19b: {  	vm12 =	vgt.s32 v62, $0xFFFFFFFF;
	v4 =	vadd.s32 s1, v62;
	[tilespmem:$0x3B0] =	vst v1;
	v1 =	vsel vm11, $0xFFFFFFFF, v0  }
0x19c: {  	v63 =	vld [tilespmem:$0xF0];
	[tilespmem:$0x1B0] =	vst v1;
	v1 =	vnsel vm12, $0x0, v4  }
0x19d: {  	[tilespmem:$0x3C0] =	vst v1;
	v1 =	vsel vm12, $0xFFFFFFFF, v0;
	vm13 =	vgt.s32 v2, $0xFFFFFFFF;
	v2 =	vadd.s32 s1, v2  }
0x19e: {  	[tilespmem:$0x1C0] =	vst v1;
	v1 =	vnsel vm13, $0x0, v2  }
0x19f: {  	[tilespmem:$0x3D0] =	vst v1;
	v1 =	vsel vm13, $0xFFFFFFFF, v0;
	vm14 =	vgt.s32 v3, $0xFFFFFFFF;
	v2 =	vadd.s32 s1, v3  }
0x1a0: {  	[tilespmem:$0x1D0] =	vst v1;
	v1 =	vnsel vm14, $0x0, v2  }
0x1a1: {  	vm15 =	vgt.s32 v63, $0xFFFFFFFF;
	v2 =	vadd.s32 s1, v63;
	[tilespmem:$0x3E0] =	vst v1;
	v1 =	vsel vm14, $0xFFFFFFFF, v0  }
0x1a2: {  	[tilespmem:$0x1E0] =	vst v1;
	v1 =	vnsel vm15, $0x0, v2  }
0x1a3: {  	[tilespmem:$0x3F0] =	vst v1;
	v1 =	vsel vm15, $0xFFFFFFFF, v0  }
0x1a4: {  	[tilespmem:$0x1F0] =	vst v1  }
0x1a5: {  	[tilespmem:s15], [sflag:$0x1] =	stream.indirect.gather [hbm4b:s4+s13], $0x80, s14, s13, $0xb8;
	[tilespmem:$0x12500] =	vst v63  }
.LBB2_6:
0x1a6: {  	s0 =	sadd.s32 $0xFFFFFFFF, s23  }
0x1a7: {  	s1 =	sshra.s32 s0, $0x1F  }
0x1a8: {  	s1 =	sshrl.u32 s1, $0x1E  }
0x1a9: {  	s0 =	sadd.s32 s1, s0  }
0x1aa: {  	s0 =	sshra.s32 s0, $0x2  }
0x1ab: {  	p3 =	sge.s32 @!p1 s0, s7  }
0x1ac: {  	p1 =	por p3, p1  }
0x1ad: {  	s0 =	simm.s32 @!p1 $0x4  }
0x1ae: {  	_ =	swait.ge @!p1 [sflag:s0], $0x1000  }
0x1af: {  	s23 =	simm.s32 $0xF;
	s25 =	simm.s32 $0x0;
	[sflag:s0] =	ssyncset.done @!p1 $0x0  }
0x1b0: {  	s26 =	simm.s32 $0x8900;
	s28 =	simm.s32 $0x0;
	[sflag:s0] =	ssyncadd.s32 @!p1 $0xFFFFF000  }
.LBB2_7:
0x1b1: {  	v17 =	vld [tilespmem:s26+$0xFFFFFC00]  }
0x1b2: {  	v18 =	vld [tilespmem:s26+$0xFFFFFC80]  }
0x1b3: {  	v19 =	vld [tilespmem:s26+$0xFFFFFD00]  }
0x1b4: {  	v20 =	vld [tilespmem:s26+$0xFFFFFD80]  }
0x1b5: {  	v21 =	vld [tilespmem:s26+$0xFFFFFE00]  }
0x1b6: {  	v22 =	vld [tilespmem:s26+$0xFFFFFE80]  }
0x1b7: {  	v23 =	vld [tilespmem:s26+$0xFFFFFF00]  }
0x1b8: {  	v24 =	vld [tilespmem:s26+$0xFFFFFF80]  }
0x1b9: {  	s0 =	sadd.s32 $0xFFFFFFF1, s23;
	v25 =	vld [tilespmem:s26+$0x0]  }
0x1ba: {  	s29 =	sadd.s32 $0xFFFFFFF2, s23;
	v26 =	vld [tilespmem:s26+$0x80];
	v1 =	vmov s0  }
0x1bb: {  	s30 =	sadd.s32 $0xFFFFFFF3, s23;
	v16 =	vmov s23;
	v27 =	vld [tilespmem:s26+$0x100];
	v2 =	vmov s29;
	v1 =	vand.u32 $0xFFFFFFF0, v1  }
0x1bc: {  	s31 =	sadd.s32 $0xFFFFFFF4, s23;
	v28 =	vld [tilespmem:s26+$0x180];
	v3 =	vmov s30;
	v2 =	vand.u32 $0xFFFFFFF1, v2;
	v1 =	vbroadcast v1, $0x0  }
0x1bd: {  	s1 =	sadd.s32 $0xFFFFFFF5, s23;
	v29 =	vld [tilespmem:s26+$0x200];
	v4 =	vmov s31;
	v3 =	vand.u32 $0xFFFFFFF2, v3;
	v2 =	vbroadcast v2, $0x0  }
0x1be: {  	v30 =	vld [tilespmem:s26+$0x280];
	v5 =	vmov s1;
	s29 =	sadd.s32 $0xFFFFFFF6, s23;
	v4 =	vand.u32 $0xFFFFFFF3, v4;
	v3 =	vbroadcast v3, $0x0  }
0x1bf: {  	v31 =	vld [tilespmem:s26+$0x300];
	s30 =	sadd.s32 $0xFFFFFFF7, s23;
	v5 =	vand.u32 $0xFFFFFFF4, v5;
	v6 =	vmov s29;
	v4 =	vbroadcast v4, $0x0  }
0x1c0: {  	v32 =	vld [tilespmem:s26+$0x380];
	s31 =	sadd.s32 $0xFFFFFFF8, s23;
	v7 =	vmov s30;
	v5 =	vbroadcast v5, $0x0;
	v6 =	vand.u32 $0xFFFFFFF5, v6  }
0x1c1: {  	s1 =	sadd.s32 $0xFFFFFFF9, s23;
	v8 =	vmov s31;
	v7 =	vand.u32 $0xFFFFFFF6, v7;
	v6 =	vbroadcast v6, $0x0;
	v16 =	vld.idx.msk [tilespmem:v16+s19+$0x0], $0xffff  }
0x1c2: {  	v9 =	vmov s1;
	s29 =	sadd.s32 $0xFFFFFFFA, s23;
	v8 =	vand.u32 $0xFFFFFFF7, v8;
	v7 =	vbroadcast v7, $0x0;
	v1 =	vld.idx.msk [tilespmem:v1+s19+$0x0], $0xffff  }
0x1c3: {  	s30 =	sadd.s32 $0xFFFFFFFB, s23;
	v9 =	vand.u32 $0xFFFFFFF8, v9;
	v10 =	vmov s29;
	v8 =	vbroadcast v8, $0x0;
	v2 =	vld.idx.msk [tilespmem:v2+s19+$0x0], $0xffff  }
0x1c4: {  	s31 =	sadd.s32 $0xFFFFFFFC, s23;
	v11 =	vmov s30;
	v9 =	vbroadcast v9, $0x0;
	v10 =	vand.u32 $0xFFFFFFF9, v10;
	v3 =	vld.idx.msk [tilespmem:v3+s19+$0x0], $0xffff  }
0x1c5: {  	s1 =	sadd.s32 $0xFFFFFFFD, s23;
	v12 =	vmov s31;
	v11 =	vand.u32 $0xFFFFFFFA, v11;
	v10 =	vbroadcast v10, $0x0;
	v4 =	vld.idx.msk [tilespmem:v4+s19+$0x0], $0xffff  }
0x1c6: {  	v13 =	vmov s1;
	s29 =	sadd.s32 $0xFFFFFFFE, s23;
	v12 =	vand.u32 $0xFFFFFFFB, v12;
	v11 =	vbroadcast v11, $0x0;
	v5 =	vld.idx.msk [tilespmem:v5+s19+$0x0], $0xffff  }
0x1c7: {  	s30 =	sadd.s32 $0xFFFFFFFF, s23;
	v13 =	vand.u32 $0xFFFFFFFC, v13;
	v14 =	vmov s29;
	v12 =	vbroadcast v12, $0x0;
	v6 =	vld.idx.msk [tilespmem:v6+s19+$0x0], $0xffff  }
0x1c8: {  	v15 =	vmov s30;
	v13 =	vbroadcast v13, $0x0;
	v14 =	vand.u32 $0xFFFFFFFD, v14;
	v7 =	vld.idx.msk [tilespmem:v7+s19+$0x0], $0xffff  }
0x1c9: {  	v15 =	vand.u32 $0xFFFFFFFE, v15;
	v14 =	vbroadcast v14, $0x0;
	v8 =	vld.idx.msk [tilespmem:v8+s19+$0x0], $0xffff  }
0x1ca: {  	v15 =	vbroadcast v15, $0x0;
	v9 =	vld.idx.msk [tilespmem:v9+s19+$0x0], $0xffff  }
0x1cb: {  	v10 =	vld.idx.msk [tilespmem:v10+s19+$0x0], $0xffff  }
0x1cc: {  	v11 =	vld.idx.msk [tilespmem:v11+s19+$0x0], $0xffff  }
0x1cd: {  	v12 =	vld.idx.msk [tilespmem:v12+s19+$0x0], $0xffff  }
0x1ce: {  	v32 =	vand.u32 v16, v32;
	v13 =	vld.idx.msk [tilespmem:v13+s19+$0x0], $0xffff  }
0x1cf: {  	v14 =	vld.idx.msk [tilespmem:v14+s19+$0x0], $0xffff;
	v17 =	vand.u32 v1, v17;
	v18 =	vand.u32 v2, v18;
	v19 =	vand.u32 v3, v19  }
0x1d0: {  	v15 =	vld.idx.msk [tilespmem:v15+s19+$0x0], $0xffff;
	v20 =	vand.u32 v4, v20;
	v21 =	vand.u32 v5, v21;
	v22 =	vand.u32 v6, v22  }
0x1d1: {  	v23 =	vand.u32 v7, v23;
	v24 =	vand.u32 v8, v24;
	v25 =	vand.u32 v9, v25  }
0x1d2: {  	v17 =	vmax.bf16 v17, v18;
	v60 =	vmax.bf16 v19, v20;
	v26 =	vand.u32 v10, v26  }
0x1d3: {  	v27 =	vand.u32 v11, v27;
	v28 =	vand.u32 v12, v28;
	v29 =	vand.u32 v13, v29  }
0x1d4: {  	v61 =	vmax.bf16 v21, v22;
	v62 =	vmax.bf16 v23, v24;
	v17 =	vmax.bf16 v17, v60  }
0x1d5: {  	v30 =	vand.u32 v14, v30;
	v31 =	vand.u32 v15, v31;
	v63 =	vmax.bf16 v25, v26  }
0x1d6: {  	v28 =	vmax.bf16 v27, v28;
	v30 =	vmax.bf16 v29, v30;
	v32 =	vmax.bf16 v31, v32  }
0x1d7: {  	v33 =	vmax.bf16 v61, v62;
	v34 =	vmax.bf16 v63, v28;
	v35 =	vmax.bf16 v30, v32  }
0x1d8: {  	v17 =	vmax.bf16 v17, v33;
	v36 =	vmax.bf16 v34, v35  }
0x1d9: {  	s31 =	sand.u32 $0x800, s25;
	s1 =	sand.u32 $0x380, s28;
	v17 =	vmax.bf16 v17, v36  }
0x1da: {  	s0 =	sor.u32 s1, s31;
	v18 =	vunpack.i.l.bf16.f32 v17  }
0x1db: {  	s1 =	sadd.s32 $0x11500, s0;
	v17 =	vunpack.i.u.bf16.f32 v17;
	[tilespmem:s0+$0x11500] =	vst v18  }
0x1dc: {  	[tilespmem:s1+$0x400] =	vst v17  }
0x1dd: {  	v17 =	vld [tilespmem:s26+$0xFFFFFC10]  }
0x1de: {  	v18 =	vld [tilespmem:s26+$0xFFFFFC90]  }
0x1df: {  	v37 =	vld [tilespmem:s26+$0xFFFFFD10]  }
0x1e0: {  	v38 =	vld [tilespmem:s26+$0xFFFFFD90]  }
0x1e1: {  	v39 =	vld [tilespmem:s26+$0xFFFFFE10]  }
0x1e2: {  	v40 =	vld [tilespmem:s26+$0xFFFFFE90]  }
0x1e3: {  	v41 =	vld [tilespmem:s26+$0xFFFFFF10]  }
0x1e4: {  	v42 =	vld [tilespmem:s26+$0xFFFFFF90]  }
0x1e5: {  	v43 =	vld [tilespmem:s26+$0x10]  }
0x1e6: {  	v44 =	vld [tilespmem:s26+$0x90]  }
0x1e7: {  	v45 =	vld [tilespmem:s26+$0x110]  }
0x1e8: {  	v46 =	vld [tilespmem:s26+$0x190]  }
0x1e9: {  	v47 =	vld [tilespmem:s26+$0x210]  }
0x1ea: {  	v48 =	vld [tilespmem:s26+$0x290]  }
0x1eb: {  	v49 =	vld [tilespmem:s26+$0x310]  }
0x1ec: {  	v50 =	vld [tilespmem:s26+$0x390];
	v17 =	vand.u32 v1, v17  }
0x1ed: {  	v18 =	vand.u32 v2, v18;
	v19 =	vand.u32 v3, v37;
	v20 =	vand.u32 v4, v38  }
0x1ee: {  	v21 =	vand.u32 v5, v39;
	v22 =	vand.u32 v6, v40;
	v23 =	vand.u32 v7, v41  }
0x1ef: {  	v24 =	vand.u32 v8, v42;
	v25 =	vand.u32 v9, v43;
	v26 =	vand.u32 v10, v44  }
0x1f0: {  	v27 =	vand.u32 v11, v45;
	v28 =	vand.u32 v12, v46;
	v29 =	vand.u32 v13, v47  }
0x1f1: {  	v30 =	vand.u32 v14, v48;
	v31 =	vand.u32 v15, v49;
	v32 =	vand.u32 v16, v50  }
0x1f2: {  	v17 =	vmax.bf16 v17, v18;
	v51 =	vmax.bf16 v19, v20;
	v52 =	vmax.bf16 v21, v22  }
0x1f3: {  	v53 =	vmax.bf16 v23, v24;
	v54 =	vmax.bf16 v25, v26;
	v55 =	vmax.bf16 v27, v28  }
0x1f4: {  	v56 =	vmax.bf16 v29, v30;
	v57 =	vmax.bf16 v31, v32;
	v17 =	vmax.bf16 v17, v51  }
0x1f5: {  	v58 =	vmax.bf16 v52, v53;
	v59 =	vmax.bf16 v54, v55;
	v60 =	vmax.bf16 v56, v57  }
0x1f6: {  	v17 =	vmax.bf16 v17, v58;
	v61 =	vmax.bf16 v59, v60  }
0x1f7: {  	v17 =	vmax.bf16 v17, v61  }
0x1f8: {  	v18 =	vunpack.i.l.bf16.f32 v17  }
0x1f9: {  	v17 =	vunpack.i.u.bf16.f32 v17;
	[tilespmem:s1+$0x10] =	vst v18  }
0x1fa: {  	[tilespmem:s1+$0x410] =	vst v17  }
0x1fb: {  	v17 =	vld [tilespmem:s26+$0xFFFFFC20]  }
0x1fc: {  	v18 =	vld [tilespmem:s26+$0xFFFFFCA0]  }
0x1fd: {  	v62 =	vld [tilespmem:s26+$0xFFFFFD20]  }
0x1fe: {  	v63 =	vld [tilespmem:s26+$0xFFFFFDA0]  }
0x1ff: {  	v36 =	vld [tilespmem:s26+$0xFFFFFE20]  }
0x200: {  	v37 =	vld [tilespmem:s26+$0xFFFFFEA0]  }
0x201: {  	v38 =	vld [tilespmem:s26+$0xFFFFFF20]  }
0x202: {  	v39 =	vld [tilespmem:s26+$0xFFFFFFA0]  }
0x203: {  	v40 =	vld [tilespmem:s26+$0x20]  }
0x204: {  	v41 =	vld [tilespmem:s26+$0xA0]  }
0x205: {  	v42 =	vld [tilespmem:s26+$0x120]  }
0x206: {  	v43 =	vld [tilespmem:s26+$0x1A0]  }
0x207: {  	v44 =	vld [tilespmem:s26+$0x220]  }
0x208: {  	v45 =	vld [tilespmem:s26+$0x2A0]  }
0x209: {  	v46 =	vld [tilespmem:s26+$0x320]  }
0x20a: {  	v47 =	vld [tilespmem:s26+$0x3A0];
	v17 =	vand.u32 v1, v17  }
0x20b: {  	v18 =	vand.u32 v2, v18;
	v19 =	vand.u32 v3, v62;
	v20 =	vand.u32 v4, v63  }
0x20c: {  	v21 =	vand.u32 v5, v36;
	v22 =	vand.u32 v6, v37;
	v23 =	vand.u32 v7, v38  }
0x20d: {  	v24 =	vand.u32 v8, v39;
	v25 =	vand.u32 v9, v40;
	v26 =	vand.u32 v10, v41  }
0x20e: {  	v27 =	vand.u32 v11, v42;
	v28 =	vand.u32 v12, v43;
	v29 =	vand.u32 v13, v44  }
0x20f: {  	v30 =	vand.u32 v14, v45;
	v31 =	vand.u32 v15, v46;
	v32 =	vand.u32 v16, v47  }
0x210: {  	v17 =	vmax.bf16 v17, v18;
	v48 =	vmax.bf16 v19, v20;
	v49 =	vmax.bf16 v21, v22  }
0x211: {  	v50 =	vmax.bf16 v23, v24;
	v51 =	vmax.bf16 v25, v26;
	v52 =	vmax.bf16 v27, v28  }
0x212: {  	v53 =	vmax.bf16 v29, v30;
	v54 =	vmax.bf16 v31, v32;
	v17 =	vmax.bf16 v17, v48  }
0x213: {  	v55 =	vmax.bf16 v49, v50;
	v56 =	vmax.bf16 v51, v52;
	v57 =	vmax.bf16 v53, v54  }
0x214: {  	v17 =	vmax.bf16 v17, v55;
	v58 =	vmax.bf16 v56, v57  }
0x215: {  	v17 =	vmax.bf16 v17, v58  }
0x216: {  	v18 =	vunpack.i.l.bf16.f32 v17  }
0x217: {  	v17 =	vunpack.i.u.bf16.f32 v17;
	[tilespmem:s1+$0x20] =	vst v18  }
0x218: {  	[tilespmem:s1+$0x420] =	vst v17  }
0x219: {  	v17 =	vld [tilespmem:s26+$0xFFFFFC30]  }
0x21a: {  	v18 =	vld [tilespmem:s26+$0xFFFFFCB0]  }
0x21b: {  	v59 =	vld [tilespmem:s26+$0xFFFFFD30]  }
0x21c: {  	v60 =	vld [tilespmem:s26+$0xFFFFFDB0]  }
0x21d: {  	v61 =	vld [tilespmem:s26+$0xFFFFFE30]  }
0x21e: {  	v62 =	vld [tilespmem:s26+$0xFFFFFEB0]  }
0x21f: {  	v63 =	vld [tilespmem:s26+$0xFFFFFF30]  }
0x220: {  	v36 =	vld [tilespmem:s26+$0xFFFFFFB0]  }
0x221: {  	v37 =	vld [tilespmem:s26+$0x30]  }
0x222: {  	v38 =	vld [tilespmem:s26+$0xB0]  }
0x223: {  	v39 =	vld [tilespmem:s26+$0x130]  }
0x224: {  	v40 =	vld [tilespmem:s26+$0x1B0]  }
0x225: {  	v41 =	vld [tilespmem:s26+$0x230]  }
0x226: {  	v42 =	vld [tilespmem:s26+$0x2B0]  }
0x227: {  	v43 =	vld [tilespmem:s26+$0x330]  }
0x228: {  	v44 =	vld [tilespmem:s26+$0x3B0];
	v17 =	vand.u32 v1, v17  }
0x229: {  	v18 =	vand.u32 v2, v18;
	v19 =	vand.u32 v3, v59;
	v20 =	vand.u32 v4, v60  }
0x22a: {  	v21 =	vand.u32 v5, v61;
	v22 =	vand.u32 v6, v62;
	v23 =	vand.u32 v7, v63  }
0x22b: {  	v24 =	vand.u32 v8, v36;
	v25 =	vand.u32 v9, v37;
	v26 =	vand.u32 v10, v38  }
0x22c: {  	v27 =	vand.u32 v11, v39;
	v28 =	vand.u32 v12, v40;
	v29 =	vand.u32 v13, v41  }
0x22d: {  	v30 =	vand.u32 v14, v42;
	v31 =	vand.u32 v15, v43;
	v32 =	vand.u32 v16, v44  }
0x22e: {  	v17 =	vmax.bf16 v17, v18;
	v45 =	vmax.bf16 v19, v20;
	v46 =	vmax.bf16 v21, v22  }
0x22f: {  	v47 =	vmax.bf16 v23, v24;
	v48 =	vmax.bf16 v25, v26;
	v49 =	vmax.bf16 v27, v28  }
0x230: {  	v50 =	vmax.bf16 v29, v30;
	v51 =	vmax.bf16 v31, v32;
	v17 =	vmax.bf16 v17, v45  }
0x231: {  	v52 =	vmax.bf16 v46, v47;
	v53 =	vmax.bf16 v48, v49;
	v54 =	vmax.bf16 v50, v51  }
0x232: {  	v17 =	vmax.bf16 v17, v52;
	v55 =	vmax.bf16 v53, v54  }
0x233: {  	v17 =	vmax.bf16 v17, v55  }
0x234: {  	v18 =	vunpack.i.l.bf16.f32 v17  }
0x235: {  	v17 =	vunpack.i.u.bf16.f32 v17;
	[tilespmem:s1+$0x30] =	vst v18  }
0x236: {  	[tilespmem:s1+$0x430] =	vst v17  }
0x237: {  	v17 =	vld [tilespmem:s26+$0xFFFFFC40]  }
0x238: {  	v18 =	vld [tilespmem:s26+$0xFFFFFCC0]  }
0x239: {  	v56 =	vld [tilespmem:s26+$0xFFFFFD40]  }
0x23a: {  	v57 =	vld [tilespmem:s26+$0xFFFFFDC0]  }
0x23b: {  	v58 =	vld [tilespmem:s26+$0xFFFFFE40]  }
0x23c: {  	v59 =	vld [tilespmem:s26+$0xFFFFFEC0]  }
0x23d: {  	v60 =	vld [tilespmem:s26+$0xFFFFFF40]  }
0x23e: {  	v61 =	vld [tilespmem:s26+$0xFFFFFFC0]  }
0x23f: {  	v62 =	vld [tilespmem:s26+$0x40]  }
0x240: {  	v63 =	vld [tilespmem:s26+$0xC0]  }
0x241: {  	v36 =	vld [tilespmem:s26+$0x140]  }
0x242: {  	v37 =	vld [tilespmem:s26+$0x1C0]  }
0x243: {  	v38 =	vld [tilespmem:s26+$0x240]  }
0x244: {  	v39 =	vld [tilespmem:s26+$0x2C0]  }
0x245: {  	v40 =	vld [tilespmem:s26+$0x340]  }
0x246: {  	v41 =	vld [tilespmem:s26+$0x3C0];
	v17 =	vand.u32 v1, v17  }
0x247: {  	v18 =	vand.u32 v2, v18;
	v19 =	vand.u32 v3, v56;
	v20 =	vand.u32 v4, v57  }
0x248: {  	v21 =	vand.u32 v5, v58;
	v22 =	vand.u32 v6, v59;
	v23 =	vand.u32 v7, v60  }
0x249: {  	v24 =	vand.u32 v8, v61;
	v25 =	vand.u32 v9, v62;
	v26 =	vand.u32 v10, v63  }
0x24a: {  	v27 =	vand.u32 v11, v36;
	v28 =	vand.u32 v12, v37;
	v29 =	vand.u32 v13, v38  }
0x24b: {  	v30 =	vand.u32 v14, v39;
	v31 =	vand.u32 v15, v40;
	v32 =	vand.u32 v16, v41  }
0x24c: {  	v17 =	vmax.bf16 v17, v18;
	v42 =	vmax.bf16 v19, v20;
	v43 =	vmax.bf16 v21, v22  }
0x24d: {  	v44 =	vmax.bf16 v23, v24;
	v45 =	vmax.bf16 v25, v26;
	v46 =	vmax.bf16 v27, v28  }
0x24e: {  	v47 =	vmax.bf16 v29, v30;
	v48 =	vmax.bf16 v31, v32;
	v17 =	vmax.bf16 v17, v42  }
0x24f: {  	v49 =	vmax.bf16 v43, v44;
	v50 =	vmax.bf16 v45, v46;
	v51 =	vmax.bf16 v47, v48  }
0x250: {  	v17 =	vmax.bf16 v17, v49;
	v52 =	vmax.bf16 v50, v51  }
0x251: {  	v17 =	vmax.bf16 v17, v52  }
0x252: {  	v18 =	vunpack.i.l.bf16.f32 v17  }
0x253: {  	v17 =	vunpack.i.u.bf16.f32 v17;
	[tilespmem:s1+$0x40] =	vst v18  }
0x254: {  	[tilespmem:s1+$0x440] =	vst v17  }
0x255: {  	v17 =	vld [tilespmem:s26+$0xFFFFFC50]  }
0x256: {  	v18 =	vld [tilespmem:s26+$0xFFFFFCD0]  }
0x257: {  	v53 =	vld [tilespmem:s26+$0xFFFFFD50]  }
0x258: {  	v54 =	vld [tilespmem:s26+$0xFFFFFDD0]  }
0x259: {  	v55 =	vld [tilespmem:s26+$0xFFFFFE50]  }
0x25a: {  	v56 =	vld [tilespmem:s26+$0xFFFFFED0]  }
0x25b: {  	v57 =	vld [tilespmem:s26+$0xFFFFFF50]  }
0x25c: {  	v58 =	vld [tilespmem:s26+$0xFFFFFFD0]  }
0x25d: {  	v59 =	vld [tilespmem:s26+$0x50]  }
0x25e: {  	v60 =	vld [tilespmem:s26+$0xD0]  }
0x25f: {  	v61 =	vld [tilespmem:s26+$0x150]  }
0x260: {  	v62 =	vld [tilespmem:s26+$0x1D0]  }
0x261: {  	v63 =	vld [tilespmem:s26+$0x250]  }
0x262: {  	v36 =	vld [tilespmem:s26+$0x2D0]  }
0x263: {  	v37 =	vld [tilespmem:s26+$0x350]  }
0x264: {  	v38 =	vld [tilespmem:s26+$0x3D0];
	v17 =	vand.u32 v1, v17  }
0x265: {  	v18 =	vand.u32 v2, v18;
	v19 =	vand.u32 v3, v53;
	v20 =	vand.u32 v4, v54  }
0x266: {  	v21 =	vand.u32 v5, v55;
	v22 =	vand.u32 v6, v56;
	v23 =	vand.u32 v7, v57  }
0x267: {  	v24 =	vand.u32 v8, v58;
	v25 =	vand.u32 v9, v59;
	v26 =	vand.u32 v10, v60  }
0x268: {  	v27 =	vand.u32 v11, v61;
	v28 =	vand.u32 v12, v62;
	v29 =	vand.u32 v13, v63  }
0x269: {  	v30 =	vand.u32 v14, v36;
	v31 =	vand.u32 v15, v37;
	v32 =	vand.u32 v16, v38  }
0x26a: {  	v17 =	vmax.bf16 v17, v18;
	v39 =	vmax.bf16 v19, v20;
	v40 =	vmax.bf16 v21, v22  }
0x26b: {  	v41 =	vmax.bf16 v23, v24;
	v42 =	vmax.bf16 v25, v26;
	v43 =	vmax.bf16 v27, v28  }
0x26c: {  	v44 =	vmax.bf16 v29, v30;
	v45 =	vmax.bf16 v31, v32;
	v17 =	vmax.bf16 v17, v39  }
0x26d: {  	v46 =	vmax.bf16 v40, v41;
	v47 =	vmax.bf16 v42, v43;
	v48 =	vmax.bf16 v44, v45  }
0x26e: {  	v17 =	vmax.bf16 v17, v46;
	v49 =	vmax.bf16 v47, v48  }
0x26f: {  	v17 =	vmax.bf16 v17, v49  }
0x270: {  	v18 =	vunpack.i.l.bf16.f32 v17  }
0x271: {  	v17 =	vunpack.i.u.bf16.f32 v17;
	[tilespmem:s1+$0x50] =	vst v18  }
0x272: {  	[tilespmem:s1+$0x450] =	vst v17  }
0x273: {  	v17 =	vld [tilespmem:s26+$0xFFFFFC60]  }
0x274: {  	v18 =	vld [tilespmem:s26+$0xFFFFFCE0]  }
0x275: {  	v50 =	vld [tilespmem:s26+$0xFFFFFD60]  }
0x276: {  	v51 =	vld [tilespmem:s26+$0xFFFFFDE0]  }
0x277: {  	v52 =	vld [tilespmem:s26+$0xFFFFFE60]  }
0x278: {  	v53 =	vld [tilespmem:s26+$0xFFFFFEE0]  }
0x279: {  	v54 =	vld [tilespmem:s26+$0xFFFFFF60]  }
0x27a: {  	v55 =	vld [tilespmem:s26+$0xFFFFFFE0]  }
0x27b: {  	v56 =	vld [tilespmem:s26+$0x60]  }
0x27c: {  	v57 =	vld [tilespmem:s26+$0xE0]  }
0x27d: {  	v58 =	vld [tilespmem:s26+$0x160]  }
0x27e: {  	v59 =	vld [tilespmem:s26+$0x1E0]  }
0x27f: {  	v60 =	vld [tilespmem:s26+$0x260]  }
0x280: {  	v61 =	vld [tilespmem:s26+$0x2E0]  }
0x281: {  	v62 =	vld [tilespmem:s26+$0x360]  }
0x282: {  	v63 =	vld [tilespmem:s26+$0x3E0];
	v17 =	vand.u32 v1, v17  }
0x283: {  	v18 =	vand.u32 v2, v18;
	v19 =	vand.u32 v3, v50;
	v20 =	vand.u32 v4, v51  }
0x284: {  	v21 =	vand.u32 v5, v52;
	v22 =	vand.u32 v6, v53;
	v23 =	vand.u32 v7, v54  }
0x285: {  	v24 =	vand.u32 v8, v55;
	v25 =	vand.u32 v9, v56;
	v26 =	vand.u32 v10, v57  }
0x286: {  	v27 =	vand.u32 v11, v58;
	v28 =	vand.u32 v12, v59;
	v29 =	vand.u32 v13, v60  }
0x287: {  	v30 =	vand.u32 v14, v61;
	v31 =	vand.u32 v15, v62;
	v32 =	vand.u32 v16, v63  }
0x288: {  	v17 =	vmax.bf16 v17, v18;
	v33 =	vmax.bf16 v19, v20;
	v34 =	vmax.bf16 v21, v22  }
0x289: {  	v35 =	vmax.bf16 v23, v24;
	v36 =	vmax.bf16 v25, v26;
	v37 =	vmax.bf16 v27, v28  }
0x28a: {  	v38 =	vmax.bf16 v29, v30;
	v39 =	vmax.bf16 v31, v32;
	v17 =	vmax.bf16 v17, v33  }
0x28b: {  	v40 =	vmax.bf16 v34, v35;
	v41 =	vmax.bf16 v36, v37;
	v42 =	vmax.bf16 v38, v39  }
0x28c: {  	v17 =	vmax.bf16 v17, v40;
	v43 =	vmax.bf16 v41, v42  }
0x28d: {  	v17 =	vmax.bf16 v17, v43  }
0x28e: {  	v18 =	vunpack.i.l.bf16.f32 v17  }
0x28f: {  	v17 =	vunpack.i.u.bf16.f32 v17;
	[tilespmem:s1+$0x60] =	vst v18  }
0x290: {  	[tilespmem:s1+$0x460] =	vst v17  }
0x291: {  	v17 =	vld [tilespmem:s26+$0xFFFFFC70]  }
0x292: {  	v18 =	vld [tilespmem:s26+$0xFFFFFCF0]  }
0x293: {  	v44 =	vld [tilespmem:s26+$0xFFFFFD70]  }
0x294: {  	v45 =	vld [tilespmem:s26+$0xFFFFFDF0]  }
0x295: {  	v46 =	vld [tilespmem:s26+$0xFFFFFE70]  }
0x296: {  	v47 =	vld [tilespmem:s26+$0xFFFFFEF0]  }
0x297: {  	v48 =	vld [tilespmem:s26+$0xFFFFFF70]  }
0x298: {  	v49 =	vld [tilespmem:s26+$0xFFFFFFF0]  }
0x299: {  	v50 =	vld [tilespmem:s26+$0x70]  }
0x29a: {  	v51 =	vld [tilespmem:s26+$0xF0]  }
0x29b: {  	v52 =	vld [tilespmem:s26+$0x170]  }
0x29c: {  	v53 =	vld [tilespmem:s26+$0x1F0]  }
0x29d: {  	v54 =	vld [tilespmem:s26+$0x270]  }
0x29e: {  	v55 =	vld [tilespmem:s26+$0x2F0]  }
0x29f: {  	v56 =	vld [tilespmem:s26+$0x370]  }
0x2a0: {  	v57 =	vld [tilespmem:s26+$0x3F0];
	v1 =	vand.u32 v1, v17  }
0x2a1: {  	v2 =	vand.u32 v2, v18;
	v3 =	vand.u32 v3, v44;
	v4 =	vand.u32 v4, v45  }
0x2a2: {  	v5 =	vand.u32 v5, v46;
	v6 =	vand.u32 v6, v47;
	v7 =	vand.u32 v7, v48  }
0x2a3: {  	v8 =	vand.u32 v8, v49;
	v9 =	vand.u32 v9, v50;
	v10 =	vand.u32 v10, v51  }
0x2a4: {  	v11 =	vand.u32 v11, v52;
	v12 =	vand.u32 v12, v53;
	v13 =	vand.u32 v13, v54  }
0x2a5: {  	v14 =	vand.u32 v14, v55;
	v15 =	vand.u32 v15, v56;
	v16 =	vand.u32 v16, v57  }
0x2a6: {  	v1 =	vmax.bf16 v1, v2;
	v2 =	vmax.bf16 v3, v4;
	v3 =	vmax.bf16 v5, v6  }
0x2a7: {  	v58 =	vmax.bf16 v7, v8;
	v59 =	vmax.bf16 v9, v10;
	v60 =	vmax.bf16 v11, v12  }
0x2a8: {  	v61 =	vmax.bf16 v13, v14;
	v62 =	vmax.bf16 v15, v16;
	v1 =	vmax.bf16 v1, v2  }
0x2a9: {  	p1 =	sne.s32 s23, $0xFF;
	v2 =	vmax.bf16 v3, v58;
	v3 =	vmax.bf16 v59, v60;
	v63 =	vmax.bf16 v61, v62  }
.Ltmp2:
0x2aa: {  	v1 =	vmax.bf16 v1, v2;
	v2 =	vmax.bf16 v3, v63;
	(pc) =	sbr.rel @p1 .LBB2_7-.Ltmp2, $4  }
0x2ab: {  	v1 =	vmax.bf16 v1, v2  }
0x2ac: {  	v2 =	vunpack.i.l.bf16.f32 v1  }
0x2ad: {  	s28 =	sadd.s32 $0x80, s28;
	v1 =	vunpack.i.u.bf16.f32 v1;
	[tilespmem:s1+$0x70] =	vst v2  }
0x2ae: {  	s25 =	sadd.s32 $0x100, s25;
	s23 =	sadd.s32 $0x10, s23;
	s26 =	sadd.s32 $0x800, s26;
	[tilespmem:s1+$0x470] =	vst v1  }
0x2af: {  	s21 =	sadd.s32 $0x1, s21  }
0x2b0: {  	s0 =	smul.u32 @!p2 $0x271000, s22;
	p1 =	sne.s32 s21, $0x28  }
.Ltmp3:
0x2b1: {  	_ = 	snop;
	(pc) =	sbr.rel @p1 .LBB2_2-.Ltmp3, $4  }
0x2b2: {  	s0 =	sadd.s32 @!p2 s0, s24  }
0x2b3: {  	s0 =	sshrl.u32 @!p2 s0, $0x3  }
0x2b4: {  	s1 =	simm.s32 @!p2 $0x0;
	s22 =	simm.s32 @!p2 $0x11500;
	s0 =	sadd.s32 @!p2 s2, s0  }
0x2b5: {  	[hbm4b:s0+s1] =	stream.linear.scatter @!p2 [tilespmem:s22], [sflag:$0x4], $0x1000, $0x38;
	[tilespmem:$0x12500] =	vst v63  }
0x2b6: {  	s0 =	simm.s32 @!p0 $0x3;
	s20 =	sadd.s32 $0x1, s20  }
0x2b7: {  	_ =	swait.ge @!p0 [sflag:s0], $0x1000;
	p1 =	sne.s32 s20, s9  }
.Ltmp4:
0x2b8: {  	[sflag:s0] =	ssyncset.done @!p0 $0x0;
	(pc) =	sbr.rel @p1 .LBB2_1-.Ltmp4, $4  }
0x2b9: {  	[sflag:s0] =	ssyncadd.s32 @!p0 $0xFFFFF000;
	s0 =	simm.s32 @!p0 $0x4  }
0x2ba: {  	_ =	swait.ge @!p0 [sflag:s0], $0x1000  }
0x2bb: {  	[sflag:s0] =	ssyncset.done @!p0 $0x0  }
0x2bc: {  	[sflag:s0] =	ssyncadd.s32 @!p0 $0xFFFFF000  }
0x2bd: {  	_ =	sfence.sel $0x180000  }
0x2be: {  	[bflag:$0x0] =	sbarrier.arrive $0xFFFF  }
0x2bf: {  	_ =	strace $0x90000047  }
0x2c0: {  	s0 =	stileid.u32;
	[bflag:$0x2] =	sbarrier.arrive $0xFFFF  }
0x2c1: {  	p0 =	sne.s32 s0, $0x0;
	s0 =	rddreg [dreg:$0x2]  }
0x2c2: {  	s0 =	sadd.s32 @!p0 $0x100000, s0  }
0x2c3: {  	[sflag:s0] =	ssyncadd.tile.s32 @!p0 $0x1;
	_ =	shalt  }
.Lfunc_end2:
_tile_overlayer_lowered:
.L_overlay_start_2:
0x2c4: {  	(tag) =	ssettag $0x2  }
0x2c5: {  	s0 =	rddreg [dreg:$0x0];
	s2 =	stileid.u32  }
0x2c6: {  	s1 =	rddreg [dreg:$0x1];
	p0 =	sne.s32 s2, $0x0  }
0x2c7: {  	s3 =	rddreg [dreg:$0x2];
	[bflag:$0x3] =	sbarrier.arrive $0xFFFF;
	s2 =	simm.s32 @!p0 $0x1C05  }
0x2c8: {  	[timem:s3], [sflag:s2] =	dma.local @!p0 [hbm:s0], s1  }
0x2c9: {  	s0 =	simm.s32 @!p0 $0x5  }
0x2ca: {  	_ =	swait.ge @!p0 [sflag:s0], s1  }
0x2cb: {  	s1 =	ssub.s32 @!p0 $0x0, s1;
	[sflag:s0] =	ssyncset.done @!p0 $0x0  }
0x2cc: {  	[sflag:s0] =	ssyncadd.s32 @!p0 s1  }
0x2cd: {  	[bflag:$0x3] =	sbarrier.arrive $0xFFFF  }
0x2ce: {  	_ =	shalt  }

</sc_bundles>
